<compile_context>
chip_gen: v7x
topology: tpu7x:2x2x1
jax: 0.10.2.dev20260603
libtpu: 0.0.44.dev20260713+nightly
codegen_flags: <defaults>
</compile_context>

<pallas_src>
import functools

import numpy as np
import jax
import jax.numpy as jnp
from jax import lax
from jax.experimental import pallas as pl
from jax.experimental.pallas import tpu as pltpu
from jax.experimental.pallas import tpu_sc as plsc

_ROT_A = (13, 15, 26, 6)
_ROT_B = (17, 29, 16, 24)


def _rotl(x, r):
    return lax.shift_left(x, jnp.uint32(r)) | lax.shift_right_logical(
        x, jnp.uint32(32 - r))


def _sample_body(keys_ref, pw_ref, idx_ref, w_ref, scr_ref):
    bb, n = pw_ref.shape
    nk = idx_ref.shape[1]
    pw = pw_ref[...]
    m = jnp.max(pw, axis=1, keepdims=True)
    lse = jnp.log(jnp.sum(jnp.exp(pw - m), axis=1, keepdims=True)) + m
    winv = jnp.exp(lse - pw)

    w_ref[...] = jnp.full((bb, n), np.float32(np.log(1.0 / n)), jnp.float32)

    rowu = lax.broadcasted_iota(jnp.uint32, (bb, n), 0)
    colu = lax.broadcasted_iota(jnp.uint32, (bb, n), 1)
    base = lax.convert_element_type(pl.program_id(0) * bb, jnp.uint32)
    cnt = (base + rowu) * jnp.uint32(n) + colu

    def body(i, carry):
        ks = tuple(
            lax.convert_element_type(keys_ref[i, t], jnp.uint32)
            for t in range(3))
        x0 = ks[0]
        x1 = cnt + ks[1]
        for blk in range(5):
            for r in (_ROT_A if blk % 2 == 0 else _ROT_B):
                x0 = x0 + x1
                x1 = _rotl(x1, r) ^ x0
            x0 = x0 + ks[(blk + 1) % 3]
            x1 = x1 + (ks[(blk + 2) % 3] + jnp.uint32(blk + 1))
        bits = x0 ^ x1
        fb = lax.shift_right_logical(bits, jnp.uint32(9)) | jnp.uint32(
            0x3F800000)
        u = lax.bitcast_convert_type(fb, jnp.float32) - np.float32(1.0)
        t = -jnp.log(u)
        v = t * winv
        am = jnp.argmin(v, axis=1).astype(jnp.int32)
        scr_ref[pl.ds(i, 1), :] = jnp.reshape(am, (1, bb))
        return carry

    lax.fori_loop(0, nk, body, 0, unroll=16)
    idx_ref[...] = jnp.transpose(scr_ref[...], (1, 0))


def _sample_indices(pw, keys3):
    b, n = pw.shape
    bb = 128
    grid = (b // bb,)
    return pl.pallas_call(
        _sample_body,
        grid=grid,
        in_specs=[
            pl.BlockSpec(memory_space=pltpu.SMEM),
            pl.BlockSpec((bb, n), lambda i: (i, 0)),
        ],
        out_specs=[
            pl.BlockSpec((bb, n), lambda i: (i, 0)),
            pl.BlockSpec((bb, n), lambda i: (i, 0)),
        ],
        out_shape=[
            jax.ShapeDtypeStruct((b, n), jnp.int32),
            jax.ShapeDtypeStruct((b, n), jnp.float32),
        ],
        scratch_shapes=[pltpu.VMEM((n, bb), jnp.int32)],
        compiler_params=pltpu.CompilerParams(
            dimension_semantics=("parallel",)),
    )(keys3, pw)


_SC_CORES = 2
_SC_SUBCORES = 16
_SC_WORKERS = _SC_CORES * _SC_SUBCORES


def _gather(states2d, idx2d, b, n, d):
    rows_per_w = b // _SC_WORKERS
    gr = 8
    n_groups = rows_per_w // gr
    n_chunks = n // 16
    mesh = plsc.VectorSubcoreMesh(core_axis_name="c", subcore_axis_name="s")

    @functools.partial(
        pl.kernel,
        mesh=mesh,
        out_type=jax.ShapeDtypeStruct((b, n * d), jnp.float32),
        scratch_types=[
            pltpu.VMEM((gr, n * d), jnp.float32),
            pltpu.VMEM((gr, n), jnp.int32),
            pltpu.VMEM((gr, n * d), jnp.float32),
        ],
        compiler_params=pltpu.CompilerParams(needs_layout_passes=False),
    )
    def gk(st_hbm, idx_hbm, out_hbm, st_v, idx_v, out_v):
        wid = lax.axis_index("s") * _SC_CORES + lax.axis_index("c")
        row0 = wid * rows_per_w
        iota_d = lax.iota(jnp.int32, 16) * d

        def group_body(g, carry):
            row = row0 + g * gr
            pltpu.sync_copy(st_hbm.at[pl.ds(row, gr), :], st_v)
            pltpu.sync_copy(idx_hbm.at[pl.ds(row, gr), :], idx_v)
            for r in range(gr):
                rvec = jnp.full((16,), r, jnp.int32)

                def chunk_body(ch, carry2):
                    i16 = idx_v[r, pl.ds(ch * 16, 16)]
                    pos = i16 * d
                    out_pos = iota_d + ch * (16 * d)
                    for c in range(d):
                        vals = plsc.load_gather(st_v, [rvec, pos + c])
                        plsc.store_scatter(out_v, [rvec, out_pos + c], vals)
                    return carry2

                lax.fori_loop(0, n_chunks, chunk_body, 0)
            pltpu.sync_copy(out_v, out_hbm.at[pl.ds(row, gr), :])
            return carry

        lax.fori_loop(0, n_groups, group_body, 0)

    return gk(states2d, idx2d)


def kernel(particle_states, particle_weights, alpha):
    b, n = particle_weights.shape
    del alpha

    keys = jax.random.key_data(jax.random.split(jax.random.key(42), n))
    k0 = keys[:, 0]
    k1 = keys[:, 1]
    k2 = k0 ^ k1 ^ np.uint32(0x1BD11BDA)
    keys3 = lax.bitcast_convert_type(
        jnp.stack([k0, k1, k2], axis=1), jnp.int32)

    idx_bn, new_weights = _sample_indices(particle_weights, keys3)

    out2d = _gather(particle_states.reshape(b, n * 3), idx_bn, b, n, 3)
    new_states = out2d.reshape(b, n, 3)
    return new_states, new_weights

# --- scband reference (transcript-rebuilt; emitter-appended) ---
"""Pipeline reference for scband-resample-net-48258252538570 (READ-ONLY COPY).

The authoritative reference and input builder live on the scoring server;
editing this copy changes nothing except your own understanding.
"""

import jax, jax.numpy as jnp
import numpy as np
from jax.scipy.special import logsumexp

B, N = 4096, 1024

def setup_inputs(seed: int = 0) -> dict:
    key = jax.random.key(seed)
    k1, k2 = jax.random.split(key)
    return {
        "particle_states": jax.random.normal(k1, (B, N, 3), dtype=jnp.float32),
        "particle_weights": jax.random.normal(k2, (B, N), dtype=jnp.float32),
        "alpha": 1,
    }

def reference(particle_states, particle_weights, alpha):
    batch_size, num_particles = particle_states.shape[:2]
    pw = particle_weights - logsumexp(particle_weights, axis=-1, keepdims=True)
    uniform_weights = jnp.full((batch_size, num_particles), np.log(1.0 / float(num_particles)), dtype=pw.dtype)
    q_weights = pw + jnp.log(jnp.asarray(alpha, dtype=pw.dtype))
    pw = uniform_weights
    # torch samples num_particles times from Categorical(logits=q_weights); each sample is [B]
    skey = jax.random.key(42)
    keys = jax.random.split(skey, num_particles)
    indices = jax.vmap(lambda k: jax.random.categorical(k, q_weights))(keys)  # [N, B]
    indices = indices.T  # [B, N]
    helper = jnp.arange(0, batch_size * num_particles, num_particles)
    indices = indices + helper[:, None]
    flat_idx = jnp.reshape(indices, (batch_size * num_particles,))
    ps_flat = jnp.reshape(particle_states, (batch_size * num_particles, 3))
    new_particle_states = jnp.take(ps_flat, flat_idx, axis=0).reshape(batch_size, num_particles, 3)
    pw_flat = jnp.reshape(pw, (batch_size * num_particles,))
    new_particle_weights = jnp.take(pw_flat, flat_idx, axis=0).reshape(batch_size, num_particles)
    return (new_particle_states, new_particle_weights)

if __name__ == "__main__":
    import jax
    _d = setup_inputs()
    print(jax.jit(kernel)(*tuple(_d.values())))

</pallas_src>

<mosaic_0001>
#map = affine_map<(d0, d1) -> (0, 0)>
module attributes {stable_mosaic.version = 14 : i64} {
  func.func @gk(%arg0: i32, %arg1: i32, %arg2: memref<4096x3072xf32, #tpu.memory_space<hbm>>, %arg3: memref<4096x1024xi32, #tpu.memory_space<hbm>>, %arg4: memref<4096x3072xf32, #tpu.memory_space<hbm>>, %arg5: memref<8x3072xf32, #tpu.memory_space<vmem>>, %arg6: memref<8x1024xi32, #tpu.memory_space<vmem>>, %arg7: memref<8x3072xf32, #tpu.memory_space<vmem>>) attributes {dimension_semantics = [#tpu.dimension_semantics<core_parallel>, #tpu.dimension_semantics<subcore_parallel>], iteration_bounds = array<i64: 2, 16>, scalar_prefetch = 0 : i64, scratch_operands = 3 : i64, tpu.core_type = #tpu.core_type<sc_vector_subcore>, window_params = [{transform_indices = #map}, {transform_indices = #map}, {transform_indices = #map}]} {
    %mul3A = arith.constant 2 : i32
    %mul3A_0 = arith.muli %arg1, %mul3A : i32
    %add3A = arith.addi %mul3A_0, %arg0 : i32
    %mul3A_1 = arith.constant 128 : i32
    %mul3A_2 = arith.muli %add3A, %mul3A_1 : i32
    %iota3A = tpu.iota {dimensions = array<i32: 0>} : vector<16xi32>
    %mul3A_3 = arith.constant 3 : i32
    %mul3A_4 = vector.broadcast %mul3A_3 : i32 to vector<16xi32>
    %mul3A_5 = arith.muli %iota3A, %mul3A_4 : vector<16xi32>
    %scan3A = arith.constant 0 : i32
    %scan3A_6 = arith.constant 0 : i32
    %scan3A_7 = arith.constant 16 : i32
    %scan3A_8 = arith.addi %scan3A_6, %scan3A_7 : i32
    %scan3A_9 = arith.constant 1 : i32
    scf.for %scan3A_11 = %scan3A_6 to %scan3A_8 step %scan3A_9  : i32 {
      %mul3A_12 = arith.constant 8 : i32
      %mul3A_13 = arith.muli %scan3A_11, %mul3A_12 : i32
      %add3A_14 = arith.addi %mul3A_2, %mul3A_13 : i32
      "tpu.region"() ({
        %run_scoped3A = tpu.sem_alloc : memref<!tpu.dma_semaphore, #tpu.memory_space<semaphore_mem>>
        %dma_start3A = arith.constant 0 : i32
        %dma_start3A_78 = tpu.memref_slice %arg2[%add3A_14, %dma_start3A] : memref<4096x3072xf32, #tpu.memory_space<hbm>> -> memref<8x3072xf32, #tpu.memory_space<hbm>>
        %dma_start3A_79 = arith.constant 0 : i32
        %dma_start3A_80 = tpu.memref_slice %arg2[%add3A_14, %dma_start3A_79] : memref<4096x3072xf32, #tpu.memory_space<hbm>> -> memref<8x3072xf32, #tpu.memory_space<hbm>>
        tpu.enqueue_dma source(%dma_start3A_80 : memref<8x3072xf32, #tpu.memory_space<hbm>>) target(%arg5 : memref<8x3072xf32, #tpu.memory_space<vmem>>) target_semaphore(%run_scoped3A : memref<!tpu.dma_semaphore, #tpu.memory_space<semaphore_mem>>)
        %dma_wait3A = arith.constant 0 : i32
        %dma_wait3A_81 = tpu.memref_slice %arg2[%add3A_14, %dma_wait3A] : memref<4096x3072xf32, #tpu.memory_space<hbm>> -> memref<8x3072xf32, #tpu.memory_space<hbm>>
        %dma_wait3A_82 = arith.constant 0 : i32
        %dma_wait3A_83 = tpu.memref_slice %arg2[%add3A_14, %dma_wait3A_82] : memref<4096x3072xf32, #tpu.memory_space<hbm>> -> memref<8x3072xf32, #tpu.memory_space<hbm>>
        tpu.wait_dma2 semaphore(%run_scoped3A : memref<!tpu.dma_semaphore, #tpu.memory_space<semaphore_mem>>) src(%dma_wait3A_83 : memref<8x3072xf32, #tpu.memory_space<hbm>>) dst(%arg5 : memref<8x3072xf32, #tpu.memory_space<vmem>>)
        tpu.yield
      }) : () -> ()
      "tpu.region"() ({
        %run_scoped3A = tpu.sem_alloc : memref<!tpu.dma_semaphore, #tpu.memory_space<semaphore_mem>>
        %dma_start3A = arith.constant 0 : i32
        %dma_start3A_78 = tpu.memref_slice %arg3[%add3A_14, %dma_start3A] : memref<4096x1024xi32, #tpu.memory_space<hbm>> -> memref<8x1024xi32, #tpu.memory_space<hbm>>
        %dma_start3A_79 = arith.constant 0 : i32
        %dma_start3A_80 = tpu.memref_slice %arg3[%add3A_14, %dma_start3A_79] : memref<4096x1024xi32, #tpu.memory_space<hbm>> -> memref<8x1024xi32, #tpu.memory_space<hbm>>
        tpu.enqueue_dma source(%dma_start3A_80 : memref<8x1024xi32, #tpu.memory_space<hbm>>) target(%arg6 : memref<8x1024xi32, #tpu.memory_space<vmem>>) target_semaphore(%run_scoped3A : memref<!tpu.dma_semaphore, #tpu.memory_space<semaphore_mem>>)
        %dma_wait3A = arith.constant 0 : i32
        %dma_wait3A_81 = tpu.memref_slice %arg3[%add3A_14, %dma_wait3A] : memref<4096x1024xi32, #tpu.memory_space<hbm>> -> memref<8x1024xi32, #tpu.memory_space<hbm>>
        %dma_wait3A_82 = arith.constant 0 : i32
        %dma_wait3A_83 = tpu.memref_slice %arg3[%add3A_14, %dma_wait3A_82] : memref<4096x1024xi32, #tpu.memory_space<hbm>> -> memref<8x1024xi32, #tpu.memory_space<hbm>>
        tpu.wait_dma2 semaphore(%run_scoped3A : memref<!tpu.dma_semaphore, #tpu.memory_space<semaphore_mem>>) src(%dma_wait3A_83 : memref<8x1024xi32, #tpu.memory_space<hbm>>) dst(%arg6 : memref<8x1024xi32, #tpu.memory_space<vmem>>)
        tpu.yield
      }) : () -> ()
      %broadcast_in_dim3A = arith.constant 0 : i32
      %broadcast_in_dim3A_15 = vector.broadcast %broadcast_in_dim3A : i32 to vector<16xi32>
      %scan3A_16 = arith.constant 0 : i32
      %scan3A_17 = arith.constant 0 : i32
      %scan3A_18 = arith.constant 64 : i32
      %scan3A_19 = arith.addi %scan3A_17, %scan3A_18 : i32
      %scan3A_20 = arith.constant 1 : i32
      scf.for %scan3A_78 = %scan3A_17 to %scan3A_19 step %scan3A_20  : i32 {
        %mul3A_79 = arith.constant 16 : i32
        %mul3A_80 = arith.muli %scan3A_78, %mul3A_79 : i32
        %get3A = arith.constant 0 : i32
        %get3A_81 = arith.index_cast %get3A : i32 to index
        %get3A_82 = arith.index_cast %mul3A_80 : i32 to index
        %get3A_83 = tpu.vector_load %arg6[%get3A_81, %get3A_82] {strides = array<i32>} : memref<8x1024xi32, #tpu.memory_space<vmem>>, vector<16xi32>,
        %mul3A_84 = arith.constant 3 : i32
        %mul3A_85 = vector.broadcast %mul3A_84 : i32 to vector<16xi32>
        %mul3A_86 = arith.muli %get3A_83, %mul3A_85 : vector<16xi32>
        %mul3A_87 = arith.constant 48 : i32
        %mul3A_88 = arith.muli %scan3A_78, %mul3A_87 : i32
        %add3A_89 = vector.broadcast %mul3A_88 : i32 to vector<16xi32>
        %add3A_90 = arith.addi %mul3A_5, %add3A_89 : vector<16xi32>
        %add3A_91 = arith.constant 0 : i32
        %add3A_92 = vector.broadcast %add3A_91 : i32 to vector<16xi32>
        %add3A_93 = arith.addi %mul3A_86, %add3A_92 : vector<16xi32>
        %gather3A = tpu.vector_load_idx %arg5[%broadcast_in_dim3A_15, %add3A_93] : memref<8x3072xf32, #tpu.memory_space<vmem>>[vector<16xi32>, vector<16xi32>], vector<16xf32>,
        %add3A_94 = arith.constant 0 : i32
        %add3A_95 = vector.broadcast %add3A_94 : i32 to vector<16xi32>
        %add3A_96 = arith.addi %add3A_90, %add3A_95 : vector<16xi32>
        tpu.vector_store_idx %arg7[%broadcast_in_dim3A_15, %add3A_96], %gather3A : memref<8x3072xf32, #tpu.memory_space<vmem>>[vector<16xi32>, vector<16xi32>], vector<16xf32>,
        %add3A_97 = arith.constant 1 : i32
        %add3A_98 = vector.broadcast %add3A_97 : i32 to vector<16xi32>
        %add3A_99 = arith.addi %mul3A_86, %add3A_98 : vector<16xi32>
        %gather3A_100 = tpu.vector_load_idx %arg5[%broadcast_in_dim3A_15, %add3A_99] : memref<8x3072xf32, #tpu.memory_space<vmem>>[vector<16xi32>, vector<16xi32>], vector<16xf32>,
        %add3A_101 = arith.constant 1 : i32
        %add3A_102 = vector.broadcast %add3A_101 : i32 to vector<16xi32>
        %add3A_103 = arith.addi %add3A_90, %add3A_102 : vector<16xi32>
        tpu.vector_store_idx %arg7[%broadcast_in_dim3A_15, %add3A_103], %gather3A_100 : memref<8x3072xf32, #tpu.memory_space<vmem>>[vector<16xi32>, vector<16xi32>], vector<16xf32>,
        %add3A_104 = arith.constant 2 : i32
        %add3A_105 = vector.broadcast %add3A_104 : i32 to vector<16xi32>
        %add3A_106 = arith.addi %mul3A_86, %add3A_105 : vector<16xi32>
        %gather3A_107 = tpu.vector_load_idx %arg5[%broadcast_in_dim3A_15, %add3A_106] : memref<8x3072xf32, #tpu.memory_space<vmem>>[vector<16xi32>, vector<16xi32>], vector<16xf32>,
        %add3A_108 = arith.constant 2 : i32
        %add3A_109 = vector.broadcast %add3A_108 : i32 to vector<16xi32>
        %add3A_110 = arith.addi %add3A_90, %add3A_109 : vector<16xi32>
        tpu.vector_store_idx %arg7[%broadcast_in_dim3A_15, %add3A_110], %gather3A_107 : memref<8x3072xf32, #tpu.memory_space<vmem>>[vector<16xi32>, vector<16xi32>], vector<16xf32>,
      }
      %scan3A_21 = arith.constant 64 : i32
      %broadcast_in_dim3A_22 = arith.constant 1 : i32
      %broadcast_in_dim3A_23 = vector.broadcast %broadcast_in_dim3A_22 : i32 to vector<16xi32>
      %scan3A_24 = arith.constant 0 : i32
      %scan3A_25 = arith.constant 0 : i32
      %scan3A_26 = arith.constant 64 : i32
      %scan3A_27 = arith.addi %scan3A_25, %scan3A_26 : i32
      %scan3A_28 = arith.constant 1 : i32
      scf.for %scan3A_78 = %scan3A_25 to %scan3A_27 step %scan3A_28  : i32 {
        %mul3A_79 = arith.constant 16 : i32
        %mul3A_80 = arith.muli %scan3A_78, %mul3A_79 : i32
        %get3A = arith.constant 1 : i32
        %get3A_81 = arith.index_cast %get3A : i32 to index
        %get3A_82 = arith.index_cast %mul3A_80 : i32 to index
        %get3A_83 = tpu.vector_load %arg6[%get3A_81, %get3A_82] {strides = array<i32>} : memref<8x1024xi32, #tpu.memory_space<vmem>>, vector<16xi32>,
        %mul3A_84 = arith.constant 3 : i32
        %mul3A_85 = vector.broadcast %mul3A_84 : i32 to vector<16xi32>
        %mul3A_86 = arith.muli %get3A_83, %mul3A_85 : vector<16xi32>
        %mul3A_87 = arith.constant 48 : i32
        %mul3A_88 = arith.muli %scan3A_78, %mul3A_87 : i32
        %add3A_89 = vector.broadcast %mul3A_88 : i32 to vector<16xi32>
        %add3A_90 = arith.addi %mul3A_5, %add3A_89 : vector<16xi32>
        %add3A_91 = arith.constant 0 : i32
        %add3A_92 = vector.broadcast %add3A_91 : i32 to vector<16xi32>
        %add3A_93 = arith.addi %mul3A_86, %add3A_92 : vector<16xi32>
        %gather3A = tpu.vector_load_idx %arg5[%broadcast_in_dim3A_23, %add3A_93] : memref<8x3072xf32, #tpu.memory_space<vmem>>[vector<16xi32>, vector<16xi32>], vector<16xf32>,
        %add3A_94 = arith.constant 0 : i32
        %add3A_95 = vector.broadcast %add3A_94 : i32 to vector<16xi32>
        %add3A_96 = arith.addi %add3A_90, %add3A_95 : vector<16xi32>
        tpu.vector_store_idx %arg7[%broadcast_in_dim3A_23, %add3A_96], %gather3A : memref<8x3072xf32, #tpu.memory_space<vmem>>[vector<16xi32>, vector<16xi32>], vector<16xf32>,
        %add3A_97 = arith.constant 1 : i32
        %add3A_98 = vector.broadcast %add3A_97 : i32 to vector<16xi32>
        %add3A_99 = arith.addi %mul3A_86, %add3A_98 : vector<16xi32>
        %gather3A_100 = tpu.vector_load_idx %arg5[%broadcast_in_dim3A_23, %add3A_99] : memref<8x3072xf32, #tpu.memory_space<vmem>>[vector<16xi32>, vector<16xi32>], vector<16xf32>,
        %add3A_101 = arith.constant 1 : i32
        %add3A_102 = vector.broadcast %add3A_101 : i32 to vector<16xi32>
        %add3A_103 = arith.addi %add3A_90, %add3A_102 : vector<16xi32>
        tpu.vector_store_idx %arg7[%broadcast_in_dim3A_23, %add3A_103], %gather3A_100 : memref<8x3072xf32, #tpu.memory_space<vmem>>[vector<16xi32>, vector<16xi32>], vector<16xf32>,
        %add3A_104 = arith.constant 2 : i32
        %add3A_105 = vector.broadcast %add3A_104 : i32 to vector<16xi32>
        %add3A_106 = arith.addi %mul3A_86, %add3A_105 : vector<16xi32>
        %gather3A_107 = tpu.vector_load_idx %arg5[%broadcast_in_dim3A_23, %add3A_106] : memref<8x3072xf32, #tpu.memory_space<vmem>>[vector<16xi32>, vector<16xi32>], vector<16xf32>,
        %add3A_108 = arith.constant 2 : i32
        %add3A_109 = vector.broadcast %add3A_108 : i32 to vector<16xi32>
        %add3A_110 = arith.addi %add3A_90, %add3A_109 : vector<16xi32>
        tpu.vector_store_idx %arg7[%broadcast_in_dim3A_23, %add3A_110], %gather3A_107 : memref<8x3072xf32, #tpu.memory_space<vmem>>[vector<16xi32>, vector<16xi32>], vector<16xf32>,
      }
      %scan3A_29 = arith.constant 64 : i32
      %broadcast_in_dim3A_30 = arith.constant 2 : i32
      %broadcast_in_dim3A_31 = vector.broadcast %broadcast_in_dim3A_30 : i32 to vector<16xi32>
      %scan3A_32 = arith.constant 0 : i32
      %scan3A_33 = arith.constant 0 : i32
      %scan3A_34 = arith.constant 64 : i32
      %scan3A_35 = arith.addi %scan3A_33, %scan3A_34 : i32
      %scan3A_36 = arith.constant 1 : i32
      scf.for %scan3A_78 = %scan3A_33 to %scan3A_35 step %scan3A_36  : i32 {
        %mul3A_79 = arith.constant 16 : i32
        %mul3A_80 = arith.muli %scan3A_78, %mul3A_79 : i32
        %get3A = arith.constant 2 : i32
        %get3A_81 = arith.index_cast %get3A : i32 to index
        %get3A_82 = arith.index_cast %mul3A_80 : i32 to index
        %get3A_83 = tpu.vector_load %arg6[%get3A_81, %get3A_82] {strides = array<i32>} : memref<8x1024xi32, #tpu.memory_space<vmem>>, vector<16xi32>,
        %mul3A_84 = arith.constant 3 : i32
        %mul3A_85 = vector.broadcast %mul3A_84 : i32 to vector<16xi32>
        %mul3A_86 = arith.muli %get3A_83, %mul3A_85 : vector<16xi32>
        %mul3A_87 = arith.constant 48 : i32
        %mul3A_88 = arith.muli %scan3A_78, %mul3A_87 : i32
        %add3A_89 = vector.broadcast %mul3A_88 : i32 to vector<16xi32>
        %add3A_90 = arith.addi %mul3A_5, %add3A_89 : vector<16xi32>
        %add3A_91 = arith.constant 0 : i32
        %add3A_92 = vector.broadcast %add3A_91 : i32 to vector<16xi32>
        %add3A_93 = arith.addi %mul3A_86, %add3A_92 : vector<16xi32>
        %gather3A = tpu.vector_load_idx %arg5[%broadcast_in_dim3A_31, %add3A_93] : memref<8x3072xf32, #tpu.memory_space<vmem>>[vector<16xi32>, vector<16xi32>], vector<16xf32>,
        %add3A_94 = arith.constant 0 : i32
        %add3A_95 = vector.broadcast %add3A_94 : i32 to vector<16xi32>
        %add3A_96 = arith.addi %add3A_90, %add3A_95 : vector<16xi32>
        tpu.vector_store_idx %arg7[%broadcast_in_dim3A_31, %add3A_96], %gather3A : memref<8x3072xf32, #tpu.memory_space<vmem>>[vector<16xi32>, vector<16xi32>], vector<16xf32>,
        %add3A_97 = arith.constant 1 : i32
        %add3A_98 = vector.broadcast %add3A_97 : i32 to vector<16xi32>
        %add3A_99 = arith.addi %mul3A_86, %add3A_98 : vector<16xi32>
        %gather3A_100 = tpu.vector_load_idx %arg5[%broadcast_in_dim3A_31, %add3A_99] : memref<8x3072xf32, #tpu.memory_space<vmem>>[vector<16xi32>, vector<16xi32>], vector<16xf32>,
        %add3A_101 = arith.constant 1 : i32
        %add3A_102 = vector.broadcast %add3A_101 : i32 to vector<16xi32>
        %add3A_103 = arith.addi %add3A_90, %add3A_102 : vector<16xi32>
        tpu.vector_store_idx %arg7[%broadcast_in_dim3A_31, %add3A_103], %gather3A_100 : memref<8x3072xf32, #tpu.memory_space<vmem>>[vector<16xi32>, vector<16xi32>], vector<16xf32>,
        %add3A_104 = arith.constant 2 : i32
        %add3A_105 = vector.broadcast %add3A_104 : i32 to vector<16xi32>
        %add3A_106 = arith.addi %mul3A_86, %add3A_105 : vector<16xi32>
        %gather3A_107 = tpu.vector_load_idx %arg5[%broadcast_in_dim3A_31, %add3A_106] : memref<8x3072xf32, #tpu.memory_space<vmem>>[vector<16xi32>, vector<16xi32>], vector<16xf32>,
        %add3A_108 = arith.constant 2 : i32
        %add3A_109 = vector.broadcast %add3A_108 : i32 to vector<16xi32>
        %add3A_110 = arith.addi %add3A_90, %add3A_109 : vector<16xi32>
        tpu.vector_store_idx %arg7[%broadcast_in_dim3A_31, %add3A_110], %gather3A_107 : memref<8x3072xf32, #tpu.memory_space<vmem>>[vector<16xi32>, vector<16xi32>], vector<16xf32>,
      }
      %scan3A_37 = arith.constant 64 : i32
      %broadcast_in_dim3A_38 = arith.constant 3 : i32
      %broadcast_in_dim3A_39 = vector.broadcast %broadcast_in_dim3A_38 : i32 to vector<16xi32>
      %scan3A_40 = arith.constant 0 : i32
      %scan3A_41 = arith.constant 0 : i32
      %scan3A_42 = arith.constant 64 : i32
      %scan3A_43 = arith.addi %scan3A_41, %scan3A_42 : i32
      %scan3A_44 = arith.constant 1 : i32
      scf.for %scan3A_78 = %scan3A_41 to %scan3A_43 step %scan3A_44  : i32 {
        %mul3A_79 = arith.constant 16 : i32
        %mul3A_80 = arith.muli %scan3A_78, %mul3A_79 : i32
        %get3A = arith.constant 3 : i32
        %get3A_81 = arith.index_cast %get3A : i32 to index
        %get3A_82 = arith.index_cast %mul3A_80 : i32 to index
        %get3A_83 = tpu.vector_load %arg6[%get3A_81, %get3A_82] {strides = array<i32>} : memref<8x1024xi32, #tpu.memory_space<vmem>>, vector<16xi32>,
        %mul3A_84 = arith.constant 3 : i32
        %mul3A_85 = vector.broadcast %mul3A_84 : i32 to vector<16xi32>
        %mul3A_86 = arith.muli %get3A_83, %mul3A_85 : vector<16xi32>
        %mul3A_87 = arith.constant 48 : i32
        %mul3A_88 = arith.muli %scan3A_78, %mul3A_87 : i32
        %add3A_89 = vector.broadcast %mul3A_88 : i32 to vector<16xi32>
        %add3A_90 = arith.addi %mul3A_5, %add3A_89 : vector<16xi32>
        %add3A_91 = arith.constant 0 : i32
        %add3A_92 = vector.broadcast %add3A_91 : i32 to vector<16xi32>
        %add3A_93 = arith.addi %mul3A_86, %add3A_92 : vector<16xi32>
        %gather3A = tpu.vector_load_idx %arg5[%broadcast_in_dim3A_39, %add3A_93] : memref<8x3072xf32, #tpu.memory_space<vmem>>[vector<16xi32>, vector<16xi32>], vector<16xf32>,
        %add3A_94 = arith.constant 0 : i32
        %add3A_95 = vector.broadcast %add3A_94 : i32 to vector<16xi32>
        %add3A_96 = arith.addi %add3A_90, %add3A_95 : vector<16xi32>
        tpu.vector_store_idx %arg7[%broadcast_in_dim3A_39, %add3A_96], %gather3A : memref<8x3072xf32, #tpu.memory_space<vmem>>[vector<16xi32>, vector<16xi32>], vector<16xf32>,
        %add3A_97 = arith.constant 1 : i32
        %add3A_98 = vector.broadcast %add3A_97 : i32 to vector<16xi32>
        %add3A_99 = arith.addi %mul3A_86, %add3A_98 : vector<16xi32>
        %gather3A_100 = tpu.vector_load_idx %arg5[%broadcast_in_dim3A_39, %add3A_99] : memref<8x3072xf32, #tpu.memory_space<vmem>>[vector<16xi32>, vector<16xi32>], vector<16xf32>,
        %add3A_101 = arith.constant 1 : i32
        %add3A_102 = vector.broadcast %add3A_101 : i32 to vector<16xi32>
        %add3A_103 = arith.addi %add3A_90, %add3A_102 : vector<16xi32>
        tpu.vector_store_idx %arg7[%broadcast_in_dim3A_39, %add3A_103], %gather3A_100 : memref<8x3072xf32, #tpu.memory_space<vmem>>[vector<16xi32>, vector<16xi32>], vector<16xf32>,
        %add3A_104 = arith.constant 2 : i32
        %add3A_105 = vector.broadcast %add3A_104 : i32 to vector<16xi32>
        %add3A_106 = arith.addi %mul3A_86, %add3A_105 : vector<16xi32>
        %gather3A_107 = tpu.vector_load_idx %arg5[%broadcast_in_dim3A_39, %add3A_106] : memref<8x3072xf32, #tpu.memory_space<vmem>>[vector<16xi32>, vector<16xi32>], vector<16xf32>,
        %add3A_108 = arith.constant 2 : i32
        %add3A_109 = vector.broadcast %add3A_108 : i32 to vector<16xi32>
        %add3A_110 = arith.addi %add3A_90, %add3A_109 : vector<16xi32>
        tpu.vector_store_idx %arg7[%broadcast_in_dim3A_39, %add3A_110], %gather3A_107 : memref<8x3072xf32, #tpu.memory_space<vmem>>[vector<16xi32>, vector<16xi32>], vector<16xf32>,
      }
      %scan3A_45 = arith.constant 64 : i32
      %broadcast_in_dim3A_46 = arith.constant 4 : i32
      %broadcast_in_dim3A_47 = vector.broadcast %broadcast_in_dim3A_46 : i32 to vector<16xi32>
      %scan3A_48 = arith.constant 0 : i32
      %scan3A_49 = arith.constant 0 : i32
      %scan3A_50 = arith.constant 64 : i32
      %scan3A_51 = arith.addi %scan3A_49, %scan3A_50 : i32
      %scan3A_52 = arith.constant 1 : i32
      scf.for %scan3A_78 = %scan3A_49 to %scan3A_51 step %scan3A_52  : i32 {
        %mul3A_79 = arith.constant 16 : i32
        %mul3A_80 = arith.muli %scan3A_78, %mul3A_79 : i32
        %get3A = arith.constant 4 : i32
        %get3A_81 = arith.index_cast %get3A : i32 to index
        %get3A_82 = arith.index_cast %mul3A_80 : i32 to index
        %get3A_83 = tpu.vector_load %arg6[%get3A_81, %get3A_82] {strides = array<i32>} : memref<8x1024xi32, #tpu.memory_space<vmem>>, vector<16xi32>,
        %mul3A_84 = arith.constant 3 : i32
        %mul3A_85 = vector.broadcast %mul3A_84 : i32 to vector<16xi32>
        %mul3A_86 = arith.muli %get3A_83, %mul3A_85 : vector<16xi32>
        %mul3A_87 = arith.constant 48 : i32
        %mul3A_88 = arith.muli %scan3A_78, %mul3A_87 : i32
        %add3A_89 = vector.broadcast %mul3A_88 : i32 to vector<16xi32>
        %add3A_90 = arith.addi %mul3A_5, %add3A_89 : vector<16xi32>
        %add3A_91 = arith.constant 0 : i32
        %add3A_92 = vector.broadcast %add3A_91 : i32 to vector<16xi32>
        %add3A_93 = arith.addi %mul3A_86, %add3A_92 : vector<16xi32>
        %gather3A = tpu.vector_load_idx %arg5[%broadcast_in_dim3A_47, %add3A_93] : memref<8x3072xf32, #tpu.memory_space<vmem>>[vector<16xi32>, vector<16xi32>], vector<16xf32>,
        %add3A_94 = arith.constant 0 : i32
        %add3A_95 = vector.broadcast %add3A_94 : i32 to vector<16xi32>
        %add3A_96 = arith.addi %add3A_90, %add3A_95 : vector<16xi32>
        tpu.vector_store_idx %arg7[%broadcast_in_dim3A_47, %add3A_96], %gather3A : memref<8x3072xf32, #tpu.memory_space<vmem>>[vector<16xi32>, vector<16xi32>], vector<16xf32>,
        %add3A_97 = arith.constant 1 : i32
        %add3A_98 = vector.broadcast %add3A_97 : i32 to vector<16xi32>
        %add3A_99 = arith.addi %mul3A_86, %add3A_98 : vector<16xi32>
        %gather3A_100 = tpu.vector_load_idx %arg5[%broadcast_in_dim3A_47, %add3A_99] : memref<8x3072xf32, #tpu.memory_space<vmem>>[vector<16xi32>, vector<16xi32>], vector<16xf32>,
        %add3A_101 = arith.constant 1 : i32
        %add3A_102 = vector.broadcast %add3A_101 : i32 to vector<16xi32>
        %add3A_103 = arith.addi %add3A_90, %add3A_102 : vector<16xi32>
        tpu.vector_store_idx %arg7[%broadcast_in_dim3A_47, %add3A_103], %gather3A_100 : memref<8x3072xf32, #tpu.memory_space<vmem>>[vector<16xi32>, vector<16xi32>], vector<16xf32>,
        %add3A_104 = arith.constant 2 : i32
        %add3A_105 = vector.broadcast %add3A_104 : i32 to vector<16xi32>
        %add3A_106 = arith.addi %mul3A_86, %add3A_105 : vector<16xi32>
        %gather3A_107 = tpu.vector_load_idx %arg5[%broadcast_in_dim3A_47, %add3A_106] : memref<8x3072xf32, #tpu.memory_space<vmem>>[vector<16xi32>, vector<16xi32>], vector<16xf32>,
        %add3A_108 = arith.constant 2 : i32
        %add3A_109 = vector.broadcast %add3A_108 : i32 to vector<16xi32>
        %add3A_110 = arith.addi %add3A_90, %add3A_109 : vector<16xi32>
        tpu.vector_store_idx %arg7[%broadcast_in_dim3A_47, %add3A_110], %gather3A_107 : memref<8x3072xf32, #tpu.memory_space<vmem>>[vector<16xi32>, vector<16xi32>], vector<16xf32>,
      }
      %scan3A_53 = arith.constant 64 : i32
      %broadcast_in_dim3A_54 = arith.constant 5 : i32
      %broadcast_in_dim3A_55 = vector.broadcast %broadcast_in_dim3A_54 : i32 to vector<16xi32>
      %scan3A_56 = arith.constant 0 : i32
      %scan3A_57 = arith.constant 0 : i32
      %scan3A_58 = arith.constant 64 : i32
      %scan3A_59 = arith.addi %scan3A_57, %scan3A_58 : i32
      %scan3A_60 = arith.constant 1 : i32
      scf.for %scan3A_78 = %scan3A_57 to %scan3A_59 step %scan3A_60  : i32 {
        %mul3A_79 = arith.constant 16 : i32
        %mul3A_80 = arith.muli %scan3A_78, %mul3A_79 : i32
        %get3A = arith.constant 5 : i32
        %get3A_81 = arith.index_cast %get3A : i32 to index
        %get3A_82 = arith.index_cast %mul3A_80 : i32 to index
        %get3A_83 = tpu.vector_load %arg6[%get3A_81, %get3A_82] {strides = array<i32>} : memref<8x1024xi32, #tpu.memory_space<vmem>>, vector<16xi32>,
        %mul3A_84 = arith.constant 3 : i32
        %mul3A_85 = vector.broadcast %mul3A_84 : i32 to vector<16xi32>
        %mul3A_86 = arith.muli %get3A_83, %mul3A_85 : vector<16xi32>
        %mul3A_87 = arith.constant 48 : i32
        %mul3A_88 = arith.muli %scan3A_78, %mul3A_87 : i32
        %add3A_89 = vector.broadcast %mul3A_88 : i32 to vector<16xi32>
        %add3A_90 = arith.addi %mul3A_5, %add3A_89 : vector<16xi32>
        %add3A_91 = arith.constant 0 : i32
        %add3A_92 = vector.broadcast %add3A_91 : i32 to vector<16xi32>
        %add3A_93 = arith.addi %mul3A_86, %add3A_92 : vector<16xi32>
        %gather3A = tpu.vector_load_idx %arg5[%broadcast_in_dim3A_55, %add3A_93] : memref<8x3072xf32, #tpu.memory_space<vmem>>[vector<16xi32>, vector<16xi32>], vector<16xf32>,
        %add3A_94 = arith.constant 0 : i32
        %add3A_95 = vector.broadcast %add3A_94 : i32 to vector<16xi32>
        %add3A_96 = arith.addi %add3A_90, %add3A_95 : vector<16xi32>
        tpu.vector_store_idx %arg7[%broadcast_in_dim3A_55, %add3A_96], %gather3A : memref<8x3072xf32, #tpu.memory_space<vmem>>[vector<16xi32>, vector<16xi32>], vector<16xf32>,
        %add3A_97 = arith.constant 1 : i32
        %add3A_98 = vector.broadcast %add3A_97 : i32 to vector<16xi32>
        %add3A_99 = arith.addi %mul3A_86, %add3A_98 : vector<16xi32>
        %gather3A_100 = tpu.vector_load_idx %arg5[%broadcast_in_dim3A_55, %add3A_99] : memref<8x3072xf32, #tpu.memory_space<vmem>>[vector<16xi32>, vector<16xi32>], vector<16xf32>,
        %add3A_101 = arith.constant 1 : i32
        %add3A_102 = vector.broadcast %add3A_101 : i32 to vector<16xi32>
        %add3A_103 = arith.addi %add3A_90, %add3A_102 : vector<16xi32>
        tpu.vector_store_idx %arg7[%broadcast_in_dim3A_55, %add3A_103], %gather3A_100 : memref<8x3072xf32, #tpu.memory_space<vmem>>[vector<16xi32>, vector<16xi32>], vector<16xf32>,
        %add3A_104 = arith.constant 2 : i32
        %add3A_105 = vector.broadcast %add3A_104 : i32 to vector<16xi32>
        %add3A_106 = arith.addi %mul3A_86, %add3A_105 : vector<16xi32>
        %gather3A_107 = tpu.vector_load_idx %arg5[%broadcast_in_dim3A_55, %add3A_106] : memref<8x3072xf32, #tpu.memory_space<vmem>>[vector<16xi32>, vector<16xi32>], vector<16xf32>,
        %add3A_108 = arith.constant 2 : i32
        %add3A_109 = vector.broadcast %add3A_108 : i32 to vector<16xi32>
        %add3A_110 = arith.addi %add3A_90, %add3A_109 : vector<16xi32>
        tpu.vector_store_idx %arg7[%broadcast_in_dim3A_55, %add3A_110], %gather3A_107 : memref<8x3072xf32, #tpu.memory_space<vmem>>[vector<16xi32>, vector<16xi32>], vector<16xf32>,
      }
      %scan3A_61 = arith.constant 64 : i32
      %broadcast_in_dim3A_62 = arith.constant 6 : i32
      %broadcast_in_dim3A_63 = vector.broadcast %broadcast_in_dim3A_62 : i32 to vector<16xi32>
      %scan3A_64 = arith.constant 0 : i32
      %scan3A_65 = arith.constant 0 : i32
      %scan3A_66 = arith.constant 64 : i32
      %scan3A_67 = arith.addi %scan3A_65, %scan3A_66 : i32
      %scan3A_68 = arith.constant 1 : i32
      scf.for %scan3A_78 = %scan3A_65 to %scan3A_67 step %scan3A_68  : i32 {
        %mul3A_79 = arith.constant 16 : i32
        %mul3A_80 = arith.muli %scan3A_78, %mul3A_79 : i32
        %get3A = arith.constant 6 : i32
        %get3A_81 = arith.index_cast %get3A : i32 to index
        %get3A_82 = arith.index_cast %mul3A_80 : i32 to index
        %get3A_83 = tpu.vector_load %arg6[%get3A_81, %get3A_82] {strides = array<i32>} : memref<8x1024xi32, #tpu.memory_space<vmem>>, vector<16xi32>,
        %mul3A_84 = arith.constant 3 : i32
        %mul3A_85 = vector.broadcast %mul3A_84 : i32 to vector<16xi32>
        %mul3A_86 = arith.muli %get3A_83, %mul3A_85 : vector<16xi32>
        %mul3A_87 = arith.constant 48 : i32
        %mul3A_88 = arith.muli %scan3A_78, %mul3A_87 : i32
        %add3A_89 = vector.broadcast %mul3A_88 : i32 to vector<16xi32>
        %add3A_90 = arith.addi %mul3A_5, %add3A_89 : vector<16xi32>
        %add3A_91 = arith.constant 0 : i32
        %add3A_92 = vector.broadcast %add3A_91 : i32 to vector<16xi32>
        %add3A_93 = arith.addi %mul3A_86, %add3A_92 : vector<16xi32>
        %gather3A = tpu.vector_load_idx %arg5[%broadcast_in_dim3A_63, %add3A_93] : memref<8x3072xf32, #tpu.memory_space<vmem>>[vector<16xi32>, vector<16xi32>], vector<16xf32>,
        %add3A_94 = arith.constant 0 : i32
        %add3A_95 = vector.broadcast %add3A_94 : i32 to vector<16xi32>
        %add3A_96 = arith.addi %add3A_90, %add3A_95 : vector<16xi32>
        tpu.vector_store_idx %arg7[%broadcast_in_dim3A_63, %add3A_96], %gather3A : memref<8x3072xf32, #tpu.memory_space<vmem>>[vector<16xi32>, vector<16xi32>], vector<16xf32>,
        %add3A_97 = arith.constant 1 : i32
        %add3A_98 = vector.broadcast %add3A_97 : i32 to vector<16xi32>
        %add3A_99 = arith.addi %mul3A_86, %add3A_98 : vector<16xi32>
        %gather3A_100 = tpu.vector_load_idx %arg5[%broadcast_in_dim3A_63, %add3A_99] : memref<8x3072xf32, #tpu.memory_space<vmem>>[vector<16xi32>, vector<16xi32>], vector<16xf32>,
        %add3A_101 = arith.constant 1 : i32
        %add3A_102 = vector.broadcast %add3A_101 : i32 to vector<16xi32>
        %add3A_103 = arith.addi %add3A_90, %add3A_102 : vector<16xi32>
        tpu.vector_store_idx %arg7[%broadcast_in_dim3A_63, %add3A_103], %gather3A_100 : memref<8x3072xf32, #tpu.memory_space<vmem>>[vector<16xi32>, vector<16xi32>], vector<16xf32>,
        %add3A_104 = arith.constant 2 : i32
        %add3A_105 = vector.broadcast %add3A_104 : i32 to vector<16xi32>
        %add3A_106 = arith.addi %mul3A_86, %add3A_105 : vector<16xi32>
        %gather3A_107 = tpu.vector_load_idx %arg5[%broadcast_in_dim3A_63, %add3A_106] : memref<8x3072xf32, #tpu.memory_space<vmem>>[vector<16xi32>, vector<16xi32>], vector<16xf32>,
        %add3A_108 = arith.constant 2 : i32
        %add3A_109 = vector.broadcast %add3A_108 : i32 to vector<16xi32>
        %add3A_110 = arith.addi %add3A_90, %add3A_109 : vector<16xi32>
        tpu.vector_store_idx %arg7[%broadcast_in_dim3A_63, %add3A_110], %gather3A_107 : memref<8x3072xf32, #tpu.memory_space<vmem>>[vector<16xi32>, vector<16xi32>], vector<16xf32>,
      }
      %scan3A_69 = arith.constant 64 : i32
      %broadcast_in_dim3A_70 = arith.constant 7 : i32
      %broadcast_in_dim3A_71 = vector.broadcast %broadcast_in_dim3A_70 : i32 to vector<16xi32>
      %scan3A_72 = arith.constant 0 : i32
      %scan3A_73 = arith.constant 0 : i32
      %scan3A_74 = arith.constant 64 : i32
      %scan3A_75 = arith.addi %scan3A_73, %scan3A_74 : i32
      %scan3A_76 = arith.constant 1 : i32
      scf.for %scan3A_78 = %scan3A_73 to %scan3A_75 step %scan3A_76  : i32 {
        %mul3A_79 = arith.constant 16 : i32
        %mul3A_80 = arith.muli %scan3A_78, %mul3A_79 : i32
        %get3A = arith.constant 7 : i32
        %get3A_81 = arith.index_cast %get3A : i32 to index
        %get3A_82 = arith.index_cast %mul3A_80 : i32 to index
        %get3A_83 = tpu.vector_load %arg6[%get3A_81, %get3A_82] {strides = array<i32>} : memref<8x1024xi32, #tpu.memory_space<vmem>>, vector<16xi32>,
        %mul3A_84 = arith.constant 3 : i32
        %mul3A_85 = vector.broadcast %mul3A_84 : i32 to vector<16xi32>
        %mul3A_86 = arith.muli %get3A_83, %mul3A_85 : vector<16xi32>
        %mul3A_87 = arith.constant 48 : i32
        %mul3A_88 = arith.muli %scan3A_78, %mul3A_87 : i32
        %add3A_89 = vector.broadcast %mul3A_88 : i32 to vector<16xi32>
        %add3A_90 = arith.addi %mul3A_5, %add3A_89 : vector<16xi32>
        %add3A_91 = arith.constant 0 : i32
        %add3A_92 = vector.broadcast %add3A_91 : i32 to vector<16xi32>
        %add3A_93 = arith.addi %mul3A_86, %add3A_92 : vector<16xi32>
        %gather3A = tpu.vector_load_idx %arg5[%broadcast_in_dim3A_71, %add3A_93] : memref<8x3072xf32, #tpu.memory_space<vmem>>[vector<16xi32>, vector<16xi32>], vector<16xf32>,
        %add3A_94 = arith.constant 0 : i32
        %add3A_95 = vector.broadcast %add3A_94 : i32 to vector<16xi32>
        %add3A_96 = arith.addi %add3A_90, %add3A_95 : vector<16xi32>
        tpu.vector_store_idx %arg7[%broadcast_in_dim3A_71, %add3A_96], %gather3A : memref<8x3072xf32, #tpu.memory_space<vmem>>[vector<16xi32>, vector<16xi32>], vector<16xf32>,
        %add3A_97 = arith.constant 1 : i32
        %add3A_98 = vector.broadcast %add3A_97 : i32 to vector<16xi32>
        %add3A_99 = arith.addi %mul3A_86, %add3A_98 : vector<16xi32>
        %gather3A_100 = tpu.vector_load_idx %arg5[%broadcast_in_dim3A_71, %add3A_99] : memref<8x3072xf32, #tpu.memory_space<vmem>>[vector<16xi32>, vector<16xi32>], vector<16xf32>,
        %add3A_101 = arith.constant 1 : i32
        %add3A_102 = vector.broadcast %add3A_101 : i32 to vector<16xi32>
        %add3A_103 = arith.addi %add3A_90, %add3A_102 : vector<16xi32>
        tpu.vector_store_idx %arg7[%broadcast_in_dim3A_71, %add3A_103], %gather3A_100 : memref<8x3072xf32, #tpu.memory_space<vmem>>[vector<16xi32>, vector<16xi32>], vector<16xf32>,
        %add3A_104 = arith.constant 2 : i32
        %add3A_105 = vector.broadcast %add3A_104 : i32 to vector<16xi32>
        %add3A_106 = arith.addi %mul3A_86, %add3A_105 : vector<16xi32>
        %gather3A_107 = tpu.vector_load_idx %arg5[%broadcast_in_dim3A_71, %add3A_106] : memref<8x3072xf32, #tpu.memory_space<vmem>>[vector<16xi32>, vector<16xi32>], vector<16xf32>,
        %add3A_108 = arith.constant 2 : i32
        %add3A_109 = vector.broadcast %add3A_108 : i32 to vector<16xi32>
        %add3A_110 = arith.addi %add3A_90, %add3A_109 : vector<16xi32>
        tpu.vector_store_idx %arg7[%broadcast_in_dim3A_71, %add3A_110], %gather3A_107 : memref<8x3072xf32, #tpu.memory_space<vmem>>[vector<16xi32>, vector<16xi32>], vector<16xf32>,
      }
      %scan3A_77 = arith.constant 64 : i32
      "tpu.region"() ({
        %run_scoped3A = tpu.sem_alloc : memref<!tpu.dma_semaphore, #tpu.memory_space<semaphore_mem>>
        %dma_start3A = arith.constant 0 : i32
        %dma_start3A_78 = tpu.memref_slice %arg4[%add3A_14, %dma_start3A] : memref<4096x3072xf32, #tpu.memory_space<hbm>> -> memref<8x3072xf32, #tpu.memory_space<hbm>>
        %dma_start3A_79 = arith.constant 0 : i32
        %dma_start3A_80 = tpu.memref_slice %arg4[%add3A_14, %dma_start3A_79] : memref<4096x3072xf32, #tpu.memory_space<hbm>> -> memref<8x3072xf32, #tpu.memory_space<hbm>>
        tpu.enqueue_dma source(%arg7 : memref<8x3072xf32, #tpu.memory_space<vmem>>) target(%dma_start3A_80 : memref<8x3072xf32, #tpu.memory_space<hbm>>) target_semaphore(%run_scoped3A : memref<!tpu.dma_semaphore, #tpu.memory_space<semaphore_mem>>)
        %dma_wait3A = arith.constant 0 : i32
        %dma_wait3A_81 = tpu.memref_slice %arg4[%add3A_14, %dma_wait3A] : memref<4096x3072xf32, #tpu.memory_space<hbm>> -> memref<8x3072xf32, #tpu.memory_space<hbm>>
        %dma_wait3A_82 = arith.constant 0 : i32
        %dma_wait3A_83 = tpu.memref_slice %arg4[%add3A_14, %dma_wait3A_82] : memref<4096x3072xf32, #tpu.memory_space<hbm>> -> memref<8x3072xf32, #tpu.memory_space<hbm>>
        tpu.wait_dma2 semaphore(%run_scoped3A : memref<!tpu.dma_semaphore, #tpu.memory_space<semaphore_mem>>) src(%arg7 : memref<8x3072xf32, #tpu.memory_space<vmem>>) dst(%dma_wait3A_83 : memref<8x3072xf32, #tpu.memory_space<hbm>>)
        tpu.yield
      }) : () -> ()
    }
    %scan3A_10 = arith.constant 16 : i32
    return
  }
}

module attributes {stable_mosaic.version = 14 : i64} {
  func.func @_sample_body(%arg0: i32, %arg1: memref<1024x3xi32, #tpu.memory_space<smem>>, %arg2: memref<128x1024xf32, #tpu.memory_space<vmem>>, %arg3: memref<128x1024xi32, #tpu.memory_space<vmem>>, %arg4: memref<128x1024xf32, #tpu.memory_space<vmem>>, %arg5: memref<1024x128xi32, #tpu.memory_space<vmem>>) attributes {dimension_semantics = [#tpu.dimension_semantics<parallel>], iteration_bounds = array<i64: 32>, scalar_prefetch = 0 : i64, scratch_operands = 1 : i64, tpu.core_type = #tpu.core_type<tc>, window_params = [{transform_indices = @transform_0, window_bounds = array<i64: 1024, 3>}, {transform_indices = @transform_1, window_bounds = array<i64: 128, 1024>}, {transform_indices = @transform_2, window_bounds = array<i64: 128, 1024>}, {transform_indices = @transform_3, window_bounds = array<i64: 128, 1024>}]} {
    %get3A = arith.constant 0 : index
    %get3A_0 = arith.constant 0 : index
    %get3A_1 = vector.load %arg2[%get3A, %get3A_0] : memref<128x1024xf32, #tpu.memory_space<vmem>>, vector<128x1024xf32>
    %reduce_max3A = arith.constant dense<0xFF800000> : vector<128xf32>
    %reduce_max3A_2 = vector.multi_reduction <maximumf>, %get3A_1, %reduce_max3A [1] : vector<128x1024xf32> to vector<128xf32>
    %broadcast_in_dim3A = vector.shape_cast %reduce_max3A_2 : vector<128xf32> to vector<128x1xf32>
    %sub3A = vector.broadcast %broadcast_in_dim3A : vector<128x1xf32> to vector<128x1024xf32>
    %sub3A_3 = arith.subf %get3A_1, %sub3A : vector<128x1024xf32>
    %exp3A = math.exp %sub3A_3 : vector<128x1024xf32>
    %reduce_sum3A = arith.constant dense<0.000000e+00> : vector<128xf32>
    %reduce_sum3A_4 = vector.multi_reduction <add>, %exp3A, %reduce_sum3A [1] : vector<128x1024xf32> to vector<128xf32>
    %broadcast_in_dim3A_5 = vector.shape_cast %reduce_sum3A_4 : vector<128xf32> to vector<128x1xf32>
    %log3A = math.log %broadcast_in_dim3A_5 : vector<128x1xf32>
    %add3A = arith.addf %log3A, %broadcast_in_dim3A : vector<128x1xf32>
    %sub3A_6 = vector.broadcast %add3A : vector<128x1xf32> to vector<128x1024xf32>
    %sub3A_7 = arith.subf %sub3A_6, %get3A_1 : vector<128x1024xf32>
    %exp3A_8 = math.exp %sub3A_7 : vector<128x1024xf32>
    %broadcast_in_dim3A_9 = arith.constant -6.93147182 : f32
    %broadcast_in_dim3A_10 = vector.broadcast %broadcast_in_dim3A_9 : f32 to vector<128x1024xf32>
    %swap3A = arith.constant 0 : index
    %swap3A_11 = arith.constant 0 : index
    %swap3A_12 = vector.load %arg4[%swap3A, %swap3A_11] : memref<128x1024xf32, #tpu.memory_space<vmem>>, vector<128x1024xf32>
    tpu.vector_store %arg4[%swap3A, %swap3A_11], %broadcast_in_dim3A_10 {strides = array<i32>} : memref<128x1024xf32, #tpu.memory_space<vmem>>, vector<128x1024xf32>,
    %iota3A = tpu.iota {dimensions = array<i32: 0>} : vector<128x1024xi32>
    %iota3A_13 = tpu.iota {dimensions = array<i32: 1>} : vector<128x1024xi32>
    %mul3A = arith.constant 128 : i32
    %mul3A_14 = arith.muli %arg0, %mul3A : i32
    %add3A_15 = vector.broadcast %mul3A_14 : i32 to vector<128x1024xi32>
    %add3A_16 = arith.addi %add3A_15, %iota3A : vector<128x1024xi32>
    %mul3A_17 = arith.constant 1024 : i32
    %mul3A_18 = vector.broadcast %mul3A_17 : i32 to vector<128x1024xi32>
    %mul3A_19 = arith.muli %add3A_16, %mul3A_18 : vector<128x1024xi32>
    %add3A_20 = arith.addi %mul3A_19, %iota3A_13 : vector<128x1024xi32>
    %scan3A = arith.constant 0 : i32
    %scan3A_21 = arith.constant 1024 : i32
    %scan3A_22 = arith.addi %scan3A, %scan3A_21 : i32
    %scan3A_23 = arith.constant 16 : i32
    scf.for %scan3A_31 = %scan3A to %scan3A_22 step %scan3A_23  : i32 {
      %get3A_32 = arith.index_cast %scan3A_31 : i32 to index
      %get3A_33 = arith.constant 0 : index
      %get3A_34 = memref.load %arg1[%get3A_32, %get3A_33] : memref<1024x3xi32, #tpu.memory_space<smem>>
      %get3A_35 = arith.index_cast %scan3A_31 : i32 to index
      %get3A_36 = arith.constant 1 : index
      %get3A_37 = memref.load %arg1[%get3A_35, %get3A_36] : memref<1024x3xi32, #tpu.memory_space<smem>>
      %get3A_38 = arith.index_cast %scan3A_31 : i32 to index
      %get3A_39 = arith.constant 2 : index
      %get3A_40 = memref.load %arg1[%get3A_38, %get3A_39] : memref<1024x3xi32, #tpu.memory_space<smem>>
      %add3A_41 = vector.broadcast %get3A_37 : i32 to vector<128x1024xi32>
      %add3A_42 = arith.addi %add3A_20, %add3A_41 : vector<128x1024xi32>
      %add3A_43 = vector.broadcast %get3A_34 : i32 to vector<128x1024xi32>
      %add3A_44 = arith.addi %add3A_43, %add3A_42 : vector<128x1024xi32>
      %shift_left3A = arith.constant 13 : i32
      %shift_left3A_45 = vector.broadcast %shift_left3A : i32 to vector<128x1024xi32>
      %shift_left3A_46 = arith.shli %add3A_42, %shift_left3A_45 : vector<128x1024xi32>
      %shift_right_logical3A = arith.constant 19 : i32
      %shift_right_logical3A_47 = vector.broadcast %shift_right_logical3A : i32 to vector<128x1024xi32>
      %shift_right_logical3A_48 = arith.shrui %add3A_42, %shift_right_logical3A_47 : vector<128x1024xi32>
      %or3A = arith.ori %shift_left3A_46, %shift_right_logical3A_48 : vector<128x1024xi32>
      %xor3A = arith.xori %or3A, %add3A_44 : vector<128x1024xi32>
      %add3A_49 = arith.addi %add3A_44, %xor3A : vector<128x1024xi32>
      %shift_left3A_50 = arith.constant 15 : i32
      %shift_left3A_51 = vector.broadcast %shift_left3A_50 : i32 to vector<128x1024xi32>
      %shift_left3A_52 = arith.shli %xor3A, %shift_left3A_51 : vector<128x1024xi32>
      %shift_right_logical3A_53 = arith.constant 17 : i32
      %shift_right_logical3A_54 = vector.broadcast %shift_right_logical3A_53 : i32 to vector<128x1024xi32>
      %shift_right_logical3A_55 = arith.shrui %xor3A, %shift_right_logical3A_54 : vector<128x1024xi32>
      %or3A_56 = arith.ori %shift_left3A_52, %shift_right_logical3A_55 : vector<128x1024xi32>
      %xor3A_57 = arith.xori %or3A_56, %add3A_49 : vector<128x1024xi32>
      %add3A_58 = arith.addi %add3A_49, %xor3A_57 : vector<128x1024xi32>
      %shift_left3A_59 = arith.constant 26 : i32
      %shift_left3A_60 = vector.broadcast %shift_left3A_59 : i32 to vector<128x1024xi32>
      %shift_left3A_61 = arith.shli %xor3A_57, %shift_left3A_60 : vector<128x1024xi32>
      %shift_right_logical3A_62 = arith.constant 6 : i32
      %shift_right_logical3A_63 = vector.broadcast %shift_right_logical3A_62 : i32 to vector<128x1024xi32>
      %shift_right_logical3A_64 = arith.shrui %xor3A_57, %shift_right_logical3A_63 : vector<128x1024xi32>
      %or3A_65 = arith.ori %shift_left3A_61, %shift_right_logical3A_64 : vector<128x1024xi32>
      %xor3A_66 = arith.xori %or3A_65, %add3A_58 : vector<128x1024xi32>
      %add3A_67 = arith.addi %add3A_58, %xor3A_66 : vector<128x1024xi32>
      %shift_left3A_68 = arith.constant 6 : i32
      %shift_left3A_69 = vector.broadcast %shift_left3A_68 : i32 to vector<128x1024xi32>
      %shift_left3A_70 = arith.shli %xor3A_66, %shift_left3A_69 : vector<128x1024xi32>
      %shift_right_logical3A_71 = arith.constant 26 : i32
      %shift_right_logical3A_72 = vector.broadcast %shift_right_logical3A_71 : i32 to vector<128x1024xi32>
      %shift_right_logical3A_73 = arith.shrui %xor3A_66, %shift_right_logical3A_72 : vector<128x1024xi32>
      %or3A_74 = arith.ori %shift_left3A_70, %shift_right_logical3A_73 : vector<128x1024xi32>
      %xor3A_75 = arith.xori %or3A_74, %add3A_67 : vector<128x1024xi32>
      %add3A_76 = vector.broadcast %get3A_37 : i32 to vector<128x1024xi32>
      %add3A_77 = arith.addi %add3A_67, %add3A_76 : vector<128x1024xi32>
      %add3A_78 = arith.constant 1 : i32
      %add3A_79 = arith.addi %get3A_40, %add3A_78 : i32
      %add3A_80 = vector.broadcast %add3A_79 : i32 to vector<128x1024xi32>
      %add3A_81 = arith.addi %xor3A_75, %add3A_80 : vector<128x1024xi32>
      %add3A_82 = arith.addi %add3A_77, %add3A_81 : vector<128x1024xi32>
      %shift_left3A_83 = arith.constant 17 : i32
      %shift_left3A_84 = vector.broadcast %shift_left3A_83 : i32 to vector<128x1024xi32>
      %shift_left3A_85 = arith.shli %add3A_81, %shift_left3A_84 : vector<128x1024xi32>
      %shift_right_logical3A_86 = arith.constant 15 : i32
      %shift_right_logical3A_87 = vector.broadcast %shift_right_logical3A_86 : i32 to vector<128x1024xi32>
      %shift_right_logical3A_88 = arith.shrui %add3A_81, %shift_right_logical3A_87 : vector<128x1024xi32>
      %or3A_89 = arith.ori %shift_left3A_85, %shift_right_logical3A_88 : vector<128x1024xi32>
      %xor3A_90 = arith.xori %or3A_89, %add3A_82 : vector<128x1024xi32>
      %add3A_91 = arith.addi %add3A_82, %xor3A_90 : vector<128x1024xi32>
      %shift_left3A_92 = arith.constant 29 : i32
      %shift_left3A_93 = vector.broadcast %shift_left3A_92 : i32 to vector<128x1024xi32>
      %shift_left3A_94 = arith.shli %xor3A_90, %shift_left3A_93 : vector<128x1024xi32>
      %shift_right_logical3A_95 = arith.constant 3 : i32
      %shift_right_logical3A_96 = vector.broadcast %shift_right_logical3A_95 : i32 to vector<128x1024xi32>
      %shift_right_logical3A_97 = arith.shrui %xor3A_90, %shift_right_logical3A_96 : vector<128x1024xi32>
      %or3A_98 = arith.ori %shift_left3A_94, %shift_right_logical3A_97 : vector<128x1024xi32>
      %xor3A_99 = arith.xori %or3A_98, %add3A_91 : vector<128x1024xi32>
      %add3A_100 = arith.addi %add3A_91, %xor3A_99 : vector<128x1024xi32>
      %shift_left3A_101 = arith.constant 16 : i32
      %shift_left3A_102 = vector.broadcast %shift_left3A_101 : i32 to vector<128x1024xi32>
      %shift_left3A_103 = arith.shli %xor3A_99, %shift_left3A_102 : vector<128x1024xi32>
      %shift_right_logical3A_104 = arith.constant 16 : i32
      %shift_right_logical3A_105 = vector.broadcast %shift_right_logical3A_104 : i32 to vector<128x1024xi32>
      %shift_right_logical3A_106 = arith.shrui %xor3A_99, %shift_right_logical3A_105 : vector<128x1024xi32>
      %or3A_107 = arith.ori %shift_left3A_103, %shift_right_logical3A_106 : vector<128x1024xi32>
      %xor3A_108 = arith.xori %or3A_107, %add3A_100 : vector<128x1024xi32>
      %add3A_109 = arith.addi %add3A_100, %xor3A_108 : vector<128x1024xi32>
      %shift_left3A_110 = arith.constant 24 : i32
      %shift_left3A_111 = vector.broadcast %shift_left3A_110 : i32 to vector<128x1024xi32>
      %shift_left3A_112 = arith.shli %xor3A_108, %shift_left3A_111 : vector<128x1024xi32>
      %shift_right_logical3A_113 = arith.constant 8 : i32
      %shift_right_logical3A_114 = vector.broadcast %shift_right_logical3A_113 : i32 to vector<128x1024xi32>
      %shift_right_logical3A_115 = arith.shrui %xor3A_108, %shift_right_logical3A_114 : vector<128x1024xi32>
      %or3A_116 = arith.ori %shift_left3A_112, %shift_right_logical3A_115 : vector<128x1024xi32>
      %xor3A_117 = arith.xori %or3A_116, %add3A_109 : vector<128x1024xi32>
      %add3A_118 = vector.broadcast %get3A_40 : i32 to vector<128x1024xi32>
      %add3A_119 = arith.addi %add3A_109, %add3A_118 : vector<128x1024xi32>
      %add3A_120 = arith.constant 2 : i32
      %add3A_121 = arith.addi %get3A_34, %add3A_120 : i32
      %add3A_122 = vector.broadcast %add3A_121 : i32 to vector<128x1024xi32>
      %add3A_123 = arith.addi %xor3A_117, %add3A_122 : vector<128x1024xi32>
      %add3A_124 = arith.addi %add3A_119, %add3A_123 : vector<128x1024xi32>
      %shift_left3A_125 = arith.constant 13 : i32
      %shift_left3A_126 = vector.broadcast %shift_left3A_125 : i32 to vector<128x1024xi32>
      %shift_left3A_127 = arith.shli %add3A_123, %shift_left3A_126 : vector<128x1024xi32>
      %shift_right_logical3A_128 = arith.constant 19 : i32
      %shift_right_logical3A_129 = vector.broadcast %shift_right_logical3A_128 : i32 to vector<128x1024xi32>
      %shift_right_logical3A_130 = arith.shrui %add3A_123, %shift_right_logical3A_129 : vector<128x1024xi32>
      %or3A_131 = arith.ori %shift_left3A_127, %shift_right_logical3A_130 : vector<128x1024xi32>
      %xor3A_132 = arith.xori %or3A_131, %add3A_124 : vector<128x1024xi32>
      %add3A_133 = arith.addi %add3A_124, %xor3A_132 : vector<128x1024xi32>
      %shift_left3A_134 = arith.constant 15 : i32
      %shift_left3A_135 = vector.broadcast %shift_left3A_134 : i32 to vector<128x1024xi32>
      %shift_left3A_136 = arith.shli %xor3A_132, %shift_left3A_135 : vector<128x1024xi32>
      %shift_right_logical3A_137 = arith.constant 17 : i32
      %shift_right_logical3A_138 = vector.broadcast %shift_right_logical3A_137 : i32 to vector<128x1024xi32>
      %shift_right_logical3A_139 = arith.shrui %xor3A_132, %shift_right_logical3A_138 : vector<128x1024xi32>
      %or3A_140 = arith.ori %shift_left3A_136, %shift_right_logical3A_139 : vector<128x1024xi32>
      %xor3A_141 = arith.xori %or3A_140, %add3A_133 : vector<128x1024xi32>
      %add3A_142 = arith.addi %add3A_133, %xor3A_141 : vector<128x1024xi32>
      %shift_left3A_143 = arith.constant 26 : i32
      %shift_left3A_144 = vector.broadcast %shift_left3A_143 : i32 to vector<128x1024xi32>
      %shift_left3A_145 = arith.shli %xor3A_141, %shift_left3A_144 : vector<128x1024xi32>
      %shift_right_logical3A_146 = arith.constant 6 : i32
      %shift_right_logical3A_147 = vector.broadcast %shift_right_logical3A_146 : i32 to vector<128x1024xi32>
      %shift_right_logical3A_148 = arith.shrui %xor3A_141, %shift_right_logical3A_147 : vector<128x1024xi32>
      %or3A_149 = arith.ori %shift_left3A_145, %shift_right_logical3A_148 : vector<128x1024xi32>
      %xor3A_150 = arith.xori %or3A_149, %add3A_142 : vector<128x1024xi32>
      %add3A_151 = arith.addi %add3A_142, %xor3A_150 : vector<128x1024xi32>
      %shift_left3A_152 = arith.constant 6 : i32
      %shift_left3A_153 = vector.broadcast %shift_left3A_152 : i32 to vector<128x1024xi32>
      %shift_left3A_154 = arith.shli %xor3A_150, %shift_left3A_153 : vector<128x1024xi32>
      %shift_right_logical3A_155 = arith.constant 26 : i32
      %shift_right_logical3A_156 = vector.broadcast %shift_right_logical3A_155 : i32 to vector<128x1024xi32>
      %shift_right_logical3A_157 = arith.shrui %xor3A_150, %shift_right_logical3A_156 : vector<128x1024xi32>
      %or3A_158 = arith.ori %shift_left3A_154, %shift_right_logical3A_157 : vector<128x1024xi32>
      %xor3A_159 = arith.xori %or3A_158, %add3A_151 : vector<128x1024xi32>
      %add3A_160 = vector.broadcast %get3A_34 : i32 to vector<128x1024xi32>
      %add3A_161 = arith.addi %add3A_151, %add3A_160 : vector<128x1024xi32>
      %add3A_162 = arith.constant 3 : i32
      %add3A_163 = arith.addi %get3A_37, %add3A_162 : i32
      %add3A_164 = vector.broadcast %add3A_163 : i32 to vector<128x1024xi32>
      %add3A_165 = arith.addi %xor3A_159, %add3A_164 : vector<128x1024xi32>
      %add3A_166 = arith.addi %add3A_161, %add3A_165 : vector<128x1024xi32>
      %shift_left3A_167 = arith.constant 17 : i32
      %shift_left3A_168 = vector.broadcast %shift_left3A_167 : i32 to vector<128x1024xi32>
      %shift_left3A_169 = arith.shli %add3A_165, %shift_left3A_168 : vector<128x1024xi32>
      %shift_right_logical3A_170 = arith.constant 15 : i32
      %shift_right_logical3A_171 = vector.broadcast %shift_right_logical3A_170 : i32 to vector<128x1024xi32>
      %shift_right_logical3A_172 = arith.shrui %add3A_165, %shift_right_logical3A_171 : vector<128x1024xi32>
      %or3A_173 = arith.ori %shift_left3A_169, %shift_right_logical3A_172 : vector<128x1024xi32>
      %xor3A_174 = arith.xori %or3A_173, %add3A_166 : vector<128x1024xi32>
      %add3A_175 = arith.addi %add3A_166, %xor3A_174 : vector<128x1024xi32>
      %shift_left3A_176 = arith.constant 29 : i32
      %shift_left3A_177 = vector.broadcast %shift_left3A_176 : i32 to vector<128x1024xi32>
      %shift_left3A_178 = arith.shli %xor3A_174, %shift_left3A_177 : vector<128x1024xi32>
      %shift_right_logical3A_179 = arith.constant 3 : i32
      %shift_right_logical3A_180 = vector.broadcast %shift_right_logical3A_179 : i32 to vector<128x1024xi32>
      %shift_right_logical3A_181 = arith.shrui %xor3A_174, %shift_right_logical3A_180 : vector<128x1024xi32>
      %or3A_182 = arith.ori %shift_left3A_178, %shift_right_logical3A_181 : vector<128x1024xi32>
      %xor3A_183 = arith.xori %or3A_182, %add3A_175 : vector<128x1024xi32>
      %add3A_184 = arith.addi %add3A_175, %xor3A_183 : vector<128x1024xi32>
      %shift_left3A_185 = arith.constant 16 : i32
      %shift_left3A_186 = vector.broadcast %shift_left3A_185 : i32 to vector<128x1024xi32>
      %shift_left3A_187 = arith.shli %xor3A_183, %shift_left3A_186 : vector<128x1024xi32>
      %shift_right_logical3A_188 = arith.constant 16 : i32
      %shift_right_logical3A_189 = vector.broadcast %shift_right_logical3A_188 : i32 to vector<128x1024xi32>
      %shift_right_logical3A_190 = arith.shrui %xor3A_183, %shift_right_logical3A_189 : vector<128x1024xi32>
      %or3A_191 = arith.ori %shift_left3A_187, %shift_right_logical3A_190 : vector<128x1024xi32>
      %xor3A_192 = arith.xori %or3A_191, %add3A_184 : vector<128x1024xi32>
      %add3A_193 = arith.addi %add3A_184, %xor3A_192 : vector<128x1024xi32>
      %shift_left3A_194 = arith.constant 24 : i32
      %shift_left3A_195 = vector.broadcast %shift_left3A_194 : i32 to vector<128x1024xi32>
      %shift_left3A_196 = arith.shli %xor3A_192, %shift_left3A_195 : vector<128x1024xi32>
      %shift_right_logical3A_197 = arith.constant 8 : i32
      %shift_right_logical3A_198 = vector.broadcast %shift_right_logical3A_197 : i32 to vector<128x1024xi32>
      %shift_right_logical3A_199 = arith.shrui %xor3A_192, %shift_right_logical3A_198 : vector<128x1024xi32>
      %or3A_200 = arith.ori %shift_left3A_196, %shift_right_logical3A_199 : vector<128x1024xi32>
      %xor3A_201 = arith.xori %or3A_200, %add3A_193 : vector<128x1024xi32>
      %add3A_202 = vector.broadcast %get3A_37 : i32 to vector<128x1024xi32>
      %add3A_203 = arith.addi %add3A_193, %add3A_202 : vector<128x1024xi32>
      %add3A_204 = arith.constant 4 : i32
      %add3A_205 = arith.addi %get3A_40, %add3A_204 : i32
      %add3A_206 = vector.broadcast %add3A_205 : i32 to vector<128x1024xi32>
      %add3A_207 = arith.addi %xor3A_201, %add3A_206 : vector<128x1024xi32>
      %add3A_208 = arith.addi %add3A_203, %add3A_207 : vector<128x1024xi32>
      %shift_left3A_209 = arith.constant 13 : i32
      %shift_left3A_210 = vector.broadcast %shift_left3A_209 : i32 to vector<128x1024xi32>
      %shift_left3A_211 = arith.shli %add3A_207, %shift_left3A_210 : vector<128x1024xi32>
      %shift_right_logical3A_212 = arith.constant 19 : i32
      %shift_right_logical3A_213 = vector.broadcast %shift_right_logical3A_212 : i32 to vector<128x1024xi32>
      %shift_right_logical3A_214 = arith.shrui %add3A_207, %shift_right_logical3A_213 : vector<128x1024xi32>
      %or3A_215 = arith.ori %shift_left3A_211, %shift_right_logical3A_214 : vector<128x1024xi32>
      %xor3A_216 = arith.xori %or3A_215, %add3A_208 : vector<128x1024xi32>
      %add3A_217 = arith.addi %add3A_208, %xor3A_216 : vector<128x1024xi32>
      %shift_left3A_218 = arith.constant 15 : i32
      %shift_left3A_219 = vector.broadcast %shift_left3A_218 : i32 to vector<128x1024xi32>
      %shift_left3A_220 = arith.shli %xor3A_216, %shift_left3A_219 : vector<128x1024xi32>
      %shift_right_logical3A_221 = arith.constant 17 : i32
      %shift_right_logical3A_222 = vector.broadcast %shift_right_logical3A_221 : i32 to vector<128x1024xi32>
      %shift_right_logical3A_223 = arith.shrui %xor3A_216, %shift_right_logical3A_222 : vector<128x1024xi32>
      %or3A_224 = arith.ori %shift_left3A_220, %shift_right_logical3A_223 : vector<128x1024xi32>
      %xor3A_225 = arith.xori %or3A_224, %add3A_217 : vector<128x1024xi32>
      %add3A_226 = arith.addi %add3A_217, %xor3A_225 : vector<128x1024xi32>
      %shift_left3A_227 = arith.constant 26 : i32
      %shift_left3A_228 = vector.broadcast %shift_left3A_227 : i32 to vector<128x1024xi32>
      %shift_left3A_229 = arith.shli %xor3A_225, %shift_left3A_228 : vector<128x1024xi32>
      %shift_right_logical3A_230 = arith.constant 6 : i32
      %shift_right_logical3A_231 = vector.broadcast %shift_right_logical3A_230 : i32 to vector<128x1024xi32>
      %shift_right_logical3A_232 = arith.shrui %xor3A_225, %shift_right_logical3A_231 : vector<128x1024xi32>
      %or3A_233 = arith.ori %shift_left3A_229, %shift_right_logical3A_232 : vector<128x1024xi32>
      %xor3A_234 = arith.xori %or3A_233, %add3A_226 : vector<128x1024xi32>
      %add3A_235 = arith.addi %add3A_226, %xor3A_234 : vector<128x1024xi32>
      %shift_left3A_236 = arith.constant 6 : i32
      %shift_left3A_237 = vector.broadcast %shift_left3A_236 : i32 to vector<128x1024xi32>
      %shift_left3A_238 = arith.shli %xor3A_234, %shift_left3A_237 : vector<128x1024xi32>
      %shift_right_logical3A_239 = arith.constant 26 : i32
      %shift_right_logical3A_240 = vector.broadcast %shift_right_logical3A_239 : i32 to vector<128x1024xi32>
      %shift_right_logical3A_241 = arith.shrui %xor3A_234, %shift_right_logical3A_240 : vector<128x1024xi32>
      %or3A_242 = arith.ori %shift_left3A_238, %shift_right_logical3A_241 : vector<128x1024xi32>
      %xor3A_243 = arith.xori %or3A_242, %add3A_235 : vector<128x1024xi32>
      %add3A_244 = vector.broadcast %get3A_40 : i32 to vector<128x1024xi32>
      %add3A_245 = arith.addi %add3A_235, %add3A_244 : vector<128x1024xi32>
      %add3A_246 = arith.constant 5 : i32
      %add3A_247 = arith.addi %get3A_34, %add3A_246 : i32
      %add3A_248 = vector.broadcast %add3A_247 : i32 to vector<128x1024xi32>
      %add3A_249 = arith.addi %xor3A_243, %add3A_248 : vector<128x1024xi32>
      %xor3A_250 = arith.xori %add3A_245, %add3A_249 : vector<128x1024xi32>
      %shift_right_logical3A_251 = arith.constant 9 : i32
      %shift_right_logical3A_252 = vector.broadcast %shift_right_logical3A_251 : i32 to vector<128x1024xi32>
      %shift_right_logical3A_253 = arith.shrui %xor3A_250, %shift_right_logical3A_252 : vector<128x1024xi32>
      %or3A_254 = arith.constant 1065353216 : i32
      %or3A_255 = vector.broadcast %or3A_254 : i32 to vector<128x1024xi32>
      %or3A_256 = arith.ori %shift_right_logical3A_253, %or3A_255 : vector<128x1024xi32>
      %bitcast_convert_type3A = tpu.bitcast %or3A_256 : vector<128x1024xi32> -> vector<128x1024xf32>
      %sub3A_257 = arith.constant 1.000000e+00 : f32
      %sub3A_258 = vector.broadcast %sub3A_257 : f32 to vector<128x1024xf32>
      %sub3A_259 = arith.subf %bitcast_convert_type3A, %sub3A_258 : vector<128x1024xf32>
      %log3A_260 = math.log %sub3A_259 : vector<128x1024xf32>
      %neg3A = arith.constant 0.000000e+00 : f32
      %neg3A_261 = vector.broadcast %neg3A : f32 to vector<128x1024xf32>
      %neg3A_262 = arith.subf %neg3A_261, %log3A_260 : vector<128x1024xf32>
      %mul3A_263 = arith.mulf %neg3A_262, %exp3A_8 : vector<128x1024xf32>
      %argmin3A = tpu.reduce_index %mul3A_263 {axis = 1 : i32, kind = #tpu.reduction_kind<arg_min>} : vector<128x1024xf32> -> vector<128xi32>
      %reshape3A = vector.shape_cast %argmin3A : vector<128xi32> to vector<1x128xi32>
      %swap3A_264 = arith.index_cast %scan3A_31 : i32 to index
      %swap3A_265 = arith.constant 0 : index
      %swap3A_266 = vector.load %arg5[%swap3A_264, %swap3A_265] : memref<1024x128xi32, #tpu.memory_space<vmem>>, vector<1x128xi32>
      tpu.vector_store %arg5[%swap3A_264, %swap3A_265], %reshape3A {strides = array<i32>} : memref<1024x128xi32, #tpu.memory_space<vmem>>, vector<1x128xi32>,
      %scan3A_267 = arith.constant 1 : i32
      %scan3A_268 = arith.addi %scan3A_31, %scan3A_267 : i32
      %get3A_269 = arith.index_cast %scan3A_268 : i32 to index
      %get3A_270 = arith.constant 0 : index
      %get3A_271 = memref.load %arg1[%get3A_269, %get3A_270] : memref<1024x3xi32, #tpu.memory_space<smem>>
      %get3A_272 = arith.index_cast %scan3A_268 : i32 to index
      %get3A_273 = arith.constant 1 : index
      %get3A_274 = memref.load %arg1[%get3A_272, %get3A_273] : memref<1024x3xi32, #tpu.memory_space<smem>>
      %get3A_275 = arith.index_cast %scan3A_268 : i32 to index
      %get3A_276 = arith.constant 2 : index
      %get3A_277 = memref.load %arg1[%get3A_275, %get3A_276] : memref<1024x3xi32, #tpu.memory_space<smem>>
      %add3A_278 = vector.broadcast %get3A_274 : i32 to vector<128x1024xi32>
      %add3A_279 = arith.addi %add3A_20, %add3A_278 : vector<128x1024xi32>
      %add3A_280 = vector.broadcast %get3A_271 : i32 to vector<128x1024xi32>
      %add3A_281 = arith.addi %add3A_280, %add3A_279 : vector<128x1024xi32>
      %shift_left3A_282 = arith.constant 13 : i32
      %shift_left3A_283 = vector.broadcast %shift_left3A_282 : i32 to vector<128x1024xi32>
      %shift_left3A_284 = arith.shli %add3A_279, %shift_left3A_283 : vector<128x1024xi32>
      %shift_right_logical3A_285 = arith.constant 19 : i32
      %shift_right_logical3A_286 = vector.broadcast %shift_right_logical3A_285 : i32 to vector<128x1024xi32>
      %shift_right_logical3A_287 = arith.shrui %add3A_279, %shift_right_logical3A_286 : vector<128x1024xi32>
      %or3A_288 = arith.ori %shift_left3A_284, %shift_right_logical3A_287 : vector<128x1024xi32>
      %xor3A_289 = arith.xori %or3A_288, %add3A_281 : vector<128x1024xi32>
      %add3A_290 = arith.addi %add3A_281, %xor3A_289 : vector<128x1024xi32>
      %shift_left3A_291 = arith.constant 15 : i32
      %shift_left3A_292 = vector.broadcast %shift_left3A_291 : i32 to vector<128x1024xi32>
      %shift_left3A_293 = arith.shli %xor3A_289, %shift_left3A_292 : vector<128x1024xi32>
      %shift_right_logical3A_294 = arith.constant 17 : i32
      %shift_right_logical3A_295 = vector.broadcast %shift_right_logical3A_294 : i32 to vector<128x1024xi32>
      %shift_right_logical3A_296 = arith.shrui %xor3A_289, %shift_right_logical3A_295 : vector<128x1024xi32>
      %or3A_297 = arith.ori %shift_left3A_293, %shift_right_logical3A_296 : vector<128x1024xi32>
      %xor3A_298 = arith.xori %or3A_297, %add3A_290 : vector<128x1024xi32>
      %add3A_299 = arith.addi %add3A_290, %xor3A_298 : vector<128x1024xi32>
      %shift_left3A_300 = arith.constant 26 : i32
      %shift_left3A_301 = vector.broadcast %shift_left3A_300 : i32 to vector<128x1024xi32>
      %shift_left3A_302 = arith.shli %xor3A_298, %shift_left3A_301 : vector<128x1024xi32>
      %shift_right_logical3A_303 = arith.constant 6 : i32
      %shift_right_logical3A_304 = vector.broadcast %shift_right_logical3A_303 : i32 to vector<128x1024xi32>
      %shift_right_logical3A_305 = arith.shrui %xor3A_298, %shift_right_logical3A_304 : vector<128x1024xi32>
      %or3A_306 = arith.ori %shift_left3A_302, %shift_right_logical3A_305 : vector<128x1024xi32>
      %xor3A_307 = arith.xori %or3A_306, %add3A_299 : vector<128x1024xi32>
      %add3A_308 = arith.addi %add3A_299, %xor3A_307 : vector<128x1024xi32>
      %shift_left3A_309 = arith.constant 6 : i32
      %shift_left3A_310 = vector.broadcast %shift_left3A_309 : i32 to vector<128x1024xi32>
      %shift_left3A_311 = arith.shli %xor3A_307, %shift_left3A_310 : vector<128x1024xi32>
      %shift_right_logical3A_312 = arith.constant 26 : i32
      %shift_right_logical3A_313 = vector.broadcast %shift_right_logical3A_312 : i32 to vector<128x1024xi32>
      %shift_right_logical3A_314 = arith.shrui %xor3A_307, %shift_right_logical3A_313 : vector<128x1024xi32>
      %or3A_315 = arith.ori %shift_left3A_311, %shift_right_logical3A_314 : vector<128x1024xi32>
      %xor3A_316 = arith.xori %or3A_315, %add3A_308 : vector<128x1024xi32>
      %add3A_317 = vector.broadcast %get3A_274 : i32 to vector<128x1024xi32>
      %add3A_318 = arith.addi %add3A_308, %add3A_317 : vector<128x1024xi32>
      %add3A_319 = arith.constant 1 : i32
      %add3A_320 = arith.addi %get3A_277, %add3A_319 : i32
      %add3A_321 = vector.broadcast %add3A_320 : i32 to vector<128x1024xi32>
      %add3A_322 = arith.addi %xor3A_316, %add3A_321 : vector<128x1024xi32>
      %add3A_323 = arith.addi %add3A_318, %add3A_322 : vector<128x1024xi32>
      %shift_left3A_324 = arith.constant 17 : i32
      %shift_left3A_325 = vector.broadcast %shift_left3A_324 : i32 to vector<128x1024xi32>
      %shift_left3A_326 = arith.shli %add3A_322, %shift_left3A_325 : vector<128x1024xi32>
      %shift_right_logical3A_327 = arith.constant 15 : i32
      %shift_right_logical3A_328 = vector.broadcast %shift_right_logical3A_327 : i32 to vector<128x1024xi32>
      %shift_right_logical3A_329 = arith.shrui %add3A_322, %shift_right_logical3A_328 : vector<128x1024xi32>
      %or3A_330 = arith.ori %shift_left3A_326, %shift_right_logical3A_329 : vector<128x1024xi32>
      %xor3A_331 = arith.xori %or3A_330, %add3A_323 : vector<128x1024xi32>
      %add3A_332 = arith.addi %add3A_323, %xor3A_331 : vector<128x1024xi32>
      %shift_left3A_333 = arith.constant 29 : i32
      %shift_left3A_334 = vector.broadcast %shift_left3A_333 : i32 to vector<128x1024xi32>
      %shift_left3A_335 = arith.shli %xor3A_331, %shift_left3A_334 : vector<128x1024xi32>
      %shift_right_logical3A_336 = arith.constant 3 : i32
      %shift_right_logical3A_337 = vector.broadcast %shift_right_logical3A_336 : i32 to vector<128x1024xi32>
      %shift_right_logical3A_338 = arith.shrui %xor3A_331, %shift_right_logical3A_337 : vector<128x1024xi32>
      %or3A_339 = arith.ori %shift_left3A_335, %shift_right_logical3A_338 : vector<128x1024xi32>
      %xor3A_340 = arith.xori %or3A_339, %add3A_332 : vector<128x1024xi32>
      %add3A_341 = arith.addi %add3A_332, %xor3A_340 : vector<128x1024xi32>
      %shift_left3A_342 = arith.constant 16 : i32
      %shift_left3A_343 = vector.broadcast %shift_left3A_342 : i32 to vector<128x1024xi32>
      %shift_left3A_344 = arith.shli %xor3A_340, %shift_left3A_343 : vector<128x1024xi32>
      %shift_right_logical3A_345 = arith.constant 16 : i32
      %shift_right_logical3A_346 = vector.broadcast %shift_right_logical3A_345 : i32 to vector<128x1024xi32>
      %shift_right_logical3A_347 = arith.shrui %xor3A_340, %shift_right_logical3A_346 : vector<128x1024xi32>
      %or3A_348 = arith.ori %shift_left3A_344, %shift_right_logical3A_347 : vector<128x1024xi32>
      %xor3A_349 = arith.xori %or3A_348, %add3A_341 : vector<128x1024xi32>
      %add3A_350 = arith.addi %add3A_341, %xor3A_349 : vector<128x1024xi32>
      %shift_left3A_351 = arith.constant 24 : i32
      %shift_left3A_352 = vector.broadcast %shift_left3A_351 : i32 to vector<128x1024xi32>
      %shift_left3A_353 = arith.shli %xor3A_349, %shift_left3A_352 : vector<128x1024xi32>
      %shift_right_logical3A_354 = arith.constant 8 : i32
      %shift_right_logical3A_355 = vector.broadcast %shift_right_logical3A_354 : i32 to vector<128x1024xi32>
      %shift_right_logical3A_356 = arith.shrui %xor3A_349, %shift_right_logical3A_355 : vector<128x1024xi32>
      %or3A_357 = arith.ori %shift_left3A_353, %shift_right_logical3A_356 : vector<128x1024xi32>
      %xor3A_358 = arith.xori %or3A_357, %add3A_350 : vector<128x1024xi32>
      %add3A_359 = vector.broadcast %get3A_277 : i32 to vector<128x1024xi32>
      %add3A_360 = arith.addi %add3A_350, %add3A_359 : vector<128x1024xi32>
      %add3A_361 = arith.constant 2 : i32
      %add3A_362 = arith.addi %get3A_271, %add3A_361 : i32
      %add3A_363 = vector.broadcast %add3A_362 : i32 to vector<128x1024xi32>
      %add3A_364 = arith.addi %xor3A_358, %add3A_363 : vector<128x1024xi32>
      %add3A_365 = arith.addi %add3A_360, %add3A_364 : vector<128x1024xi32>
      %shift_left3A_366 = arith.constant 13 : i32
      %shift_left3A_367 = vector.broadcast %shift_left3A_366 : i32 to vector<128x1024xi32>
      %shift_left3A_368 = arith.shli %add3A_364, %shift_left3A_367 : vector<128x1024xi32>
      %shift_right_logical3A_369 = arith.constant 19 : i32
      %shift_right_logical3A_370 = vector.broadcast %shift_right_logical3A_369 : i32 to vector<128x1024xi32>
      %shift_right_logical3A_371 = arith.shrui %add3A_364, %shift_right_logical3A_370 : vector<128x1024xi32>
      %or3A_372 = arith.ori %shift_left3A_368, %shift_right_logical3A_371 : vector<128x1024xi32>
      %xor3A_373 = arith.xori %or3A_372, %add3A_365 : vector<128x1024xi32>
      %add3A_374 = arith.addi %add3A_365, %xor3A_373 : vector<128x1024xi32>
      %shift_left3A_375 = arith.constant 15 : i32
      %shift_left3A_376 = vector.broadcast %shift_left3A_375 : i32 to vector<128x1024xi32>
      %shift_left3A_377 = arith.shli %xor3A_373, %shift_left3A_376 : vector<128x1024xi32>
      %shift_right_logical3A_378 = arith.constant 17 : i32
      %shift_right_logical3A_379 = vector.broadcast %shift_right_logical3A_378 : i32 to vector<128x1024xi32>
      %shift_right_logical3A_380 = arith.shrui %xor3A_373, %shift_right_logical3A_379 : vector<128x1024xi32>
      %or3A_381 = arith.ori %shift_left3A_377, %shift_right_logical3A_380 : vector<128x1024xi32>
      %xor3A_382 = arith.xori %or3A_381, %add3A_374 : vector<128x1024xi32>
      %add3A_383 = arith.addi %add3A_374, %xor3A_382 : vector<128x1024xi32>
      %shift_left3A_384 = arith.constant 26 : i32
      %shift_left3A_385 = vector.broadcast %shift_left3A_384 : i32 to vector<128x1024xi32>
      %shift_left3A_386 = arith.shli %xor3A_382, %shift_left3A_385 : vector<128x1024xi32>
      %shift_right_logical3A_387 = arith.constant 6 : i32
      %shift_right_logical3A_388 = vector.broadcast %shift_right_logical3A_387 : i32 to vector<128x1024xi32>
      %shift_right_logical3A_389 = arith.shrui %xor3A_382, %shift_right_logical3A_388 : vector<128x1024xi32>
      %or3A_390 = arith.ori %shift_left3A_386, %shift_right_logical3A_389 : vector<128x1024xi32>
      %xor3A_391 = arith.xori %or3A_390, %add3A_383 : vector<128x1024xi32>
      %add3A_392 = arith.addi %add3A_383, %xor3A_391 : vector<128x1024xi32>
      %shift_left3A_393 = arith.constant 6 : i32
      %shift_left3A_394 = vector.broadcast %shift_left3A_393 : i32 to vector<128x1024xi32>
      %shift_left3A_395 = arith.shli %xor3A_391, %shift_left3A_394 : vector<128x1024xi32>
      %shift_right_logical3A_396 = arith.constant 26 : i32
      %shift_right_logical3A_397 = vector.broadcast %shift_right_logical3A_396 : i32 to vector<128x1024xi32>
      %shift_right_logical3A_398 = arith.shrui %xor3A_391, %shift_right_logical3A_397 : vector<128x1024xi32>
      %or3A_399 = arith.ori %shift_left3A_395, %shift_right_logical3A_398 : vector<128x1024xi32>
      %xor3A_400 = arith.xori %or3A_399, %add3A_392 : vector<128x1024xi32>
      %add3A_401 = vector.broadcast %get3A_271 : i32 to vector<128x1024xi32>
      %add3A_402 = arith.addi %add3A_392, %add3A_401 : vector<128x1024xi32>
      %add3A_403 = arith.constant 3 : i32
      %add3A_404 = arith.addi %get3A_274, %add3A_403 : i32
      %add3A_405 = vector.broadcast %add3A_404 : i32 to vector<128x1024xi32>
      %add3A_406 = arith.addi %xor3A_400, %add3A_405 : vector<128x1024xi32>
      %add3A_407 = arith.addi %add3A_402, %add3A_406 : vector<128x1024xi32>
      %shift_left3A_408 = arith.constant 17 : i32
      %shift_left3A_409 = vector.broadcast %shift_left3A_408 : i32 to vector<128x1024xi32>
      %shift_left3A_410 = arith.shli %add3A_406, %shift_left3A_409 : vector<128x1024xi32>
      %shift_right_logical3A_411 = arith.constant 15 : i32
      %shift_right_logical3A_412 = vector.broadcast %shift_right_logical3A_411 : i32 to vector<128x1024xi32>
      %shift_right_logical3A_413 = arith.shrui %add3A_406, %shift_right_logical3A_412 : vector<128x1024xi32>
      %or3A_414 = arith.ori %shift_left3A_410, %shift_right_logical3A_413 : vector<128x1024xi32>
      %xor3A_415 = arith.xori %or3A_414, %add3A_407 : vector<128x1024xi32>
      %add3A_416 = arith.addi %add3A_407, %xor3A_415 : vector<128x1024xi32>
      %shift_left3A_417 = arith.constant 29 : i32
      %shift_left3A_418 = vector.broadcast %shift_left3A_417 : i32 to vector<128x1024xi32>
      %shift_left3A_419 = arith.shli %xor3A_415, %shift_left3A_418 : vector<128x1024xi32>
      %shift_right_logical3A_420 = arith.constant 3 : i32
      %shift_right_logical3A_421 = vector.broadcast %shift_right_logical3A_420 : i32 to vector<128x1024xi32>
      %shift_right_logical3A_422 = arith.shrui %xor3A_415, %shift_right_logical3A_421 : vector<128x1024xi32>
      %or3A_423 = arith.ori %shift_left3A_419, %shift_right_logical3A_422 : vector<128x1024xi32>
      %xor3A_424 = arith.xori %or3A_423, %add3A_416 : vector<128x1024xi32>
      %add3A_425 = arith.addi %add3A_416, %xor3A_424 : vector<128x1024xi32>
      %shift_left3A_426 = arith.constant 16 : i32
      %shift_left3A_427 = vector.broadcast %shift_left3A_426 : i32 to vector<128x1024xi32>
      %shift_left3A_428 = arith.shli %xor3A_424, %shift_left3A_427 : vector<128x1024xi32>
      %shift_right_logical3A_429 = arith.constant 16 : i32
      %shift_right_logical3A_430 = vector.broadcast %shift_right_logical3A_429 : i32 to vector<128x1024xi32>
      %shift_right_logical3A_431 = arith.shrui %xor3A_424, %shift_right_logical3A_430 : vector<128x1024xi32>
      %or3A_432 = arith.ori %shift_left3A_428, %shift_right_logical3A_431 : vector<128x1024xi32>
      %xor3A_433 = arith.xori %or3A_432, %add3A_425 : vector<128x1024xi32>
      %add3A_434 = arith.addi %add3A_425, %xor3A_433 : vector<128x1024xi32>
      %shift_left3A_435 = arith.constant 24 : i32
      %shift_left3A_436 = vector.broadcast %shift_left3A_435 : i32 to vector<128x1024xi32>
      %shift_left3A_437 = arith.shli %xor3A_433, %shift_left3A_436 : vector<128x1024xi32>
      %shift_right_logical3A_438 = arith.constant 8 : i32
      %shift_right_logical3A_439 = vector.broadcast %shift_right_logical3A_438 : i32 to vector<128x1024xi32>
      %shift_right_logical3A_440 = arith.shrui %xor3A_433, %shift_right_logical3A_439 : vector<128x1024xi32>
      %or3A_441 = arith.ori %shift_left3A_437, %shift_right_logical3A_440 : vector<128x1024xi32>
      %xor3A_442 = arith.xori %or3A_441, %add3A_434 : vector<128x1024xi32>
      %add3A_443 = vector.broadcast %get3A_274 : i32 to vector<128x1024xi32>
      %add3A_444 = arith.addi %add3A_434, %add3A_443 : vector<128x1024xi32>
      %add3A_445 = arith.constant 4 : i32
      %add3A_446 = arith.addi %get3A_277, %add3A_445 : i32
      %add3A_447 = vector.broadcast %add3A_446 : i32 to vector<128x1024xi32>
      %add3A_448 = arith.addi %xor3A_442, %add3A_447 : vector<128x1024xi32>
      %add3A_449 = arith.addi %add3A_444, %add3A_448 : vector<128x1024xi32>
      %shift_left3A_450 = arith.constant 13 : i32
      %shift_left3A_451 = vector.broadcast %shift_left3A_450 : i32 to vector<128x1024xi32>
      %shift_left3A_452 = arith.shli %add3A_448, %shift_left3A_451 : vector<128x1024xi32>
      %shift_right_logical3A_453 = arith.constant 19 : i32
      %shift_right_logical3A_454 = vector.broadcast %shift_right_logical3A_453 : i32 to vector<128x1024xi32>
      %shift_right_logical3A_455 = arith.shrui %add3A_448, %shift_right_logical3A_454 : vector<128x1024xi32>
      %or3A_456 = arith.ori %shift_left3A_452, %shift_right_logical3A_455 : vector<128x1024xi32>
      %xor3A_457 = arith.xori %or3A_456, %add3A_449 : vector<128x1024xi32>
      %add3A_458 = arith.addi %add3A_449, %xor3A_457 : vector<128x1024xi32>
      %shift_left3A_459 = arith.constant 15 : i32
      %shift_left3A_460 = vector.broadcast %shift_left3A_459 : i32 to vector<128x1024xi32>
      %shift_left3A_461 = arith.shli %xor3A_457, %shift_left3A_460 : vector<128x1024xi32>
      %shift_right_logical3A_462 = arith.constant 17 : i32
      %shift_right_logical3A_463 = vector.broadcast %shift_right_logical3A_462 : i32 to vector<128x1024xi32>
      %shift_right_logical3A_464 = arith.shrui %xor3A_457, %shift_right_logical3A_463 : vector<128x1024xi32>
      %or3A_465 = arith.ori %shift_left3A_461, %shift_right_logical3A_464 : vector<128x1024xi32>
      %xor3A_466 = arith.xori %or3A_465, %add3A_458 : vector<128x1024xi32>
      %add3A_467 = arith.addi %add3A_458, %xor3A_466 : vector<128x1024xi32>
      %shift_left3A_468 = arith.constant 26 : i32
      %shift_left3A_469 = vector.broadcast %shift_left3A_468 : i32 to vector<128x1024xi32>
      %shift_left3A_470 = arith.shli %xor3A_466, %shift_left3A_469 : vector<128x1024xi32>
      %shift_right_logical3A_471 = arith.constant 6 : i32
      %shift_right_logical3A_472 = vector.broadcast %shift_right_logical3A_471 : i32 to vector<128x1024xi32>
      %shift_right_logical3A_473 = arith.shrui %xor3A_466, %shift_right_logical3A_472 : vector<128x1024xi32>
      %or3A_474 = arith.ori %shift_left3A_470, %shift_right_logical3A_473 : vector<128x1024xi32>
      %xor3A_475 = arith.xori %or3A_474, %add3A_467 : vector<128x1024xi32>
      %add3A_476 = arith.addi %add3A_467, %xor3A_475 : vector<128x1024xi32>
      %shift_left3A_477 = arith.constant 6 : i32
      %shift_left3A_478 = vector.broadcast %shift_left3A_477 : i32 to vector<128x1024xi32>
      %shift_left3A_479 = arith.shli %xor3A_475, %shift_left3A_478 : vector<128x1024xi32>
      %shift_right_logical3A_480 = arith.constant 26 : i32
      %shift_right_logical3A_481 = vector.broadcast %shift_right_logical3A_480 : i32 to vector<128x1024xi32>
      %shift_right_logical3A_482 = arith.shrui %xor3A_475, %shift_right_logical3A_481 : vector<128x1024xi32>
      %or3A_483 = arith.ori %shift_left3A_479, %shift_right_logical3A_482 : vector<128x1024xi32>
      %xor3A_484 = arith.xori %or3A_483, %add3A_476 : vector<128x1024xi32>
      %add3A_485 = vector.broadcast %get3A_277 : i32 to vector<128x1024xi32>
      %add3A_486 = arith.addi %add3A_476, %add3A_485 : vector<128x1024xi32>
      %add3A_487 = arith.constant 5 : i32
      %add3A_488 = arith.addi %get3A_271, %add3A_487 : i32
      %add3A_489 = vector.broadcast %add3A_488 : i32 to vector<128x1024xi32>
      %add3A_490 = arith.addi %xor3A_484, %add3A_489 : vector<128x1024xi32>
      %xor3A_491 = arith.xori %add3A_486, %add3A_490 : vector<128x1024xi32>
      %shift_right_logical3A_492 = arith.constant 9 : i32
      %shift_right_logical3A_493 = vector.broadcast %shift_right_logical3A_492 : i32 to vector<128x1024xi32>
      %shift_right_logical3A_494 = arith.shrui %xor3A_491, %shift_right_logical3A_493 : vector<128x1024xi32>
      %or3A_495 = arith.constant 1065353216 : i32
      %or3A_496 = vector.broadcast %or3A_495 : i32 to vector<128x1024xi32>
      %or3A_497 = arith.ori %shift_right_logical3A_494, %or3A_496 : vector<128x1024xi32>
      %bitcast_convert_type3A_498 = tpu.bitcast %or3A_497 : vector<128x1024xi32> -> vector<128x1024xf32>
      %sub3A_499 = arith.constant 1.000000e+00 : f32
      %sub3A_500 = vector.broadcast %sub3A_499 : f32 to vector<128x1024xf32>
      %sub3A_501 = arith.subf %bitcast_convert_type3A_498, %sub3A_500 : vector<128x1024xf32>
      %log3A_502 = math.log %sub3A_501 : vector<128x1024xf32>
      %neg3A_503 = arith.constant 0.000000e+00 : f32
      %neg3A_504 = vector.broadcast %neg3A_503 : f32 to vector<128x1024xf32>
      %neg3A_505 = arith.subf %neg3A_504, %log3A_502 : vector<128x1024xf32>
      %mul3A_506 = arith.mulf %neg3A_505, %exp3A_8 : vector<128x1024xf32>
      %argmin3A_507 = tpu.reduce_index %mul3A_506 {axis = 1 : i32, kind = #tpu.reduction_kind<arg_min>} : vector<128x1024xf32> -> vector<128xi32>
      %reshape3A_508 = vector.shape_cast %argmin3A_507 : vector<128xi32> to vector<1x128xi32>
      %swap3A_509 = arith.index_cast %scan3A_268 : i32 to index
      %swap3A_510 = arith.constant 0 : index
      %swap3A_511 = vector.load %arg5[%swap3A_509, %swap3A_510] : memref<1024x128xi32, #tpu.memory_space<vmem>>, vector<1x128xi32>
      tpu.vector_store %arg5[%swap3A_509, %swap3A_510], %reshape3A_508 {strides = array<i32>} : memref<1024x128xi32, #tpu.memory_space<vmem>>, vector<1x128xi32>,
      %scan3A_512 = arith.constant 2 : i32
      %scan3A_513 = arith.addi %scan3A_31, %scan3A_512 : i32
      %get3A_514 = arith.index_cast %scan3A_513 : i32 to index
      %get3A_515 = arith.constant 0 : index
      %get3A_516 = memref.load %arg1[%get3A_514, %get3A_515] : memref<1024x3xi32, #tpu.memory_space<smem>>
      %get3A_517 = arith.index_cast %scan3A_513 : i32 to index
      %get3A_518 = arith.constant 1 : index
      %get3A_519 = memref.load %arg1[%get3A_517, %get3A_518] : memref<1024x3xi32, #tpu.memory_space<smem>>
      %get3A_520 = arith.index_cast %scan3A_513 : i32 to index
      %get3A_521 = arith.constant 2 : index
      %get3A_522 = memref.load %arg1[%get3A_520, %get3A_521] : memref<1024x3xi32, #tpu.memory_space<smem>>
      %add3A_523 = vector.broadcast %get3A_519 : i32 to vector<128x1024xi32>
      %add3A_524 = arith.addi %add3A_20, %add3A_523 : vector<128x1024xi32>
      %add3A_525 = vector.broadcast %get3A_516 : i32 to vector<128x1024xi32>
      %add3A_526 = arith.addi %add3A_525, %add3A_524 : vector<128x1024xi32>
      %shift_left3A_527 = arith.constant 13 : i32
      %shift_left3A_528 = vector.broadcast %shift_left3A_527 : i32 to vector<128x1024xi32>
      %shift_left3A_529 = arith.shli %add3A_524, %shift_left3A_528 : vector<128x1024xi32>
      %shift_right_logical3A_530 = arith.constant 19 : i32
      %shift_right_logical3A_531 = vector.broadcast %shift_right_logical3A_530 : i32 to vector<128x1024xi32>
      %shift_right_logical3A_532 = arith.shrui %add3A_524, %shift_right_logical3A_531 : vector<128x1024xi32>
      %or3A_533 = arith.ori %shift_left3A_529, %shift_right_logical3A_532 : vector<128x1024xi32>
      %xor3A_534 = arith.xori %or3A_533, %add3A_526 : vector<128x1024xi32>
      %add3A_535 = arith.addi %add3A_526, %xor3A_534 : vector<128x1024xi32>
      %shift_left3A_536 = arith.constant 15 : i32
      %shift_left3A_537 = vector.broadcast %shift_left3A_536 : i32 to vector<128x1024xi32>
      %shift_left3A_538 = arith.shli %xor3A_534, %shift_left3A_537 : vector<128x1024xi32>
      %shift_right_logical3A_539 = arith.constant 17 : i32
      %shift_right_logical3A_540 = vector.broadcast %shift_right_logical3A_539 : i32 to vector<128x1024xi32>
      %shift_right_logical3A_541 = arith.shrui %xor3A_534, %shift_right_logical3A_540 : vector<128x1024xi32>
      %or3A_542 = arith.ori %shift_left3A_538, %shift_right_logical3A_541 : vector<128x1024xi32>
      %xor3A_543 = arith.xori %or3A_542, %add3A_535 : vector<128x1024xi32>
      %add3A_544 = arith.addi %add3A_535, %xor3A_543 : vector<128x1024xi32>
      %shift_left3A_545 = arith.constant 26 : i32
      %shift_left3A_546 = vector.broadcast %shift_left3A_545 : i32 to vector<128x1024xi32>
      %shift_left3A_547 = arith.shli %xor3A_543, %shift_left3A_546 : vector<128x1024xi32>
      %shift_right_logical3A_548 = arith.constant 6 : i32
      %shift_right_logical3A_549 = vector.broadcast %shift_right_logical3A_548 : i32 to vector<128x1024xi32>
      %shift_right_logical3A_550 = arith.shrui %xor3A_543, %shift_right_logical3A_549 : vector<128x1024xi32>
      %or3A_551 = arith.ori %shift_left3A_547, %shift_right_logical3A_550 : vector<128x1024xi32>
      %xor3A_552 = arith.xori %or3A_551, %add3A_544 : vector<128x1024xi32>
      %add3A_553 = arith.addi %add3A_544, %xor3A_552 : vector<128x1024xi32>
      %shift_left3A_554 = arith.constant 6 : i32
      %shift_left3A_555 = vector.broadcast %shift_left3A_554 : i32 to vector<128x1024xi32>
      %shift_left3A_556 = arith.shli %xor3A_552, %shift_left3A_555 : vector<128x1024xi32>
      %shift_right_logical3A_557 = arith.constant 26 : i32
      %shift_right_logical3A_558 = vector.broadcast %shift_right_logical3A_557 : i32 to vector<128x1024xi32>
      %shift_right_logical3A_559 = arith.shrui %xor3A_552, %shift_right_logical3A_558 : vector<128x1024xi32>
      %or3A_560 = arith.ori %shift_left3A_556, %shift_right_logical3A_559 : vector<128x1024xi32>
      %xor3A_561 = arith.xori %or3A_560, %add3A_553 : vector<128x1024xi32>
      %add3A_562 = vector.broadcast %get3A_519 : i32 to vector<128x1024xi32>
      %add3A_563 = arith.addi %add3A_553, %add3A_562 : vector<128x1024xi32>
      %add3A_564 = arith.constant 1 : i32
      %add3A_565 = arith.addi %get3A_522, %add3A_564 : i32
      %add3A_566 = vector.broadcast %add3A_565 : i32 to vector<128x1024xi32>
      %add3A_567 = arith.addi %xor3A_561, %add3A_566 : vector<128x1024xi32>
      %add3A_568 = arith.addi %add3A_563, %add3A_567 : vector<128x1024xi32>
      %shift_left3A_569 = arith.constant 17 : i32
      %shift_left3A_570 = vector.broadcast %shift_left3A_569 : i32 to vector<128x1024xi32>
      %shift_left3A_571 = arith.shli %add3A_567, %shift_left3A_570 : vector<128x1024xi32>
      %shift_right_logical3A_572 = arith.constant 15 : i32
      %shift_right_logical3A_573 = vector.broadcast %shift_right_logical3A_572 : i32 to vector<128x1024xi32>
      %shift_right_logical3A_574 = arith.shrui %add3A_567, %shift_right_logical3A_573 : vector<128x1024xi32>
      %or3A_575 = arith.ori %shift_left3A_571, %shift_right_logical3A_574 : vector<128x1024xi32>
      %xor3A_576 = arith.xori %or3A_575, %add3A_568 : vector<128x1024xi32>
      %add3A_577 = arith.addi %add3A_568, %xor3A_576 : vector<128x1024xi32>
      %shift_left3A_578 = arith.constant 29 : i32
      %shift_left3A_579 = vector.broadcast %shift_left3A_578 : i32 to vector<128x1024xi32>
      %shift_left3A_580 = arith.shli %xor3A_576, %shift_left3A_579 : vector<128x1024xi32>
      %shift_right_logical3A_581 = arith.constant 3 : i32
      %shift_right_logical3A_582 = vector.broadcast %shift_right_logical3A_581 : i32 to vector<128x1024xi32>
      %shift_right_logical3A_583 = arith.shrui %xor3A_576, %shift_right_logical3A_582 : vector<128x1024xi32>
      %or3A_584 = arith.ori %shift_left3A_580, %shift_right_logical3A_583 : vector<128x1024xi32>
      %xor3A_585 = arith.xori %or3A_584, %add3A_577 : vector<128x1024xi32>
      %add3A_586 = arith.addi %add3A_577, %xor3A_585 : vector<128x1024xi32>
      %shift_left3A_587 = arith.constant 16 : i32
      %shift_left3A_588 = vector.broadcast %shift_left3A_587 : i32 to vector<128x1024xi32>
      %shift_left3A_589 = arith.shli %xor3A_585, %shift_left3A_588 : vector<128x1024xi32>
      %shift_right_logical3A_590 = arith.constant 16 : i32
      %shift_right_logical3A_591 = vector.broadcast %shift_right_logical3A_590 : i32 to vector<128x1024xi32>
      %shift_right_logical3A_592 = arith.shrui %xor3A_585, %shift_right_logical3A_591 : vector<128x1024xi32>
      %or3A_593 = arith.ori %shift_left3A_589, %shift_right_logical3A_592 : vector<128x1024xi32>
      %xor3A_594 = arith.xori %or3A_593, %add3A_586 : vector<128x1024xi32>
      %add3A_595 = arith.addi %add3A_586, %xor3A_594 : vector<128x1024xi32>
      %shift_left3A_596 = arith.constant 24 : i32
      %shift_left3A_597 = vector.broadcast %shift_left3A_596 : i32 to vector<128x1024xi32>
      %shift_left3A_598 = arith.shli %xor3A_594, %shift_left3A_597 : vector<128x1024xi32>
      %shift_right_logical3A_599 = arith.constant 8 : i32
      %shift_right_logical3A_600 = vector.broadcast %shift_right_logical3A_599 : i32 to vector<128x1024xi32>
      %shift_right_logical3A_601 = arith.shrui %xor3A_594, %shift_right_logical3A_600 : vector<128x1024xi32>
      %or3A_602 = arith.ori %shift_left3A_598, %shift_right_logical3A_601 : vector<128x1024xi32>
      %xor3A_603 = arith.xori %or3A_602, %add3A_595 : vector<128x1024xi32>
      %add3A_604 = vector.broadcast %get3A_522 : i32 to vector<128x1024xi32>
      %add3A_605 = arith.addi %add3A_595, %add3A_604 : vector<128x1024xi32>
      %add3A_606 = arith.constant 2 : i32
      %add3A_607 = arith.addi %get3A_516, %add3A_606 : i32
      %add3A_608 = vector.broadcast %add3A_607 : i32 to vector<128x1024xi32>
      %add3A_609 = arith.addi %xor3A_603, %add3A_608 : vector<128x1024xi32>
      %add3A_610 = arith.addi %add3A_605, %add3A_609 : vector<128x1024xi32>
      %shift_left3A_611 = arith.constant 13 : i32
      %shift_left3A_612 = vector.broadcast %shift_left3A_611 : i32 to vector<128x1024xi32>
      %shift_left3A_613 = arith.shli %add3A_609, %shift_left3A_612 : vector<128x1024xi32>
      %shift_right_logical3A_614 = arith.constant 19 : i32
      %shift_right_logical3A_615 = vector.broadcast %shift_right_logical3A_614 : i32 to vector<128x1024xi32>
      %shift_right_logical3A_616 = arith.shrui %add3A_609, %shift_right_logical3A_615 : vector<128x1024xi32>
      %or3A_617 = arith.ori %shift_left3A_613, %shift_right_logical3A_616 : vector<128x1024xi32>
      %xor3A_618 = arith.xori %or3A_617, %add3A_610 : vector<128x1024xi32>
      %add3A_619 = arith.addi %add3A_610, %xor3A_618 : vector<128x1024xi32>
      %shift_left3A_620 = arith.constant 15 : i32
      %shift_left3A_621 = vector.broadcast %shift_left3A_620 : i32 to vector<128x1024xi32>
      %shift_left3A_622 = arith.shli %xor3A_618, %shift_left3A_621 : vector<128x1024xi32>
      %shift_right_logical3A_623 = arith.constant 17 : i32
      %shift_right_logical3A_624 = vector.broadcast %shift_right_logical3A_623 : i32 to vector<128x1024xi32>
      %shift_right_logical3A_625 = arith.shrui %xor3A_618, %shift_right_logical3A_624 : vector<128x1024xi32>
      %or3A_626 = arith.ori %shift_left3A_622, %shift_right_logical3A_625 : vector<128x1024xi32>
      %xor3A_627 = arith.xori %or3A_626, %add3A_619 : vector<128x1024xi32>
      %add3A_628 = arith.addi %add3A_619, %xor3A_627 : vector<128x1024xi32>
      %shift_left3A_629 = arith.constant 26 : i32
      %shift_left3A_630 = vector.broadcast %shift_left3A_629 : i32 to vector<128x1024xi32>
      %shift_left3A_631 = arith.shli %xor3A_627, %shift_left3A_630 : vector<128x1024xi32>
      %shift_right_logical3A_632 = arith.constant 6 : i32
      %shift_right_logical3A_633 = vector.broadcast %shift_right_logical3A_632 : i32 to vector<128x1024xi32>
      %shift_right_logical3A_634 = arith.shrui %xor3A_627, %shift_right_logical3A_633 : vector<128x1024xi32>
      %or3A_635 = arith.ori %shift_left3A_631, %shift_right_logical3A_634 : vector<128x1024xi32>
      %xor3A_636 = arith.xori %or3A_635, %add3A_628 : vector<128x1024xi32>
      %add3A_637 = arith.addi %add3A_628, %xor3A_636 : vector<128x1024xi32>
      %shift_left3A_638 = arith.constant 6 : i32
      %shift_left3A_639 = vector.broadcast %shift_left3A_638 : i32 to vector<128x1024xi32>
      %shift_left3A_640 = arith.shli %xor3A_636, %shift_left3A_639 : vector<128x1024xi32>
      %shift_right_logical3A_641 = arith.constant 26 : i32
      %shift_right_logical3A_642 = vector.broadcast %shift_right_logical3A_641 : i32 to vector<128x1024xi32>
      %shift_right_logical3A_643 = arith.shrui %xor3A_636, %shift_right_logical3A_642 : vector<128x1024xi32>
      %or3A_644 = arith.ori %shift_left3A_640, %shift_right_logical3A_643 : vector<128x1024xi32>
      %xor3A_645 = arith.xori %or3A_644, %add3A_637 : vector<128x1024xi32>
      %add3A_646 = vector.broadcast %get3A_516 : i32 to vector<128x1024xi32>
      %add3A_647 = arith.addi %add3A_637, %add3A_646 : vector<128x1024xi32>
      %add3A_648 = arith.constant 3 : i32
      %add3A_649 = arith.addi %get3A_519, %add3A_648 : i32
      %add3A_650 = vector.broadcast %add3A_649 : i32 to vector<128x1024xi32>
      %add3A_651 = arith.addi %xor3A_645, %add3A_650 : vector<128x1024xi32>
      %add3A_652 = arith.addi %add3A_647, %add3A_651 : vector<128x1024xi32>
      %shift_left3A_653 = arith.constant 17 : i32
      %shift_left3A_654 = vector.broadcast %shift_left3A_653 : i32 to vector<128x1024xi32>
      %shift_left3A_655 = arith.shli %add3A_651, %shift_left3A_654 : vector<128x1024xi32>
      %shift_right_logical3A_656 = arith.constant 15 : i32
      %shift_right_logical3A_657 = vector.broadcast %shift_right_logical3A_656 : i32 to vector<128x1024xi32>
      %shift_right_logical3A_658 = arith.shrui %add3A_651, %shift_right_logical3A_657 : vector<128x1024xi32>
      %or3A_659 = arith.ori %shift_left3A_655, %shift_right_logical3A_658 : vector<128x1024xi32>
      %xor3A_660 = arith.xori %or3A_659, %add3A_652 : vector<128x1024xi32>
      %add3A_661 = arith.addi %add3A_652, %xor3A_660 : vector<128x1024xi32>
      %shift_left3A_662 = arith.constant 29 : i32
      %shift_left3A_663 = vector.broadcast %shift_left3A_662 : i32 to vector<128x1024xi32>
      %shift_left3A_664 = arith.shli %xor3A_660, %shift_left3A_663 : vector<128x1024xi32>
      %shift_right_logical3A_665 = arith.constant 3 : i32
      %shift_right_logical3A_666 = vector.broadcast %shift_right_logical3A_665 : i32 to vector<128x1024xi32>
      %shift_right_logical3A_667 = arith.shrui %xor3A_660, %shift_right_logical3A_666 : vector<128x1024xi32>
      %or3A_668 = arith.ori %shift_left3A_664, %shift_right_logical3A_667 : vector<128x1024xi32>
      %xor3A_669 = arith.xori %or3A_668, %add3A_661 : vector<128x1024xi32>
      %add3A_670 = arith.addi %add3A_661, %xor3A_669 : vector<128x1024xi32>
      %shift_left3A_671 = arith.constant 16 : i32
      %shift_left3A_672 = vector.broadcast %shift_left3A_671 : i32 to vector<128x1024xi32>
      %shift_left3A_673 = arith.shli %xor3A_669, %shift_left3A_672 : vector<128x1024xi32>
      %shift_right_logical3A_674 = arith.constant 16 : i32
      %shift_right_logical3A_675 = vector.broadcast %shift_right_logical3A_674 : i32 to vector<128x1024xi32>
      %shift_right_logical3A_676 = arith.shrui %xor3A_669, %shift_right_logical3A_675 : vector<128x1024xi32>
      %or3A_677 = arith.ori %shift_left3A_673, %shift_right_logical3A_676 : vector<128x1024xi32>
      %xor3A_678 = arith.xori %or3A_677, %add3A_670 : vector<128x1024xi32>
      %add3A_679 = arith.addi %add3A_670, %xor3A_678 : vector<128x1024xi32>
      %shift_left3A_680 = arith.constant 24 : i32
      %shift_left3A_681 = vector.broadcast %shift_left3A_680 : i32 to vector<128x1024xi32>
      %shift_left3A_682 = arith.shli %xor3A_678, %shift_left3A_681 : vector<128x1024xi32>
      %shift_right_logical3A_683 = arith.constant 8 : i32
      %shift_right_logical3A_684 = vector.broadcast %shift_right_logical3A_683 : i32 to vector<128x1024xi32>
      %shift_right_logical3A_685 = arith.shrui %xor3A_678, %shift_right_logical3A_684 : vector<128x1024xi32>
      %or3A_686 = arith.ori %shift_left3A_682, %shift_right_logical3A_685 : vector<128x1024xi32>
      %xor3A_687 = arith.xori %or3A_686, %add3A_679 : vector<128x1024xi32>
      %add3A_688 = vector.broadcast %get3A_519 : i32 to vector<128x1024xi32>
      %add3A_689 = arith.addi %add3A_679, %add3A_688 : vector<128x1024xi32>
      %add3A_690 = arith.constant 4 : i32
      %add3A_691 = arith.addi %get3A_522, %add3A_690 : i32
      %add3A_692 = vector.broadcast %add3A_691 : i32 to vector<128x1024xi32>
      %add3A_693 = arith.addi %xor3A_687, %add3A_692 : vector<128x1024xi32>
      %add3A_694 = arith.addi %add3A_689, %add3A_693 : vector<128x1024xi32>
      %shift_left3A_695 = arith.constant 13 : i32
      %shift_left3A_696 = vector.broadcast %shift_left3A_695 : i32 to vector<128x1024xi32>
      %shift_left3A_697 = arith.shli %add3A_693, %shift_left3A_696 : vector<128x1024xi32>
      %shift_right_logical3A_698 = arith.constant 19 : i32
      %shift_right_logical3A_699 = vector.broadcast %shift_right_logical3A_698 : i32 to vector<128x1024xi32>
      %shift_right_logical3A_700 = arith.shrui %add3A_693, %shift_right_logical3A_699 : vector<128x1024xi32>
      %or3A_701 = arith.ori %shift_left3A_697, %shift_right_logical3A_700 : vector<128x1024xi32>
      %xor3A_702 = arith.xori %or3A_701, %add3A_694 : vector<128x1024xi32>
      %add3A_703 = arith.addi %add3A_694, %xor3A_702 : vector<128x1024xi32>
      %shift_left3A_704 = arith.constant 15 : i32
      %shift_left3A_705 = vector.broadcast %shift_left3A_704 : i32 to vector<128x1024xi32>
      %shift_left3A_706 = arith.shli %xor3A_702, %shift_left3A_705 : vector<128x1024xi32>
      %shift_right_logical3A_707 = arith.constant 17 : i32
      %shift_right_logical3A_708 = vector.broadcast %shift_right_logical3A_707 : i32 to vector<128x1024xi32>
      %shift_right_logical3A_709 = arith.shrui %xor3A_702, %shift_right_logical3A_708 : vector<128x1024xi32>
      %or3A_710 = arith.ori %shift_left3A_706, %shift_right_logical3A_709 : vector<128x1024xi32>
      %xor3A_711 = arith.xori %or3A_710, %add3A_703 : vector<128x1024xi32>
      %add3A_712 = arith.addi %add3A_703, %xor3A_711 : vector<128x1024xi32>
      %shift_left3A_713 = arith.constant 26 : i32
      %shift_left3A_714 = vector.broadcast %shift_left3A_713 : i32 to vector<128x1024xi32>
      %shift_left3A_715 = arith.shli %xor3A_711, %shift_left3A_714 : vector<128x1024xi32>
      %shift_right_logical3A_716 = arith.constant 6 : i32
      %shift_right_logical3A_717 = vector.broadcast %shift_right_logical3A_716 : i32 to vector<128x1024xi32>
      %shift_right_logical3A_718 = arith.shrui %xor3A_711, %shift_right_logical3A_717 : vector<128x1024xi32>
      %or3A_719 = arith.ori %shift_left3A_715, %shift_right_logical3A_718 : vector<128x1024xi32>
      %xor3A_720 = arith.xori %or3A_719, %add3A_712 : vector<128x1024xi32>
      %add3A_721 = arith.addi %add3A_712, %xor3A_720 : vector<128x1024xi32>
      %shift_left3A_722 = arith.constant 6 : i32
      %shift_left3A_723 = vector.broadcast %shift_left3A_722 : i32 to vector<128x1024xi32>
      %shift_left3A_724 = arith.shli %xor3A_720, %shift_left3A_723 : vector<128x1024xi32>
      %shift_right_logical3A_725 = arith.constant 26 : i32
      %shift_right_logical3A_726 = vector.broadcast %shift_right_logical3A_725 : i32 to vector<128x1024xi32>
      %shift_right_logical3A_727 = arith.shrui %xor3A_720, %shift_right_logical3A_726 : vector<128x1024xi32>
      %or3A_728 = arith.ori %shift_left3A_724, %shift_right_logical3A_727 : vector<128x1024xi32>
      %xor3A_729 = arith.xori %or3A_728, %add3A_721 : vector<128x1024xi32>
      %add3A_730 = vector.broadcast %get3A_522 : i32 to vector<128x1024xi32>
      %add3A_731 = arith.addi %add3A_721, %add3A_730 : vector<128x1024xi32>
      %add3A_732 = arith.constant 5 : i32
      %add3A_733 = arith.addi %get3A_516, %add3A_732 : i32
      %add3A_734 = vector.broadcast %add3A_733 : i32 to vector<128x1024xi32>
      %add3A_735 = arith.addi %xor3A_729, %add3A_734 : vector<128x1024xi32>
      %xor3A_736 = arith.xori %add3A_731, %add3A_735 : vector<128x1024xi32>
      %shift_right_logical3A_737 = arith.constant 9 : i32
      %shift_right_logical3A_738 = vector.broadcast %shift_right_logical3A_737 : i32 to vector<128x1024xi32>
      %shift_right_logical3A_739 = arith.shrui %xor3A_736, %shift_right_logical3A_738 : vector<128x1024xi32>
      %or3A_740 = arith.constant 1065353216 : i32
      %or3A_741 = vector.broadcast %or3A_740 : i32 to vector<128x1024xi32>
      %or3A_742 = arith.ori %shift_right_logical3A_739, %or3A_741 : vector<128x1024xi32>
      %bitcast_convert_type3A_743 = tpu.bitcast %or3A_742 : vector<128x1024xi32> -> vector<128x1024xf32>
      %sub3A_744 = arith.constant 1.000000e+00 : f32
      %sub3A_745 = vector.broadcast %sub3A_744 : f32 to vector<128x1024xf32>
      %sub3A_746 = arith.subf %bitcast_convert_type3A_743, %sub3A_745 : vector<128x1024xf32>
      %log3A_747 = math.log %sub3A_746 : vector<128x1024xf32>
      %neg3A_748 = arith.constant 0.000000e+00 : f32
      %neg3A_749 = vector.broadcast %neg3A_748 : f32 to vector<128x1024xf32>
      %neg3A_750 = arith.subf %neg3A_749, %log3A_747 : vector<128x1024xf32>
      %mul3A_751 = arith.mulf %neg3A_750, %exp3A_8 : vector<128x1024xf32>
      %argmin3A_752 = tpu.reduce_index %mul3A_751 {axis = 1 : i32, kind = #tpu.reduction_kind<arg_min>} : vector<128x1024xf32> -> vector<128xi32>
      %reshape3A_753 = vector.shape_cast %argmin3A_752 : vector<128xi32> to vector<1x128xi32>
      %swap3A_754 = arith.index_cast %scan3A_513 : i32 to index
      %swap3A_755 = arith.constant 0 : index
      %swap3A_756 = vector.load %arg5[%swap3A_754, %swap3A_755] : memref<1024x128xi32, #tpu.memory_space<vmem>>, vector<1x128xi32>
      tpu.vector_store %arg5[%swap3A_754, %swap3A_755], %reshape3A_753 {strides = array<i32>} : memref<1024x128xi32, #tpu.memory_space<vmem>>, vector<1x128xi32>,
      %scan3A_757 = arith.constant 3 : i32
      %scan3A_758 = arith.addi %scan3A_31, %scan3A_757 : i32
      %get3A_759 = arith.index_cast %scan3A_758 : i32 to index
      %get3A_760 = arith.constant 0 : index
      %get3A_761 = memref.load %arg1[%get3A_759, %get3A_760] : memref<1024x3xi32, #tpu.memory_space<smem>>
      %get3A_762 = arith.index_cast %scan3A_758 : i32 to index
      %get3A_763 = arith.constant 1 : index
      %get3A_764 = memref.load %arg1[%get3A_762, %get3A_763] : memref<1024x3xi32, #tpu.memory_space<smem>>
      %get3A_765 = arith.index_cast %scan3A_758 : i32 to index
      %get3A_766 = arith.constant 2 : index
      %get3A_767 = memref.load %arg1[%get3A_765, %get3A_766] : memref<1024x3xi32, #tpu.memory_space<smem>>
      %add3A_768 = vector.broadcast %get3A_764 : i32 to vector<128x1024xi32>
      %add3A_769 = arith.addi %add3A_20, %add3A_768 : vector<128x1024xi32>
      %add3A_770 = vector.broadcast %get3A_761 : i32 to vector<128x1024xi32>
      %add3A_771 = arith.addi %add3A_770, %add3A_769 : vector<128x1024xi32>
      %shift_left3A_772 = arith.constant 13 : i32
      %shift_left3A_773 = vector.broadcast %shift_left3A_772 : i32 to vector<128x1024xi32>
      %shift_left3A_774 = arith.shli %add3A_769, %shift_left3A_773 : vector<128x1024xi32>
      %shift_right_logical3A_775 = arith.constant 19 : i32
      %shift_right_logical3A_776 = vector.broadcast %shift_right_logical3A_775 : i32 to vector<128x1024xi32>
      %shift_right_logical3A_777 = arith.shrui %add3A_769, %shift_right_logical3A_776 : vector<128x1024xi32>
      %or3A_778 = arith.ori %shift_left3A_774, %shift_right_logical3A_777 : vector<128x1024xi32>
      %xor3A_779 = arith.xori %or3A_778, %add3A_771 : vector<128x1024xi32>
      %add3A_780 = arith.addi %add3A_771, %xor3A_779 : vector<128x1024xi32>
      %shift_left3A_781 = arith.constant 15 : i32
      %shift_left3A_782 = vector.broadcast %shift_left3A_781 : i32 to vector<128x1024xi32>
      %shift_left3A_783 = arith.shli %xor3A_779, %shift_left3A_782 : vector<128x1024xi32>
      %shift_right_logical3A_784 = arith.constant 17 : i32
      %shift_right_logical3A_785 = vector.broadcast %shift_right_logical3A_784 : i32 to vector<128x1024xi32>
      %shift_right_logical3A_786 = arith.shrui %xor3A_779, %shift_right_logical3A_785 : vector<128x1024xi32>
      %or3A_787 = arith.ori %shift_left3A_783, %shift_right_logical3A_786 : vector<128x1024xi32>
      %xor3A_788 = arith.xori %or3A_787, %add3A_780 : vector<128x1024xi32>
      %add3A_789 = arith.addi %add3A_780, %xor3A_788 : vector<128x1024xi32>
      %shift_left3A_790 = arith.constant 26 : i32
      %shift_left3A_791 = vector.broadcast %shift_left3A_790 : i32 to vector<128x1024xi32>
      %shift_left3A_792 = arith.shli %xor3A_788, %shift_left3A_791 : vector<128x1024xi32>
      %shift_right_logical3A_793 = arith.constant 6 : i32
      %shift_right_logical3A_794 = vector.broadcast %shift_right_logical3A_793 : i32 to vector<128x1024xi32>
      %shift_right_logical3A_795 = arith.shrui %xor3A_788, %shift_right_logical3A_794 : vector<128x1024xi32>
      %or3A_796 = arith.ori %shift_left3A_792, %shift_right_logical3A_795 : vector<128x1024xi32>
      %xor3A_797 = arith.xori %or3A_796, %add3A_789 : vector<128x1024xi32>
      %add3A_798 = arith.addi %add3A_789, %xor3A_797 : vector<128x1024xi32>
      %shift_left3A_799 = arith.constant 6 : i32
      %shift_left3A_800 = vector.broadcast %shift_left3A_799 : i32 to vector<128x1024xi32>
      %shift_left3A_801 = arith.shli %xor3A_797, %shift_left3A_800 : vector<128x1024xi32>
      %shift_right_logical3A_802 = arith.constant 26 : i32
      %shift_right_logical3A_803 = vector.broadcast %shift_right_logical3A_802 : i32 to vector<128x1024xi32>
      %shift_right_logical3A_804 = arith.shrui %xor3A_797, %shift_right_logical3A_803 : vector<128x1024xi32>
      %or3A_805 = arith.ori %shift_left3A_801, %shift_right_logical3A_804 : vector<128x1024xi32>
      %xor3A_806 = arith.xori %or3A_805, %add3A_798 : vector<128x1024xi32>
      %add3A_807 = vector.broadcast %get3A_764 : i32 to vector<128x1024xi32>
      %add3A_808 = arith.addi %add3A_798, %add3A_807 : vector<128x1024xi32>
      %add3A_809 = arith.constant 1 : i32
      %add3A_810 = arith.addi %get3A_767, %add3A_809 : i32
      %add3A_811 = vector.broadcast %add3A_810 : i32 to vector<128x1024xi32>
      %add3A_812 = arith.addi %xor3A_806, %add3A_811 : vector<128x1024xi32>
      %add3A_813 = arith.addi %add3A_808, %add3A_812 : vector<128x1024xi32>
      %shift_left3A_814 = arith.constant 17 : i32
      %shift_left3A_815 = vector.broadcast %shift_left3A_814 : i32 to vector<128x1024xi32>
      %shift_left3A_816 = arith.shli %add3A_812, %shift_left3A_815 : vector<128x1024xi32>
      %shift_right_logical3A_817 = arith.constant 15 : i32
      %shift_right_logical3A_818 = vector.broadcast %shift_right_logical3A_817 : i32 to vector<128x1024xi32>
      %shift_right_logical3A_819 = arith.shrui %add3A_812, %shift_right_logical3A_818 : vector<128x1024xi32>
      %or3A_820 = arith.ori %shift_left3A_816, %shift_right_logical3A_819 : vector<128x1024xi32>
      %xor3A_821 = arith.xori %or3A_820, %add3A_813 : vector<128x1024xi32>
      %add3A_822 = arith.addi %add3A_813, %xor3A_821 : vector<128x1024xi32>
      %shift_left3A_823 = arith.constant 29 : i32
      %shift_left3A_824 = vector.broadcast %shift_left3A_823 : i32 to vector<128x1024xi32>
      %shift_left3A_825 = arith.shli %xor3A_821, %shift_left3A_824 : vector<128x1024xi32>
      %shift_right_logical3A_826 = arith.constant 3 : i32
      %shift_right_logical3A_827 = vector.broadcast %shift_right_logical3A_826 : i32 to vector<128x1024xi32>
      %shift_right_logical3A_828 = arith.shrui %xor3A_821, %shift_right_logical3A_827 : vector<128x1024xi32>
      %or3A_829 = arith.ori %shift_left3A_825, %shift_right_logical3A_828 : vector<128x1024xi32>
      %xor3A_830 = arith.xori %or3A_829, %add3A_822 : vector<128x1024xi32>
      %add3A_831 = arith.addi %add3A_822, %xor3A_830 : vector<128x1024xi32>
      %shift_left3A_832 = arith.constant 16 : i32
      %shift_left3A_833 = vector.broadcast %shift_left3A_832 : i32 to vector<128x1024xi32>
      %shift_left3A_834 = arith.shli %xor3A_830, %shift_left3A_833 : vector<128x1024xi32>
      %shift_right_logical3A_835 = arith.constant 16 : i32
      %shift_right_logical3A_836 = vector.broadcast %shift_right_logical3A_835 : i32 to vector<128x1024xi32>
      %shift_right_logical3A_837 = arith.shrui %xor3A_830, %shift_right_logical3A_836 : vector<128x1024xi32>
      %or3A_838 = arith.ori %shift_left3A_834, %shift_right_logical3A_837 : vector<128x1024xi32>
      %xor3A_839 = arith.xori %or3A_838, %add3A_831 : vector<128x1024xi32>
      %add3A_840 = arith.addi %add3A_831, %xor3A_839 : vector<128x1024xi32>
      %shift_left3A_841 = arith.constant 24 : i32
      %shift_left3A_842 = vector.broadcast %shift_left3A_841 : i32 to vector<128x1024xi32>
      %shift_left3A_843 = arith.shli %xor3A_839, %shift_left3A_842 : vector<128x1024xi32>
      %shift_right_logical3A_844 = arith.constant 8 : i32
      %shift_right_logical3A_845 = vector.broadcast %shift_right_logical3A_844 : i32 to vector<128x1024xi32>
      %shift_right_logical3A_846 = arith.shrui %xor3A_839, %shift_right_logical3A_845 : vector<128x1024xi32>
      %or3A_847 = arith.ori %shift_left3A_843, %shift_right_logical3A_846 : vector<128x1024xi32>
      %xor3A_848 = arith.xori %or3A_847, %add3A_840 : vector<128x1024xi32>
      %add3A_849 = vector.broadcast %get3A_767 : i32 to vector<128x1024xi32>
      %add3A_850 = arith.addi %add3A_840, %add3A_849 : vector<128x1024xi32>
      %add3A_851 = arith.constant 2 : i32
      %add3A_852 = arith.addi %get3A_761, %add3A_851 : i32
      %add3A_853 = vector.broadcast %add3A_852 : i32 to vector<128x1024xi32>
      %add3A_854 = arith.addi %xor3A_848, %add3A_853 : vector<128x1024xi32>
      %add3A_855 = arith.addi %add3A_850, %add3A_854 : vector<128x1024xi32>
      %shift_left3A_856 = arith.constant 13 : i32
      %shift_left3A_857 = vector.broadcast %shift_left3A_856 : i32 to vector<128x1024xi32>
      %shift_left3A_858 = arith.shli %add3A_854, %shift_left3A_857 : vector<128x1024xi32>
      %shift_right_logical3A_859 = arith.constant 19 : i32
      %shift_right_logical3A_860 = vector.broadcast %shift_right_logical3A_859 : i32 to vector<128x1024xi32>
      %shift_right_logical3A_861 = arith.shrui %add3A_854, %shift_right_logical3A_860 : vector<128x1024xi32>
      %or3A_862 = arith.ori %shift_left3A_858, %shift_right_logical3A_861 : vector<128x1024xi32>
      %xor3A_863 = arith.xori %or3A_862, %add3A_855 : vector<128x1024xi32>
      %add3A_864 = arith.addi %add3A_855, %xor3A_863 : vector<128x1024xi32>
      %shift_left3A_865 = arith.constant 15 : i32
      %shift_left3A_866 = vector.broadcast %shift_left3A_865 : i32 to vector<128x1024xi32>
      %shift_left3A_867 = arith.shli %xor3A_863, %shift_left3A_866 : vector<128x1024xi32>
      %shift_right_logical3A_868 = arith.constant 17 : i32
      %shift_right_logical3A_869 = vector.broadcast %shift_right_logical3A_868 : i32 to vector<128x1024xi32>
      %shift_right_logical3A_870 = arith.shrui %xor3A_863, %shift_right_logical3A_869 : vector<128x1024xi32>
      %or3A_871 = arith.ori %shift_left3A_867, %shift_right_logical3A_870 : vector<128x1024xi32>
      %xor3A_872 = arith.xori %or3A_871, %add3A_864 : vector<128x1024xi32>
      %add3A_873 = arith.addi %add3A_864, %xor3A_872 : vector<128x1024xi32>
      %shift_left3A_874 = arith.constant 26 : i32
      %shift_left3A_875 = vector.broadcast %shift_left3A_874 : i32 to vector<128x1024xi32>
      %shift_left3A_876 = arith.shli %xor3A_872, %shift_left3A_875 : vector<128x1024xi32>
      %shift_right_logical3A_877 = arith.constant 6 : i32
      %shift_right_logical3A_878 = vector.broadcast %shift_right_logical3A_877 : i32 to vector<128x1024xi32>
      %shift_right_logical3A_879 = arith.shrui %xor3A_872, %shift_right_logical3A_878 : vector<128x1024xi32>
      %or3A_880 = arith.ori %shift_left3A_876, %shift_right_logical3A_879 : vector<128x1024xi32>
      %xor3A_881 = arith.xori %or3A_880, %add3A_873 : vector<128x1024xi32>
      %add3A_882 = arith.addi %add3A_873, %xor3A_881 : vector<128x1024xi32>
      %shift_left3A_883 = arith.constant 6 : i32
      %shift_left3A_884 = vector.broadcast %shift_left3A_883 : i32 to vector<128x1024xi32>
      %shift_left3A_885 = arith.shli %xor3A_881, %shift_left3A_884 : vector<128x1024xi32>
      %shift_right_logical3A_886 = arith.constant 26 : i32
      %shift_right_logical3A_887 = vector.broadcast %shift_right_logical3A_886 : i32 to vector<128x1024xi32>
      %shift_right_logical3A_888 = arith.shrui %xor3A_881, %shift_right_logical3A_887 : vector<128x1024xi32>
      %or3A_889 = arith.ori %shift_left3A_885, %shift_right_logical3A_888 : vector<128x1024xi32>
      %xor3A_890 = arith.xori %or3A_889, %add3A_882 : vector<128x1024xi32>
      %add3A_891 = vector.broadcast %get3A_761 : i32 to vector<128x1024xi32>
      %add3A_892 = arith.addi %add3A_882, %add3A_891 : vector<128x1024xi32>
      %add3A_893 = arith.constant 3 : i32
      %add3A_894 = arith.addi %get3A_764, %add3A_893 : i32
      %add3A_895 = vector.broadcast %add3A_894 : i32 to vector<128x1024xi32>
      %add3A_896 = arith.addi %xor3A_890, %add3A_895 : vector<128x1024xi32>
      %add3A_897 = arith.addi %add3A_892, %add3A_896 : vector<128x1024xi32>
      %shift_left3A_898 = arith.constant 17 : i32
      %shift_left3A_899 = vector.broadcast %shift_left3A_898 : i32 to vector<128x1024xi32>
      %shift_left3A_900 = arith.shli %add3A_896, %shift_left3A_899 : vector<128x1024xi32>
      %shift_right_logical3A_901 = arith.constant 15 : i32
      %shift_right_logical3A_902 = vector.broadcast %shift_right_logical3A_901 : i32 to vector<128x1024xi32>
      %shift_right_logical3A_903 = arith.shrui %add3A_896, %shift_right_logical3A_902 : vector<128x1024xi32>
      %or3A_904 = arith.ori %shift_left3A_900, %shift_right_logical3A_903 : vector<128x1024xi32>
      %xor3A_905 = arith.xori %or3A_904, %add3A_897 : vector<128x1024xi32>
      %add3A_906 = arith.addi %add3A_897, %xor3A_905 : vector<128x1024xi32>
      %shift_left3A_907 = arith.constant 29 : i32
      %shift_left3A_908 = vector.broadcast %shift_left3A_907 : i32 to vector<128x1024xi32>
      %shift_left3A_909 = arith.shli %xor3A_905, %shift_left3A_908 : vector<128x1024xi32>
      %shift_right_logical3A_910 = arith.constant 3 : i32
      %shift_right_logical3A_911 = vector.broadcast %shift_right_logical3A_910 : i32 to vector<128x1024xi32>
      %shift_right_logical3A_912 = arith.shrui %xor3A_905, %shift_right_logical3A_911 : vector<128x1024xi32>
      %or3A_913 = arith.ori %shift_left3A_909, %shift_right_logical3A_912 : vector<128x1024xi32>
      %xor3A_914 = arith.xori %or3A_913, %add3A_906 : vector<128x1024xi32>
      %add3A_915 = arith.addi %add3A_906, %xor3A_914 : vector<128x1024xi32>
      %shift_left3A_916 = arith.constant 16 : i32
      %shift_left3A_917 = vector.broadcast %shift_left3A_916 : i32 to vector<128x1024xi32>
      %shift_left3A_918 = arith.shli %xor3A_914, %shift_left3A_917 : vector<128x1024xi32>
      %shift_right_logical3A_919 = arith.constant 16 : i32
      %shift_right_logical3A_920 = vector.broadcast %shift_right_logical3A_919 : i32 to vector<128x1024xi32>
      %shift_right_logical3A_921 = arith.shrui %xor3A_914, %shift_right_logical3A_920 : vector<128x1024xi32>
      %or3A_922 = arith.ori %shift_left3A_918, %shift_right_logical3A_921 : vector<128x1024xi32>
      %xor3A_923 = arith.xori %or3A_922, %add3A_915 : vector<128x1024xi32>
      %add3A_924 = arith.addi %add3A_915, %xor3A_923 : vector<128x1024xi32>
      %shift_left3A_925 = arith.constant 24 : i32
      %shift_left3A_926 = vector.broadcast %shift_left3A_925 : i32 to vector<128x1024xi32>
      %shift_left3A_927 = arith.shli %xor3A_923, %shift_left3A_926 : vector<128x1024xi32>
      %shift_right_logical3A_928 = arith.constant 8 : i32
      %shift_right_logical3A_929 = vector.broadcast %shift_right_logical3A_928 : i32 to vector<128x1024xi32>
      %shift_right_logical3A_930 = arith.shrui %xor3A_923, %shift_right_logical3A_929 : vector<128x1024xi32>
      %or3A_931 = arith.ori %shift_left3A_927, %shift_right_logical3A_930 : vector<128x1024xi32>
      %xor3A_932 = arith.xori %or3A_931, %add3A_924 : vector<128x1024xi32>
      %add3A_933 = vector.broadcast %get3A_764 : i32 to vector<128x1024xi32>
      %add3A_934 = arith.addi %add3A_924, %add3A_933 : vector<128x1024xi32>
      %add3A_935 = arith.constant 4 : i32
      %add3A_936 = arith.addi %get3A_767, %add3A_935 : i32
      %add3A_937 = vector.broadcast %add3A_936 : i32 to vector<128x1024xi32>
      %add3A_938 = arith.addi %xor3A_932, %add3A_937 : vector<128x1024xi32>
      %add3A_939 = arith.addi %add3A_934, %add3A_938 : vector<128x1024xi32>
      %shift_left3A_940 = arith.constant 13 : i32
      %shift_left3A_941 = vector.broadcast %shift_left3A_940 : i32 to vector<128x1024xi32>
      %shift_left3A_942 = arith.shli %add3A_938, %shift_left3A_941 : vector<128x1024xi32>
      %shift_right_logical3A_943 = arith.constant 19 : i32
      %shift_right_logical3A_944 = vector.broadcast %shift_right_logical3A_943 : i32 to vector<128x1024xi32>
      %shift_right_logical3A_945 = arith.shrui %add3A_938, %shift_right_logical3A_944 : vector<128x1024xi32>
      %or3A_946 = arith.ori %shift_left3A_942, %shift_right_logical3A_945 : vector<128x1024xi32>
      %xor3A_947 = arith.xori %or3A_946, %add3A_939 : vector<128x1024xi32>
      %add3A_948 = arith.addi %add3A_939, %xor3A_947 : vector<128x1024xi32>
      %shift_left3A_949 = arith.constant 15 : i32
      %shift_left3A_950 = vector.broadcast %shift_left3A_949 : i32 to vector<128x1024xi32>
      %shift_left3A_951 = arith.shli %xor3A_947, %shift_left3A_950 : vector<128x1024xi32>
      %shift_right_logical3A_952 = arith.constant 17 : i32
      %shift_right_logical3A_953 = vector.broadcast %shift_right_logical3A_952 : i32 to vector<128x1024xi32>
      %shift_right_logical3A_954 = arith.shrui %xor3A_947, %shift_right_logical3A_953 : vector<128x1024xi32>
      %or3A_955 = arith.ori %shift_left3A_951, %shift_right_logical3A_954 : vector<128x1024xi32>
      %xor3A_956 = arith.xori %or3A_955, %add3A_948 : vector<128x1024xi32>
      %add3A_957 = arith.addi %add3A_948, %xor3A_956 : vector<128x1024xi32>
      %shift_left3A_958 = arith.constant 26 : i32
      %shift_left3A_959 = vector.broadcast %shift_left3A_958 : i32 to vector<128x1024xi32>
      %shift_left3A_960 = arith.shli %xor3A_956, %shift_left3A_959 : vector<128x1024xi32>
      %shift_right_logical3A_961 = arith.constant 6 : i32
      %shift_right_logical3A_962 = vector.broadcast %shift_right_logical3A_961 : i32 to vector<128x1024xi32>
      %shift_right_logical3A_963 = arith.shrui %xor3A_956, %shift_right_logical3A_962 : vector<128x1024xi32>
      %or3A_964 = arith.ori %shift_left3A_960, %shift_right_logical3A_963 : vector<128x1024xi32>
      %xor3A_965 = arith.xori %or3A_964, %add3A_957 : vector<128x1024xi32>
      %add3A_966 = arith.addi %add3A_957, %xor3A_965 : vector<128x1024xi32>
      %shift_left3A_967 = arith.constant 6 : i32
      %shift_left3A_968 = vector.broadcast %shift_left3A_967 : i32 to vector<128x1024xi32>
      %shift_left3A_969 = arith.shli %xor3A_965, %shift_left3A_968 : vector<128x1024xi32>
      %shift_right_logical3A_970 = arith.constant 26 : i32
      %shift_right_logical3A_971 = vector.broadcast %shift_right_logical3A_970 : i32 to vector<128x1024xi32>
      %shift_right_logical3A_972 = arith.shrui %xor3A_965, %shift_right_logical3A_971 : vector<128x1024xi32>
      %or3A_973 = arith.ori %shift_left3A_969, %shift_right_logical3A_972 : vector<128x1024xi32>
      %xor3A_974 = arith.xori %or3A_973, %add3A_966 : vector<128x1024xi32>
      %add3A_975 = vector.broadcast %get3A_767 : i32 to vector<128x1024xi32>
      %add3A_976 = arith.addi %add3A_966, %add3A_975 : vector<128x1024xi32>
      %add3A_977 = arith.constant 5 : i32
      %add3A_978 = arith.addi %get3A_761, %add3A_977 : i32
      %add3A_979 = vector.broadcast %add3A_978 : i32 to vector<128x1024xi32>
      %add3A_980 = arith.addi %xor3A_974, %add3A_979 : vector<128x1024xi32>
      %xor3A_981 = arith.xori %add3A_976, %add3A_980 : vector<128x1024xi32>
      %shift_right_logical3A_982 = arith.constant 9 : i32
      %shift_right_logical3A_983 = vector.broadcast %shift_right_logical3A_982 : i32 to vector<128x1024xi32>
      %shift_right_logical3A_984 = arith.shrui %xor3A_981, %shift_right_logical3A_983 : vector<128x1024xi32>
      %or3A_985 = arith.constant 1065353216 : i32
      %or3A_986 = vector.broadcast %or3A_985 : i32 to vector<128x1024xi32>
      %or3A_987 = arith.ori %shift_right_logical3A_984, %or3A_986 : vector<128x1024xi32>
      %bitcast_convert_type3A_988 = tpu.bitcast %or3A_987 : vector<128x1024xi32> -> vector<128x1024xf32>
      %sub3A_989 = arith.constant 1.000000e+00 : f32
      %sub3A_990 = vector.broadcast %sub3A_989 : f32 to vector<128x1024xf32>
      %sub3A_991 = arith.subf %bitcast_convert_type3A_988, %sub3A_990 : vector<128x1024xf32>
      %log3A_992 = math.log %sub3A_991 : vector<128x1024xf32>
      %neg3A_993 = arith.constant 0.000000e+00 : f32
      %neg3A_994 = vector.broadcast %neg3A_993 : f32 to vector<128x1024xf32>
      %neg3A_995 = arith.subf %neg3A_994, %log3A_992 : vector<128x1024xf32>
      %mul3A_996 = arith.mulf %neg3A_995, %exp3A_8 : vector<128x1024xf32>
      %argmin3A_997 = tpu.reduce_index %mul3A_996 {axis = 1 : i32, kind = #tpu.reduction_kind<arg_min>} : vector<128x1024xf32> -> vector<128xi32>
      %reshape3A_998 = vector.shape_cast %argmin3A_997 : vector<128xi32> to vector<1x128xi32>
      %swap3A_999 = arith.index_cast %scan3A_758 : i32 to index
      %swap3A_1000 = arith.constant 0 : index
      %swap3A_1001 = vector.load %arg5[%swap3A_999, %swap3A_1000] : memref<1024x128xi32, #tpu.memory_space<vmem>>, vector<1x128xi32>
      tpu.vector_store %arg5[%swap3A_999, %swap3A_1000], %reshape3A_998 {strides = array<i32>} : memref<1024x128xi32, #tpu.memory_space<vmem>>, vector<1x128xi32>,
      %scan3A_1002 = arith.constant 4 : i32
      %scan3A_1003 = arith.addi %scan3A_31, %scan3A_1002 : i32
      %get3A_1004 = arith.index_cast %scan3A_1003 : i32 to index
      %get3A_1005 = arith.constant 0 : index
      %get3A_1006 = memref.load %arg1[%get3A_1004, %get3A_1005] : memref<1024x3xi32, #tpu.memory_space<smem>>
      %get3A_1007 = arith.index_cast %scan3A_1003 : i32 to index
      %get3A_1008 = arith.constant 1 : index
      %get3A_1009 = memref.load %arg1[%get3A_1007, %get3A_1008] : memref<1024x3xi32, #tpu.memory_space<smem>>
      %get3A_1010 = arith.index_cast %scan3A_1003 : i32 to index
      %get3A_1011 = arith.constant 2 : index
      %get3A_1012 = memref.load %arg1[%get3A_1010, %get3A_1011] : memref<1024x3xi32, #tpu.memory_space<smem>>
      %add3A_1013 = vector.broadcast %get3A_1009 : i32 to vector<128x1024xi32>
      %add3A_1014 = arith.addi %add3A_20, %add3A_1013 : vector<128x1024xi32>
      %add3A_1015 = vector.broadcast %get3A_1006 : i32 to vector<128x1024xi32>
      %add3A_1016 = arith.addi %add3A_1015, %add3A_1014 : vector<128x1024xi32>
      %shift_left3A_1017 = arith.constant 13 : i32
      %shift_left3A_1018 = vector.broadcast %shift_left3A_1017 : i32 to vector<128x1024xi32>
      %shift_left3A_1019 = arith.shli %add3A_1014, %shift_left3A_1018 : vector<128x1024xi32>
      %shift_right_logical3A_1020 = arith.constant 19 : i32
      %shift_right_logical3A_1021 = vector.broadcast %shift_right_logical3A_1020 : i32 to vector<128x1024xi32>
      %shift_right_logical3A_1022 = arith.shrui %add3A_1014, %shift_right_logical3A_1021 : vector<128x1024xi32>
      %or3A_1023 = arith.ori %shift_left3A_1019, %shift_right_logical3A_1022 : vector<128x1024xi32>
      %xor3A_1024 = arith.xori %or3A_1023, %add3A_1016 : vector<128x1024xi32>
      %add3A_1025 = arith.addi %add3A_1016, %xor3A_1024 : vector<128x1024xi32>
      %shift_left3A_1026 = arith.constant 15 : i32
      %shift_left3A_1027 = vector.broadcast %shift_left3A_1026 : i32 to vector<128x1024xi32>
      %shift_left3A_1028 = arith.shli %xor3A_1024, %shift_left3A_1027 : vector<128x1024xi32>
      %shift_right_logical3A_1029 = arith.constant 17 : i32
      %shift_right_logical3A_1030 = vector.broadcast %shift_right_logical3A_1029 : i32 to vector<128x1024xi32>
      %shift_right_logical3A_1031 = arith.shrui %xor3A_1024, %shift_right_logical3A_1030 : vector<128x1024xi32>
      %or3A_1032 = arith.ori %shift_left3A_1028, %shift_right_logical3A_1031 : vector<128x1024xi32>
      %xor3A_1033 = arith.xori %or3A_1032, %add3A_1025 : vector<128x1024xi32>
      %add3A_1034 = arith.addi %add3A_1025, %xor3A_1033 : vector<128x1024xi32>
      %shift_left3A_1035 = arith.constant 26 : i32
      %shift_left3A_1036 = vector.broadcast %shift_left3A_1035 : i32 to vector<128x1024xi32>
      %shift_left3A_1037 = arith.shli %xor3A_1033, %shift_left3A_1036 : vector<128x1024xi32>
      %shift_right_logical3A_1038 = arith.constant 6 : i32
      %shift_right_logical3A_1039 = vector.broadcast %shift_right_logical3A_1038 : i32 to vector<128x1024xi32>
      %shift_right_logical3A_1040 = arith.shrui %xor3A_1033, %shift_right_logical3A_1039 : vector<128x1024xi32>
      %or3A_1041 = arith.ori %shift_left3A_1037, %shift_right_logical3A_1040 : vector<128x1024xi32>
      %xor3A_1042 = arith.xori %or3A_1041, %add3A_1034 : vector<128x1024xi32>
      %add3A_1043 = arith.addi %add3A_1034, %xor3A_1042 : vector<128x1024xi32>
      %shift_left3A_1044 = arith.constant 6 : i32
      %shift_left3A_1045 = vector.broadcast %shift_left3A_1044 : i32 to vector<128x1024xi32>
      %shift_left3A_1046 = arith.shli %xor3A_1042, %shift_left3A_1045 : vector<128x1024xi32>
      %shift_right_logical3A_1047 = arith.constant 26 : i32
      %shift_right_logical3A_1048 = vector.broadcast %shift_right_logical3A_1047 : i32 to vector<128x1024xi32>
      %shift_right_logical3A_1049 = arith.shrui %xor3A_1042, %shift_right_logical3A_1048 : vector<128x1024xi32>
      %or3A_1050 = arith.ori %shift_left3A_1046, %shift_right_logical3A_1049 : vector<128x1024xi32>
      %xor3A_1051 = arith.xori %or3A_1050, %add3A_1043 : vector<128x1024xi32>
      %add3A_1052 = vector.broadcast %get3A_1009 : i32 to vector<128x1024xi32>
      %add3A_1053 = arith.addi %add3A_1043, %add3A_1052 : vector<128x1024xi32>
      %add3A_1054 = arith.constant 1 : i32
      %add3A_1055 = arith.addi %get3A_1012, %add3A_1054 : i32
      %add3A_1056 = vector.broadcast %add3A_1055 : i32 to vector<128x1024xi32>
      %add3A_1057 = arith.addi %xor3A_1051, %add3A_1056 : vector<128x1024xi32>
      %add3A_1058 = arith.addi %add3A_1053, %add3A_1057 : vector<128x1024xi32>
      %shift_left3A_1059 = arith.constant 17 : i32
      %shift_left3A_1060 = vector.broadcast %shift_left3A_1059 : i32 to vector<128x1024xi32>
      %shift_left3A_1061 = arith.shli %add3A_1057, %shift_left3A_1060 : vector<128x1024xi32>
      %shift_right_logical3A_1062 = arith.constant 15 : i32
      %shift_right_logical3A_1063 = vector.broadcast %shift_right_logical3A_1062 : i32 to vector<128x1024xi32>
      %shift_right_logical3A_1064 = arith.shrui %add3A_1057, %shift_right_logical3A_1063 : vector<128x1024xi32>
      %or3A_1065 = arith.ori %shift_left3A_1061, %shift_right_logical3A_1064 : vector<128x1024xi32>
      %xor3A_1066 = arith.xori %or3A_1065, %add3A_1058 : vector<128x1024xi32>
      %add3A_1067 = arith.addi %add3A_1058, %xor3A_1066 : vector<128x1024xi32>
      %shift_left3A_1068 = arith.constant 29 : i32
      %shift_left3A_1069 = vector.broadcast %shift_left3A_1068 : i32 to vector<128x1024xi32>
      %shift_left3A_1070 = arith.shli %xor3A_1066, %shift_left3A_1069 : vector<128x1024xi32>
      %shift_right_logical3A_1071 = arith.constant 3 : i32
      %shift_right_logical3A_1072 = vector.broadcast %shift_right_logical3A_1071 : i32 to vector<128x1024xi32>
      %shift_right_logical3A_1073 = arith.shrui %xor3A_1066, %shift_right_logical3A_1072 : vector<128x1024xi32>
      %or3A_1074 = arith.ori %shift_left3A_1070, %shift_right_logical3A_1073 : vector<128x1024xi32>
      %xor3A_1075 = arith.xori %or3A_1074, %add3A_1067 : vector<128x1024xi32>
      %add3A_1076 = arith.addi %add3A_1067, %xor3A_1075 : vector<128x1024xi32>
      %shift_left3A_1077 = arith.constant 16 : i32
      %shift_left3A_1078 = vector.broadcast %shift_left3A_1077 : i32 to vector<128x1024xi32>
      %shift_left3A_1079 = arith.shli %xor3A_1075, %shift_left3A_1078 : vector<128x1024xi32>
      %shift_right_logical3A_1080 = arith.constant 16 : i32
      %shift_right_logical3A_1081 = vector.broadcast %shift_right_logical3A_1080 : i32 to vector<128x1024xi32>
      %shift_right_logical3A_1082 = arith.shrui %xor3A_1075, %shift_right_logical3A_1081 : vector<128x1024xi32>
      %or3A_1083 = arith.ori %shift_left3A_1079, %shift_right_logical3A_1082 : vector<128x1024xi32>
      %xor3A_1084 = arith.xori %or3A_1083, %add3A_1076 : vector<128x1024xi32>
      %add3A_1085 = arith.addi %add3A_1076, %xor3A_1084 : vector<128x1024xi32>
      %shift_left3A_1086 = arith.constant 24 : i32
      %shift_left3A_1087 = vector.broadcast %shift_left3A_1086 : i32 to vector<128x1024xi32>
      %shift_left3A_1088 = arith.shli %xor3A_1084, %shift_left3A_1087 : vector<128x1024xi32>
      %shift_right_logical3A_1089 = arith.constant 8 : i32
      %shift_right_logical3A_1090 = vector.broadcast %shift_right_logical3A_1089 : i32 to vector<128x1024xi32>
      %shift_right_logical3A_1091 = arith.shrui %xor3A_1084, %shift_right_logical3A_1090 : vector<128x1024xi32>
      %or3A_1092 = arith.ori %shift_left3A_1088, %shift_right_logical3A_1091 : vector<128x1024xi32>
      %xor3A_1093 = arith.xori %or3A_1092, %add3A_1085 : vector<128x1024xi32>
      %add3A_1094 = vector.broadcast %get3A_1012 : i32 to vector<128x1024xi32>
      %add3A_1095 = arith.addi %add3A_1085, %add3A_1094 : vector<128x1024xi32>
      %add3A_1096 = arith.constant 2 : i32
      %add3A_1097 = arith.addi %get3A_1006, %add3A_1096 : i32
      %add3A_1098 = vector.broadcast %add3A_1097 : i32 to vector<128x1024xi32>
      %add3A_1099 = arith.addi %xor3A_1093, %add3A_1098 : vector<128x1024xi32>
      %add3A_1100 = arith.addi %add3A_1095, %add3A_1099 : vector<128x1024xi32>
      %shift_left3A_1101 = arith.constant 13 : i32
      %shift_left3A_1102 = vector.broadcast %shift_left3A_1101 : i32 to vector<128x1024xi32>
      %shift_left3A_1103 = arith.shli %add3A_1099, %shift_left3A_1102 : vector<128x1024xi32>
      %shift_right_logical3A_1104 = arith.constant 19 : i32
      %shift_right_logical3A_1105 = vector.broadcast %shift_right_logical3A_1104 : i32 to vector<128x1024xi32>
      %shift_right_logical3A_1106 = arith.shrui %add3A_1099, %shift_right_logical3A_1105 : vector<128x1024xi32>
      %or3A_1107 = arith.ori %shift_left3A_1103, %shift_right_logical3A_1106 : vector<128x1024xi32>
      %xor3A_1108 = arith.xori %or3A_1107, %add3A_1100 : vector<128x1024xi32>
      %add3A_1109 = arith.addi %add3A_1100, %xor3A_1108 : vector<128x1024xi32>
      %shift_left3A_1110 = arith.constant 15 : i32
      %shift_left3A_1111 = vector.broadcast %shift_left3A_1110 : i32 to vector<128x1024xi32>
      %shift_left3A_1112 = arith.shli %xor3A_1108, %shift_left3A_1111 : vector<128x1024xi32>
      %shift_right_logical3A_1113 = arith.constant 17 : i32
      %shift_right_logical3A_1114 = vector.broadcast %shift_right_logical3A_1113 : i32 to vector<128x1024xi32>
      %shift_right_logical3A_1115 = arith.shrui %xor3A_1108, %shift_right_logical3A_1114 : vector<128x1024xi32>
      %or3A_1116 = arith.ori %shift_left3A_1112, %shift_right_logical3A_1115 : vector<128x1024xi32>
      %xor3A_1117 = arith.xori %or3A_1116, %add3A_1109 : vector<128x1024xi32>
      %add3A_1118 = arith.addi %add3A_1109, %xor3A_1117 : vector<128x1024xi32>
      %shift_left3A_1119 = arith.constant 26 : i32
      %shift_left3A_1120 = vector.broadcast %shift_left3A_1119 : i32 to vector<128x1024xi32>
      %shift_left3A_1121 = arith.shli %xor3A_1117, %shift_left3A_1120 : vector<128x1024xi32>
      %shift_right_logical3A_1122 = arith.constant 6 : i32
      %shift_right_logical3A_1123 = vector.broadcast %shift_right_logical3A_1122 : i32 to vector<128x1024xi32>
      %shift_right_logical3A_1124 = arith.shrui %xor3A_1117, %shift_right_logical3A_1123 : vector<128x1024xi32>
      %or3A_1125 = arith.ori %shift_left3A_1121, %shift_right_logical3A_1124 : vector<128x1024xi32>
      %xor3A_1126 = arith.xori %or3A_1125, %add3A_1118 : vector<128x1024xi32>
      %add3A_1127 = arith.addi %add3A_1118, %xor3A_1126 : vector<128x1024xi32>
      %shift_left3A_1128 = arith.constant 6 : i32
      %shift_left3A_1129 = vector.broadcast %shift_left3A_1128 : i32 to vector<128x1024xi32>
      %shift_left3A_1130 = arith.shli %xor3A_1126, %shift_left3A_1129 : vector<128x1024xi32>
      %shift_right_logical3A_1131 = arith.constant 26 : i32
      %shift_right_logical3A_1132 = vector.broadcast %shift_right_logical3A_1131 : i32 to vector<128x1024xi32>
      %shift_right_logical3A_1133 = arith.shrui %xor3A_1126, %shift_right_logical3A_1132 : vector<128x1024xi32>
      %or3A_1134 = arith.ori %shift_left3A_1130, %shift_right_logical3A_1133 : vector<128x1024xi32>
      %xor3A_1135 = arith.xori %or3A_1134, %add3A_1127 : vector<128x1024xi32>
      %add3A_1136 = vector.broadcast %get3A_1006 : i32 to vector<128x1024xi32>
      %add3A_1137 = arith.addi %add3A_1127, %add3A_1136 : vector<128x1024xi32>
      %add3A_1138 = arith.constant 3 : i32
      %add3A_1139 = arith.addi %get3A_1009, %add3A_1138 : i32
      %add3A_1140 = vector.broadcast %add3A_1139 : i32 to vector<128x1024xi32>
      %add3A_1141 = arith.addi %xor3A_1135, %add3A_1140 : vector<128x1024xi32>
      %add3A_1142 = arith.addi %add3A_1137, %add3A_1141 : vector<128x1024xi32>
      %shift_left3A_1143 = arith.constant 17 : i32
      %shift_left3A_1144 = vector.broadcast %shift_left3A_1143 : i32 to vector<128x1024xi32>
      %shift_left3A_1145 = arith.shli %add3A_1141, %shift_left3A_1144 : vector<128x1024xi32>
      %shift_right_logical3A_1146 = arith.constant 15 : i32
      %shift_right_logical3A_1147 = vector.broadcast %shift_right_logical3A_1146 : i32 to vector<128x1024xi32>
      %shift_right_logical3A_1148 = arith.shrui %add3A_1141, %shift_right_logical3A_1147 : vector<128x1024xi32>
      %or3A_1149 = arith.ori %shift_left3A_1145, %shift_right_logical3A_1148 : vector<128x1024xi32>
      %xor3A_1150 = arith.xori %or3A_1149, %add3A_1142 : vector<128x1024xi32>
      %add3A_1151 = arith.addi %add3A_1142, %xor3A_1150 : vector<128x1024xi32>
      %shift_left3A_1152 = arith.constant 29 : i32
      %shift_left3A_1153 = vector.broadcast %shift_left3A_1152 : i32 to vector<128x1024xi32>
      %shift_left3A_1154 = arith.shli %xor3A_1150, %shift_left3A_1153 : vector<128x1024xi32>
      %shift_right_logical3A_1155 = arith.constant 3 : i32
      %shift_right_logical3A_1156 = vector.broadcast %shift_right_logical3A_1155 : i32 to vector<128x1024xi32>
      %shift_right_logical3A_1157 = arith.shrui %xor3A_1150, %shift_right_logical3A_1156 : vector<128x1024xi32>
      %or3A_1158 = arith.ori %shift_left3A_1154, %shift_right_logical3A_1157 : vector<128x1024xi32>
      %xor3A_1159 = arith.xori %or3A_1158, %add3A_1151 : vector<128x1024xi32>
      %add3A_1160 = arith.addi %add3A_1151, %xor3A_1159 : vector<128x1024xi32>
      %shift_left3A_1161 = arith.constant 16 : i32
      %shift_left3A_1162 = vector.broadcast %shift_left3A_1161 : i32 to vector<128x1024xi32>
      %shift_left3A_1163 = arith.shli %xor3A_1159, %shift_left3A_1162 : vector<128x1024xi32>
      %shift_right_logical3A_1164 = arith.constant 16 : i32
      %shift_right_logical3A_1165 = vector.broadcast %shift_right_logical3A_1164 : i32 to vector<128x1024xi32>
      %shift_right_logical3A_1166 = arith.shrui %xor3A_1159, %shift_right_logical3A_1165 : vector<128x1024xi32>
      %or3A_1167 = arith.ori %shift_left3A_1163, %shift_right_logical3A_1166 : vector<128x1024xi32>
      %xor3A_1168 = arith.xori %or3A_1167, %add3A_1160 : vector<128x1024xi32>
      %add3A_1169 = arith.addi %add3A_1160, %xor3A_1168 : vector<128x1024xi32>
      %shift_left3A_1170 = arith.constant 24 : i32
      %shift_left3A_1171 = vector.broadcast %shift_left3A_1170 : i32 to vector<128x1024xi32>
      %shift_left3A_1172 = arith.shli %xor3A_1168, %shift_left3A_1171 : vector<128x1024xi32>
      %shift_right_logical3A_1173 = arith.constant 8 : i32
      %shift_right_logical3A_1174 = vector.broadcast %shift_right_logical3A_1173 : i32 to vector<128x1024xi32>
      %shift_right_logical3A_1175 = arith.shrui %xor3A_1168, %shift_right_logical3A_1174 : vector<128x1024xi32>
      %or3A_1176 = arith.ori %shift_left3A_1172, %shift_right_logical3A_1175 : vector<128x1024xi32>
      %xor3A_1177 = arith.xori %or3A_1176, %add3A_1169 : vector<128x1024xi32>
      %add3A_1178 = vector.broadcast %get3A_1009 : i32 to vector<128x1024xi32>
      %add3A_1179 = arith.addi %add3A_1169, %add3A_1178 : vector<128x1024xi32>
      %add3A_1180 = arith.constant 4 : i32
      %add3A_1181 = arith.addi %get3A_1012, %add3A_1180 : i32
      %add3A_1182 = vector.broadcast %add3A_1181 : i32 to vector<128x1024xi32>
      %add3A_1183 = arith.addi %xor3A_1177, %add3A_1182 : vector<128x1024xi32>
      %add3A_1184 = arith.addi %add3A_1179, %add3A_1183 : vector<128x1024xi32>
      %shift_left3A_1185 = arith.constant 13 : i32
      %shift_left3A_1186 = vector.broadcast %shift_left3A_1185 : i32 to vector<128x1024xi32>
      %shift_left3A_1187 = arith.shli %add3A_1183, %shift_left3A_1186 : vector<128x1024xi32>
      %shift_right_logical3A_1188 = arith.constant 19 : i32
      %shift_right_logical3A_1189 = vector.broadcast %shift_right_logical3A_1188 : i32 to vector<128x1024xi32>
      %shift_right_logical3A_1190 = arith.shrui %add3A_1183, %shift_right_logical3A_1189 : vector<128x1024xi32>
      %or3A_1191 = arith.ori %shift_left3A_1187, %shift_right_logical3A_1190 : vector<128x1024xi32>
      %xor3A_1192 = arith.xori %or3A_1191, %add3A_1184 : vector<128x1024xi32>
      %add3A_1193 = arith.addi %add3A_1184, %xor3A_1192 : vector<128x1024xi32>
      %shift_left3A_1194 = arith.constant 15 : i32
      %shift_left3A_1195 = vector.broadcast %shift_left3A_1194 : i32 to vector<128x1024xi32>
      %shift_left3A_1196 = arith.shli %xor3A_1192, %shift_left3A_1195 : vector<128x1024xi32>
      %shift_right_logical3A_1197 = arith.constant 17 : i32
      %shift_right_logical3A_1198 = vector.broadcast %shift_right_logical3A_1197 : i32 to vector<128x1024xi32>
      %shift_right_logical3A_1199 = arith.shrui %xor3A_1192, %shift_right_logical3A_1198 : vector<128x1024xi32>
      %or3A_1200 = arith.ori %shift_left3A_1196, %shift_right_logical3A_1199 : vector<128x1024xi32>
      %xor3A_1201 = arith.xori %or3A_1200, %add3A_1193 : vector<128x1024xi32>
      %add3A_1202 = arith.addi %add3A_1193, %xor3A_1201 : vector<128x1024xi32>
      %shift_left3A_1203 = arith.constant 26 : i32
      %shift_left3A_1204 = vector.broadcast %shift_left3A_1203 : i32 to vector<128x1024xi32>
      %shift_left3A_1205 = arith.shli %xor3A_1201, %shift_left3A_1204 : vector<128x1024xi32>
      %shift_right_logical3A_1206 = arith.constant 6 : i32
      %shift_right_logical3A_1207 = vector.broadcast %shift_right_logical3A_1206 : i32 to vector<128x1024xi32>
      %shift_right_logical3A_1208 = arith.shrui %xor3A_1201, %shift_right_logical3A_1207 : vector<128x1024xi32>
      %or3A_1209 = arith.ori %shift_left3A_1205, %shift_right_logical3A_1208 : vector<128x1024xi32>
      %xor3A_1210 = arith.xori %or3A_1209, %add3A_1202 : vector<128x1024xi32>
      %add3A_1211 = arith.addi %add3A_1202, %xor3A_1210 : vector<128x1024xi32>
      %shift_left3A_1212 = arith.constant 6 : i32
      %shift_left3A_1213 = vector.broadcast %shift_left3A_1212 : i32 to vector<128x1024xi32>
      %shift_left3A_1214 = arith.shli %xor3A_1210, %shift_left3A_1213 : vector<128x1024xi32>
      %shift_right_logical3A_1215 = arith.constant 26 : i32
      %shift_right_logical3A_1216 = vector.broadcast %shift_right_logical3A_1215 : i32 to vector<128x1024xi32>
      %shift_right_logical3A_1217 = arith.shrui %xor3A_1210, %shift_right_logical3A_1216 : vector<128x1024xi32>
      %or3A_1218 = arith.ori %shift_left3A_1214, %shift_right_logical3A_1217 : vector<128x1024xi32>
      %xor3A_1219 = arith.xori %or3A_1218, %add3A_1211 : vector<128x1024xi32>
      %add3A_1220 = vector.broadcast %get3A_1012 : i32 to vector<128x1024xi32>
      %add3A_1221 = arith.addi %add3A_1211, %add3A_1220 : vector<128x1024xi32>
      %add3A_1222 = arith.constant 5 : i32
      %add3A_1223 = arith.addi %get3A_1006, %add3A_1222 : i32
      %add3A_1224 = vector.broadcast %add3A_1223 : i32 to vector<128x1024xi32>
      %add3A_1225 = arith.addi %xor3A_1219, %add3A_1224 : vector<128x1024xi32>
      %xor3A_1226 = arith.xori %add3A_1221, %add3A_1225 : vector<128x1024xi32>
      %shift_right_logical3A_1227 = arith.constant 9 : i32
      %shift_right_logical3A_1228 = vector.broadcast %shift_right_logical3A_1227 : i32 to vector<128x1024xi32>
      %shift_right_logical3A_1229 = arith.shrui %xor3A_1226, %shift_right_logical3A_1228 : vector<128x1024xi32>
      %or3A_1230 = arith.constant 1065353216 : i32
      %or3A_1231 = vector.broadcast %or3A_1230 : i32 to vector<128x1024xi32>
      %or3A_1232 = arith.ori %shift_right_logical3A_1229, %or3A_1231 : vector<128x1024xi32>
      %bitcast_convert_type3A_1233 = tpu.bitcast %or3A_1232 : vector<128x1024xi32> -> vector<128x1024xf32>
      %sub3A_1234 = arith.constant 1.000000e+00 : f32
      %sub3A_1235 = vector.broadcast %sub3A_1234 : f32 to vector<128x1024xf32>
      %sub3A_1236 = arith.subf %bitcast_convert_type3A_1233, %sub3A_1235 : vector<128x1024xf32>
      %log3A_1237 = math.log %sub3A_1236 : vector<128x1024xf32>
      %neg3A_1238 = arith.constant 0.000000e+00 : f32
      %neg3A_1239 = vector.broadcast %neg3A_1238 : f32 to vector<128x1024xf32>
      %neg3A_1240 = arith.subf %neg3A_1239, %log3A_1237 : vector<128x1024xf32>
      %mul3A_1241 = arith.mulf %neg3A_1240, %exp3A_8 : vector<128x1024xf32>
      %argmin3A_1242 = tpu.reduce_index %mul3A_1241 {axis = 1 : i32, kind = #tpu.reduction_kind<arg_min>} : vector<128x1024xf32> -> vector<128xi32>
      %reshape3A_1243 = vector.shape_cast %argmin3A_1242 : vector<128xi32> to vector<1x128xi32>
      %swap3A_1244 = arith.index_cast %scan3A_1003 : i32 to index
      %swap3A_1245 = arith.constant 0 : index
      %swap3A_1246 = vector.load %arg5[%swap3A_1244, %swap3A_1245] : memref<1024x128xi32, #tpu.memory_space<vmem>>, vector<1x128xi32>
      tpu.vector_store %arg5[%swap3A_1244, %swap3A_1245], %reshape3A_1243 {strides = array<i32>} : memref<1024x128xi32, #tpu.memory_space<vmem>>, vector<1x128xi32>,
      %scan3A_1247 = arith.constant 5 : i32
      %scan3A_1248 = arith.addi %scan3A_31, %scan3A_1247 : i32
      %get3A_1249 = arith.index_cast %scan3A_1248 : i32 to index
      %get3A_1250 = arith.constant 0 : index
      %get3A_1251 = memref.load %arg1[%get3A_1249, %get3A_1250] : memref<1024x3xi32, #tpu.memory_space<smem>>
      %get3A_1252 = arith.index_cast %scan3A_1248 : i32 to index
      %get3A_1253 = arith.constant 1 : index
      %get3A_1254 = memref.load %arg1[%get3A_1252, %get3A_1253] : memref<1024x3xi32, #tpu.memory_space<smem>>
      %get3A_1255 = arith.index_cast %scan3A_1248 : i32 to index
      %get3A_1256 = arith.constant 2 : index
      %get3A_1257 = memref.load %arg1[%get3A_1255, %get3A_1256] : memref<1024x3xi32, #tpu.memory_space<smem>>
      %add3A_1258 = vector.broadcast %get3A_1254 : i32 to vector<128x1024xi32>
      %add3A_1259 = arith.addi %add3A_20, %add3A_1258 : vector<128x1024xi32>
      %add3A_1260 = vector.broadcast %get3A_1251 : i32 to vector<128x1024xi32>
      %add3A_1261 = arith.addi %add3A_1260, %add3A_1259 : vector<128x1024xi32>
      %shift_left3A_1262 = arith.constant 13 : i32
      %shift_left3A_1263 = vector.broadcast %shift_left3A_1262 : i32 to vector<128x1024xi32>
      %shift_left3A_1264 = arith.shli %add3A_1259, %shift_left3A_1263 : vector<128x1024xi32>
      %shift_right_logical3A_1265 = arith.constant 19 : i32
      %shift_right_logical3A_1266 = vector.broadcast %shift_right_logical3A_1265 : i32 to vector<128x1024xi32>
      %shift_right_logical3A_1267 = arith.shrui %add3A_1259, %shift_right_logical3A_1266 : vector<128x1024xi32>
      %or3A_1268 = arith.ori %shift_left3A_1264, %shift_right_logical3A_1267 : vector<128x1024xi32>
      %xor3A_1269 = arith.xori %or3A_1268, %add3A_1261 : vector<128x1024xi32>
      %add3A_1270 = arith.addi %add3A_1261, %xor3A_1269 : vector<128x1024xi32>
      %shift_left3A_1271 = arith.constant 15 : i32
      %shift_left3A_1272 = vector.broadcast %shift_left3A_1271 : i32 to vector<128x1024xi32>
      %shift_left3A_1273 = arith.shli %xor3A_1269, %shift_left3A_1272 : vector<128x1024xi32>
      %shift_right_logical3A_1274 = arith.constant 17 : i32
      %shift_right_logical3A_1275 = vector.broadcast %shift_right_logical3A_1274 : i32 to vector<128x1024xi32>
      %shift_right_logical3A_1276 = arith.shrui %xor3A_1269, %shift_right_logical3A_1275 : vector<128x1024xi32>
      %or3A_1277 = arith.ori %shift_left3A_1273, %shift_right_logical3A_1276 : vector<128x1024xi32>
      %xor3A_1278 = arith.xori %or3A_1277, %add3A_1270 : vector<128x1024xi32>
      %add3A_1279 = arith.addi %add3A_1270, %xor3A_1278 : vector<128x1024xi32>
      %shift_left3A_1280 = arith.constant 26 : i32
      %shift_left3A_1281 = vector.broadcast %shift_left3A_1280 : i32 to vector<128x1024xi32>
      %shift_left3A_1282 = arith.shli %xor3A_1278, %shift_left3A_1281 : vector<128x1024xi32>
      %shift_right_logical3A_1283 = arith.constant 6 : i32
      %shift_right_logical3A_1284 = vector.broadcast %shift_right_logical3A_1283 : i32 to vector<128x1024xi32>
      %shift_right_logical3A_1285 = arith.shrui %xor3A_1278, %shift_right_logical3A_1284 : vector<128x1024xi32>
      %or3A_1286 = arith.ori %shift_left3A_1282, %shift_right_logical3A_1285 : vector<128x1024xi32>
      %xor3A_1287 = arith.xori %or3A_1286, %add3A_1279 : vector<128x1024xi32>
      %add3A_1288 = arith.addi %add3A_1279, %xor3A_1287 : vector<128x1024xi32>
      %shift_left3A_1289 = arith.constant 6 : i32
      %shift_left3A_1290 = vector.broadcast %shift_left3A_1289 : i32 to vector<128x1024xi32>
      %shift_left3A_1291 = arith.shli %xor3A_1287, %shift_left3A_1290 : vector<128x1024xi32>
      %shift_right_logical3A_1292 = arith.constant 26 : i32
      %shift_right_logical3A_1293 = vector.broadcast %shift_right_logical3A_1292 : i32 to vector<128x1024xi32>
      %shift_right_logical3A_1294 = arith.shrui %xor3A_1287, %shift_right_logical3A_1293 : vector<128x1024xi32>
      %or3A_1295 = arith.ori %shift_left3A_1291, %shift_right_logical3A_1294 : vector<128x1024xi32>
      %xor3A_1296 = arith.xori %or3A_1295, %add3A_1288 : vector<128x1024xi32>
      %add3A_1297 = vector.broadcast %get3A_1254 : i32 to vector<128x1024xi32>
      %add3A_1298 = arith.addi %add3A_1288, %add3A_1297 : vector<128x1024xi32>
      %add3A_1299 = arith.constant 1 : i32
      %add3A_1300 = arith.addi %get3A_1257, %add3A_1299 : i32
      %add3A_1301 = vector.broadcast %add3A_1300 : i32 to vector<128x1024xi32>
      %add3A_1302 = arith.addi %xor3A_1296, %add3A_1301 : vector<128x1024xi32>
      %add3A_1303 = arith.addi %add3A_1298, %add3A_1302 : vector<128x1024xi32>
      %shift_left3A_1304 = arith.constant 17 : i32
      %shift_left3A_1305 = vector.broadcast %shift_left3A_1304 : i32 to vector<128x1024xi32>
      %shift_left3A_1306 = arith.shli %add3A_1302, %shift_left3A_1305 : vector<128x1024xi32>
      %shift_right_logical3A_1307 = arith.constant 15 : i32
      %shift_right_logical3A_1308 = vector.broadcast %shift_right_logical3A_1307 : i32 to vector<128x1024xi32>
      %shift_right_logical3A_1309 = arith.shrui %add3A_1302, %shift_right_logical3A_1308 : vector<128x1024xi32>
      %or3A_1310 = arith.ori %shift_left3A_1306, %shift_right_logical3A_1309 : vector<128x1024xi32>
      %xor3A_1311 = arith.xori %or3A_1310, %add3A_1303 : vector<128x1024xi32>
      %add3A_1312 = arith.addi %add3A_1303, %xor3A_1311 : vector<128x1024xi32>
      %shift_left3A_1313 = arith.constant 29 : i32
      %shift_left3A_1314 = vector.broadcast %shift_left3A_1313 : i32 to vector<128x1024xi32>
      %shift_left3A_1315 = arith.shli %xor3A_1311, %shift_left3A_1314 : vector<128x1024xi32>
      %shift_right_logical3A_1316 = arith.constant 3 : i32
      %shift_right_logical3A_1317 = vector.broadcast %shift_right_logical3A_1316 : i32 to vector<128x1024xi32>
      %shift_right_logical3A_1318 = arith.shrui %xor3A_1311, %shift_right_logical3A_1317 : vector<128x1024xi32>
      %or3A_1319 = arith.ori %shift_left3A_1315, %shift_right_logical3A_1318 : vector<128x1024xi32>
      %xor3A_1320 = arith.xori %or3A_1319, %add3A_1312 : vector<128x1024xi32>
      %add3A_1321 = arith.addi %add3A_1312, %xor3A_1320 : vector<128x1024xi32>
      %shift_left3A_1322 = arith.constant 16 : i32
      %shift_left3A_1323 = vector.broadcast %shift_left3A_1322 : i32 to vector<128x1024xi32>
      %shift_left3A_1324 = arith.shli %xor3A_1320, %shift_left3A_1323 : vector<128x1024xi32>
      %shift_right_logical3A_1325 = arith.constant 16 : i32
      %shift_right_logical3A_1326 = vector.broadcast %shift_right_logical3A_1325 : i32 to vector<128x1024xi32>
      %shift_right_logical3A_1327 = arith.shrui %xor3A_1320, %shift_right_logical3A_1326 : vector<128x1024xi32>
      %or3A_1328 = arith.ori %shift_left3A_1324, %shift_right_logical3A_1327 : vector<128x1024xi32>
      %xor3A_1329 = arith.xori %or3A_1328, %add3A_1321 : vector<128x1024xi32>
      %add3A_1330 = arith.addi %add3A_1321, %xor3A_1329 : vector<128x1024xi32>
      %shift_left3A_1331 = arith.constant 24 : i32
      %shift_left3A_1332 = vector.broadcast %shift_left3A_1331 : i32 to vector<128x1024xi32>
      %shift_left3A_1333 = arith.shli %xor3A_1329, %shift_left3A_1332 : vector<128x1024xi32>
      %shift_right_logical3A_1334 = arith.constant 8 : i32
      %shift_right_logical3A_1335 = vector.broadcast %shift_right_logical3A_1334 : i32 to vector<128x1024xi32>
      %shift_right_logical3A_1336 = arith.shrui %xor3A_1329, %shift_right_logical3A_1335 : vector<128x1024xi32>
      %or3A_1337 = arith.ori %shift_left3A_1333, %shift_right_logical3A_1336 : vector<128x1024xi32>
      %xor3A_1338 = arith.xori %or3A_1337, %add3A_1330 : vector<128x1024xi32>
      %add3A_1339 = vector.broadcast %get3A_1257 : i32 to vector<128x1024xi32>
      %add3A_1340 = arith.addi %add3A_1330, %add3A_1339 : vector<128x1024xi32>
      %add3A_1341 = arith.constant 2 : i32
      %add3A_1342 = arith.addi %get3A_1251, %add3A_1341 : i32
      %add3A_1343 = vector.broadcast %add3A_1342 : i32 to vector<128x1024xi32>
      %add3A_1344 = arith.addi %xor3A_1338, %add3A_1343 : vector<128x1024xi32>
      %add3A_1345 = arith.addi %add3A_1340, %add3A_1344 : vector<128x1024xi32>
      %shift_left3A_1346 = arith.constant 13 : i32
      %shift_left3A_1347 = vector.broadcast %shift_left3A_1346 : i32 to vector<128x1024xi32>
      %shift_left3A_1348 = arith.shli %add3A_1344, %shift_left3A_1347 : vector<128x1024xi32>
      %shift_right_logical3A_1349 = arith.constant 19 : i32
      %shift_right_logical3A_1350 = vector.broadcast %shift_right_logical3A_1349 : i32 to vector<128x1024xi32>
      %shift_right_logical3A_1351 = arith.shrui %add3A_1344, %shift_right_logical3A_1350 : vector<128x1024xi32>
      %or3A_1352 = arith.ori %shift_left3A_1348, %shift_right_logical3A_1351 : vector<128x1024xi32>
      %xor3A_1353 = arith.xori %or3A_1352, %add3A_1345 : vector<128x1024xi32>
      %add3A_1354 = arith.addi %add3A_1345, %xor3A_1353 : vector<128x1024xi32>
      %shift_left3A_1355 = arith.constant 15 : i32
      %shift_left3A_1356 = vector.broadcast %shift_left3A_1355 : i32 to vector<128x1024xi32>
      %shift_left3A_1357 = arith.shli %xor3A_1353, %shift_left3A_1356 : vector<128x1024xi32>
      %shift_right_logical3A_1358 = arith.constant 17 : i32
      %shift_right_logical3A_1359 = vector.broadcast %shift_right_logical3A_1358 : i32 to vector<128x1024xi32>
      %shift_right_logical3A_1360 = arith.shrui %xor3A_1353, %shift_right_logical3A_1359 : vector<128x1024xi32>
      %or3A_1361 = arith.ori %shift_left3A_1357, %shift_right_logical3A_1360 : vector<128x1024xi32>
      %xor3A_1362 = arith.xori %or3A_1361, %add3A_1354 : vector<128x1024xi32>
      %add3A_1363 = arith.addi %add3A_1354, %xor3A_1362 : vector<128x1024xi32>
      %shift_left3A_1364 = arith.constant 26 : i32
      %shift_left3A_1365 = vector.broadcast %shift_left3A_1364 : i32 to vector<128x1024xi32>
      %shift_left3A_1366 = arith.shli %xor3A_1362, %shift_left3A_1365 : vector<128x1024xi32>
      %shift_right_logical3A_1367 = arith.constant 6 : i32
      %shift_right_logical3A_1368 = vector.broadcast %shift_right_logical3A_1367 : i32 to vector<128x1024xi32>
      %shift_right_logical3A_1369 = arith.shrui %xor3A_1362, %shift_right_logical3A_1368 : vector<128x1024xi32>
      %or3A_1370 = arith.ori %shift_left3A_1366, %shift_right_logical3A_1369 : vector<128x1024xi32>
      %xor3A_1371 = arith.xori %or3A_1370, %add3A_1363 : vector<128x1024xi32>
      %add3A_1372 = arith.addi %add3A_1363, %xor3A_1371 : vector<128x1024xi32>
      %shift_left3A_1373 = arith.constant 6 : i32
      %shift_left3A_1374 = vector.broadcast %shift_left3A_1373 : i32 to vector<128x1024xi32>
      %shift_left3A_1375 = arith.shli %xor3A_1371, %shift_left3A_1374 : vector<128x1024xi32>
      %shift_right_logical3A_1376 = arith.constant 26 : i32
      %shift_right_logical3A_1377 = vector.broadcast %shift_right_logical3A_1376 : i32 to vector<128x1024xi32>
      %shift_right_logical3A_1378 = arith.shrui %xor3A_1371, %shift_right_logical3A_1377 : vector<128x1024xi32>
      %or3A_1379 = arith.ori %shift_left3A_1375, %shift_right_logical3A_1378 : vector<128x1024xi32>
      %xor3A_1380 = arith.xori %or3A_1379, %add3A_1372 : vector<128x1024xi32>
      %add3A_1381 = vector.broadcast %get3A_1251 : i32 to vector<128x1024xi32>
      %add3A_1382 = arith.addi %add3A_1372, %add3A_1381 : vector<128x1024xi32>
      %add3A_1383 = arith.constant 3 : i32
      %add3A_1384 = arith.addi %get3A_1254, %add3A_1383 : i32
      %add3A_1385 = vector.broadcast %add3A_1384 : i32 to vector<128x1024xi32>
      %add3A_1386 = arith.addi %xor3A_1380, %add3A_1385 : vector<128x1024xi32>
      %add3A_1387 = arith.addi %add3A_1382, %add3A_1386 : vector<128x1024xi32>
      %shift_left3A_1388 = arith.constant 17 : i32
      %shift_left3A_1389 = vector.broadcast %shift_left3A_1388 : i32 to vector<128x1024xi32>
      %shift_left3A_1390 = arith.shli %add3A_1386, %shift_left3A_1389 : vector<128x1024xi32>
      %shift_right_logical3A_1391 = arith.constant 15 : i32
      %shift_right_logical3A_1392 = vector.broadcast %shift_right_logical3A_1391 : i32 to vector<128x1024xi32>
      %shift_right_logical3A_1393 = arith.shrui %add3A_1386, %shift_right_logical3A_1392 : vector<128x1024xi32>
      %or3A_1394 = arith.ori %shift_left3A_1390, %shift_right_logical3A_1393 : vector<128x1024xi32>
      %xor3A_1395 = arith.xori %or3A_1394, %add3A_1387 : vector<128x1024xi32>
      %add3A_1396 = arith.addi %add3A_1387, %xor3A_1395 : vector<128x1024xi32>
      %shift_left3A_1397 = arith.constant 29 : i32
      %shift_left3A_1398 = vector.broadcast %shift_left3A_1397 : i32 to vector<128x1024xi32>
      %shift_left3A_1399 = arith.shli %xor3A_1395, %shift_left3A_1398 : vector<128x1024xi32>
      %shift_right_logical3A_1400 = arith.constant 3 : i32
      %shift_right_logical3A_1401 = vector.broadcast %shift_right_logical3A_1400 : i32 to vector<128x1024xi32>
      %shift_right_logical3A_1402 = arith.shrui %xor3A_1395, %shift_right_logical3A_1401 : vector<128x1024xi32>
      %or3A_1403 = arith.ori %shift_left3A_1399, %shift_right_logical3A_1402 : vector<128x1024xi32>
      %xor3A_1404 = arith.xori %or3A_1403, %add3A_1396 : vector<128x1024xi32>
      %add3A_1405 = arith.addi %add3A_1396, %xor3A_1404 : vector<128x1024xi32>
      %shift_left3A_1406 = arith.constant 16 : i32
      %shift_left3A_1407 = vector.broadcast %shift_left3A_1406 : i32 to vector<128x1024xi32>
      %shift_left3A_1408 = arith.shli %xor3A_1404, %shift_left3A_1407 : vector<128x1024xi32>
      %shift_right_logical3A_1409 = arith.constant 16 : i32
      %shift_right_logical3A_1410 = vector.broadcast %shift_right_logical3A_1409 : i32 to vector<128x1024xi32>
      %shift_right_logical3A_1411 = arith.shrui %xor3A_1404, %shift_right_logical3A_1410 : vector<128x1024xi32>
      %or3A_1412 = arith.ori %shift_left3A_1408, %shift_right_logical3A_1411 : vector<128x1024xi32>
      %xor3A_1413 = arith.xori %or3A_1412, %add3A_1405 : vector<128x1024xi32>
      %add3A_1414 = arith.addi %add3A_1405, %xor3A_1413 : vector<128x1024xi32>
      %shift_left3A_1415 = arith.constant 24 : i32
      %shift_left3A_1416 = vector.broadcast %shift_left3A_1415 : i32 to vector<128x1024xi32>
      %shift_left3A_1417 = arith.shli %xor3A_1413, %shift_left3A_1416 : vector<128x1024xi32>
      %shift_right_logical3A_1418 = arith.constant 8 : i32
      %shift_right_logical3A_1419 = vector.broadcast %shift_right_logical3A_1418 : i32 to vector<128x1024xi32>
      %shift_right_logical3A_1420 = arith.shrui %xor3A_1413, %shift_right_logical3A_1419 : vector<128x1024xi32>
      %or3A_1421 = arith.ori %shift_left3A_1417, %shift_right_logical3A_1420 : vector<128x1024xi32>
      %xor3A_1422 = arith.xori %or3A_1421, %add3A_1414 : vector<128x1024xi32>
      %add3A_1423 = vector.broadcast %get3A_1254 : i32 to vector<128x1024xi32>
      %add3A_1424 = arith.addi %add3A_1414, %add3A_1423 : vector<128x1024xi32>
      %add3A_1425 = arith.constant 4 : i32
      %add3A_1426 = arith.addi %get3A_1257, %add3A_1425 : i32
      %add3A_1427 = vector.broadcast %add3A_1426 : i32 to vector<128x1024xi32>
      %add3A_1428 = arith.addi %xor3A_1422, %add3A_1427 : vector<128x1024xi32>
      %add3A_1429 = arith.addi %add3A_1424, %add3A_1428 : vector<128x1024xi32>
      %shift_left3A_1430 = arith.constant 13 : i32
      %shift_left3A_1431 = vector.broadcast %shift_left3A_1430 : i32 to vector<128x1024xi32>
      %shift_left3A_1432 = arith.shli %add3A_1428, %shift_left3A_1431 : vector<128x1024xi32>
      %shift_right_logical3A_1433 = arith.constant 19 : i32
      %shift_right_logical3A_1434 = vector.broadcast %shift_right_logical3A_1433 : i32 to vector<128x1024xi32>
      %shift_right_logical3A_1435 = arith.shrui %add3A_1428, %shift_right_logical3A_1434 : vector<128x1024xi32>
      %or3A_1436 = arith.ori %shift_left3A_1432, %shift_right_logical3A_1435 : vector<128x1024xi32>
      %xor3A_1437 = arith.xori %or3A_1436, %add3A_1429 : vector<128x1024xi32>
      %add3A_1438 = arith.addi %add3A_1429, %xor3A_1437 : vector<128x1024xi32>
      %shift_left3A_1439 = arith.constant 15 : i32
      %shift_left3A_1440 = vector.broadcast %shift_left3A_1439 : i32 to vector<128x1024xi32>
      %shift_left3A_1441 = arith.shli %xor3A_1437, %shift_left3A_1440 : vector<128x1024xi32>
      %shift_right_logical3A_1442 = arith.constant 17 : i32
      %shift_right_logical3A_1443 = vector.broadcast %shift_right_logical3A_1442 : i32 to vector<128x1024xi32>
      %shift_right_logical3A_1444 = arith.shrui %xor3A_1437, %shift_right_logical3A_1443 : vector<128x1024xi32>
      %or3A_1445 = arith.ori %shift_left3A_1441, %shift_right_logical3A_1444 : vector<128x1024xi32>
      %xor3A_1446 = arith.xori %or3A_1445, %add3A_1438 : vector<128x1024xi32>
      %add3A_1447 = arith.addi %add3A_1438, %xor3A_1446 : vector<128x1024xi32>
      %shift_left3A_1448 = arith.constant 26 : i32
      %shift_left3A_1449 = vector.broadcast %shift_left3A_1448 : i32 to vector<128x1024xi32>
      %shift_left3A_1450 = arith.shli %xor3A_1446, %shift_left3A_1449 : vector<128x1024xi32>
      %shift_right_logical3A_1451 = arith.constant 6 : i32
      %shift_right_logical3A_1452 = vector.broadcast %shift_right_logical3A_1451 : i32 to vector<128x1024xi32>
      %shift_right_logical3A_1453 = arith.shrui %xor3A_1446, %shift_right_logical3A_1452 : vector<128x1024xi32>
      %or3A_1454 = arith.ori %shift_left3A_1450, %shift_right_logical3A_1453 : vector<128x1024xi32>
      %xor3A_1455 = arith.xori %or3A_1454, %add3A_1447 : vector<128x1024xi32>
      %add3A_1456 = arith.addi %add3A_1447, %xor3A_1455 : vector<128x1024xi32>
      %shift_left3A_1457 = arith.constant 6 : i32
      %shift_left3A_1458 = vector.broadcast %shift_left3A_1457 : i32 to vector<128x1024xi32>
      %shift_left3A_1459 = arith.shli %xor3A_1455, %shift_left3A_1458 : vector<128x1024xi32>
      %shift_right_logical3A_1460 = arith.constant 26 : i32
      %shift_right_logical3A_1461 = vector.broadcast %shift_right_logical3A_1460 : i32 to vector<128x1024xi32>
      %shift_right_logical3A_1462 = arith.shrui %xor3A_1455, %shift_right_logical3A_1461 : vector<128x1024xi32>
      %or3A_1463 = arith.ori %shift_left3A_1459, %shift_right_logical3A_1462 : vector<128x1024xi32>
      %xor3A_1464 = arith.xori %or3A_1463, %add3A_1456 : vector<128x1024xi32>
      %add3A_1465 = vector.broadcast %get3A_1257 : i32 to vector<128x1024xi32>
      %add3A_1466 = arith.addi %add3A_1456, %add3A_1465 : vector<128x1024xi32>
      %add3A_1467 = arith.constant 5 : i32
      %add3A_1468 = arith.addi %get3A_1251, %add3A_1467 : i32
      %add3A_1469 = vector.broadcast %add3A_1468 : i32 to vector<128x1024xi32>
      %add3A_1470 = arith.addi %xor3A_1464, %add3A_1469 : vector<128x1024xi32>
      %xor3A_1471 = arith.xori %add3A_1466, %add3A_1470 : vector<128x1024xi32>
      %shift_right_logical3A_1472 = arith.constant 9 : i32
      %shift_right_logical3A_1473 = vector.broadcast %shift_right_logical3A_1472 : i32 to vector<128x1024xi32>
      %shift_right_logical3A_1474 = arith.shrui %xor3A_1471, %shift_right_logical3A_1473 : vector<128x1024xi32>
      %or3A_1475 = arith.constant 1065353216 : i32
      %or3A_1476 = vector.broadcast %or3A_1475 : i32 to vector<128x1024xi32>
      %or3A_1477 = arith.ori %shift_right_logical3A_1474, %or3A_1476 : vector<128x1024xi32>
      %bitcast_convert_type3A_1478 = tpu.bitcast %or3A_1477 : vector<128x1024xi32> -> vector<128x1024xf32>
      %sub3A_1479 = arith.constant 1.000000e+00 : f32
      %sub3A_1480 = vector.broadcast %sub3A_1479 : f32 to vector<128x1024xf32>
      %sub3A_1481 = arith.subf %bitcast_convert_type3A_1478, %sub3A_1480 : vector<128x1024xf32>
      %log3A_1482 = math.log %sub3A_1481 : vector<128x1024xf32>
      %neg3A_1483 = arith.constant 0.000000e+00 : f32
      %neg3A_1484 = vector.broadcast %neg3A_1483 : f32 to vector<128x1024xf32>
      %neg3A_1485 = arith.subf %neg3A_1484, %log3A_1482 : vector<128x1024xf32>
      %mul3A_1486 = arith.mulf %neg3A_1485, %exp3A_8 : vector<128x1024xf32>
      %argmin3A_1487 = tpu.reduce_index %mul3A_1486 {axis = 1 : i32, kind = #tpu.reduction_kind<arg_min>} : vector<128x1024xf32> -> vector<128xi32>
      %reshape3A_1488 = vector.shape_cast %argmin3A_1487 : vector<128xi32> to vector<1x128xi32>
      %swap3A_1489 = arith.index_cast %scan3A_1248 : i32 to index
      %swap3A_1490 = arith.constant 0 : index
      %swap3A_1491 = vector.load %arg5[%swap3A_1489, %swap3A_1490] : memref<1024x128xi32, #tpu.memory_space<vmem>>, vector<1x128xi32>
      tpu.vector_store %arg5[%swap3A_1489, %swap3A_1490], %reshape3A_1488 {strides = array<i32>} : memref<1024x128xi32, #tpu.memory_space<vmem>>, vector<1x128xi32>,
      %scan3A_1492 = arith.constant 6 : i32
      %scan3A_1493 = arith.addi %scan3A_31, %scan3A_1492 : i32
      %get3A_1494 = arith.index_cast %scan3A_1493 : i32 to index
      %get3A_1495 = arith.constant 0 : index
      %get3A_1496 = memref.load %arg1[%get3A_1494, %get3A_1495] : memref<1024x3xi32, #tpu.memory_space<smem>>
      %get3A_1497 = arith.index_cast %scan3A_1493 : i32 to index
      %get3A_1498 = arith.constant 1 : index
      %get3A_1499 = memref.load %arg1[%get3A_1497, %get3A_1498] : memref<1024x3xi32, #tpu.memory_space<smem>>
      %get3A_1500 = arith.index_cast %scan3A_1493 : i32 to index
      %get3A_1501 = arith.constant 2 : index
      %get3A_1502 = memref.load %arg1[%get3A_1500, %get3A_1501] : memref<1024x3xi32, #tpu.memory_space<smem>>
      %add3A_1503 = vector.broadcast %get3A_1499 : i32 to vector<128x1024xi32>
      %add3A_1504 = arith.addi %add3A_20, %add3A_1503 : vector<128x1024xi32>
      %add3A_1505 = vector.broadcast %get3A_1496 : i32 to vector<128x1024xi32>
      %add3A_1506 = arith.addi %add3A_1505, %add3A_1504 : vector<128x1024xi32>
      %shift_left3A_1507 = arith.constant 13 : i32
      %shift_left3A_1508 = vector.broadcast %shift_left3A_1507 : i32 to vector<128x1024xi32>
      %shift_left3A_1509 = arith.shli %add3A_1504, %shift_left3A_1508 : vector<128x1024xi32>
      %shift_right_logical3A_1510 = arith.constant 19 : i32
      %shift_right_logical3A_1511 = vector.broadcast %shift_right_logical3A_1510 : i32 to vector<128x1024xi32>
      %shift_right_logical3A_1512 = arith.shrui %add3A_1504, %shift_right_logical3A_1511 : vector<128x1024xi32>
      %or3A_1513 = arith.ori %shift_left3A_1509, %shift_right_logical3A_1512 : vector<128x1024xi32>
      %xor3A_1514 = arith.xori %or3A_1513, %add3A_1506 : vector<128x1024xi32>
      %add3A_1515 = arith.addi %add3A_1506, %xor3A_1514 : vector<128x1024xi32>
      %shift_left3A_1516 = arith.constant 15 : i32
      %shift_left3A_1517 = vector.broadcast %shift_left3A_1516 : i32 to vector<128x1024xi32>
      %shift_left3A_1518 = arith.shli %xor3A_1514, %shift_left3A_1517 : vector<128x1024xi32>
      %shift_right_logical3A_1519 = arith.constant 17 : i32
      %shift_right_logical3A_1520 = vector.broadcast %shift_right_logical3A_1519 : i32 to vector<128x1024xi32>
      %shift_right_logical3A_1521 = arith.shrui %xor3A_1514, %shift_right_logical3A_1520 : vector<128x1024xi32>
      %or3A_1522 = arith.ori %shift_left3A_1518, %shift_right_logical3A_1521 : vector<128x1024xi32>
      %xor3A_1523 = arith.xori %or3A_1522, %add3A_1515 : vector<128x1024xi32>
      %add3A_1524 = arith.addi %add3A_1515, %xor3A_1523 : vector<128x1024xi32>
      %shift_left3A_1525 = arith.constant 26 : i32
      %shift_left3A_1526 = vector.broadcast %shift_left3A_1525 : i32 to vector<128x1024xi32>
      %shift_left3A_1527 = arith.shli %xor3A_1523, %shift_left3A_1526 : vector<128x1024xi32>
      %shift_right_logical3A_1528 = arith.constant 6 : i32
      %shift_right_logical3A_1529 = vector.broadcast %shift_right_logical3A_1528 : i32 to vector<128x1024xi32>
      %shift_right_logical3A_1530 = arith.shrui %xor3A_1523, %shift_right_logical3A_1529 : vector<128x1024xi32>
      %or3A_1531 = arith.ori %shift_left3A_1527, %shift_right_logical3A_1530 : vector<128x1024xi32>
      %xor3A_1532 = arith.xori %or3A_1531, %add3A_1524 : vector<128x1024xi32>
      %add3A_1533 = arith.addi %add3A_1524, %xor3A_1532 : vector<128x1024xi32>
      %shift_left3A_1534 = arith.constant 6 : i32
      %shift_left3A_1535 = vector.broadcast %shift_left3A_1534 : i32 to vector<128x1024xi32>
      %shift_left3A_1536 = arith.shli %xor3A_1532, %shift_left3A_1535 : vector<128x1024xi32>
      %shift_right_logical3A_1537 = arith.constant 26 : i32
      %shift_right_logical3A_1538 = vector.broadcast %shift_right_logical3A_1537 : i32 to vector<128x1024xi32>
      %shift_right_logical3A_1539 = arith.shrui %xor3A_1532, %shift_right_logical3A_1538 : vector<128x1024xi32>
      %or3A_1540 = arith.ori %shift_left3A_1536, %shift_right_logical3A_1539 : vector<128x1024xi32>
      %xor3A_1541 = arith.xori %or3A_1540, %add3A_1533 : vector<128x1024xi32>
      %add3A_1542 = vector.broadcast %get3A_1499 : i32 to vector<128x1024xi32>
      %add3A_1543 = arith.addi %add3A_1533, %add3A_1542 : vector<128x1024xi32>
      %add3A_1544 = arith.constant 1 : i32
      %add3A_1545 = arith.addi %get3A_1502, %add3A_1544 : i32
      %add3A_1546 = vector.broadcast %add3A_1545 : i32 to vector<128x1024xi32>
      %add3A_1547 = arith.addi %xor3A_1541, %add3A_1546 : vector<128x1024xi32>
      %add3A_1548 = arith.addi %add3A_1543, %add3A_1547 : vector<128x1024xi32>
      %shift_left3A_1549 = arith.constant 17 : i32
      %shift_left3A_1550 = vector.broadcast %shift_left3A_1549 : i32 to vector<128x1024xi32>
      %shift_left3A_1551 = arith.shli %add3A_1547, %shift_left3A_1550 : vector<128x1024xi32>
      %shift_right_logical3A_1552 = arith.constant 15 : i32
      %shift_right_logical3A_1553 = vector.broadcast %shift_right_logical3A_1552 : i32 to vector<128x1024xi32>
      %shift_right_logical3A_1554 = arith.shrui %add3A_1547, %shift_right_logical3A_1553 : vector<128x1024xi32>
      %or3A_1555 = arith.ori %shift_left3A_1551, %shift_right_logical3A_1554 : vector<128x1024xi32>
      %xor3A_1556 = arith.xori %or3A_1555, %add3A_1548 : vector<128x1024xi32>
      %add3A_1557 = arith.addi %add3A_1548, %xor3A_1556 : vector<128x1024xi32>
      %shift_left3A_1558 = arith.constant 29 : i32
      %shift_left3A_1559 = vector.broadcast %shift_left3A_1558 : i32 to vector<128x1024xi32>
      %shift_left3A_1560 = arith.shli %xor3A_1556, %shift_left3A_1559 : vector<128x1024xi32>
      %shift_right_logical3A_1561 = arith.constant 3 : i32
      %shift_right_logical3A_1562 = vector.broadcast %shift_right_logical3A_1561 : i32 to vector<128x1024xi32>
      %shift_right_logical3A_1563 = arith.shrui %xor3A_1556, %shift_right_logical3A_1562 : vector<128x1024xi32>
      %or3A_1564 = arith.ori %shift_left3A_1560, %shift_right_logical3A_1563 : vector<128x1024xi32>
      %xor3A_1565 = arith.xori %or3A_1564, %add3A_1557 : vector<128x1024xi32>
      %add3A_1566 = arith.addi %add3A_1557, %xor3A_1565 : vector<128x1024xi32>
      %shift_left3A_1567 = arith.constant 16 : i32
      %shift_left3A_1568 = vector.broadcast %shift_left3A_1567 : i32 to vector<128x1024xi32>
      %shift_left3A_1569 = arith.shli %xor3A_1565, %shift_left3A_1568 : vector<128x1024xi32>
      %shift_right_logical3A_1570 = arith.constant 16 : i32
      %shift_right_logical3A_1571 = vector.broadcast %shift_right_logical3A_1570 : i32 to vector<128x1024xi32>
      %shift_right_logical3A_1572 = arith.shrui %xor3A_1565, %shift_right_logical3A_1571 : vector<128x1024xi32>
      %or3A_1573 = arith.ori %shift_left3A_1569, %shift_right_logical3A_1572 : vector<128x1024xi32>
      %xor3A_1574 = arith.xori %or3A_1573, %add3A_1566 : vector<128x1024xi32>
      %add3A_1575 = arith.addi %add3A_1566, %xor3A_1574 : vector<128x1024xi32>
      %shift_left3A_1576 = arith.constant 24 : i32
      %shift_left3A_1577 = vector.broadcast %shift_left3A_1576 : i32 to vector<128x1024xi32>
      %shift_left3A_1578 = arith.shli %xor3A_1574, %shift_left3A_1577 : vector<128x1024xi32>
      %shift_right_logical3A_1579 = arith.constant 8 : i32
      %shift_right_logical3A_1580 = vector.broadcast %shift_right_logical3A_1579 : i32 to vector<128x1024xi32>
      %shift_right_logical3A_1581 = arith.shrui %xor3A_1574, %shift_right_logical3A_1580 : vector<128x1024xi32>
      %or3A_1582 = arith.ori %shift_left3A_1578, %shift_right_logical3A_1581 : vector<128x1024xi32>
      %xor3A_1583 = arith.xori %or3A_1582, %add3A_1575 : vector<128x1024xi32>
      %add3A_1584 = vector.broadcast %get3A_1502 : i32 to vector<128x1024xi32>
      %add3A_1585 = arith.addi %add3A_1575, %add3A_1584 : vector<128x1024xi32>
      %add3A_1586 = arith.constant 2 : i32
      %add3A_1587 = arith.addi %get3A_1496, %add3A_1586 : i32
      %add3A_1588 = vector.broadcast %add3A_1587 : i32 to vector<128x1024xi32>
      %add3A_1589 = arith.addi %xor3A_1583, %add3A_1588 : vector<128x1024xi32>
      %add3A_1590 = arith.addi %add3A_1585, %add3A_1589 : vector<128x1024xi32>
      %shift_left3A_1591 = arith.constant 13 : i32
      %shift_left3A_1592 = vector.broadcast %shift_left3A_1591 : i32 to vector<128x1024xi32>
      %shift_left3A_1593 = arith.shli %add3A_1589, %shift_left3A_1592 : vector<128x1024xi32>
      %shift_right_logical3A_1594 = arith.constant 19 : i32
      %shift_right_logical3A_1595 = vector.broadcast %shift_right_logical3A_1594 : i32 to vector<128x1024xi32>
      %shift_right_logical3A_1596 = arith.shrui %add3A_1589, %shift_right_logical3A_1595 : vector<128x1024xi32>
      %or3A_1597 = arith.ori %shift_left3A_1593, %shift_right_logical3A_1596 : vector<128x1024xi32>
      %xor3A_1598 = arith.xori %or3A_1597, %add3A_1590 : vector<128x1024xi32>
      %add3A_1599 = arith.addi %add3A_1590, %xor3A_1598 : vector<128x1024xi32>
      %shift_left3A_1600 = arith.constant 15 : i32
      %shift_left3A_1601 = vector.broadcast %shift_left3A_1600 : i32 to vector<128x1024xi32>
      %shift_left3A_1602 = arith.shli %xor3A_1598, %shift_left3A_1601 : vector<128x1024xi32>
      %shift_right_logical3A_1603 = arith.constant 17 : i32
      %shift_right_logical3A_1604 = vector.broadcast %shift_right_logical3A_1603 : i32 to vector<128x1024xi32>
      %shift_right_logical3A_1605 = arith.shrui %xor3A_1598, %shift_right_logical3A_1604 : vector<128x1024xi32>
      %or3A_1606 = arith.ori %shift_left3A_1602, %shift_right_logical3A_1605 : vector<128x1024xi32>
      %xor3A_1607 = arith.xori %or3A_1606, %add3A_1599 : vector<128x1024xi32>
      %add3A_1608 = arith.addi %add3A_1599, %xor3A_1607 : vector<128x1024xi32>
      %shift_left3A_1609 = arith.constant 26 : i32
      %shift_left3A_1610 = vector.broadcast %shift_left3A_1609 : i32 to vector<128x1024xi32>
      %shift_left3A_1611 = arith.shli %xor3A_1607, %shift_left3A_1610 : vector<128x1024xi32>
      %shift_right_logical3A_1612 = arith.constant 6 : i32
      %shift_right_logical3A_1613 = vector.broadcast %shift_right_logical3A_1612 : i32 to vector<128x1024xi32>
      %shift_right_logical3A_1614 = arith.shrui %xor3A_1607, %shift_right_logical3A_1613 : vector<128x1024xi32>
      %or3A_1615 = arith.ori %shift_left3A_1611, %shift_right_logical3A_1614 : vector<128x1024xi32>
      %xor3A_1616 = arith.xori %or3A_1615, %add3A_1608 : vector<128x1024xi32>
      %add3A_1617 = arith.addi %add3A_1608, %xor3A_1616 : vector<128x1024xi32>
      %shift_left3A_1618 = arith.constant 6 : i32
      %shift_left3A_1619 = vector.broadcast %shift_left3A_1618 : i32 to vector<128x1024xi32>
      %shift_left3A_1620 = arith.shli %xor3A_1616, %shift_left3A_1619 : vector<128x1024xi32>
      %shift_right_logical3A_1621 = arith.constant 26 : i32
      %shift_right_logical3A_1622 = vector.broadcast %shift_right_logical3A_1621 : i32 to vector<128x1024xi32>
      %shift_right_logical3A_1623 = arith.shrui %xor3A_1616, %shift_right_logical3A_1622 : vector<128x1024xi32>
      %or3A_1624 = arith.ori %shift_left3A_1620, %shift_right_logical3A_1623 : vector<128x1024xi32>
      %xor3A_1625 = arith.xori %or3A_1624, %add3A_1617 : vector<128x1024xi32>
      %add3A_1626 = vector.broadcast %get3A_1496 : i32 to vector<128x1024xi32>
      %add3A_1627 = arith.addi %add3A_1617, %add3A_1626 : vector<128x1024xi32>
      %add3A_1628 = arith.constant 3 : i32
      %add3A_1629 = arith.addi %get3A_1499, %add3A_1628 : i32
      %add3A_1630 = vector.broadcast %add3A_1629 : i32 to vector<128x1024xi32>
      %add3A_1631 = arith.addi %xor3A_1625, %add3A_1630 : vector<128x1024xi32>
      %add3A_1632 = arith.addi %add3A_1627, %add3A_1631 : vector<128x1024xi32>
      %shift_left3A_1633 = arith.constant 17 : i32
      %shift_left3A_1634 = vector.broadcast %shift_left3A_1633 : i32 to vector<128x1024xi32>
      %shift_left3A_1635 = arith.shli %add3A_1631, %shift_left3A_1634 : vector<128x1024xi32>
      %shift_right_logical3A_1636 = arith.constant 15 : i32
      %shift_right_logical3A_1637 = vector.broadcast %shift_right_logical3A_1636 : i32 to vector<128x1024xi32>
      %shift_right_logical3A_1638 = arith.shrui %add3A_1631, %shift_right_logical3A_1637 : vector<128x1024xi32>
      %or3A_1639 = arith.ori %shift_left3A_1635, %shift_right_logical3A_1638 : vector<128x1024xi32>
      %xor3A_1640 = arith.xori %or3A_1639, %add3A_1632 : vector<128x1024xi32>
      %add3A_1641 = arith.addi %add3A_1632, %xor3A_1640 : vector<128x1024xi32>
      %shift_left3A_1642 = arith.constant 29 : i32
      %shift_left3A_1643 = vector.broadcast %shift_left3A_1642 : i32 to vector<128x1024xi32>
      %shift_left3A_1644 = arith.shli %xor3A_1640, %shift_left3A_1643 : vector<128x1024xi32>
      %shift_right_logical3A_1645 = arith.constant 3 : i32
      %shift_right_logical3A_1646 = vector.broadcast %shift_right_logical3A_1645 : i32 to vector<128x1024xi32>
      %shift_right_logical3A_1647 = arith.shrui %xor3A_1640, %shift_right_logical3A_1646 : vector<128x1024xi32>
      %or3A_1648 = arith.ori %shift_left3A_1644, %shift_right_logical3A_1647 : vector<128x1024xi32>
      %xor3A_1649 = arith.xori %or3A_1648, %add3A_1641 : vector<128x1024xi32>
      %add3A_1650 = arith.addi %add3A_1641, %xor3A_1649 : vector<128x1024xi32>
      %shift_left3A_1651 = arith.constant 16 : i32
      %shift_left3A_1652 = vector.broadcast %shift_left3A_1651 : i32 to vector<128x1024xi32>
      %shift_left3A_1653 = arith.shli %xor3A_1649, %shift_left3A_1652 : vector<128x1024xi32>
      %shift_right_logical3A_1654 = arith.constant 16 : i32
      %shift_right_logical3A_1655 = vector.broadcast %shift_right_logical3A_1654 : i32 to vector<128x1024xi32>
      %shift_right_logical3A_1656 = arith.shrui %xor3A_1649, %shift_right_logical3A_1655 : vector<128x1024xi32>
      %or3A_1657 = arith.ori %shift_left3A_1653, %shift_right_logical3A_1656 : vector<128x1024xi32>
      %xor3A_1658 = arith.xori %or3A_1657, %add3A_1650 : vector<128x1024xi32>
      %add3A_1659 = arith.addi %add3A_1650, %xor3A_1658 : vector<128x1024xi32>
      %shift_left3A_1660 = arith.constant 24 : i32
      %shift_left3A_1661 = vector.broadcast %shift_left3A_1660 : i32 to vector<128x1024xi32>
      %shift_left3A_1662 = arith.shli %xor3A_1658, %shift_left3A_1661 : vector<128x1024xi32>
      %shift_right_logical3A_1663 = arith.constant 8 : i32
      %shift_right_logical3A_1664 = vector.broadcast %shift_right_logical3A_1663 : i32 to vector<128x1024xi32>
      %shift_right_logical3A_1665 = arith.shrui %xor3A_1658, %shift_right_logical3A_1664 : vector<128x1024xi32>
      %or3A_1666 = arith.ori %shift_left3A_1662, %shift_right_logical3A_1665 : vector<128x1024xi32>
      %xor3A_1667 = arith.xori %or3A_1666, %add3A_1659 : vector<128x1024xi32>
      %add3A_1668 = vector.broadcast %get3A_1499 : i32 to vector<128x1024xi32>
      %add3A_1669 = arith.addi %add3A_1659, %add3A_1668 : vector<128x1024xi32>
      %add3A_1670 = arith.constant 4 : i32
      %add3A_1671 = arith.addi %get3A_1502, %add3A_1670 : i32
      %add3A_1672 = vector.broadcast %add3A_1671 : i32 to vector<128x1024xi32>
      %add3A_1673 = arith.addi %xor3A_1667, %add3A_1672 : vector<128x1024xi32>
      %add3A_1674 = arith.addi %add3A_1669, %add3A_1673 : vector<128x1024xi32>
      %shift_left3A_1675 = arith.constant 13 : i32
      %shift_left3A_1676 = vector.broadcast %shift_left3A_1675 : i32 to vector<128x1024xi32>
      %shift_left3A_1677 = arith.shli %add3A_1673, %shift_left3A_1676 : vector<128x1024xi32>
      %shift_right_logical3A_1678 = arith.constant 19 : i32
      %shift_right_logical3A_1679 = vector.broadcast %shift_right_logical3A_1678 : i32 to vector<128x1024xi32>
      %shift_right_logical3A_1680 = arith.shrui %add3A_1673, %shift_right_logical3A_1679 : vector<128x1024xi32>
      %or3A_1681 = arith.ori %shift_left3A_1677, %shift_right_logical3A_1680 : vector<128x1024xi32>
      %xor3A_1682 = arith.xori %or3A_1681, %add3A_1674 : vector<128x1024xi32>
      %add3A_1683 = arith.addi %add3A_1674, %xor3A_1682 : vector<128x1024xi32>
      %shift_left3A_1684 = arith.constant 15 : i32
      %shift_left3A_1685 = vector.broadcast %shift_left3A_1684 : i32 to vector<128x1024xi32>
      %shift_left3A_1686 = arith.shli %xor3A_1682, %shift_left3A_1685 : vector<128x1024xi32>
      %shift_right_logical3A_1687 = arith.constant 17 : i32
      %shift_right_logical3A_1688 = vector.broadcast %shift_right_logical3A_1687 : i32 to vector<128x1024xi32>
      %shift_right_logical3A_1689 = arith.shrui %xor3A_1682, %shift_right_logical3A_1688 : vector<128x1024xi32>
      %or3A_1690 = arith.ori %shift_left3A_1686, %shift_right_logical3A_1689 : vector<128x1024xi32>
      %xor3A_1691 = arith.xori %or3A_1690, %add3A_1683 : vector<128x1024xi32>
      %add3A_1692 = arith.addi %add3A_1683, %xor3A_1691 : vector<128x1024xi32>
      %shift_left3A_1693 = arith.constant 26 : i32
      %shift_left3A_1694 = vector.broadcast %shift_left3A_1693 : i32 to vector<128x1024xi32>
      %shift_left3A_1695 = arith.shli %xor3A_1691, %shift_left3A_1694 : vector<128x1024xi32>
      %shift_right_logical3A_1696 = arith.constant 6 : i32
      %shift_right_logical3A_1697 = vector.broadcast %shift_right_logical3A_1696 : i32 to vector<128x1024xi32>
      %shift_right_logical3A_1698 = arith.shrui %xor3A_1691, %shift_right_logical3A_1697 : vector<128x1024xi32>
      %or3A_1699 = arith.ori %shift_left3A_1695, %shift_right_logical3A_1698 : vector<128x1024xi32>
      %xor3A_1700 = arith.xori %or3A_1699, %add3A_1692 : vector<128x1024xi32>
      %add3A_1701 = arith.addi %add3A_1692, %xor3A_1700 : vector<128x1024xi32>
      %shift_left3A_1702 = arith.constant 6 : i32
      %shift_left3A_1703 = vector.broadcast %shift_left3A_1702 : i32 to vector<128x1024xi32>
      %shift_left3A_1704 = arith.shli %xor3A_1700, %shift_left3A_1703 : vector<128x1024xi32>
      %shift_right_logical3A_1705 = arith.constant 26 : i32
      %shift_right_logical3A_1706 = vector.broadcast %shift_right_logical3A_1705 : i32 to vector<128x1024xi32>
      %shift_right_logical3A_1707 = arith.shrui %xor3A_1700, %shift_right_logical3A_1706 : vector<128x1024xi32>
      %or3A_1708 = arith.ori %shift_left3A_1704, %shift_right_logical3A_1707 : vector<128x1024xi32>
      %xor3A_1709 = arith.xori %or3A_1708, %add3A_1701 : vector<128x1024xi32>
      %add3A_1710 = vector.broadcast %get3A_1502 : i32 to vector<128x1024xi32>
      %add3A_1711 = arith.addi %add3A_1701, %add3A_1710 : vector<128x1024xi32>
      %add3A_1712 = arith.constant 5 : i32
      %add3A_1713 = arith.addi %get3A_1496, %add3A_1712 : i32
      %add3A_1714 = vector.broadcast %add3A_1713 : i32 to vector<128x1024xi32>
      %add3A_1715 = arith.addi %xor3A_1709, %add3A_1714 : vector<128x1024xi32>
      %xor3A_1716 = arith.xori %add3A_1711, %add3A_1715 : vector<128x1024xi32>
      %shift_right_logical3A_1717 = arith.constant 9 : i32
      %shift_right_logical3A_1718 = vector.broadcast %shift_right_logical3A_1717 : i32 to vector<128x1024xi32>
      %shift_right_logical3A_1719 = arith.shrui %xor3A_1716, %shift_right_logical3A_1718 : vector<128x1024xi32>
      %or3A_1720 = arith.constant 1065353216 : i32
      %or3A_1721 = vector.broadcast %or3A_1720 : i32 to vector<128x1024xi32>
      %or3A_1722 = arith.ori %shift_right_logical3A_1719, %or3A_1721 : vector<128x1024xi32>
      %bitcast_convert_type3A_1723 = tpu.bitcast %or3A_1722 : vector<128x1024xi32> -> vector<128x1024xf32>
      %sub3A_1724 = arith.constant 1.000000e+00 : f32
      %sub3A_1725 = vector.broadcast %sub3A_1724 : f32 to vector<128x1024xf32>
      %sub3A_1726 = arith.subf %bitcast_convert_type3A_1723, %sub3A_1725 : vector<128x1024xf32>
      %log3A_1727 = math.log %sub3A_1726 : vector<128x1024xf32>
      %neg3A_1728 = arith.constant 0.000000e+00 : f32
      %neg3A_1729 = vector.broadcast %neg3A_1728 : f32 to vector<128x1024xf32>
      %neg3A_1730 = arith.subf %neg3A_1729, %log3A_1727 : vector<128x1024xf32>
      %mul3A_1731 = arith.mulf %neg3A_1730, %exp3A_8 : vector<128x1024xf32>
      %argmin3A_1732 = tpu.reduce_index %mul3A_1731 {axis = 1 : i32, kind = #tpu.reduction_kind<arg_min>} : vector<128x1024xf32> -> vector<128xi32>
      %reshape3A_1733 = vector.shape_cast %argmin3A_1732 : vector<128xi32> to vector<1x128xi32>
      %swap3A_1734 = arith.index_cast %scan3A_1493 : i32 to index
      %swap3A_1735 = arith.constant 0 : index
      %swap3A_1736 = vector.load %arg5[%swap3A_1734, %swap3A_1735] : memref<1024x128xi32, #tpu.memory_space<vmem>>, vector<1x128xi32>
      tpu.vector_store %arg5[%swap3A_1734, %swap3A_1735], %reshape3A_1733 {strides = array<i32>} : memref<1024x128xi32, #tpu.memory_space<vmem>>, vector<1x128xi32>,
      %scan3A_1737 = arith.constant 7 : i32
      %scan3A_1738 = arith.addi %scan3A_31, %scan3A_1737 : i32
      %get3A_1739 = arith.index_cast %scan3A_1738 : i32 to index
      %get3A_1740 = arith.constant 0 : index
      %get3A_1741 = memref.load %arg1[%get3A_1739, %get3A_1740] : memref<1024x3xi32, #tpu.memory_space<smem>>
      %get3A_1742 = arith.index_cast %scan3A_1738 : i32 to index
      %get3A_1743 = arith.constant 1 : index
      %get3A_1744 = memref.load %arg1[%get3A_1742, %get3A_1743] : memref<1024x3xi32, #tpu.memory_space<smem>>
      %get3A_1745 = arith.index_cast %scan3A_1738 : i32 to index
      %get3A_1746 = arith.constant 2 : index
      %get3A_1747 = memref.load %arg1[%get3A_1745, %get3A_1746] : memref<1024x3xi32, #tpu.memory_space<smem>>
      %add3A_1748 = vector.broadcast %get3A_1744 : i32 to vector<128x1024xi32>
      %add3A_1749 = arith.addi %add3A_20, %add3A_1748 : vector<128x1024xi32>
      %add3A_1750 = vector.broadcast %get3A_1741 : i32 to vector<128x1024xi32>
      %add3A_1751 = arith.addi %add3A_1750, %add3A_1749 : vector<128x1024xi32>
      %shift_left3A_1752 = arith.constant 13 : i32
      %shift_left3A_1753 = vector.broadcast %shift_left3A_1752 : i32 to vector<128x1024xi32>
      %shift_left3A_1754 = arith.shli %add3A_1749, %shift_left3A_1753 : vector<128x1024xi32>
      %shift_right_logical3A_1755 = arith.constant 19 : i32
      %shift_right_logical3A_1756 = vector.broadcast %shift_right_logical3A_1755 : i32 to vector<128x1024xi32>
      %shift_right_logical3A_1757 = arith.shrui %add3A_1749, %shift_right_logical3A_1756 : vector<128x1024xi32>
      %or3A_1758 = arith.ori %shift_left3A_1754, %shift_right_logical3A_1757 : vector<128x1024xi32>
      %xor3A_1759 = arith.xori %or3A_1758, %add3A_1751 : vector<128x1024xi32>
      %add3A_1760 = arith.addi %add3A_1751, %xor3A_1759 : vector<128x1024xi32>
      %shift_left3A_1761 = arith.constant 15 : i32
      %shift_left3A_1762 = vector.broadcast %shift_left3A_1761 : i32 to vector<128x1024xi32>
      %shift_left3A_1763 = arith.shli %xor3A_1759, %shift_left3A_1762 : vector<128x1024xi32>
      %shift_right_logical3A_1764 = arith.constant 17 : i32
      %shift_right_logical3A_1765 = vector.broadcast %shift_right_logical3A_1764 : i32 to vector<128x1024xi32>
      %shift_right_logical3A_1766 = arith.shrui %xor3A_1759, %shift_right_logical3A_1765 : vector<128x1024xi32>
      %or3A_1767 = arith.ori %shift_left3A_1763, %shift_right_logical3A_1766 : vector<128x1024xi32>
      %xor3A_1768 = arith.xori %or3A_1767, %add3A_1760 : vector<128x1024xi32>
      %add3A_1769 = arith.addi %add3A_1760, %xor3A_1768 : vector<128x1024xi32>
      %shift_left3A_1770 = arith.constant 26 : i32
      %shift_left3A_1771 = vector.broadcast %shift_left3A_1770 : i32 to vector<128x1024xi32>
      %shift_left3A_1772 = arith.shli %xor3A_1768, %shift_left3A_1771 : vector<128x1024xi32>
      %shift_right_logical3A_1773 = arith.constant 6 : i32
      %shift_right_logical3A_1774 = vector.broadcast %shift_right_logical3A_1773 : i32 to vector<128x1024xi32>
      %shift_right_logical3A_1775 = arith.shrui %xor3A_1768, %shift_right_logical3A_1774 : vector<128x1024xi32>
      %or3A_1776 = arith.ori %shift_left3A_1772, %shift_right_logical3A_1775 : vector<128x1024xi32>
      %xor3A_1777 = arith.xori %or3A_1776, %add3A_1769 : vector<128x1024xi32>
      %add3A_1778 = arith.addi %add3A_1769, %xor3A_1777 : vector<128x1024xi32>
      %shift_left3A_1779 = arith.constant 6 : i32
      %shift_left3A_1780 = vector.broadcast %shift_left3A_1779 : i32 to vector<128x1024xi32>
      %shift_left3A_1781 = arith.shli %xor3A_1777, %shift_left3A_1780 : vector<128x1024xi32>
      %shift_right_logical3A_1782 = arith.constant 26 : i32
      %shift_right_logical3A_1783 = vector.broadcast %shift_right_logical3A_1782 : i32 to vector<128x1024xi32>
      %shift_right_logical3A_1784 = arith.shrui %xor3A_1777, %shift_right_logical3A_1783 : vector<128x1024xi32>
      %or3A_1785 = arith.ori %shift_left3A_1781, %shift_right_logical3A_1784 : vector<128x1024xi32>
      %xor3A_1786 = arith.xori %or3A_1785, %add3A_1778 : vector<128x1024xi32>
      %add3A_1787 = vector.broadcast %get3A_1744 : i32 to vector<128x1024xi32>
      %add3A_1788 = arith.addi %add3A_1778, %add3A_1787 : vector<128x1024xi32>
      %add3A_1789 = arith.constant 1 : i32
      %add3A_1790 = arith.addi %get3A_1747, %add3A_1789 : i32
      %add3A_1791 = vector.broadcast %add3A_1790 : i32 to vector<128x1024xi32>
      %add3A_1792 = arith.addi %xor3A_1786, %add3A_1791 : vector<128x1024xi32>
      %add3A_1793 = arith.addi %add3A_1788, %add3A_1792 : vector<128x1024xi32>
      %shift_left3A_1794 = arith.constant 17 : i32
      %shift_left3A_1795 = vector.broadcast %shift_left3A_1794 : i32 to vector<128x1024xi32>
      %shift_left3A_1796 = arith.shli %add3A_1792, %shift_left3A_1795 : vector<128x1024xi32>
      %shift_right_logical3A_1797 = arith.constant 15 : i32
      %shift_right_logical3A_1798 = vector.broadcast %shift_right_logical3A_1797 : i32 to vector<128x1024xi32>
      %shift_right_logical3A_1799 = arith.shrui %add3A_1792, %shift_right_logical3A_1798 : vector<128x1024xi32>
      %or3A_1800 = arith.ori %shift_left3A_1796, %shift_right_logical3A_1799 : vector<128x1024xi32>
      %xor3A_1801 = arith.xori %or3A_1800, %add3A_1793 : vector<128x1024xi32>
      %add3A_1802 = arith.addi %add3A_1793, %xor3A_1801 : vector<128x1024xi32>
      %shift_left3A_1803 = arith.constant 29 : i32
      %shift_left3A_1804 = vector.broadcast %shift_left3A_1803 : i32 to vector<128x1024xi32>
      %shift_left3A_1805 = arith.shli %xor3A_1801, %shift_left3A_1804 : vector<128x1024xi32>
      %shift_right_logical3A_1806 = arith.constant 3 : i32
      %shift_right_logical3A_1807 = vector.broadcast %shift_right_logical3A_1806 : i32 to vector<128x1024xi32>
      %shift_right_logical3A_1808 = arith.shrui %xor3A_1801, %shift_right_logical3A_1807 : vector<128x1024xi32>
      %or3A_1809 = arith.ori %shift_left3A_1805, %shift_right_logical3A_1808 : vector<128x1024xi32>
      %xor3A_1810 = arith.xori %or3A_1809, %add3A_1802 : vector<128x1024xi32>
      %add3A_1811 = arith.addi %add3A_1802, %xor3A_1810 : vector<128x1024xi32>
      %shift_left3A_1812 = arith.constant 16 : i32
      %shift_left3A_1813 = vector.broadcast %shift_left3A_1812 : i32 to vector<128x1024xi32>
      %shift_left3A_1814 = arith.shli %xor3A_1810, %shift_left3A_1813 : vector<128x1024xi32>
      %shift_right_logical3A_1815 = arith.constant 16 : i32
      %shift_right_logical3A_1816 = vector.broadcast %shift_right_logical3A_1815 : i32 to vector<128x1024xi32>
      %shift_right_logical3A_1817 = arith.shrui %xor3A_1810, %shift_right_logical3A_1816 : vector<128x1024xi32>
      %or3A_1818 = arith.ori %shift_left3A_1814, %shift_right_logical3A_1817 : vector<128x1024xi32>
      %xor3A_1819 = arith.xori %or3A_1818, %add3A_1811 : vector<128x1024xi32>
      %add3A_1820 = arith.addi %add3A_1811, %xor3A_1819 : vector<128x1024xi32>
      %shift_left3A_1821 = arith.constant 24 : i32
      %shift_left3A_1822 = vector.broadcast %shift_left3A_1821 : i32 to vector<128x1024xi32>
      %shift_left3A_1823 = arith.shli %xor3A_1819, %shift_left3A_1822 : vector<128x1024xi32>
      %shift_right_logical3A_1824 = arith.constant 8 : i32
      %shift_right_logical3A_1825 = vector.broadcast %shift_right_logical3A_1824 : i32 to vector<128x1024xi32>
      %shift_right_logical3A_1826 = arith.shrui %xor3A_1819, %shift_right_logical3A_1825 : vector<128x1024xi32>
      %or3A_1827 = arith.ori %shift_left3A_1823, %shift_right_logical3A_1826 : vector<128x1024xi32>
      %xor3A_1828 = arith.xori %or3A_1827, %add3A_1820 : vector<128x1024xi32>
      %add3A_1829 = vector.broadcast %get3A_1747 : i32 to vector<128x1024xi32>
      %add3A_1830 = arith.addi %add3A_1820, %add3A_1829 : vector<128x1024xi32>
      %add3A_1831 = arith.constant 2 : i32
      %add3A_1832 = arith.addi %get3A_1741, %add3A_1831 : i32
      %add3A_1833 = vector.broadcast %add3A_1832 : i32 to vector<128x1024xi32>
      %add3A_1834 = arith.addi %xor3A_1828, %add3A_1833 : vector<128x1024xi32>
      %add3A_1835 = arith.addi %add3A_1830, %add3A_1834 : vector<128x1024xi32>
      %shift_left3A_1836 = arith.constant 13 : i32
      %shift_left3A_1837 = vector.broadcast %shift_left3A_1836 : i32 to vector<128x1024xi32>
      %shift_left3A_1838 = arith.shli %add3A_1834, %shift_left3A_1837 : vector<128x1024xi32>
      %shift_right_logical3A_1839 = arith.constant 19 : i32
      %shift_right_logical3A_1840 = vector.broadcast %shift_right_logical3A_1839 : i32 to vector<128x1024xi32>
      %shift_right_logical3A_1841 = arith.shrui %add3A_1834, %shift_right_logical3A_1840 : vector<128x1024xi32>
      %or3A_1842 = arith.ori %shift_left3A_1838, %shift_right_logical3A_1841 : vector<128x1024xi32>
      %xor3A_1843 = arith.xori %or3A_1842, %add3A_1835 : vector<128x1024xi32>
      %add3A_1844 = arith.addi %add3A_1835, %xor3A_1843 : vector<128x1024xi32>
      %shift_left3A_1845 = arith.constant 15 : i32
      %shift_left3A_1846 = vector.broadcast %shift_left3A_1845 : i32 to vector<128x1024xi32>
      %shift_left3A_1847 = arith.shli %xor3A_1843, %shift_left3A_1846 : vector<128x1024xi32>
      %shift_right_logical3A_1848 = arith.constant 17 : i32
      %shift_right_logical3A_1849 = vector.broadcast %shift_right_logical3A_1848 : i32 to vector<128x1024xi32>
      %shift_right_logical3A_1850 = arith.shrui %xor3A_1843, %shift_right_logical3A_1849 : vector<128x1024xi32>
      %or3A_1851 = arith.ori %shift_left3A_1847, %shift_right_logical3A_1850 : vector<128x1024xi32>
      %xor3A_1852 = arith.xori %or3A_1851, %add3A_1844 : vector<128x1024xi32>
      %add3A_1853 = arith.addi %add3A_1844, %xor3A_1852 : vector<128x1024xi32>
      %shift_left3A_1854 = arith.constant 26 : i32
      %shift_left3A_1855 = vector.broadcast %shift_left3A_1854 : i32 to vector<128x1024xi32>
      %shift_left3A_1856 = arith.shli %xor3A_1852, %shift_left3A_1855 : vector<128x1024xi32>
      %shift_right_logical3A_1857 = arith.constant 6 : i32
      %shift_right_logical3A_1858 = vector.broadcast %shift_right_logical3A_1857 : i32 to vector<128x1024xi32>
      %shift_right_logical3A_1859 = arith.shrui %xor3A_1852, %shift_right_logical3A_1858 : vector<128x1024xi32>
      %or3A_1860 = arith.ori %shift_left3A_1856, %shift_right_logical3A_1859 : vector<128x1024xi32>
      %xor3A_1861 = arith.xori %or3A_1860, %add3A_1853 : vector<128x1024xi32>
      %add3A_1862 = arith.addi %add3A_1853, %xor3A_1861 : vector<128x1024xi32>
      %shift_left3A_1863 = arith.constant 6 : i32
      %shift_left3A_1864 = vector.broadcast %shift_left3A_1863 : i32 to vector<128x1024xi32>
      %shift_left3A_1865 = arith.shli %xor3A_1861, %shift_left3A_1864 : vector<128x1024xi32>
      %shift_right_logical3A_1866 = arith.constant 26 : i32
      %shift_right_logical3A_1867 = vector.broadcast %shift_right_logical3A_1866 : i32 to vector<128x1024xi32>
      %shift_right_logical3A_1868 = arith.shrui %xor3A_1861, %shift_right_logical3A_1867 : vector<128x1024xi32>
      %or3A_1869 = arith.ori %shift_left3A_1865, %shift_right_logical3A_1868 : vector<128x1024xi32>
      %xor3A_1870 = arith.xori %or3A_1869, %add3A_1862 : vector<128x1024xi32>
      %add3A_1871 = vector.broadcast %get3A_1741 : i32 to vector<128x1024xi32>
      %add3A_1872 = arith.addi %add3A_1862, %add3A_1871 : vector<128x1024xi32>
      %add3A_1873 = arith.constant 3 : i32
      %add3A_1874 = arith.addi %get3A_1744, %add3A_1873 : i32
      %add3A_1875 = vector.broadcast %add3A_1874 : i32 to vector<128x1024xi32>
      %add3A_1876 = arith.addi %xor3A_1870, %add3A_1875 : vector<128x1024xi32>
      %add3A_1877 = arith.addi %add3A_1872, %add3A_1876 : vector<128x1024xi32>
      %shift_left3A_1878 = arith.constant 17 : i32
      %shift_left3A_1879 = vector.broadcast %shift_left3A_1878 : i32 to vector<128x1024xi32>
      %shift_left3A_1880 = arith.shli %add3A_1876, %shift_left3A_1879 : vector<128x1024xi32>
      %shift_right_logical3A_1881 = arith.constant 15 : i32
      %shift_right_logical3A_1882 = vector.broadcast %shift_right_logical3A_1881 : i32 to vector<128x1024xi32>
      %shift_right_logical3A_1883 = arith.shrui %add3A_1876, %shift_right_logical3A_1882 : vector<128x1024xi32>
      %or3A_1884 = arith.ori %shift_left3A_1880, %shift_right_logical3A_1883 : vector<128x1024xi32>
      %xor3A_1885 = arith.xori %or3A_1884, %add3A_1877 : vector<128x1024xi32>
      %add3A_1886 = arith.addi %add3A_1877, %xor3A_1885 : vector<128x1024xi32>
      %shift_left3A_1887 = arith.constant 29 : i32
      %shift_left3A_1888 = vector.broadcast %shift_left3A_1887 : i32 to vector<128x1024xi32>
      %shift_left3A_1889 = arith.shli %xor3A_1885, %shift_left3A_1888 : vector<128x1024xi32>
      %shift_right_logical3A_1890 = arith.constant 3 : i32
      %shift_right_logical3A_1891 = vector.broadcast %shift_right_logical3A_1890 : i32 to vector<128x1024xi32>
      %shift_right_logical3A_1892 = arith.shrui %xor3A_1885, %shift_right_logical3A_1891 : vector<128x1024xi32>
      %or3A_1893 = arith.ori %shift_left3A_1889, %shift_right_logical3A_1892 : vector<128x1024xi32>
      %xor3A_1894 = arith.xori %or3A_1893, %add3A_1886 : vector<128x1024xi32>
      %add3A_1895 = arith.addi %add3A_1886, %xor3A_1894 : vector<128x1024xi32>
      %shift_left3A_1896 = arith.constant 16 : i32
      %shift_left3A_1897 = vector.broadcast %shift_left3A_1896 : i32 to vector<128x1024xi32>
      %shift_left3A_1898 = arith.shli %xor3A_1894, %shift_left3A_1897 : vector<128x1024xi32>
      %shift_right_logical3A_1899 = arith.constant 16 : i32
      %shift_right_logical3A_1900 = vector.broadcast %shift_right_logical3A_1899 : i32 to vector<128x1024xi32>
      %shift_right_logical3A_1901 = arith.shrui %xor3A_1894, %shift_right_logical3A_1900 : vector<128x1024xi32>
      %or3A_1902 = arith.ori %shift_left3A_1898, %shift_right_logical3A_1901 : vector<128x1024xi32>
      %xor3A_1903 = arith.xori %or3A_1902, %add3A_1895 : vector<128x1024xi32>
      %add3A_1904 = arith.addi %add3A_1895, %xor3A_1903 : vector<128x1024xi32>
      %shift_left3A_1905 = arith.constant 24 : i32
      %shift_left3A_1906 = vector.broadcast %shift_left3A_1905 : i32 to vector<128x1024xi32>
      %shift_left3A_1907 = arith.shli %xor3A_1903, %shift_left3A_1906 : vector<128x1024xi32>
      %shift_right_logical3A_1908 = arith.constant 8 : i32
      %shift_right_logical3A_1909 = vector.broadcast %shift_right_logical3A_1908 : i32 to vector<128x1024xi32>
      %shift_right_logical3A_1910 = arith.shrui %xor3A_1903, %shift_right_logical3A_1909 : vector<128x1024xi32>
      %or3A_1911 = arith.ori %shift_left3A_1907, %shift_right_logical3A_1910 : vector<128x1024xi32>
      %xor3A_1912 = arith.xori %or3A_1911, %add3A_1904 : vector<128x1024xi32>
      %add3A_1913 = vector.broadcast %get3A_1744 : i32 to vector<128x1024xi32>
      %add3A_1914 = arith.addi %add3A_1904, %add3A_1913 : vector<128x1024xi32>
      %add3A_1915 = arith.constant 4 : i32
      %add3A_1916 = arith.addi %get3A_1747, %add3A_1915 : i32
      %add3A_1917 = vector.broadcast %add3A_1916 : i32 to vector<128x1024xi32>
      %add3A_1918 = arith.addi %xor3A_1912, %add3A_1917 : vector<128x1024xi32>
      %add3A_1919 = arith.addi %add3A_1914, %add3A_1918 : vector<128x1024xi32>
      %shift_left3A_1920 = arith.constant 13 : i32
      %shift_left3A_1921 = vector.broadcast %shift_left3A_1920 : i32 to vector<128x1024xi32>
      %shift_left3A_1922 = arith.shli %add3A_1918, %shift_left3A_1921 : vector<128x1024xi32>
      %shift_right_logical3A_1923 = arith.constant 19 : i32
      %shift_right_logical3A_1924 = vector.broadcast %shift_right_logical3A_1923 : i32 to vector<128x1024xi32>
      %shift_right_logical3A_1925 = arith.shrui %add3A_1918, %shift_right_logical3A_1924 : vector<128x1024xi32>
      %or3A_1926 = arith.ori %shift_left3A_1922, %shift_right_logical3A_1925 : vector<128x1024xi32>
      %xor3A_1927 = arith.xori %or3A_1926, %add3A_1919 : vector<128x1024xi32>
      %add3A_1928 = arith.addi %add3A_1919, %xor3A_1927 : vector<128x1024xi32>
      %shift_left3A_1929 = arith.constant 15 : i32
      %shift_left3A_1930 = vector.broadcast %shift_left3A_1929 : i32 to vector<128x1024xi32>
      %shift_left3A_1931 = arith.shli %xor3A_1927, %shift_left3A_1930 : vector<128x1024xi32>
      %shift_right_logical3A_1932 = arith.constant 17 : i32
      %shift_right_logical3A_1933 = vector.broadcast %shift_right_logical3A_1932 : i32 to vector<128x1024xi32>
      %shift_right_logical3A_1934 = arith.shrui %xor3A_1927, %shift_right_logical3A_1933 : vector<128x1024xi32>
      %or3A_1935 = arith.ori %shift_left3A_1931, %shift_right_logical3A_1934 : vector<128x1024xi32>
      %xor3A_1936 = arith.xori %or3A_1935, %add3A_1928 : vector<128x1024xi32>
      %add3A_1937 = arith.addi %add3A_1928, %xor3A_1936 : vector<128x1024xi32>
      %shift_left3A_1938 = arith.constant 26 : i32
      %shift_left3A_1939 = vector.broadcast %shift_left3A_1938 : i32 to vector<128x1024xi32>
      %shift_left3A_1940 = arith.shli %xor3A_1936, %shift_left3A_1939 : vector<128x1024xi32>
      %shift_right_logical3A_1941 = arith.constant 6 : i32
      %shift_right_logical3A_1942 = vector.broadcast %shift_right_logical3A_1941 : i32 to vector<128x1024xi32>
      %shift_right_logical3A_1943 = arith.shrui %xor3A_1936, %shift_right_logical3A_1942 : vector<128x1024xi32>
      %or3A_1944 = arith.ori %shift_left3A_1940, %shift_right_logical3A_1943 : vector<128x1024xi32>
      %xor3A_1945 = arith.xori %or3A_1944, %add3A_1937 : vector<128x1024xi32>
      %add3A_1946 = arith.addi %add3A_1937, %xor3A_1945 : vector<128x1024xi32>
      %shift_left3A_1947 = arith.constant 6 : i32
      %shift_left3A_1948 = vector.broadcast %shift_left3A_1947 : i32 to vector<128x1024xi32>
      %shift_left3A_1949 = arith.shli %xor3A_1945, %shift_left3A_1948 : vector<128x1024xi32>
      %shift_right_logical3A_1950 = arith.constant 26 : i32
      %shift_right_logical3A_1951 = vector.broadcast %shift_right_logical3A_1950 : i32 to vector<128x1024xi32>
      %shift_right_logical3A_1952 = arith.shrui %xor3A_1945, %shift_right_logical3A_1951 : vector<128x1024xi32>
      %or3A_1953 = arith.ori %shift_left3A_1949, %shift_right_logical3A_1952 : vector<128x1024xi32>
      %xor3A_1954 = arith.xori %or3A_1953, %add3A_1946 : vector<128x1024xi32>
      %add3A_1955 = vector.broadcast %get3A_1747 : i32 to vector<128x1024xi32>
      %add3A_1956 = arith.addi %add3A_1946, %add3A_1955 : vector<128x1024xi32>
      %add3A_1957 = arith.constant 5 : i32
      %add3A_1958 = arith.addi %get3A_1741, %add3A_1957 : i32
      %add3A_1959 = vector.broadcast %add3A_1958 : i32 to vector<128x1024xi32>
      %add3A_1960 = arith.addi %xor3A_1954, %add3A_1959 : vector<128x1024xi32>
      %xor3A_1961 = arith.xori %add3A_1956, %add3A_1960 : vector<128x1024xi32>
      %shift_right_logical3A_1962 = arith.constant 9 : i32
      %shift_right_logical3A_1963 = vector.broadcast %shift_right_logical3A_1962 : i32 to vector<128x1024xi32>
      %shift_right_logical3A_1964 = arith.shrui %xor3A_1961, %shift_right_logical3A_1963 : vector<128x1024xi32>
      %or3A_1965 = arith.constant 1065353216 : i32
      %or3A_1966 = vector.broadcast %or3A_1965 : i32 to vector<128x1024xi32>
      %or3A_1967 = arith.ori %shift_right_logical3A_1964, %or3A_1966 : vector<128x1024xi32>
      %bitcast_convert_type3A_1968 = tpu.bitcast %or3A_1967 : vector<128x1024xi32> -> vector<128x1024xf32>
      %sub3A_1969 = arith.constant 1.000000e+00 : f32
      %sub3A_1970 = vector.broadcast %sub3A_1969 : f32 to vector<128x1024xf32>
      %sub3A_1971 = arith.subf %bitcast_convert_type3A_1968, %sub3A_1970 : vector<128x1024xf32>
      %log3A_1972 = math.log %sub3A_1971 : vector<128x1024xf32>
      %neg3A_1973 = arith.constant 0.000000e+00 : f32
      %neg3A_1974 = vector.broadcast %neg3A_1973 : f32 to vector<128x1024xf32>
      %neg3A_1975 = arith.subf %neg3A_1974, %log3A_1972 : vector<128x1024xf32>
      %mul3A_1976 = arith.mulf %neg3A_1975, %exp3A_8 : vector<128x1024xf32>
      %argmin3A_1977 = tpu.reduce_index %mul3A_1976 {axis = 1 : i32, kind = #tpu.reduction_kind<arg_min>} : vector<128x1024xf32> -> vector<128xi32>
      %reshape3A_1978 = vector.shape_cast %argmin3A_1977 : vector<128xi32> to vector<1x128xi32>
      %swap3A_1979 = arith.index_cast %scan3A_1738 : i32 to index
      %swap3A_1980 = arith.constant 0 : index
      %swap3A_1981 = vector.load %arg5[%swap3A_1979, %swap3A_1980] : memref<1024x128xi32, #tpu.memory_space<vmem>>, vector<1x128xi32>
      tpu.vector_store %arg5[%swap3A_1979, %swap3A_1980], %reshape3A_1978 {strides = array<i32>} : memref<1024x128xi32, #tpu.memory_space<vmem>>, vector<1x128xi32>,
      %scan3A_1982 = arith.constant 8 : i32
      %scan3A_1983 = arith.addi %scan3A_31, %scan3A_1982 : i32
      %get3A_1984 = arith.index_cast %scan3A_1983 : i32 to index
      %get3A_1985 = arith.constant 0 : index
      %get3A_1986 = memref.load %arg1[%get3A_1984, %get3A_1985] : memref<1024x3xi32, #tpu.memory_space<smem>>
      %get3A_1987 = arith.index_cast %scan3A_1983 : i32 to index
      %get3A_1988 = arith.constant 1 : index
      %get3A_1989 = memref.load %arg1[%get3A_1987, %get3A_1988] : memref<1024x3xi32, #tpu.memory_space<smem>>
      %get3A_1990 = arith.index_cast %scan3A_1983 : i32 to index
      %get3A_1991 = arith.constant 2 : index
      %get3A_1992 = memref.load %arg1[%get3A_1990, %get3A_1991] : memref<1024x3xi32, #tpu.memory_space<smem>>
      %add3A_1993 = vector.broadcast %get3A_1989 : i32 to vector<128x1024xi32>
      %add3A_1994 = arith.addi %add3A_20, %add3A_1993 : vector<128x1024xi32>
      %add3A_1995 = vector.broadcast %get3A_1986 : i32 to vector<128x1024xi32>
      %add3A_1996 = arith.addi %add3A_1995, %add3A_1994 : vector<128x1024xi32>
      %shift_left3A_1997 = arith.constant 13 : i32
      %shift_left3A_1998 = vector.broadcast %shift_left3A_1997 : i32 to vector<128x1024xi32>
      %shift_left3A_1999 = arith.shli %add3A_1994, %shift_left3A_1998 : vector<128x1024xi32>
      %shift_right_logical3A_2000 = arith.constant 19 : i32
      %shift_right_logical3A_2001 = vector.broadcast %shift_right_logical3A_2000 : i32 to vector<128x1024xi32>
      %shift_right_logical3A_2002 = arith.shrui %add3A_1994, %shift_right_logical3A_2001 : vector<128x1024xi32>
      %or3A_2003 = arith.ori %shift_left3A_1999, %shift_right_logical3A_2002 : vector<128x1024xi32>
      %xor3A_2004 = arith.xori %or3A_2003, %add3A_1996 : vector<128x1024xi32>
      %add3A_2005 = arith.addi %add3A_1996, %xor3A_2004 : vector<128x1024xi32>
      %shift_left3A_2006 = arith.constant 15 : i32
      %shift_left3A_2007 = vector.broadcast %shift_left3A_2006 : i32 to vector<128x1024xi32>
      %shift_left3A_2008 = arith.shli %xor3A_2004, %shift_left3A_2007 : vector<128x1024xi32>
      %shift_right_logical3A_2009 = arith.constant 17 : i32
      %shift_right_logical3A_2010 = vector.broadcast %shift_right_logical3A_2009 : i32 to vector<128x1024xi32>
      %shift_right_logical3A_2011 = arith.shrui %xor3A_2004, %shift_right_logical3A_2010 : vector<128x1024xi32>
      %or3A_2012 = arith.ori %shift_left3A_2008, %shift_right_logical3A_2011 : vector<128x1024xi32>
      %xor3A_2013 = arith.xori %or3A_2012, %add3A_2005 : vector<128x1024xi32>
      %add3A_2014 = arith.addi %add3A_2005, %xor3A_2013 : vector<128x1024xi32>
      %shift_left3A_2015 = arith.constant 26 : i32
      %shift_left3A_2016 = vector.broadcast %shift_left3A_2015 : i32 to vector<128x1024xi32>
      %shift_left3A_2017 = arith.shli %xor3A_2013, %shift_left3A_2016 : vector<128x1024xi32>
      %shift_right_logical3A_2018 = arith.constant 6 : i32
      %shift_right_logical3A_2019 = vector.broadcast %shift_right_logical3A_2018 : i32 to vector<128x1024xi32>
      %shift_right_logical3A_2020 = arith.shrui %xor3A_2013, %shift_right_logical3A_2019 : vector<128x1024xi32>
      %or3A_2021 = arith.ori %shift_left3A_2017, %shift_right_logical3A_2020 : vector<128x1024xi32>
      %xor3A_2022 = arith.xori %or3A_2021, %add3A_2014 : vector<128x1024xi32>
      %add3A_2023 = arith.addi %add3A_2014, %xor3A_2022 : vector<128x1024xi32>
      %shift_left3A_2024 = arith.constant 6 : i32
      %shift_left3A_2025 = vector.broadcast %shift_left3A_2024 : i32 to vector<128x1024xi32>
      %shift_left3A_2026 = arith.shli %xor3A_2022, %shift_left3A_2025 : vector<128x1024xi32>
      %shift_right_logical3A_2027 = arith.constant 26 : i32
      %shift_right_logical3A_2028 = vector.broadcast %shift_right_logical3A_2027 : i32 to vector<128x1024xi32>
      %shift_right_logical3A_2029 = arith.shrui %xor3A_2022, %shift_right_logical3A_2028 : vector<128x1024xi32>
      %or3A_2030 = arith.ori %shift_left3A_2026, %shift_right_logical3A_2029 : vector<128x1024xi32>
      %xor3A_2031 = arith.xori %or3A_2030, %add3A_2023 : vector<128x1024xi32>
      %add3A_2032 = vector.broadcast %get3A_1989 : i32 to vector<128x1024xi32>
      %add3A_2033 = arith.addi %add3A_2023, %add3A_2032 : vector<128x1024xi32>
      %add3A_2034 = arith.constant 1 : i32
      %add3A_2035 = arith.addi %get3A_1992, %add3A_2034 : i32
      %add3A_2036 = vector.broadcast %add3A_2035 : i32 to vector<128x1024xi32>
      %add3A_2037 = arith.addi %xor3A_2031, %add3A_2036 : vector<128x1024xi32>
      %add3A_2038 = arith.addi %add3A_2033, %add3A_2037 : vector<128x1024xi32>
      %shift_left3A_2039 = arith.constant 17 : i32
      %shift_left3A_2040 = vector.broadcast %shift_left3A_2039 : i32 to vector<128x1024xi32>
      %shift_left3A_2041 = arith.shli %add3A_2037, %shift_left3A_2040 : vector<128x1024xi32>
      %shift_right_logical3A_2042 = arith.constant 15 : i32
      %shift_right_logical3A_2043 = vector.broadcast %shift_right_logical3A_2042 : i32 to vector<128x1024xi32>
      %shift_right_logical3A_2044 = arith.shrui %add3A_2037, %shift_right_logical3A_2043 : vector<128x1024xi32>
      %or3A_2045 = arith.ori %shift_left3A_2041, %shift_right_logical3A_2044 : vector<128x1024xi32>
      %xor3A_2046 = arith.xori %or3A_2045, %add3A_2038 : vector<128x1024xi32>
      %add3A_2047 = arith.addi %add3A_2038, %xor3A_2046 : vector<128x1024xi32>
      %shift_left3A_2048 = arith.constant 29 : i32
      %shift_left3A_2049 = vector.broadcast %shift_left3A_2048 : i32 to vector<128x1024xi32>
      %shift_left3A_2050 = arith.shli %xor3A_2046, %shift_left3A_2049 : vector<128x1024xi32>
      %shift_right_logical3A_2051 = arith.constant 3 : i32
      %shift_right_logical3A_2052 = vector.broadcast %shift_right_logical3A_2051 : i32 to vector<128x1024xi32>
      %shift_right_logical3A_2053 = arith.shrui %xor3A_2046, %shift_right_logical3A_2052 : vector<128x1024xi32>
      %or3A_2054 = arith.ori %shift_left3A_2050, %shift_right_logical3A_2053 : vector<128x1024xi32>
      %xor3A_2055 = arith.xori %or3A_2054, %add3A_2047 : vector<128x1024xi32>
      %add3A_2056 = arith.addi %add3A_2047, %xor3A_2055 : vector<128x1024xi32>
      %shift_left3A_2057 = arith.constant 16 : i32
      %shift_left3A_2058 = vector.broadcast %shift_left3A_2057 : i32 to vector<128x1024xi32>
      %shift_left3A_2059 = arith.shli %xor3A_2055, %shift_left3A_2058 : vector<128x1024xi32>
      %shift_right_logical3A_2060 = arith.constant 16 : i32
      %shift_right_logical3A_2061 = vector.broadcast %shift_right_logical3A_2060 : i32 to vector<128x1024xi32>
      %shift_right_logical3A_2062 = arith.shrui %xor3A_2055, %shift_right_logical3A_2061 : vector<128x1024xi32>
      %or3A_2063 = arith.ori %shift_left3A_2059, %shift_right_logical3A_2062 : vector<128x1024xi32>
      %xor3A_2064 = arith.xori %or3A_2063, %add3A_2056 : vector<128x1024xi32>
      %add3A_2065 = arith.addi %add3A_2056, %xor3A_2064 : vector<128x1024xi32>
      %shift_left3A_2066 = arith.constant 24 : i32
      %shift_left3A_2067 = vector.broadcast %shift_left3A_2066 : i32 to vector<128x1024xi32>
      %shift_left3A_2068 = arith.shli %xor3A_2064, %shift_left3A_2067 : vector<128x1024xi32>
      %shift_right_logical3A_2069 = arith.constant 8 : i32
      %shift_right_logical3A_2070 = vector.broadcast %shift_right_logical3A_2069 : i32 to vector<128x1024xi32>
      %shift_right_logical3A_2071 = arith.shrui %xor3A_2064, %shift_right_logical3A_2070 : vector<128x1024xi32>
      %or3A_2072 = arith.ori %shift_left3A_2068, %shift_right_logical3A_2071 : vector<128x1024xi32>
      %xor3A_2073 = arith.xori %or3A_2072, %add3A_2065 : vector<128x1024xi32>
      %add3A_2074 = vector.broadcast %get3A_1992 : i32 to vector<128x1024xi32>
      %add3A_2075 = arith.addi %add3A_2065, %add3A_2074 : vector<128x1024xi32>
      %add3A_2076 = arith.constant 2 : i32
      %add3A_2077 = arith.addi %get3A_1986, %add3A_2076 : i32
      %add3A_2078 = vector.broadcast %add3A_2077 : i32 to vector<128x1024xi32>
      %add3A_2079 = arith.addi %xor3A_2073, %add3A_2078 : vector<128x1024xi32>
      %add3A_2080 = arith.addi %add3A_2075, %add3A_2079 : vector<128x1024xi32>
      %shift_left3A_2081 = arith.constant 13 : i32
      %shift_left3A_2082 = vector.broadcast %shift_left3A_2081 : i32 to vector<128x1024xi32>
      %shift_left3A_2083 = arith.shli %add3A_2079, %shift_left3A_2082 : vector<128x1024xi32>
      %shift_right_logical3A_2084 = arith.constant 19 : i32
      %shift_right_logical3A_2085 = vector.broadcast %shift_right_logical3A_2084 : i32 to vector<128x1024xi32>
      %shift_right_logical3A_2086 = arith.shrui %add3A_2079, %shift_right_logical3A_2085 : vector<128x1024xi32>
      %or3A_2087 = arith.ori %shift_left3A_2083, %shift_right_logical3A_2086 : vector<128x1024xi32>
      %xor3A_2088 = arith.xori %or3A_2087, %add3A_2080 : vector<128x1024xi32>
      %add3A_2089 = arith.addi %add3A_2080, %xor3A_2088 : vector<128x1024xi32>
      %shift_left3A_2090 = arith.constant 15 : i32
      %shift_left3A_2091 = vector.broadcast %shift_left3A_2090 : i32 to vector<128x1024xi32>
      %shift_left3A_2092 = arith.shli %xor3A_2088, %shift_left3A_2091 : vector<128x1024xi32>
      %shift_right_logical3A_2093 = arith.constant 17 : i32
      %shift_right_logical3A_2094 = vector.broadcast %shift_right_logical3A_2093 : i32 to vector<128x1024xi32>
      %shift_right_logical3A_2095 = arith.shrui %xor3A_2088, %shift_right_logical3A_2094 : vector<128x1024xi32>
      %or3A_2096 = arith.ori %shift_left3A_2092, %shift_right_logical3A_2095 : vector<128x1024xi32>
      %xor3A_2097 = arith.xori %or3A_2096, %add3A_2089 : vector<128x1024xi32>
      %add3A_2098 = arith.addi %add3A_2089, %xor3A_2097 : vector<128x1024xi32>
      %shift_left3A_2099 = arith.constant 26 : i32
      %shift_left3A_2100 = vector.broadcast %shift_left3A_2099 : i32 to vector<128x1024xi32>
      %shift_left3A_2101 = arith.shli %xor3A_2097, %shift_left3A_2100 : vector<128x1024xi32>
      %shift_right_logical3A_2102 = arith.constant 6 : i32
      %shift_right_logical3A_2103 = vector.broadcast %shift_right_logical3A_2102 : i32 to vector<128x1024xi32>
      %shift_right_logical3A_2104 = arith.shrui %xor3A_2097, %shift_right_logical3A_2103 : vector<128x1024xi32>
      %or3A_2105 = arith.ori %shift_left3A_2101, %shift_right_logical3A_2104 : vector<128x1024xi32>
      %xor3A_2106 = arith.xori %or3A_2105, %add3A_2098 : vector<128x1024xi32>
      %add3A_2107 = arith.addi %add3A_2098, %xor3A_2106 : vector<128x1024xi32>
      %shift_left3A_2108 = arith.constant 6 : i32
      %shift_left3A_2109 = vector.broadcast %shift_left3A_2108 : i32 to vector<128x1024xi32>
      %shift_left3A_2110 = arith.shli %xor3A_2106, %shift_left3A_2109 : vector<128x1024xi32>
      %shift_right_logical3A_2111 = arith.constant 26 : i32
      %shift_right_logical3A_2112 = vector.broadcast %shift_right_logical3A_2111 : i32 to vector<128x1024xi32>
      %shift_right_logical3A_2113 = arith.shrui %xor3A_2106, %shift_right_logical3A_2112 : vector<128x1024xi32>
      %or3A_2114 = arith.ori %shift_left3A_2110, %shift_right_logical3A_2113 : vector<128x1024xi32>
      %xor3A_2115 = arith.xori %or3A_2114, %add3A_2107 : vector<128x1024xi32>
      %add3A_2116 = vector.broadcast %get3A_1986 : i32 to vector<128x1024xi32>
      %add3A_2117 = arith.addi %add3A_2107, %add3A_2116 : vector<128x1024xi32>
      %add3A_2118 = arith.constant 3 : i32
      %add3A_2119 = arith.addi %get3A_1989, %add3A_2118 : i32
      %add3A_2120 = vector.broadcast %add3A_2119 : i32 to vector<128x1024xi32>
      %add3A_2121 = arith.addi %xor3A_2115, %add3A_2120 : vector<128x1024xi32>
      %add3A_2122 = arith.addi %add3A_2117, %add3A_2121 : vector<128x1024xi32>
      %shift_left3A_2123 = arith.constant 17 : i32
      %shift_left3A_2124 = vector.broadcast %shift_left3A_2123 : i32 to vector<128x1024xi32>
      %shift_left3A_2125 = arith.shli %add3A_2121, %shift_left3A_2124 : vector<128x1024xi32>
      %shift_right_logical3A_2126 = arith.constant 15 : i32
      %shift_right_logical3A_2127 = vector.broadcast %shift_right_logical3A_2126 : i32 to vector<128x1024xi32>
      %shift_right_logical3A_2128 = arith.shrui %add3A_2121, %shift_right_logical3A_2127 : vector<128x1024xi32>
      %or3A_2129 = arith.ori %shift_left3A_2125, %shift_right_logical3A_2128 : vector<128x1024xi32>
      %xor3A_2130 = arith.xori %or3A_2129, %add3A_2122 : vector<128x1024xi32>
      %add3A_2131 = arith.addi %add3A_2122, %xor3A_2130 : vector<128x1024xi32>
      %shift_left3A_2132 = arith.constant 29 : i32
      %shift_left3A_2133 = vector.broadcast %shift_left3A_2132 : i32 to vector<128x1024xi32>
      %shift_left3A_2134 = arith.shli %xor3A_2130, %shift_left3A_2133 : vector<128x1024xi32>
      %shift_right_logical3A_2135 = arith.constant 3 : i32
      %shift_right_logical3A_2136 = vector.broadcast %shift_right_logical3A_2135 : i32 to vector<128x1024xi32>
      %shift_right_logical3A_2137 = arith.shrui %xor3A_2130, %shift_right_logical3A_2136 : vector<128x1024xi32>
      %or3A_2138 = arith.ori %shift_left3A_2134, %shift_right_logical3A_2137 : vector<128x1024xi32>
      %xor3A_2139 = arith.xori %or3A_2138, %add3A_2131 : vector<128x1024xi32>
      %add3A_2140 = arith.addi %add3A_2131, %xor3A_2139 : vector<128x1024xi32>
      %shift_left3A_2141 = arith.constant 16 : i32
      %shift_left3A_2142 = vector.broadcast %shift_left3A_2141 : i32 to vector<128x1024xi32>
      %shift_left3A_2143 = arith.shli %xor3A_2139, %shift_left3A_2142 : vector<128x1024xi32>
      %shift_right_logical3A_2144 = arith.constant 16 : i32
      %shift_right_logical3A_2145 = vector.broadcast %shift_right_logical3A_2144 : i32 to vector<128x1024xi32>
      %shift_right_logical3A_2146 = arith.shrui %xor3A_2139, %shift_right_logical3A_2145 : vector<128x1024xi32>
      %or3A_2147 = arith.ori %shift_left3A_2143, %shift_right_logical3A_2146 : vector<128x1024xi32>
      %xor3A_2148 = arith.xori %or3A_2147, %add3A_2140 : vector<128x1024xi32>
      %add3A_2149 = arith.addi %add3A_2140, %xor3A_2148 : vector<128x1024xi32>
      %shift_left3A_2150 = arith.constant 24 : i32
      %shift_left3A_2151 = vector.broadcast %shift_left3A_2150 : i32 to vector<128x1024xi32>
      %shift_left3A_2152 = arith.shli %xor3A_2148, %shift_left3A_2151 : vector<128x1024xi32>
      %shift_right_logical3A_2153 = arith.constant 8 : i32
      %shift_right_logical3A_2154 = vector.broadcast %shift_right_logical3A_2153 : i32 to vector<128x1024xi32>
      %shift_right_logical3A_2155 = arith.shrui %xor3A_2148, %shift_right_logical3A_2154 : vector<128x1024xi32>
      %or3A_2156 = arith.ori %shift_left3A_2152, %shift_right_logical3A_2155 : vector<128x1024xi32>
      %xor3A_2157 = arith.xori %or3A_2156, %add3A_2149 : vector<128x1024xi32>
      %add3A_2158 = vector.broadcast %get3A_1989 : i32 to vector<128x1024xi32>
      %add3A_2159 = arith.addi %add3A_2149, %add3A_2158 : vector<128x1024xi32>
      %add3A_2160 = arith.constant 4 : i32
      %add3A_2161 = arith.addi %get3A_1992, %add3A_2160 : i32
      %add3A_2162 = vector.broadcast %add3A_2161 : i32 to vector<128x1024xi32>
      %add3A_2163 = arith.addi %xor3A_2157, %add3A_2162 : vector<128x1024xi32>
      %add3A_2164 = arith.addi %add3A_2159, %add3A_2163 : vector<128x1024xi32>
      %shift_left3A_2165 = arith.constant 13 : i32
      %shift_left3A_2166 = vector.broadcast %shift_left3A_2165 : i32 to vector<128x1024xi32>
      %shift_left3A_2167 = arith.shli %add3A_2163, %shift_left3A_2166 : vector<128x1024xi32>
      %shift_right_logical3A_2168 = arith.constant 19 : i32
      %shift_right_logical3A_2169 = vector.broadcast %shift_right_logical3A_2168 : i32 to vector<128x1024xi32>
      %shift_right_logical3A_2170 = arith.shrui %add3A_2163, %shift_right_logical3A_2169 : vector<128x1024xi32>
      %or3A_2171 = arith.ori %shift_left3A_2167, %shift_right_logical3A_2170 : vector<128x1024xi32>
      %xor3A_2172 = arith.xori %or3A_2171, %add3A_2164 : vector<128x1024xi32>
      %add3A_2173 = arith.addi %add3A_2164, %xor3A_2172 : vector<128x1024xi32>
      %shift_left3A_2174 = arith.constant 15 : i32
      %shift_left3A_2175 = vector.broadcast %shift_left3A_2174 : i32 to vector<128x1024xi32>
      %shift_left3A_2176 = arith.shli %xor3A_2172, %shift_left3A_2175 : vector<128x1024xi32>
      %shift_right_logical3A_2177 = arith.constant 17 : i32
      %shift_right_logical3A_2178 = vector.broadcast %shift_right_logical3A_2177 : i32 to vector<128x1024xi32>
      %shift_right_logical3A_2179 = arith.shrui %xor3A_2172, %shift_right_logical3A_2178 : vector<128x1024xi32>
      %or3A_2180 = arith.ori %shift_left3A_2176, %shift_right_logical3A_2179 : vector<128x1024xi32>
      %xor3A_2181 = arith.xori %or3A_2180, %add3A_2173 : vector<128x1024xi32>
      %add3A_2182 = arith.addi %add3A_2173, %xor3A_2181 : vector<128x1024xi32>
      %shift_left3A_2183 = arith.constant 26 : i32
      %shift_left3A_2184 = vector.broadcast %shift_left3A_2183 : i32 to vector<128x1024xi32>
      %shift_left3A_2185 = arith.shli %xor3A_2181, %shift_left3A_2184 : vector<128x1024xi32>
      %shift_right_logical3A_2186 = arith.constant 6 : i32
      %shift_right_logical3A_2187 = vector.broadcast %shift_right_logical3A_2186 : i32 to vector<128x1024xi32>
      %shift_right_logical3A_2188 = arith.shrui %xor3A_2181, %shift_right_logical3A_2187 : vector<128x1024xi32>
      %or3A_2189 = arith.ori %shift_left3A_2185, %shift_right_logical3A_2188 : vector<128x1024xi32>
      %xor3A_2190 = arith.xori %or3A_2189, %add3A_2182 : vector<128x1024xi32>
      %add3A_2191 = arith.addi %add3A_2182, %xor3A_2190 : vector<128x1024xi32>
      %shift_left3A_2192 = arith.constant 6 : i32
      %shift_left3A_2193 = vector.broadcast %shift_left3A_2192 : i32 to vector<128x1024xi32>
      %shift_left3A_2194 = arith.shli %xor3A_2190, %shift_left3A_2193 : vector<128x1024xi32>
      %shift_right_logical3A_2195 = arith.constant 26 : i32
      %shift_right_logical3A_2196 = vector.broadcast %shift_right_logical3A_2195 : i32 to vector<128x1024xi32>
      %shift_right_logical3A_2197 = arith.shrui %xor3A_2190, %shift_right_logical3A_2196 : vector<128x1024xi32>
      %or3A_2198 = arith.ori %shift_left3A_2194, %shift_right_logical3A_2197 : vector<128x1024xi32>
      %xor3A_2199 = arith.xori %or3A_2198, %add3A_2191 : vector<128x1024xi32>
      %add3A_2200 = vector.broadcast %get3A_1992 : i32 to vector<128x1024xi32>
      %add3A_2201 = arith.addi %add3A_2191, %add3A_2200 : vector<128x1024xi32>
      %add3A_2202 = arith.constant 5 : i32
      %add3A_2203 = arith.addi %get3A_1986, %add3A_2202 : i32
      %add3A_2204 = vector.broadcast %add3A_2203 : i32 to vector<128x1024xi32>
      %add3A_2205 = arith.addi %xor3A_2199, %add3A_2204 : vector<128x1024xi32>
      %xor3A_2206 = arith.xori %add3A_2201, %add3A_2205 : vector<128x1024xi32>
      %shift_right_logical3A_2207 = arith.constant 9 : i32
      %shift_right_logical3A_2208 = vector.broadcast %shift_right_logical3A_2207 : i32 to vector<128x1024xi32>
      %shift_right_logical3A_2209 = arith.shrui %xor3A_2206, %shift_right_logical3A_2208 : vector<128x1024xi32>
      %or3A_2210 = arith.constant 1065353216 : i32
      %or3A_2211 = vector.broadcast %or3A_2210 : i32 to vector<128x1024xi32>
      %or3A_2212 = arith.ori %shift_right_logical3A_2209, %or3A_2211 : vector<128x1024xi32>
      %bitcast_convert_type3A_2213 = tpu.bitcast %or3A_2212 : vector<128x1024xi32> -> vector<128x1024xf32>
      %sub3A_2214 = arith.constant 1.000000e+00 : f32
      %sub3A_2215 = vector.broadcast %sub3A_2214 : f32 to vector<128x1024xf32>
      %sub3A_2216 = arith.subf %bitcast_convert_type3A_2213, %sub3A_2215 : vector<128x1024xf32>
      %log3A_2217 = math.log %sub3A_2216 : vector<128x1024xf32>
      %neg3A_2218 = arith.constant 0.000000e+00 : f32
      %neg3A_2219 = vector.broadcast %neg3A_2218 : f32 to vector<128x1024xf32>
      %neg3A_2220 = arith.subf %neg3A_2219, %log3A_2217 : vector<128x1024xf32>
      %mul3A_2221 = arith.mulf %neg3A_2220, %exp3A_8 : vector<128x1024xf32>
      %argmin3A_2222 = tpu.reduce_index %mul3A_2221 {axis = 1 : i32, kind = #tpu.reduction_kind<arg_min>} : vector<128x1024xf32> -> vector<128xi32>
      %reshape3A_2223 = vector.shape_cast %argmin3A_2222 : vector<128xi32> to vector<1x128xi32>
      %swap3A_2224 = arith.index_cast %scan3A_1983 : i32 to index
      %swap3A_2225 = arith.constant 0 : index
      %swap3A_2226 = vector.load %arg5[%swap3A_2224, %swap3A_2225] : memref<1024x128xi32, #tpu.memory_space<vmem>>, vector<1x128xi32>
      tpu.vector_store %arg5[%swap3A_2224, %swap3A_2225], %reshape3A_2223 {strides = array<i32>} : memref<1024x128xi32, #tpu.memory_space<vmem>>, vector<1x128xi32>,
      %scan3A_2227 = arith.constant 9 : i32
      %scan3A_2228 = arith.addi %scan3A_31, %scan3A_2227 : i32
      %get3A_2229 = arith.index_cast %scan3A_2228 : i32 to index
      %get3A_2230 = arith.constant 0 : index
      %get3A_2231 = memref.load %arg1[%get3A_2229, %get3A_2230] : memref<1024x3xi32, #tpu.memory_space<smem>>
      %get3A_2232 = arith.index_cast %scan3A_2228 : i32 to index
      %get3A_2233 = arith.constant 1 : index
      %get3A_2234 = memref.load %arg1[%get3A_2232, %get3A_2233] : memref<1024x3xi32, #tpu.memory_space<smem>>
      %get3A_2235 = arith.index_cast %scan3A_2228 : i32 to index
      %get3A_2236 = arith.constant 2 : index
      %get3A_2237 = memref.load %arg1[%get3A_2235, %get3A_2236] : memref<1024x3xi32, #tpu.memory_space<smem>>
      %add3A_2238 = vector.broadcast %get3A_2234 : i32 to vector<128x1024xi32>
      %add3A_2239 = arith.addi %add3A_20, %add3A_2238 : vector<128x1024xi32>
      %add3A_2240 = vector.broadcast %get3A_2231 : i32 to vector<128x1024xi32>
      %add3A_2241 = arith.addi %add3A_2240, %add3A_2239 : vector<128x1024xi32>
      %shift_left3A_2242 = arith.constant 13 : i32
      %shift_left3A_2243 = vector.broadcast %shift_left3A_2242 : i32 to vector<128x1024xi32>
      %shift_left3A_2244 = arith.shli %add3A_2239, %shift_left3A_2243 : vector<128x1024xi32>
      %shift_right_logical3A_2245 = arith.constant 19 : i32
      %shift_right_logical3A_2246 = vector.broadcast %shift_right_logical3A_2245 : i32 to vector<128x1024xi32>
      %shift_right_logical3A_2247 = arith.shrui %add3A_2239, %shift_right_logical3A_2246 : vector<128x1024xi32>
      %or3A_2248 = arith.ori %shift_left3A_2244, %shift_right_logical3A_2247 : vector<128x1024xi32>
      %xor3A_2249 = arith.xori %or3A_2248, %add3A_2241 : vector<128x1024xi32>
      %add3A_2250 = arith.addi %add3A_2241, %xor3A_2249 : vector<128x1024xi32>
      %shift_left3A_2251 = arith.constant 15 : i32
      %shift_left3A_2252 = vector.broadcast %shift_left3A_2251 : i32 to vector<128x1024xi32>
      %shift_left3A_2253 = arith.shli %xor3A_2249, %shift_left3A_2252 : vector<128x1024xi32>
      %shift_right_logical3A_2254 = arith.constant 17 : i32
      %shift_right_logical3A_2255 = vector.broadcast %shift_right_logical3A_2254 : i32 to vector<128x1024xi32>
      %shift_right_logical3A_2256 = arith.shrui %xor3A_2249, %shift_right_logical3A_2255 : vector<128x1024xi32>
      %or3A_2257 = arith.ori %shift_left3A_2253, %shift_right_logical3A_2256 : vector<128x1024xi32>
      %xor3A_2258 = arith.xori %or3A_2257, %add3A_2250 : vector<128x1024xi32>
      %add3A_2259 = arith.addi %add3A_2250, %xor3A_2258 : vector<128x1024xi32>
      %shift_left3A_2260 = arith.constant 26 : i32
      %shift_left3A_2261 = vector.broadcast %shift_left3A_2260 : i32 to vector<128x1024xi32>
      %shift_left3A_2262 = arith.shli %xor3A_2258, %shift_left3A_2261 : vector<128x1024xi32>
      %shift_right_logical3A_2263 = arith.constant 6 : i32
      %shift_right_logical3A_2264 = vector.broadcast %shift_right_logical3A_2263 : i32 to vector<128x1024xi32>
      %shift_right_logical3A_2265 = arith.shrui %xor3A_2258, %shift_right_logical3A_2264 : vector<128x1024xi32>
      %or3A_2266 = arith.ori %shift_left3A_2262, %shift_right_logical3A_2265 : vector<128x1024xi32>
      %xor3A_2267 = arith.xori %or3A_2266, %add3A_2259 : vector<128x1024xi32>
      %add3A_2268 = arith.addi %add3A_2259, %xor3A_2267 : vector<128x1024xi32>
      %shift_left3A_2269 = arith.constant 6 : i32
      %shift_left3A_2270 = vector.broadcast %shift_left3A_2269 : i32 to vector<128x1024xi32>
      %shift_left3A_2271 = arith.shli %xor3A_2267, %shift_left3A_2270 : vector<128x1024xi32>
      %shift_right_logical3A_2272 = arith.constant 26 : i32
      %shift_right_logical3A_2273 = vector.broadcast %shift_right_logical3A_2272 : i32 to vector<128x1024xi32>
      %shift_right_logical3A_2274 = arith.shrui %xor3A_2267, %shift_right_logical3A_2273 : vector<128x1024xi32>
      %or3A_2275 = arith.ori %shift_left3A_2271, %shift_right_logical3A_2274 : vector<128x1024xi32>
      %xor3A_2276 = arith.xori %or3A_2275, %add3A_2268 : vector<128x1024xi32>
      %add3A_2277 = vector.broadcast %get3A_2234 : i32 to vector<128x1024xi32>
      %add3A_2278 = arith.addi %add3A_2268, %add3A_2277 : vector<128x1024xi32>
      %add3A_2279 = arith.constant 1 : i32
      %add3A_2280 = arith.addi %get3A_2237, %add3A_2279 : i32
      %add3A_2281 = vector.broadcast %add3A_2280 : i32 to vector<128x1024xi32>
      %add3A_2282 = arith.addi %xor3A_2276, %add3A_2281 : vector<128x1024xi32>
      %add3A_2283 = arith.addi %add3A_2278, %add3A_2282 : vector<128x1024xi32>
      %shift_left3A_2284 = arith.constant 17 : i32
      %shift_left3A_2285 = vector.broadcast %shift_left3A_2284 : i32 to vector<128x1024xi32>
      %shift_left3A_2286 = arith.shli %add3A_2282, %shift_left3A_2285 : vector<128x1024xi32>
      %shift_right_logical3A_2287 = arith.constant 15 : i32
      %shift_right_logical3A_2288 = vector.broadcast %shift_right_logical3A_2287 : i32 to vector<128x1024xi32>
      %shift_right_logical3A_2289 = arith.shrui %add3A_2282, %shift_right_logical3A_2288 : vector<128x1024xi32>
      %or3A_2290 = arith.ori %shift_left3A_2286, %shift_right_logical3A_2289 : vector<128x1024xi32>
      %xor3A_2291 = arith.xori %or3A_2290, %add3A_2283 : vector<128x1024xi32>
      %add3A_2292 = arith.addi %add3A_2283, %xor3A_2291 : vector<128x1024xi32>
      %shift_left3A_2293 = arith.constant 29 : i32
      %shift_left3A_2294 = vector.broadcast %shift_left3A_2293 : i32 to vector<128x1024xi32>
      %shift_left3A_2295 = arith.shli %xor3A_2291, %shift_left3A_2294 : vector<128x1024xi32>
      %shift_right_logical3A_2296 = arith.constant 3 : i32
      %shift_right_logical3A_2297 = vector.broadcast %shift_right_logical3A_2296 : i32 to vector<128x1024xi32>
      %shift_right_logical3A_2298 = arith.shrui %xor3A_2291, %shift_right_logical3A_2297 : vector<128x1024xi32>
      %or3A_2299 = arith.ori %shift_left3A_2295, %shift_right_logical3A_2298 : vector<128x1024xi32>
      %xor3A_2300 = arith.xori %or3A_2299, %add3A_2292 : vector<128x1024xi32>
      %add3A_2301 = arith.addi %add3A_2292, %xor3A_2300 : vector<128x1024xi32>
      %shift_left3A_2302 = arith.constant 16 : i32
      %shift_left3A_2303 = vector.broadcast %shift_left3A_2302 : i32 to vector<128x1024xi32>
      %shift_left3A_2304 = arith.shli %xor3A_2300, %shift_left3A_2303 : vector<128x1024xi32>
      %shift_right_logical3A_2305 = arith.constant 16 : i32
      %shift_right_logical3A_2306 = vector.broadcast %shift_right_logical3A_2305 : i32 to vector<128x1024xi32>
      %shift_right_logical3A_2307 = arith.shrui %xor3A_2300, %shift_right_logical3A_2306 : vector<128x1024xi32>
      %or3A_2308 = arith.ori %shift_left3A_2304, %shift_right_logical3A_2307 : vector<128x1024xi32>
      %xor3A_2309 = arith.xori %or3A_2308, %add3A_2301 : vector<128x1024xi32>
      %add3A_2310 = arith.addi %add3A_2301, %xor3A_2309 : vector<128x1024xi32>
      %shift_left3A_2311 = arith.constant 24 : i32
      %shift_left3A_2312 = vector.broadcast %shift_left3A_2311 : i32 to vector<128x1024xi32>
      %shift_left3A_2313 = arith.shli %xor3A_2309, %shift_left3A_2312 : vector<128x1024xi32>
      %shift_right_logical3A_2314 = arith.constant 8 : i32
      %shift_right_logical3A_2315 = vector.broadcast %shift_right_logical3A_2314 : i32 to vector<128x1024xi32>
      %shift_right_logical3A_2316 = arith.shrui %xor3A_2309, %shift_right_logical3A_2315 : vector<128x1024xi32>
      %or3A_2317 = arith.ori %shift_left3A_2313, %shift_right_logical3A_2316 : vector<128x1024xi32>
      %xor3A_2318 = arith.xori %or3A_2317, %add3A_2310 : vector<128x1024xi32>
      %add3A_2319 = vector.broadcast %get3A_2237 : i32 to vector<128x1024xi32>
      %add3A_2320 = arith.addi %add3A_2310, %add3A_2319 : vector<128x1024xi32>
      %add3A_2321 = arith.constant 2 : i32
      %add3A_2322 = arith.addi %get3A_2231, %add3A_2321 : i32
      %add3A_2323 = vector.broadcast %add3A_2322 : i32 to vector<128x1024xi32>
      %add3A_2324 = arith.addi %xor3A_2318, %add3A_2323 : vector<128x1024xi32>
      %add3A_2325 = arith.addi %add3A_2320, %add3A_2324 : vector<128x1024xi32>
      %shift_left3A_2326 = arith.constant 13 : i32
      %shift_left3A_2327 = vector.broadcast %shift_left3A_2326 : i32 to vector<128x1024xi32>
      %shift_left3A_2328 = arith.shli %add3A_2324, %shift_left3A_2327 : vector<128x1024xi32>
      %shift_right_logical3A_2329 = arith.constant 19 : i32
      %shift_right_logical3A_2330 = vector.broadcast %shift_right_logical3A_2329 : i32 to vector<128x1024xi32>
      %shift_right_logical3A_2331 = arith.shrui %add3A_2324, %shift_right_logical3A_2330 : vector<128x1024xi32>
      %or3A_2332 = arith.ori %shift_left3A_2328, %shift_right_logical3A_2331 : vector<128x1024xi32>
      %xor3A_2333 = arith.xori %or3A_2332, %add3A_2325 : vector<128x1024xi32>
      %add3A_2334 = arith.addi %add3A_2325, %xor3A_2333 : vector<128x1024xi32>
      %shift_left3A_2335 = arith.constant 15 : i32
      %shift_left3A_2336 = vector.broadcast %shift_left3A_2335 : i32 to vector<128x1024xi32>
      %shift_left3A_2337 = arith.shli %xor3A_2333, %shift_left3A_2336 : vector<128x1024xi32>
      %shift_right_logical3A_2338 = arith.constant 17 : i32
      %shift_right_logical3A_2339 = vector.broadcast %shift_right_logical3A_2338 : i32 to vector<128x1024xi32>
      %shift_right_logical3A_2340 = arith.shrui %xor3A_2333, %shift_right_logical3A_2339 : vector<128x1024xi32>
      %or3A_2341 = arith.ori %shift_left3A_2337, %shift_right_logical3A_2340 : vector<128x1024xi32>
      %xor3A_2342 = arith.xori %or3A_2341, %add3A_2334 : vector<128x1024xi32>
      %add3A_2343 = arith.addi %add3A_2334, %xor3A_2342 : vector<128x1024xi32>
      %shift_left3A_2344 = arith.constant 26 : i32
      %shift_left3A_2345 = vector.broadcast %shift_left3A_2344 : i32 to vector<128x1024xi32>
      %shift_left3A_2346 = arith.shli %xor3A_2342, %shift_left3A_2345 : vector<128x1024xi32>
      %shift_right_logical3A_2347 = arith.constant 6 : i32
      %shift_right_logical3A_2348 = vector.broadcast %shift_right_logical3A_2347 : i32 to vector<128x1024xi32>
      %shift_right_logical3A_2349 = arith.shrui %xor3A_2342, %shift_right_logical3A_2348 : vector<128x1024xi32>
      %or3A_2350 = arith.ori %shift_left3A_2346, %shift_right_logical3A_2349 : vector<128x1024xi32>
      %xor3A_2351 = arith.xori %or3A_2350, %add3A_2343 : vector<128x1024xi32>
      %add3A_2352 = arith.addi %add3A_2343, %xor3A_2351 : vector<128x1024xi32>
      %shift_left3A_2353 = arith.constant 6 : i32
      %shift_left3A_2354 = vector.broadcast %shift_left3A_2353 : i32 to vector<128x1024xi32>
      %shift_left3A_2355 = arith.shli %xor3A_2351, %shift_left3A_2354 : vector<128x1024xi32>
      %shift_right_logical3A_2356 = arith.constant 26 : i32
      %shift_right_logical3A_2357 = vector.broadcast %shift_right_logical3A_2356 : i32 to vector<128x1024xi32>
      %shift_right_logical3A_2358 = arith.shrui %xor3A_2351, %shift_right_logical3A_2357 : vector<128x1024xi32>
      %or3A_2359 = arith.ori %shift_left3A_2355, %shift_right_logical3A_2358 : vector<128x1024xi32>
      %xor3A_2360 = arith.xori %or3A_2359, %add3A_2352 : vector<128x1024xi32>
      %add3A_2361 = vector.broadcast %get3A_2231 : i32 to vector<128x1024xi32>
      %add3A_2362 = arith.addi %add3A_2352, %add3A_2361 : vector<128x1024xi32>
      %add3A_2363 = arith.constant 3 : i32
      %add3A_2364 = arith.addi %get3A_2234, %add3A_2363 : i32
      %add3A_2365 = vector.broadcast %add3A_2364 : i32 to vector<128x1024xi32>
      %add3A_2366 = arith.addi %xor3A_2360, %add3A_2365 : vector<128x1024xi32>
      %add3A_2367 = arith.addi %add3A_2362, %add3A_2366 : vector<128x1024xi32>
      %shift_left3A_2368 = arith.constant 17 : i32
      %shift_left3A_2369 = vector.broadcast %shift_left3A_2368 : i32 to vector<128x1024xi32>
      %shift_left3A_2370 = arith.shli %add3A_2366, %shift_left3A_2369 : vector<128x1024xi32>
      %shift_right_logical3A_2371 = arith.constant 15 : i32
      %shift_right_logical3A_2372 = vector.broadcast %shift_right_logical3A_2371 : i32 to vector<128x1024xi32>
      %shift_right_logical3A_2373 = arith.shrui %add3A_2366, %shift_right_logical3A_2372 : vector<128x1024xi32>
      %or3A_2374 = arith.ori %shift_left3A_2370, %shift_right_logical3A_2373 : vector<128x1024xi32>
      %xor3A_2375 = arith.xori %or3A_2374, %add3A_2367 : vector<128x1024xi32>
      %add3A_2376 = arith.addi %add3A_2367, %xor3A_2375 : vector<128x1024xi32>
      %shift_left3A_2377 = arith.constant 29 : i32
      %shift_left3A_2378 = vector.broadcast %shift_left3A_2377 : i32 to vector<128x1024xi32>
      %shift_left3A_2379 = arith.shli %xor3A_2375, %shift_left3A_2378 : vector<128x1024xi32>
      %shift_right_logical3A_2380 = arith.constant 3 : i32
      %shift_right_logical3A_2381 = vector.broadcast %shift_right_logical3A_2380 : i32 to vector<128x1024xi32>
      %shift_right_logical3A_2382 = arith.shrui %xor3A_2375, %shift_right_logical3A_2381 : vector<128x1024xi32>
      %or3A_2383 = arith.ori %shift_left3A_2379, %shift_right_logical3A_2382 : vector<128x1024xi32>
      %xor3A_2384 = arith.xori %or3A_2383, %add3A_2376 : vector<128x1024xi32>
      %add3A_2385 = arith.addi %add3A_2376, %xor3A_2384 : vector<128x1024xi32>
      %shift_left3A_2386 = arith.constant 16 : i32
      %shift_left3A_2387 = vector.broadcast %shift_left3A_2386 : i32 to vector<128x1024xi32>
      %shift_left3A_2388 = arith.shli %xor3A_2384, %shift_left3A_2387 : vector<128x1024xi32>
      %shift_right_logical3A_2389 = arith.constant 16 : i32
      %shift_right_logical3A_2390 = vector.broadcast %shift_right_logical3A_2389 : i32 to vector<128x1024xi32>
      %shift_right_logical3A_2391 = arith.shrui %xor3A_2384, %shift_right_logical3A_2390 : vector<128x1024xi32>
      %or3A_2392 = arith.ori %shift_left3A_2388, %shift_right_logical3A_2391 : vector<128x1024xi32>
      %xor3A_2393 = arith.xori %or3A_2392, %add3A_2385 : vector<128x1024xi32>
      %add3A_2394 = arith.addi %add3A_2385, %xor3A_2393 : vector<128x1024xi32>
      %shift_left3A_2395 = arith.constant 24 : i32
      %shift_left3A_2396 = vector.broadcast %shift_left3A_2395 : i32 to vector<128x1024xi32>
      %shift_left3A_2397 = arith.shli %xor3A_2393, %shift_left3A_2396 : vector<128x1024xi32>
      %shift_right_logical3A_2398 = arith.constant 8 : i32
      %shift_right_logical3A_2399 = vector.broadcast %shift_right_logical3A_2398 : i32 to vector<128x1024xi32>
      %shift_right_logical3A_2400 = arith.shrui %xor3A_2393, %shift_right_logical3A_2399 : vector<128x1024xi32>
      %or3A_2401 = arith.ori %shift_left3A_2397, %shift_right_logical3A_2400 : vector<128x1024xi32>
      %xor3A_2402 = arith.xori %or3A_2401, %add3A_2394 : vector<128x1024xi32>
      %add3A_2403 = vector.broadcast %get3A_2234 : i32 to vector<128x1024xi32>
      %add3A_2404 = arith.addi %add3A_2394, %add3A_2403 : vector<128x1024xi32>
      %add3A_2405 = arith.constant 4 : i32
      %add3A_2406 = arith.addi %get3A_2237, %add3A_2405 : i32
      %add3A_2407 = vector.broadcast %add3A_2406 : i32 to vector<128x1024xi32>
      %add3A_2408 = arith.addi %xor3A_2402, %add3A_2407 : vector<128x1024xi32>
      %add3A_2409 = arith.addi %add3A_2404, %add3A_2408 : vector<128x1024xi32>
      %shift_left3A_2410 = arith.constant 13 : i32
      %shift_left3A_2411 = vector.broadcast %shift_left3A_2410 : i32 to vector<128x1024xi32>
      %shift_left3A_2412 = arith.shli %add3A_2408, %shift_left3A_2411 : vector<128x1024xi32>
      %shift_right_logical3A_2413 = arith.constant 19 : i32
      %shift_right_logical3A_2414 = vector.broadcast %shift_right_logical3A_2413 : i32 to vector<128x1024xi32>
      %shift_right_logical3A_2415 = arith.shrui %add3A_2408, %shift_right_logical3A_2414 : vector<128x1024xi32>
      %or3A_2416 = arith.ori %shift_left3A_2412, %shift_right_logical3A_2415 : vector<128x1024xi32>
      %xor3A_2417 = arith.xori %or3A_2416, %add3A_2409 : vector<128x1024xi32>
      %add3A_2418 = arith.addi %add3A_2409, %xor3A_2417 : vector<128x1024xi32>
      %shift_left3A_2419 = arith.constant 15 : i32
      %shift_left3A_2420 = vector.broadcast %shift_left3A_2419 : i32 to vector<128x1024xi32>
      %shift_left3A_2421 = arith.shli %xor3A_2417, %shift_left3A_2420 : vector<128x1024xi32>
      %shift_right_logical3A_2422 = arith.constant 17 : i32
      %shift_right_logical3A_2423 = vector.broadcast %shift_right_logical3A_2422 : i32 to vector<128x1024xi32>
      %shift_right_logical3A_2424 = arith.shrui %xor3A_2417, %shift_right_logical3A_2423 : vector<128x1024xi32>
      %or3A_2425 = arith.ori %shift_left3A_2421, %shift_right_logical3A_2424 : vector<128x1024xi32>
      %xor3A_2426 = arith.xori %or3A_2425, %add3A_2418 : vector<128x1024xi32>
      %add3A_2427 = arith.addi %add3A_2418, %xor3A_2426 : vector<128x1024xi32>
      %shift_left3A_2428 = arith.constant 26 : i32
      %shift_left3A_2429 = vector.broadcast %shift_left3A_2428 : i32 to vector<128x1024xi32>
      %shift_left3A_2430 = arith.shli %xor3A_2426, %shift_left3A_2429 : vector<128x1024xi32>
      %shift_right_logical3A_2431 = arith.constant 6 : i32
      %shift_right_logical3A_2432 = vector.broadcast %shift_right_logical3A_2431 : i32 to vector<128x1024xi32>
      %shift_right_logical3A_2433 = arith.shrui %xor3A_2426, %shift_right_logical3A_2432 : vector<128x1024xi32>
      %or3A_2434 = arith.ori %shift_left3A_2430, %shift_right_logical3A_2433 : vector<128x1024xi32>
      %xor3A_2435 = arith.xori %or3A_2434, %add3A_2427 : vector<128x1024xi32>
      %add3A_2436 = arith.addi %add3A_2427, %xor3A_2435 : vector<128x1024xi32>
      %shift_left3A_2437 = arith.constant 6 : i32
      %shift_left3A_2438 = vector.broadcast %shift_left3A_2437 : i32 to vector<128x1024xi32>
      %shift_left3A_2439 = arith.shli %xor3A_2435, %shift_left3A_2438 : vector<128x1024xi32>
      %shift_right_logical3A_2440 = arith.constant 26 : i32
      %shift_right_logical3A_2441 = vector.broadcast %shift_right_logical3A_2440 : i32 to vector<128x1024xi32>
      %shift_right_logical3A_2442 = arith.shrui %xor3A_2435, %shift_right_logical3A_2441 : vector<128x1024xi32>
      %or3A_2443 = arith.ori %shift_left3A_2439, %shift_right_logical3A_2442 : vector<128x1024xi32>
      %xor3A_2444 = arith.xori %or3A_2443, %add3A_2436 : vector<128x1024xi32>
      %add3A_2445 = vector.broadcast %get3A_2237 : i32 to vector<128x1024xi32>
      %add3A_2446 = arith.addi %add3A_2436, %add3A_2445 : vector<128x1024xi32>
      %add3A_2447 = arith.constant 5 : i32
      %add3A_2448 = arith.addi %get3A_2231, %add3A_2447 : i32
      %add3A_2449 = vector.broadcast %add3A_2448 : i32 to vector<128x1024xi32>
      %add3A_2450 = arith.addi %xor3A_2444, %add3A_2449 : vector<128x1024xi32>
      %xor3A_2451 = arith.xori %add3A_2446, %add3A_2450 : vector<128x1024xi32>
      %shift_right_logical3A_2452 = arith.constant 9 : i32
      %shift_right_logical3A_2453 = vector.broadcast %shift_right_logical3A_2452 : i32 to vector<128x1024xi32>
      %shift_right_logical3A_2454 = arith.shrui %xor3A_2451, %shift_right_logical3A_2453 : vector<128x1024xi32>
      %or3A_2455 = arith.constant 1065353216 : i32
      %or3A_2456 = vector.broadcast %or3A_2455 : i32 to vector<128x1024xi32>
      %or3A_2457 = arith.ori %shift_right_logical3A_2454, %or3A_2456 : vector<128x1024xi32>
      %bitcast_convert_type3A_2458 = tpu.bitcast %or3A_2457 : vector<128x1024xi32> -> vector<128x1024xf32>
      %sub3A_2459 = arith.constant 1.000000e+00 : f32
      %sub3A_2460 = vector.broadcast %sub3A_2459 : f32 to vector<128x1024xf32>
      %sub3A_2461 = arith.subf %bitcast_convert_type3A_2458, %sub3A_2460 : vector<128x1024xf32>
      %log3A_2462 = math.log %sub3A_2461 : vector<128x1024xf32>
      %neg3A_2463 = arith.constant 0.000000e+00 : f32
      %neg3A_2464 = vector.broadcast %neg3A_2463 : f32 to vector<128x1024xf32>
      %neg3A_2465 = arith.subf %neg3A_2464, %log3A_2462 : vector<128x1024xf32>
      %mul3A_2466 = arith.mulf %neg3A_2465, %exp3A_8 : vector<128x1024xf32>
      %argmin3A_2467 = tpu.reduce_index %mul3A_2466 {axis = 1 : i32, kind = #tpu.reduction_kind<arg_min>} : vector<128x1024xf32> -> vector<128xi32>
      %reshape3A_2468 = vector.shape_cast %argmin3A_2467 : vector<128xi32> to vector<1x128xi32>
      %swap3A_2469 = arith.index_cast %scan3A_2228 : i32 to index
      %swap3A_2470 = arith.constant 0 : index
      %swap3A_2471 = vector.load %arg5[%swap3A_2469, %swap3A_2470] : memref<1024x128xi32, #tpu.memory_space<vmem>>, vector<1x128xi32>
      tpu.vector_store %arg5[%swap3A_2469, %swap3A_2470], %reshape3A_2468 {strides = array<i32>} : memref<1024x128xi32, #tpu.memory_space<vmem>>, vector<1x128xi32>,
      %scan3A_2472 = arith.constant 10 : i32
      %scan3A_2473 = arith.addi %scan3A_31, %scan3A_2472 : i32
      %get3A_2474 = arith.index_cast %scan3A_2473 : i32 to index
      %get3A_2475 = arith.constant 0 : index
      %get3A_2476 = memref.load %arg1[%get3A_2474, %get3A_2475] : memref<1024x3xi32, #tpu.memory_space<smem>>
      %get3A_2477 = arith.index_cast %scan3A_2473 : i32 to index
      %get3A_2478 = arith.constant 1 : index
      %get3A_2479 = memref.load %arg1[%get3A_2477, %get3A_2478] : memref<1024x3xi32, #tpu.memory_space<smem>>
      %get3A_2480 = arith.index_cast %scan3A_2473 : i32 to index
      %get3A_2481 = arith.constant 2 : index
      %get3A_2482 = memref.load %arg1[%get3A_2480, %get3A_2481] : memref<1024x3xi32, #tpu.memory_space<smem>>
      %add3A_2483 = vector.broadcast %get3A_2479 : i32 to vector<128x1024xi32>
      %add3A_2484 = arith.addi %add3A_20, %add3A_2483 : vector<128x1024xi32>
      %add3A_2485 = vector.broadcast %get3A_2476 : i32 to vector<128x1024xi32>
      %add3A_2486 = arith.addi %add3A_2485, %add3A_2484 : vector<128x1024xi32>
      %shift_left3A_2487 = arith.constant 13 : i32
      %shift_left3A_2488 = vector.broadcast %shift_left3A_2487 : i32 to vector<128x1024xi32>
      %shift_left3A_2489 = arith.shli %add3A_2484, %shift_left3A_2488 : vector<128x1024xi32>
      %shift_right_logical3A_2490 = arith.constant 19 : i32
      %shift_right_logical3A_2491 = vector.broadcast %shift_right_logical3A_2490 : i32 to vector<128x1024xi32>
      %shift_right_logical3A_2492 = arith.shrui %add3A_2484, %shift_right_logical3A_2491 : vector<128x1024xi32>
      %or3A_2493 = arith.ori %shift_left3A_2489, %shift_right_logical3A_2492 : vector<128x1024xi32>
      %xor3A_2494 = arith.xori %or3A_2493, %add3A_2486 : vector<128x1024xi32>
      %add3A_2495 = arith.addi %add3A_2486, %xor3A_2494 : vector<128x1024xi32>
      %shift_left3A_2496 = arith.constant 15 : i32
      %shift_left3A_2497 = vector.broadcast %shift_left3A_2496 : i32 to vector<128x1024xi32>
      %shift_left3A_2498 = arith.shli %xor3A_2494, %shift_left3A_2497 : vector<128x1024xi32>
      %shift_right_logical3A_2499 = arith.constant 17 : i32
      %shift_right_logical3A_2500 = vector.broadcast %shift_right_logical3A_2499 : i32 to vector<128x1024xi32>
      %shift_right_logical3A_2501 = arith.shrui %xor3A_2494, %shift_right_logical3A_2500 : vector<128x1024xi32>
      %or3A_2502 = arith.ori %shift_left3A_2498, %shift_right_logical3A_2501 : vector<128x1024xi32>
      %xor3A_2503 = arith.xori %or3A_2502, %add3A_2495 : vector<128x1024xi32>
      %add3A_2504 = arith.addi %add3A_2495, %xor3A_2503 : vector<128x1024xi32>
      %shift_left3A_2505 = arith.constant 26 : i32
      %shift_left3A_2506 = vector.broadcast %shift_left3A_2505 : i32 to vector<128x1024xi32>
      %shift_left3A_2507 = arith.shli %xor3A_2503, %shift_left3A_2506 : vector<128x1024xi32>
      %shift_right_logical3A_2508 = arith.constant 6 : i32
      %shift_right_logical3A_2509 = vector.broadcast %shift_right_logical3A_2508 : i32 to vector<128x1024xi32>
      %shift_right_logical3A_2510 = arith.shrui %xor3A_2503, %shift_right_logical3A_2509 : vector<128x1024xi32>
      %or3A_2511 = arith.ori %shift_left3A_2507, %shift_right_logical3A_2510 : vector<128x1024xi32>
      %xor3A_2512 = arith.xori %or3A_2511, %add3A_2504 : vector<128x1024xi32>
      %add3A_2513 = arith.addi %add3A_2504, %xor3A_2512 : vector<128x1024xi32>
      %shift_left3A_2514 = arith.constant 6 : i32
      %shift_left3A_2515 = vector.broadcast %shift_left3A_2514 : i32 to vector<128x1024xi32>
      %shift_left3A_2516 = arith.shli %xor3A_2512, %shift_left3A_2515 : vector<128x1024xi32>
      %shift_right_logical3A_2517 = arith.constant 26 : i32
      %shift_right_logical3A_2518 = vector.broadcast %shift_right_logical3A_2517 : i32 to vector<128x1024xi32>
      %shift_right_logical3A_2519 = arith.shrui %xor3A_2512, %shift_right_logical3A_2518 : vector<128x1024xi32>
      %or3A_2520 = arith.ori %shift_left3A_2516, %shift_right_logical3A_2519 : vector<128x1024xi32>
      %xor3A_2521 = arith.xori %or3A_2520, %add3A_2513 : vector<128x1024xi32>
      %add3A_2522 = vector.broadcast %get3A_2479 : i32 to vector<128x1024xi32>
      %add3A_2523 = arith.addi %add3A_2513, %add3A_2522 : vector<128x1024xi32>
      %add3A_2524 = arith.constant 1 : i32
      %add3A_2525 = arith.addi %get3A_2482, %add3A_2524 : i32
      %add3A_2526 = vector.broadcast %add3A_2525 : i32 to vector<128x1024xi32>
      %add3A_2527 = arith.addi %xor3A_2521, %add3A_2526 : vector<128x1024xi32>
      %add3A_2528 = arith.addi %add3A_2523, %add3A_2527 : vector<128x1024xi32>
      %shift_left3A_2529 = arith.constant 17 : i32
      %shift_left3A_2530 = vector.broadcast %shift_left3A_2529 : i32 to vector<128x1024xi32>
      %shift_left3A_2531 = arith.shli %add3A_2527, %shift_left3A_2530 : vector<128x1024xi32>
      %shift_right_logical3A_2532 = arith.constant 15 : i32
      %shift_right_logical3A_2533 = vector.broadcast %shift_right_logical3A_2532 : i32 to vector<128x1024xi32>
      %shift_right_logical3A_2534 = arith.shrui %add3A_2527, %shift_right_logical3A_2533 : vector<128x1024xi32>
      %or3A_2535 = arith.ori %shift_left3A_2531, %shift_right_logical3A_2534 : vector<128x1024xi32>
      %xor3A_2536 = arith.xori %or3A_2535, %add3A_2528 : vector<128x1024xi32>
      %add3A_2537 = arith.addi %add3A_2528, %xor3A_2536 : vector<128x1024xi32>
      %shift_left3A_2538 = arith.constant 29 : i32
      %shift_left3A_2539 = vector.broadcast %shift_left3A_2538 : i32 to vector<128x1024xi32>
      %shift_left3A_2540 = arith.shli %xor3A_2536, %shift_left3A_2539 : vector<128x1024xi32>
      %shift_right_logical3A_2541 = arith.constant 3 : i32
      %shift_right_logical3A_2542 = vector.broadcast %shift_right_logical3A_2541 : i32 to vector<128x1024xi32>
      %shift_right_logical3A_2543 = arith.shrui %xor3A_2536, %shift_right_logical3A_2542 : vector<128x1024xi32>
      %or3A_2544 = arith.ori %shift_left3A_2540, %shift_right_logical3A_2543 : vector<128x1024xi32>
      %xor3A_2545 = arith.xori %or3A_2544, %add3A_2537 : vector<128x1024xi32>
      %add3A_2546 = arith.addi %add3A_2537, %xor3A_2545 : vector<128x1024xi32>
      %shift_left3A_2547 = arith.constant 16 : i32
      %shift_left3A_2548 = vector.broadcast %shift_left3A_2547 : i32 to vector<128x1024xi32>
      %shift_left3A_2549 = arith.shli %xor3A_2545, %shift_left3A_2548 : vector<128x1024xi32>
      %shift_right_logical3A_2550 = arith.constant 16 : i32
      %shift_right_logical3A_2551 = vector.broadcast %shift_right_logical3A_2550 : i32 to vector<128x1024xi32>
      %shift_right_logical3A_2552 = arith.shrui %xor3A_2545, %shift_right_logical3A_2551 : vector<128x1024xi32>
      %or3A_2553 = arith.ori %shift_left3A_2549, %shift_right_logical3A_2552 : vector<128x1024xi32>
      %xor3A_2554 = arith.xori %or3A_2553, %add3A_2546 : vector<128x1024xi32>
      %add3A_2555 = arith.addi %add3A_2546, %xor3A_2554 : vector<128x1024xi32>
      %shift_left3A_2556 = arith.constant 24 : i32
      %shift_left3A_2557 = vector.broadcast %shift_left3A_2556 : i32 to vector<128x1024xi32>
      %shift_left3A_2558 = arith.shli %xor3A_2554, %shift_left3A_2557 : vector<128x1024xi32>
      %shift_right_logical3A_2559 = arith.constant 8 : i32
      %shift_right_logical3A_2560 = vector.broadcast %shift_right_logical3A_2559 : i32 to vector<128x1024xi32>
      %shift_right_logical3A_2561 = arith.shrui %xor3A_2554, %shift_right_logical3A_2560 : vector<128x1024xi32>
      %or3A_2562 = arith.ori %shift_left3A_2558, %shift_right_logical3A_2561 : vector<128x1024xi32>
      %xor3A_2563 = arith.xori %or3A_2562, %add3A_2555 : vector<128x1024xi32>
      %add3A_2564 = vector.broadcast %get3A_2482 : i32 to vector<128x1024xi32>
      %add3A_2565 = arith.addi %add3A_2555, %add3A_2564 : vector<128x1024xi32>
      %add3A_2566 = arith.constant 2 : i32
      %add3A_2567 = arith.addi %get3A_2476, %add3A_2566 : i32
      %add3A_2568 = vector.broadcast %add3A_2567 : i32 to vector<128x1024xi32>
      %add3A_2569 = arith.addi %xor3A_2563, %add3A_2568 : vector<128x1024xi32>
      %add3A_2570 = arith.addi %add3A_2565, %add3A_2569 : vector<128x1024xi32>
      %shift_left3A_2571 = arith.constant 13 : i32
      %shift_left3A_2572 = vector.broadcast %shift_left3A_2571 : i32 to vector<128x1024xi32>
      %shift_left3A_2573 = arith.shli %add3A_2569, %shift_left3A_2572 : vector<128x1024xi32>
      %shift_right_logical3A_2574 = arith.constant 19 : i32
      %shift_right_logical3A_2575 = vector.broadcast %shift_right_logical3A_2574 : i32 to vector<128x1024xi32>
      %shift_right_logical3A_2576 = arith.shrui %add3A_2569, %shift_right_logical3A_2575 : vector<128x1024xi32>
      %or3A_2577 = arith.ori %shift_left3A_2573, %shift_right_logical3A_2576 : vector<128x1024xi32>
      %xor3A_2578 = arith.xori %or3A_2577, %add3A_2570 : vector<128x1024xi32>
      %add3A_2579 = arith.addi %add3A_2570, %xor3A_2578 : vector<128x1024xi32>
      %shift_left3A_2580 = arith.constant 15 : i32
      %shift_left3A_2581 = vector.broadcast %shift_left3A_2580 : i32 to vector<128x1024xi32>
      %shift_left3A_2582 = arith.shli %xor3A_2578, %shift_left3A_2581 : vector<128x1024xi32>
      %shift_right_logical3A_2583 = arith.constant 17 : i32
      %shift_right_logical3A_2584 = vector.broadcast %shift_right_logical3A_2583 : i32 to vector<128x1024xi32>
      %shift_right_logical3A_2585 = arith.shrui %xor3A_2578, %shift_right_logical3A_2584 : vector<128x1024xi32>
      %or3A_2586 = arith.ori %shift_left3A_2582, %shift_right_logical3A_2585 : vector<128x1024xi32>
      %xor3A_2587 = arith.xori %or3A_2586, %add3A_2579 : vector<128x1024xi32>
      %add3A_2588 = arith.addi %add3A_2579, %xor3A_2587 : vector<128x1024xi32>
      %shift_left3A_2589 = arith.constant 26 : i32
      %shift_left3A_2590 = vector.broadcast %shift_left3A_2589 : i32 to vector<128x1024xi32>
      %shift_left3A_2591 = arith.shli %xor3A_2587, %shift_left3A_2590 : vector<128x1024xi32>
      %shift_right_logical3A_2592 = arith.constant 6 : i32
      %shift_right_logical3A_2593 = vector.broadcast %shift_right_logical3A_2592 : i32 to vector<128x1024xi32>
      %shift_right_logical3A_2594 = arith.shrui %xor3A_2587, %shift_right_logical3A_2593 : vector<128x1024xi32>
      %or3A_2595 = arith.ori %shift_left3A_2591, %shift_right_logical3A_2594 : vector<128x1024xi32>
      %xor3A_2596 = arith.xori %or3A_2595, %add3A_2588 : vector<128x1024xi32>
      %add3A_2597 = arith.addi %add3A_2588, %xor3A_2596 : vector<128x1024xi32>
      %shift_left3A_2598 = arith.constant 6 : i32
      %shift_left3A_2599 = vector.broadcast %shift_left3A_2598 : i32 to vector<128x1024xi32>
      %shift_left3A_2600 = arith.shli %xor3A_2596, %shift_left3A_2599 : vector<128x1024xi32>
      %shift_right_logical3A_2601 = arith.constant 26 : i32
      %shift_right_logical3A_2602 = vector.broadcast %shift_right_logical3A_2601 : i32 to vector<128x1024xi32>
      %shift_right_logical3A_2603 = arith.shrui %xor3A_2596, %shift_right_logical3A_2602 : vector<128x1024xi32>
      %or3A_2604 = arith.ori %shift_left3A_2600, %shift_right_logical3A_2603 : vector<128x1024xi32>
      %xor3A_2605 = arith.xori %or3A_2604, %add3A_2597 : vector<128x1024xi32>
      %add3A_2606 = vector.broadcast %get3A_2476 : i32 to vector<128x1024xi32>
      %add3A_2607 = arith.addi %add3A_2597, %add3A_2606 : vector<128x1024xi32>
      %add3A_2608 = arith.constant 3 : i32
      %add3A_2609 = arith.addi %get3A_2479, %add3A_2608 : i32
      %add3A_2610 = vector.broadcast %add3A_2609 : i32 to vector<128x1024xi32>
      %add3A_2611 = arith.addi %xor3A_2605, %add3A_2610 : vector<128x1024xi32>
      %add3A_2612 = arith.addi %add3A_2607, %add3A_2611 : vector<128x1024xi32>
      %shift_left3A_2613 = arith.constant 17 : i32
      %shift_left3A_2614 = vector.broadcast %shift_left3A_2613 : i32 to vector<128x1024xi32>
      %shift_left3A_2615 = arith.shli %add3A_2611, %shift_left3A_2614 : vector<128x1024xi32>
      %shift_right_logical3A_2616 = arith.constant 15 : i32
      %shift_right_logical3A_2617 = vector.broadcast %shift_right_logical3A_2616 : i32 to vector<128x1024xi32>
      %shift_right_logical3A_2618 = arith.shrui %add3A_2611, %shift_right_logical3A_2617 : vector<128x1024xi32>
      %or3A_2619 = arith.ori %shift_left3A_2615, %shift_right_logical3A_2618 : vector<128x1024xi32>
      %xor3A_2620 = arith.xori %or3A_2619, %add3A_2612 : vector<128x1024xi32>
      %add3A_2621 = arith.addi %add3A_2612, %xor3A_2620 : vector<128x1024xi32>
      %shift_left3A_2622 = arith.constant 29 : i32
      %shift_left3A_2623 = vector.broadcast %shift_left3A_2622 : i32 to vector<128x1024xi32>
      %shift_left3A_2624 = arith.shli %xor3A_2620, %shift_left3A_2623 : vector<128x1024xi32>
      %shift_right_logical3A_2625 = arith.constant 3 : i32
      %shift_right_logical3A_2626 = vector.broadcast %shift_right_logical3A_2625 : i32 to vector<128x1024xi32>
      %shift_right_logical3A_2627 = arith.shrui %xor3A_2620, %shift_right_logical3A_2626 : vector<128x1024xi32>
      %or3A_2628 = arith.ori %shift_left3A_2624, %shift_right_logical3A_2627 : vector<128x1024xi32>
      %xor3A_2629 = arith.xori %or3A_2628, %add3A_2621 : vector<128x1024xi32>
      %add3A_2630 = arith.addi %add3A_2621, %xor3A_2629 : vector<128x1024xi32>
      %shift_left3A_2631 = arith.constant 16 : i32
      %shift_left3A_2632 = vector.broadcast %shift_left3A_2631 : i32 to vector<128x1024xi32>
      %shift_left3A_2633 = arith.shli %xor3A_2629, %shift_left3A_2632 : vector<128x1024xi32>
      %shift_right_logical3A_2634 = arith.constant 16 : i32
      %shift_right_logical3A_2635 = vector.broadcast %shift_right_logical3A_2634 : i32 to vector<128x1024xi32>
      %shift_right_logical3A_2636 = arith.shrui %xor3A_2629, %shift_right_logical3A_2635 : vector<128x1024xi32>
      %or3A_2637 = arith.ori %shift_left3A_2633, %shift_right_logical3A_2636 : vector<128x1024xi32>
      %xor3A_2638 = arith.xori %or3A_2637, %add3A_2630 : vector<128x1024xi32>
      %add3A_2639 = arith.addi %add3A_2630, %xor3A_2638 : vector<128x1024xi32>
      %shift_left3A_2640 = arith.constant 24 : i32
      %shift_left3A_2641 = vector.broadcast %shift_left3A_2640 : i32 to vector<128x1024xi32>
      %shift_left3A_2642 = arith.shli %xor3A_2638, %shift_left3A_2641 : vector<128x1024xi32>
      %shift_right_logical3A_2643 = arith.constant 8 : i32
      %shift_right_logical3A_2644 = vector.broadcast %shift_right_logical3A_2643 : i32 to vector<128x1024xi32>
      %shift_right_logical3A_2645 = arith.shrui %xor3A_2638, %shift_right_logical3A_2644 : vector<128x1024xi32>
      %or3A_2646 = arith.ori %shift_left3A_2642, %shift_right_logical3A_2645 : vector<128x1024xi32>
      %xor3A_2647 = arith.xori %or3A_2646, %add3A_2639 : vector<128x1024xi32>
      %add3A_2648 = vector.broadcast %get3A_2479 : i32 to vector<128x1024xi32>
      %add3A_2649 = arith.addi %add3A_2639, %add3A_2648 : vector<128x1024xi32>
      %add3A_2650 = arith.constant 4 : i32
      %add3A_2651 = arith.addi %get3A_2482, %add3A_2650 : i32
      %add3A_2652 = vector.broadcast %add3A_2651 : i32 to vector<128x1024xi32>
      %add3A_2653 = arith.addi %xor3A_2647, %add3A_2652 : vector<128x1024xi32>
      %add3A_2654 = arith.addi %add3A_2649, %add3A_2653 : vector<128x1024xi32>
      %shift_left3A_2655 = arith.constant 13 : i32
      %shift_left3A_2656 = vector.broadcast %shift_left3A_2655 : i32 to vector<128x1024xi32>
      %shift_left3A_2657 = arith.shli %add3A_2653, %shift_left3A_2656 : vector<128x1024xi32>
      %shift_right_logical3A_2658 = arith.constant 19 : i32
      %shift_right_logical3A_2659 = vector.broadcast %shift_right_logical3A_2658 : i32 to vector<128x1024xi32>
      %shift_right_logical3A_2660 = arith.shrui %add3A_2653, %shift_right_logical3A_2659 : vector<128x1024xi32>
      %or3A_2661 = arith.ori %shift_left3A_2657, %shift_right_logical3A_2660 : vector<128x1024xi32>
      %xor3A_2662 = arith.xori %or3A_2661, %add3A_2654 : vector<128x1024xi32>
      %add3A_2663 = arith.addi %add3A_2654, %xor3A_2662 : vector<128x1024xi32>
      %shift_left3A_2664 = arith.constant 15 : i32
      %shift_left3A_2665 = vector.broadcast %shift_left3A_2664 : i32 to vector<128x1024xi32>
      %shift_left3A_2666 = arith.shli %xor3A_2662, %shift_left3A_2665 : vector<128x1024xi32>
      %shift_right_logical3A_2667 = arith.constant 17 : i32
      %shift_right_logical3A_2668 = vector.broadcast %shift_right_logical3A_2667 : i32 to vector<128x1024xi32>
      %shift_right_logical3A_2669 = arith.shrui %xor3A_2662, %shift_right_logical3A_2668 : vector<128x1024xi32>
      %or3A_2670 = arith.ori %shift_left3A_2666, %shift_right_logical3A_2669 : vector<128x1024xi32>
      %xor3A_2671 = arith.xori %or3A_2670, %add3A_2663 : vector<128x1024xi32>
      %add3A_2672 = arith.addi %add3A_2663, %xor3A_2671 : vector<128x1024xi32>
      %shift_left3A_2673 = arith.constant 26 : i32
      %shift_left3A_2674 = vector.broadcast %shift_left3A_2673 : i32 to vector<128x1024xi32>
      %shift_left3A_2675 = arith.shli %xor3A_2671, %shift_left3A_2674 : vector<128x1024xi32>
      %shift_right_logical3A_2676 = arith.constant 6 : i32
      %shift_right_logical3A_2677 = vector.broadcast %shift_right_logical3A_2676 : i32 to vector<128x1024xi32>
      %shift_right_logical3A_2678 = arith.shrui %xor3A_2671, %shift_right_logical3A_2677 : vector<128x1024xi32>
      %or3A_2679 = arith.ori %shift_left3A_2675, %shift_right_logical3A_2678 : vector<128x1024xi32>
      %xor3A_2680 = arith.xori %or3A_2679, %add3A_2672 : vector<128x1024xi32>
      %add3A_2681 = arith.addi %add3A_2672, %xor3A_2680 : vector<128x1024xi32>
      %shift_left3A_2682 = arith.constant 6 : i32
      %shift_left3A_2683 = vector.broadcast %shift_left3A_2682 : i32 to vector<128x1024xi32>
      %shift_left3A_2684 = arith.shli %xor3A_2680, %shift_left3A_2683 : vector<128x1024xi32>
      %shift_right_logical3A_2685 = arith.constant 26 : i32
      %shift_right_logical3A_2686 = vector.broadcast %shift_right_logical3A_2685 : i32 to vector<128x1024xi32>
      %shift_right_logical3A_2687 = arith.shrui %xor3A_2680, %shift_right_logical3A_2686 : vector<128x1024xi32>
      %or3A_2688 = arith.ori %shift_left3A_2684, %shift_right_logical3A_2687 : vector<128x1024xi32>
      %xor3A_2689 = arith.xori %or3A_2688, %add3A_2681 : vector<128x1024xi32>
      %add3A_2690 = vector.broadcast %get3A_2482 : i32 to vector<128x1024xi32>
      %add3A_2691 = arith.addi %add3A_2681, %add3A_2690 : vector<128x1024xi32>
      %add3A_2692 = arith.constant 5 : i32
      %add3A_2693 = arith.addi %get3A_2476, %add3A_2692 : i32
      %add3A_2694 = vector.broadcast %add3A_2693 : i32 to vector<128x1024xi32>
      %add3A_2695 = arith.addi %xor3A_2689, %add3A_2694 : vector<128x1024xi32>
      %xor3A_2696 = arith.xori %add3A_2691, %add3A_2695 : vector<128x1024xi32>
      %shift_right_logical3A_2697 = arith.constant 9 : i32
      %shift_right_logical3A_2698 = vector.broadcast %shift_right_logical3A_2697 : i32 to vector<128x1024xi32>
      %shift_right_logical3A_2699 = arith.shrui %xor3A_2696, %shift_right_logical3A_2698 : vector<128x1024xi32>
      %or3A_2700 = arith.constant 1065353216 : i32
      %or3A_2701 = vector.broadcast %or3A_2700 : i32 to vector<128x1024xi32>
      %or3A_2702 = arith.ori %shift_right_logical3A_2699, %or3A_2701 : vector<128x1024xi32>
      %bitcast_convert_type3A_2703 = tpu.bitcast %or3A_2702 : vector<128x1024xi32> -> vector<128x1024xf32>
      %sub3A_2704 = arith.constant 1.000000e+00 : f32
      %sub3A_2705 = vector.broadcast %sub3A_2704 : f32 to vector<128x1024xf32>
      %sub3A_2706 = arith.subf %bitcast_convert_type3A_2703, %sub3A_2705 : vector<128x1024xf32>
      %log3A_2707 = math.log %sub3A_2706 : vector<128x1024xf32>
      %neg3A_2708 = arith.constant 0.000000e+00 : f32
      %neg3A_2709 = vector.broadcast %neg3A_2708 : f32 to vector<128x1024xf32>
      %neg3A_2710 = arith.subf %neg3A_2709, %log3A_2707 : vector<128x1024xf32>
      %mul3A_2711 = arith.mulf %neg3A_2710, %exp3A_8 : vector<128x1024xf32>
      %argmin3A_2712 = tpu.reduce_index %mul3A_2711 {axis = 1 : i32, kind = #tpu.reduction_kind<arg_min>} : vector<128x1024xf32> -> vector<128xi32>
      %reshape3A_2713 = vector.shape_cast %argmin3A_2712 : vector<128xi32> to vector<1x128xi32>
      %swap3A_2714 = arith.index_cast %scan3A_2473 : i32 to index
      %swap3A_2715 = arith.constant 0 : index
      %swap3A_2716 = vector.load %arg5[%swap3A_2714, %swap3A_2715] : memref<1024x128xi32, #tpu.memory_space<vmem>>, vector<1x128xi32>
      tpu.vector_store %arg5[%swap3A_2714, %swap3A_2715], %reshape3A_2713 {strides = array<i32>} : memref<1024x128xi32, #tpu.memory_space<vmem>>, vector<1x128xi32>,
      %scan3A_2717 = arith.constant 11 : i32
      %scan3A_2718 = arith.addi %scan3A_31, %scan3A_2717 : i32
      %get3A_2719 = arith.index_cast %scan3A_2718 : i32 to index
      %get3A_2720 = arith.constant 0 : index
      %get3A_2721 = memref.load %arg1[%get3A_2719, %get3A_2720] : memref<1024x3xi32, #tpu.memory_space<smem>>
      %get3A_2722 = arith.index_cast %scan3A_2718 : i32 to index
      %get3A_2723 = arith.constant 1 : index
      %get3A_2724 = memref.load %arg1[%get3A_2722, %get3A_2723] : memref<1024x3xi32, #tpu.memory_space<smem>>
      %get3A_2725 = arith.index_cast %scan3A_2718 : i32 to index
      %get3A_2726 = arith.constant 2 : index
      %get3A_2727 = memref.load %arg1[%get3A_2725, %get3A_2726] : memref<1024x3xi32, #tpu.memory_space<smem>>
      %add3A_2728 = vector.broadcast %get3A_2724 : i32 to vector<128x1024xi32>
      %add3A_2729 = arith.addi %add3A_20, %add3A_2728 : vector<128x1024xi32>
      %add3A_2730 = vector.broadcast %get3A_2721 : i32 to vector<128x1024xi32>
      %add3A_2731 = arith.addi %add3A_2730, %add3A_2729 : vector<128x1024xi32>
      %shift_left3A_2732 = arith.constant 13 : i32
      %shift_left3A_2733 = vector.broadcast %shift_left3A_2732 : i32 to vector<128x1024xi32>
      %shift_left3A_2734 = arith.shli %add3A_2729, %shift_left3A_2733 : vector<128x1024xi32>
      %shift_right_logical3A_2735 = arith.constant 19 : i32
      %shift_right_logical3A_2736 = vector.broadcast %shift_right_logical3A_2735 : i32 to vector<128x1024xi32>
      %shift_right_logical3A_2737 = arith.shrui %add3A_2729, %shift_right_logical3A_2736 : vector<128x1024xi32>
      %or3A_2738 = arith.ori %shift_left3A_2734, %shift_right_logical3A_2737 : vector<128x1024xi32>
      %xor3A_2739 = arith.xori %or3A_2738, %add3A_2731 : vector<128x1024xi32>
      %add3A_2740 = arith.addi %add3A_2731, %xor3A_2739 : vector<128x1024xi32>
      %shift_left3A_2741 = arith.constant 15 : i32
      %shift_left3A_2742 = vector.broadcast %shift_left3A_2741 : i32 to vector<128x1024xi32>
      %shift_left3A_2743 = arith.shli %xor3A_2739, %shift_left3A_2742 : vector<128x1024xi32>
      %shift_right_logical3A_2744 = arith.constant 17 : i32
      %shift_right_logical3A_2745 = vector.broadcast %shift_right_logical3A_2744 : i32 to vector<128x1024xi32>
      %shift_right_logical3A_2746 = arith.shrui %xor3A_2739, %shift_right_logical3A_2745 : vector<128x1024xi32>
      %or3A_2747 = arith.ori %shift_left3A_2743, %shift_right_logical3A_2746 : vector<128x1024xi32>
      %xor3A_2748 = arith.xori %or3A_2747, %add3A_2740 : vector<128x1024xi32>
      %add3A_2749 = arith.addi %add3A_2740, %xor3A_2748 : vector<128x1024xi32>
      %shift_left3A_2750 = arith.constant 26 : i32
      %shift_left3A_2751 = vector.broadcast %shift_left3A_2750 : i32 to vector<128x1024xi32>
      %shift_left3A_2752 = arith.shli %xor3A_2748, %shift_left3A_2751 : vector<128x1024xi32>
      %shift_right_logical3A_2753 = arith.constant 6 : i32
      %shift_right_logical3A_2754 = vector.broadcast %shift_right_logical3A_2753 : i32 to vector<128x1024xi32>
      %shift_right_logical3A_2755 = arith.shrui %xor3A_2748, %shift_right_logical3A_2754 : vector<128x1024xi32>
      %or3A_2756 = arith.ori %shift_left3A_2752, %shift_right_logical3A_2755 : vector<128x1024xi32>
      %xor3A_2757 = arith.xori %or3A_2756, %add3A_2749 : vector<128x1024xi32>
      %add3A_2758 = arith.addi %add3A_2749, %xor3A_2757 : vector<128x1024xi32>
      %shift_left3A_2759 = arith.constant 6 : i32
      %shift_left3A_2760 = vector.broadcast %shift_left3A_2759 : i32 to vector<128x1024xi32>
      %shift_left3A_2761 = arith.shli %xor3A_2757, %shift_left3A_2760 : vector<128x1024xi32>
      %shift_right_logical3A_2762 = arith.constant 26 : i32
      %shift_right_logical3A_2763 = vector.broadcast %shift_right_logical3A_2762 : i32 to vector<128x1024xi32>
      %shift_right_logical3A_2764 = arith.shrui %xor3A_2757, %shift_right_logical3A_2763 : vector<128x1024xi32>
      %or3A_2765 = arith.ori %shift_left3A_2761, %shift_right_logical3A_2764 : vector<128x1024xi32>
      %xor3A_2766 = arith.xori %or3A_2765, %add3A_2758 : vector<128x1024xi32>
      %add3A_2767 = vector.broadcast %get3A_2724 : i32 to vector<128x1024xi32>
      %add3A_2768 = arith.addi %add3A_2758, %add3A_2767 : vector<128x1024xi32>
      %add3A_2769 = arith.constant 1 : i32
      %add3A_2770 = arith.addi %get3A_2727, %add3A_2769 : i32
      %add3A_2771 = vector.broadcast %add3A_2770 : i32 to vector<128x1024xi32>
      %add3A_2772 = arith.addi %xor3A_2766, %add3A_2771 : vector<128x1024xi32>
      %add3A_2773 = arith.addi %add3A_2768, %add3A_2772 : vector<128x1024xi32>
      %shift_left3A_2774 = arith.constant 17 : i32
      %shift_left3A_2775 = vector.broadcast %shift_left3A_2774 : i32 to vector<128x1024xi32>
      %shift_left3A_2776 = arith.shli %add3A_2772, %shift_left3A_2775 : vector<128x1024xi32>
      %shift_right_logical3A_2777 = arith.constant 15 : i32
      %shift_right_logical3A_2778 = vector.broadcast %shift_right_logical3A_2777 : i32 to vector<128x1024xi32>
      %shift_right_logical3A_2779 = arith.shrui %add3A_2772, %shift_right_logical3A_2778 : vector<128x1024xi32>
      %or3A_2780 = arith.ori %shift_left3A_2776, %shift_right_logical3A_2779 : vector<128x1024xi32>
      %xor3A_2781 = arith.xori %or3A_2780, %add3A_2773 : vector<128x1024xi32>
      %add3A_2782 = arith.addi %add3A_2773, %xor3A_2781 : vector<128x1024xi32>
      %shift_left3A_2783 = arith.constant 29 : i32
      %shift_left3A_2784 = vector.broadcast %shift_left3A_2783 : i32 to vector<128x1024xi32>
      %shift_left3A_2785 = arith.shli %xor3A_2781, %shift_left3A_2784 : vector<128x1024xi32>
      %shift_right_logical3A_2786 = arith.constant 3 : i32
      %shift_right_logical3A_2787 = vector.broadcast %shift_right_logical3A_2786 : i32 to vector<128x1024xi32>
      %shift_right_logical3A_2788 = arith.shrui %xor3A_2781, %shift_right_logical3A_2787 : vector<128x1024xi32>
      %or3A_2789 = arith.ori %shift_left3A_2785, %shift_right_logical3A_2788 : vector<128x1024xi32>
      %xor3A_2790 = arith.xori %or3A_2789, %add3A_2782 : vector<128x1024xi32>
      %add3A_2791 = arith.addi %add3A_2782, %xor3A_2790 : vector<128x1024xi32>
      %shift_left3A_2792 = arith.constant 16 : i32
      %shift_left3A_2793 = vector.broadcast %shift_left3A_2792 : i32 to vector<128x1024xi32>
      %shift_left3A_2794 = arith.shli %xor3A_2790, %shift_left3A_2793 : vector<128x1024xi32>
      %shift_right_logical3A_2795 = arith.constant 16 : i32
      %shift_right_logical3A_2796 = vector.broadcast %shift_right_logical3A_2795 : i32 to vector<128x1024xi32>
      %shift_right_logical3A_2797 = arith.shrui %xor3A_2790, %shift_right_logical3A_2796 : vector<128x1024xi32>
      %or3A_2798 = arith.ori %shift_left3A_2794, %shift_right_logical3A_2797 : vector<128x1024xi32>
      %xor3A_2799 = arith.xori %or3A_2798, %add3A_2791 : vector<128x1024xi32>
      %add3A_2800 = arith.addi %add3A_2791, %xor3A_2799 : vector<128x1024xi32>
      %shift_left3A_2801 = arith.constant 24 : i32
      %shift_left3A_2802 = vector.broadcast %shift_left3A_2801 : i32 to vector<128x1024xi32>
      %shift_left3A_2803 = arith.shli %xor3A_2799, %shift_left3A_2802 : vector<128x1024xi32>
      %shift_right_logical3A_2804 = arith.constant 8 : i32
      %shift_right_logical3A_2805 = vector.broadcast %shift_right_logical3A_2804 : i32 to vector<128x1024xi32>
      %shift_right_logical3A_2806 = arith.shrui %xor3A_2799, %shift_right_logical3A_2805 : vector<128x1024xi32>
      %or3A_2807 = arith.ori %shift_left3A_2803, %shift_right_logical3A_2806 : vector<128x1024xi32>
      %xor3A_2808 = arith.xori %or3A_2807, %add3A_2800 : vector<128x1024xi32>
      %add3A_2809 = vector.broadcast %get3A_2727 : i32 to vector<128x1024xi32>
      %add3A_2810 = arith.addi %add3A_2800, %add3A_2809 : vector<128x1024xi32>
      %add3A_2811 = arith.constant 2 : i32
      %add3A_2812 = arith.addi %get3A_2721, %add3A_2811 : i32
      %add3A_2813 = vector.broadcast %add3A_2812 : i32 to vector<128x1024xi32>
      %add3A_2814 = arith.addi %xor3A_2808, %add3A_2813 : vector<128x1024xi32>
      %add3A_2815 = arith.addi %add3A_2810, %add3A_2814 : vector<128x1024xi32>
      %shift_left3A_2816 = arith.constant 13 : i32
      %shift_left3A_2817 = vector.broadcast %shift_left3A_2816 : i32 to vector<128x1024xi32>
      %shift_left3A_2818 = arith.shli %add3A_2814, %shift_left3A_2817 : vector<128x1024xi32>
      %shift_right_logical3A_2819 = arith.constant 19 : i32
      %shift_right_logical3A_2820 = vector.broadcast %shift_right_logical3A_2819 : i32 to vector<128x1024xi32>
      %shift_right_logical3A_2821 = arith.shrui %add3A_2814, %shift_right_logical3A_2820 : vector<128x1024xi32>
      %or3A_2822 = arith.ori %shift_left3A_2818, %shift_right_logical3A_2821 : vector<128x1024xi32>
      %xor3A_2823 = arith.xori %or3A_2822, %add3A_2815 : vector<128x1024xi32>
      %add3A_2824 = arith.addi %add3A_2815, %xor3A_2823 : vector<128x1024xi32>
      %shift_left3A_2825 = arith.constant 15 : i32
      %shift_left3A_2826 = vector.broadcast %shift_left3A_2825 : i32 to vector<128x1024xi32>
      %shift_left3A_2827 = arith.shli %xor3A_2823, %shift_left3A_2826 : vector<128x1024xi32>
      %shift_right_logical3A_2828 = arith.constant 17 : i32
      %shift_right_logical3A_2829 = vector.broadcast %shift_right_logical3A_2828 : i32 to vector<128x1024xi32>
      %shift_right_logical3A_2830 = arith.shrui %xor3A_2823, %shift_right_logical3A_2829 : vector<128x1024xi32>
      %or3A_2831 = arith.ori %shift_left3A_2827, %shift_right_logical3A_2830 : vector<128x1024xi32>
      %xor3A_2832 = arith.xori %or3A_2831, %add3A_2824 : vector<128x1024xi32>
      %add3A_2833 = arith.addi %add3A_2824, %xor3A_2832 : vector<128x1024xi32>
      %shift_left3A_2834 = arith.constant 26 : i32
      %shift_left3A_2835 = vector.broadcast %shift_left3A_2834 : i32 to vector<128x1024xi32>
      %shift_left3A_2836 = arith.shli %xor3A_2832, %shift_left3A_2835 : vector<128x1024xi32>
      %shift_right_logical3A_2837 = arith.constant 6 : i32
      %shift_right_logical3A_2838 = vector.broadcast %shift_right_logical3A_2837 : i32 to vector<128x1024xi32>
      %shift_right_logical3A_2839 = arith.shrui %xor3A_2832, %shift_right_logical3A_2838 : vector<128x1024xi32>
      %or3A_2840 = arith.ori %shift_left3A_2836, %shift_right_logical3A_2839 : vector<128x1024xi32>
      %xor3A_2841 = arith.xori %or3A_2840, %add3A_2833 : vector<128x1024xi32>
      %add3A_2842 = arith.addi %add3A_2833, %xor3A_2841 : vector<128x1024xi32>
      %shift_left3A_2843 = arith.constant 6 : i32
      %shift_left3A_2844 = vector.broadcast %shift_left3A_2843 : i32 to vector<128x1024xi32>
      %shift_left3A_2845 = arith.shli %xor3A_2841, %shift_left3A_2844 : vector<128x1024xi32>
      %shift_right_logical3A_2846 = arith.constant 26 : i32
      %shift_right_logical3A_2847 = vector.broadcast %shift_right_logical3A_2846 : i32 to vector<128x1024xi32>
      %shift_right_logical3A_2848 = arith.shrui %xor3A_2841, %shift_right_logical3A_2847 : vector<128x1024xi32>
      %or3A_2849 = arith.ori %shift_left3A_2845, %shift_right_logical3A_2848 : vector<128x1024xi32>
      %xor3A_2850 = arith.xori %or3A_2849, %add3A_2842 : vector<128x1024xi32>
      %add3A_2851 = vector.broadcast %get3A_2721 : i32 to vector<128x1024xi32>
      %add3A_2852 = arith.addi %add3A_2842, %add3A_2851 : vector<128x1024xi32>
      %add3A_2853 = arith.constant 3 : i32
      %add3A_2854 = arith.addi %get3A_2724, %add3A_2853 : i32
      %add3A_2855 = vector.broadcast %add3A_2854 : i32 to vector<128x1024xi32>
      %add3A_2856 = arith.addi %xor3A_2850, %add3A_2855 : vector<128x1024xi32>
      %add3A_2857 = arith.addi %add3A_2852, %add3A_2856 : vector<128x1024xi32>
      %shift_left3A_2858 = arith.constant 17 : i32
      %shift_left3A_2859 = vector.broadcast %shift_left3A_2858 : i32 to vector<128x1024xi32>
      %shift_left3A_2860 = arith.shli %add3A_2856, %shift_left3A_2859 : vector<128x1024xi32>
      %shift_right_logical3A_2861 = arith.constant 15 : i32
      %shift_right_logical3A_2862 = vector.broadcast %shift_right_logical3A_2861 : i32 to vector<128x1024xi32>
      %shift_right_logical3A_2863 = arith.shrui %add3A_2856, %shift_right_logical3A_2862 : vector<128x1024xi32>
      %or3A_2864 = arith.ori %shift_left3A_2860, %shift_right_logical3A_2863 : vector<128x1024xi32>
      %xor3A_2865 = arith.xori %or3A_2864, %add3A_2857 : vector<128x1024xi32>
      %add3A_2866 = arith.addi %add3A_2857, %xor3A_2865 : vector<128x1024xi32>
      %shift_left3A_2867 = arith.constant 29 : i32
      %shift_left3A_2868 = vector.broadcast %shift_left3A_2867 : i32 to vector<128x1024xi32>
      %shift_left3A_2869 = arith.shli %xor3A_2865, %shift_left3A_2868 : vector<128x1024xi32>
      %shift_right_logical3A_2870 = arith.constant 3 : i32
      %shift_right_logical3A_2871 = vector.broadcast %shift_right_logical3A_2870 : i32 to vector<128x1024xi32>
      %shift_right_logical3A_2872 = arith.shrui %xor3A_2865, %shift_right_logical3A_2871 : vector<128x1024xi32>
      %or3A_2873 = arith.ori %shift_left3A_2869, %shift_right_logical3A_2872 : vector<128x1024xi32>
      %xor3A_2874 = arith.xori %or3A_2873, %add3A_2866 : vector<128x1024xi32>
      %add3A_2875 = arith.addi %add3A_2866, %xor3A_2874 : vector<128x1024xi32>
      %shift_left3A_2876 = arith.constant 16 : i32
      %shift_left3A_2877 = vector.broadcast %shift_left3A_2876 : i32 to vector<128x1024xi32>
      %shift_left3A_2878 = arith.shli %xor3A_2874, %shift_left3A_2877 : vector<128x1024xi32>
      %shift_right_logical3A_2879 = arith.constant 16 : i32
      %shift_right_logical3A_2880 = vector.broadcast %shift_right_logical3A_2879 : i32 to vector<128x1024xi32>
      %shift_right_logical3A_2881 = arith.shrui %xor3A_2874, %shift_right_logical3A_2880 : vector<128x1024xi32>
      %or3A_2882 = arith.ori %shift_left3A_2878, %shift_right_logical3A_2881 : vector<128x1024xi32>
      %xor3A_2883 = arith.xori %or3A_2882, %add3A_2875 : vector<128x1024xi32>
      %add3A_2884 = arith.addi %add3A_2875, %xor3A_2883 : vector<128x1024xi32>
      %shift_left3A_2885 = arith.constant 24 : i32
      %shift_left3A_2886 = vector.broadcast %shift_left3A_2885 : i32 to vector<128x1024xi32>
      %shift_left3A_2887 = arith.shli %xor3A_2883, %shift_left3A_2886 : vector<128x1024xi32>
      %shift_right_logical3A_2888 = arith.constant 8 : i32
      %shift_right_logical3A_2889 = vector.broadcast %shift_right_logical3A_2888 : i32 to vector<128x1024xi32>
      %shift_right_logical3A_2890 = arith.shrui %xor3A_2883, %shift_right_logical3A_2889 : vector<128x1024xi32>
      %or3A_2891 = arith.ori %shift_left3A_2887, %shift_right_logical3A_2890 : vector<128x1024xi32>
      %xor3A_2892 = arith.xori %or3A_2891, %add3A_2884 : vector<128x1024xi32>
      %add3A_2893 = vector.broadcast %get3A_2724 : i32 to vector<128x1024xi32>
      %add3A_2894 = arith.addi %add3A_2884, %add3A_2893 : vector<128x1024xi32>
      %add3A_2895 = arith.constant 4 : i32
      %add3A_2896 = arith.addi %get3A_2727, %add3A_2895 : i32
      %add3A_2897 = vector.broadcast %add3A_2896 : i32 to vector<128x1024xi32>
      %add3A_2898 = arith.addi %xor3A_2892, %add3A_2897 : vector<128x1024xi32>
      %add3A_2899 = arith.addi %add3A_2894, %add3A_2898 : vector<128x1024xi32>
      %shift_left3A_2900 = arith.constant 13 : i32
      %shift_left3A_2901 = vector.broadcast %shift_left3A_2900 : i32 to vector<128x1024xi32>
      %shift_left3A_2902 = arith.shli %add3A_2898, %shift_left3A_2901 : vector<128x1024xi32>
      %shift_right_logical3A_2903 = arith.constant 19 : i32
      %shift_right_logical3A_2904 = vector.broadcast %shift_right_logical3A_2903 : i32 to vector<128x1024xi32>
      %shift_right_logical3A_2905 = arith.shrui %add3A_2898, %shift_right_logical3A_2904 : vector<128x1024xi32>
      %or3A_2906 = arith.ori %shift_left3A_2902, %shift_right_logical3A_2905 : vector<128x1024xi32>
      %xor3A_2907 = arith.xori %or3A_2906, %add3A_2899 : vector<128x1024xi32>
      %add3A_2908 = arith.addi %add3A_2899, %xor3A_2907 : vector<128x1024xi32>
      %shift_left3A_2909 = arith.constant 15 : i32
      %shift_left3A_2910 = vector.broadcast %shift_left3A_2909 : i32 to vector<128x1024xi32>
      %shift_left3A_2911 = arith.shli %xor3A_2907, %shift_left3A_2910 : vector<128x1024xi32>
      %shift_right_logical3A_2912 = arith.constant 17 : i32
      %shift_right_logical3A_2913 = vector.broadcast %shift_right_logical3A_2912 : i32 to vector<128x1024xi32>
      %shift_right_logical3A_2914 = arith.shrui %xor3A_2907, %shift_right_logical3A_2913 : vector<128x1024xi32>
      %or3A_2915 = arith.ori %shift_left3A_2911, %shift_right_logical3A_2914 : vector<128x1024xi32>
      %xor3A_2916 = arith.xori %or3A_2915, %add3A_2908 : vector<128x1024xi32>
      %add3A_2917 = arith.addi %add3A_2908, %xor3A_2916 : vector<128x1024xi32>
      %shift_left3A_2918 = arith.constant 26 : i32
      %shift_left3A_2919 = vector.broadcast %shift_left3A_2918 : i32 to vector<128x1024xi32>
      %shift_left3A_2920 = arith.shli %xor3A_2916, %shift_left3A_2919 : vector<128x1024xi32>
      %shift_right_logical3A_2921 = arith.constant 6 : i32
      %shift_right_logical3A_2922 = vector.broadcast %shift_right_logical3A_2921 : i32 to vector<128x1024xi32>
      %shift_right_logical3A_2923 = arith.shrui %xor3A_2916, %shift_right_logical3A_2922 : vector<128x1024xi32>
      %or3A_2924 = arith.ori %shift_left3A_2920, %shift_right_logical3A_2923 : vector<128x1024xi32>
      %xor3A_2925 = arith.xori %or3A_2924, %add3A_2917 : vector<128x1024xi32>
      %add3A_2926 = arith.addi %add3A_2917, %xor3A_2925 : vector<128x1024xi32>
      %shift_left3A_2927 = arith.constant 6 : i32
      %shift_left3A_2928 = vector.broadcast %shift_left3A_2927 : i32 to vector<128x1024xi32>
      %shift_left3A_2929 = arith.shli %xor3A_2925, %shift_left3A_2928 : vector<128x1024xi32>
      %shift_right_logical3A_2930 = arith.constant 26 : i32
      %shift_right_logical3A_2931 = vector.broadcast %shift_right_logical3A_2930 : i32 to vector<128x1024xi32>
      %shift_right_logical3A_2932 = arith.shrui %xor3A_2925, %shift_right_logical3A_2931 : vector<128x1024xi32>
      %or3A_2933 = arith.ori %shift_left3A_2929, %shift_right_logical3A_2932 : vector<128x1024xi32>
      %xor3A_2934 = arith.xori %or3A_2933, %add3A_2926 : vector<128x1024xi32>
      %add3A_2935 = vector.broadcast %get3A_2727 : i32 to vector<128x1024xi32>
      %add3A_2936 = arith.addi %add3A_2926, %add3A_2935 : vector<128x1024xi32>
      %add3A_2937 = arith.constant 5 : i32
      %add3A_2938 = arith.addi %get3A_2721, %add3A_2937 : i32
      %add3A_2939 = vector.broadcast %add3A_2938 : i32 to vector<128x1024xi32>
      %add3A_2940 = arith.addi %xor3A_2934, %add3A_2939 : vector<128x1024xi32>
      %xor3A_2941 = arith.xori %add3A_2936, %add3A_2940 : vector<128x1024xi32>
      %shift_right_logical3A_2942 = arith.constant 9 : i32
      %shift_right_logical3A_2943 = vector.broadcast %shift_right_logical3A_2942 : i32 to vector<128x1024xi32>
      %shift_right_logical3A_2944 = arith.shrui %xor3A_2941, %shift_right_logical3A_2943 : vector<128x1024xi32>
      %or3A_2945 = arith.constant 1065353216 : i32
      %or3A_2946 = vector.broadcast %or3A_2945 : i32 to vector<128x1024xi32>
      %or3A_2947 = arith.ori %shift_right_logical3A_2944, %or3A_2946 : vector<128x1024xi32>
      %bitcast_convert_type3A_2948 = tpu.bitcast %or3A_2947 : vector<128x1024xi32> -> vector<128x1024xf32>
      %sub3A_2949 = arith.constant 1.000000e+00 : f32
      %sub3A_2950 = vector.broadcast %sub3A_2949 : f32 to vector<128x1024xf32>
      %sub3A_2951 = arith.subf %bitcast_convert_type3A_2948, %sub3A_2950 : vector<128x1024xf32>
      %log3A_2952 = math.log %sub3A_2951 : vector<128x1024xf32>
      %neg3A_2953 = arith.constant 0.000000e+00 : f32
      %neg3A_2954 = vector.broadcast %neg3A_2953 : f32 to vector<128x1024xf32>
      %neg3A_2955 = arith.subf %neg3A_2954, %log3A_2952 : vector<128x1024xf32>
      %mul3A_2956 = arith.mulf %neg3A_2955, %exp3A_8 : vector<128x1024xf32>
      %argmin3A_2957 = tpu.reduce_index %mul3A_2956 {axis = 1 : i32, kind = #tpu.reduction_kind<arg_min>} : vector<128x1024xf32> -> vector<128xi32>
      %reshape3A_2958 = vector.shape_cast %argmin3A_2957 : vector<128xi32> to vector<1x128xi32>
      %swap3A_2959 = arith.index_cast %scan3A_2718 : i32 to index
      %swap3A_2960 = arith.constant 0 : index
      %swap3A_2961 = vector.load %arg5[%swap3A_2959, %swap3A_2960] : memref<1024x128xi32, #tpu.memory_space<vmem>>, vector<1x128xi32>
      tpu.vector_store %arg5[%swap3A_2959, %swap3A_2960], %reshape3A_2958 {strides = array<i32>} : memref<1024x128xi32, #tpu.memory_space<vmem>>, vector<1x128xi32>,
      %scan3A_2962 = arith.constant 12 : i32
      %scan3A_2963 = arith.addi %scan3A_31, %scan3A_2962 : i32
      %get3A_2964 = arith.index_cast %scan3A_2963 : i32 to index
      %get3A_2965 = arith.constant 0 : index
      %get3A_2966 = memref.load %arg1[%get3A_2964, %get3A_2965] : memref<1024x3xi32, #tpu.memory_space<smem>>
      %get3A_2967 = arith.index_cast %scan3A_2963 : i32 to index
      %get3A_2968 = arith.constant 1 : index
      %get3A_2969 = memref.load %arg1[%get3A_2967, %get3A_2968] : memref<1024x3xi32, #tpu.memory_space<smem>>
      %get3A_2970 = arith.index_cast %scan3A_2963 : i32 to index
      %get3A_2971 = arith.constant 2 : index
      %get3A_2972 = memref.load %arg1[%get3A_2970, %get3A_2971] : memref<1024x3xi32, #tpu.memory_space<smem>>
      %add3A_2973 = vector.broadcast %get3A_2969 : i32 to vector<128x1024xi32>
      %add3A_2974 = arith.addi %add3A_20, %add3A_2973 : vector<128x1024xi32>
      %add3A_2975 = vector.broadcast %get3A_2966 : i32 to vector<128x1024xi32>
      %add3A_2976 = arith.addi %add3A_2975, %add3A_2974 : vector<128x1024xi32>
      %shift_left3A_2977 = arith.constant 13 : i32
      %shift_left3A_2978 = vector.broadcast %shift_left3A_2977 : i32 to vector<128x1024xi32>
      %shift_left3A_2979 = arith.shli %add3A_2974, %shift_left3A_2978 : vector<128x1024xi32>
      %shift_right_logical3A_2980 = arith.constant 19 : i32
      %shift_right_logical3A_2981 = vector.broadcast %shift_right_logical3A_2980 : i32 to vector<128x1024xi32>
      %shift_right_logical3A_2982 = arith.shrui %add3A_2974, %shift_right_logical3A_2981 : vector<128x1024xi32>
      %or3A_2983 = arith.ori %shift_left3A_2979, %shift_right_logical3A_2982 : vector<128x1024xi32>
      %xor3A_2984 = arith.xori %or3A_2983, %add3A_2976 : vector<128x1024xi32>
      %add3A_2985 = arith.addi %add3A_2976, %xor3A_2984 : vector<128x1024xi32>
      %shift_left3A_2986 = arith.constant 15 : i32
      %shift_left3A_2987 = vector.broadcast %shift_left3A_2986 : i32 to vector<128x1024xi32>
      %shift_left3A_2988 = arith.shli %xor3A_2984, %shift_left3A_2987 : vector<128x1024xi32>
      %shift_right_logical3A_2989 = arith.constant 17 : i32
      %shift_right_logical3A_2990 = vector.broadcast %shift_right_logical3A_2989 : i32 to vector<128x1024xi32>
      %shift_right_logical3A_2991 = arith.shrui %xor3A_2984, %shift_right_logical3A_2990 : vector<128x1024xi32>
      %or3A_2992 = arith.ori %shift_left3A_2988, %shift_right_logical3A_2991 : vector<128x1024xi32>
      %xor3A_2993 = arith.xori %or3A_2992, %add3A_2985 : vector<128x1024xi32>
      %add3A_2994 = arith.addi %add3A_2985, %xor3A_2993 : vector<128x1024xi32>
      %shift_left3A_2995 = arith.constant 26 : i32
      %shift_left3A_2996 = vector.broadcast %shift_left3A_2995 : i32 to vector<128x1024xi32>
      %shift_left3A_2997 = arith.shli %xor3A_2993, %shift_left3A_2996 : vector<128x1024xi32>
      %shift_right_logical3A_2998 = arith.constant 6 : i32
      %shift_right_logical3A_2999 = vector.broadcast %shift_right_logical3A_2998 : i32 to vector<128x1024xi32>
      %shift_right_logical3A_3000 = arith.shrui %xor3A_2993, %shift_right_logical3A_2999 : vector<128x1024xi32>
      %or3A_3001 = arith.ori %shift_left3A_2997, %shift_right_logical3A_3000 : vector<128x1024xi32>
      %xor3A_3002 = arith.xori %or3A_3001, %add3A_2994 : vector<128x1024xi32>
      %add3A_3003 = arith.addi %add3A_2994, %xor3A_3002 : vector<128x1024xi32>
      %shift_left3A_3004 = arith.constant 6 : i32
      %shift_left3A_3005 = vector.broadcast %shift_left3A_3004 : i32 to vector<128x1024xi32>
      %shift_left3A_3006 = arith.shli %xor3A_3002, %shift_left3A_3005 : vector<128x1024xi32>
      %shift_right_logical3A_3007 = arith.constant 26 : i32
      %shift_right_logical3A_3008 = vector.broadcast %shift_right_logical3A_3007 : i32 to vector<128x1024xi32>
      %shift_right_logical3A_3009 = arith.shrui %xor3A_3002, %shift_right_logical3A_3008 : vector<128x1024xi32>
      %or3A_3010 = arith.ori %shift_left3A_3006, %shift_right_logical3A_3009 : vector<128x1024xi32>
      %xor3A_3011 = arith.xori %or3A_3010, %add3A_3003 : vector<128x1024xi32>
      %add3A_3012 = vector.broadcast %get3A_2969 : i32 to vector<128x1024xi32>
      %add3A_3013 = arith.addi %add3A_3003, %add3A_3012 : vector<128x1024xi32>
      %add3A_3014 = arith.constant 1 : i32
      %add3A_3015 = arith.addi %get3A_2972, %add3A_3014 : i32
      %add3A_3016 = vector.broadcast %add3A_3015 : i32 to vector<128x1024xi32>
      %add3A_3017 = arith.addi %xor3A_3011, %add3A_3016 : vector<128x1024xi32>
      %add3A_3018 = arith.addi %add3A_3013, %add3A_3017 : vector<128x1024xi32>
      %shift_left3A_3019 = arith.constant 17 : i32
      %shift_left3A_3020 = vector.broadcast %shift_left3A_3019 : i32 to vector<128x1024xi32>
      %shift_left3A_3021 = arith.shli %add3A_3017, %shift_left3A_3020 : vector<128x1024xi32>
      %shift_right_logical3A_3022 = arith.constant 15 : i32
      %shift_right_logical3A_3023 = vector.broadcast %shift_right_logical3A_3022 : i32 to vector<128x1024xi32>
      %shift_right_logical3A_3024 = arith.shrui %add3A_3017, %shift_right_logical3A_3023 : vector<128x1024xi32>
      %or3A_3025 = arith.ori %shift_left3A_3021, %shift_right_logical3A_3024 : vector<128x1024xi32>
      %xor3A_3026 = arith.xori %or3A_3025, %add3A_3018 : vector<128x1024xi32>
      %add3A_3027 = arith.addi %add3A_3018, %xor3A_3026 : vector<128x1024xi32>
      %shift_left3A_3028 = arith.constant 29 : i32
      %shift_left3A_3029 = vector.broadcast %shift_left3A_3028 : i32 to vector<128x1024xi32>
      %shift_left3A_3030 = arith.shli %xor3A_3026, %shift_left3A_3029 : vector<128x1024xi32>
      %shift_right_logical3A_3031 = arith.constant 3 : i32
      %shift_right_logical3A_3032 = vector.broadcast %shift_right_logical3A_3031 : i32 to vector<128x1024xi32>
      %shift_right_logical3A_3033 = arith.shrui %xor3A_3026, %shift_right_logical3A_3032 : vector<128x1024xi32>
      %or3A_3034 = arith.ori %shift_left3A_3030, %shift_right_logical3A_3033 : vector<128x1024xi32>
      %xor3A_3035 = arith.xori %or3A_3034, %add3A_3027 : vector<128x1024xi32>
      %add3A_3036 = arith.addi %add3A_3027, %xor3A_3035 : vector<128x1024xi32>
      %shift_left3A_3037 = arith.constant 16 : i32
      %shift_left3A_3038 = vector.broadcast %shift_left3A_3037 : i32 to vector<128x1024xi32>
      %shift_left3A_3039 = arith.shli %xor3A_3035, %shift_left3A_3038 : vector<128x1024xi32>
      %shift_right_logical3A_3040 = arith.constant 16 : i32
      %shift_right_logical3A_3041 = vector.broadcast %shift_right_logical3A_3040 : i32 to vector<128x1024xi32>
      %shift_right_logical3A_3042 = arith.shrui %xor3A_3035, %shift_right_logical3A_3041 : vector<128x1024xi32>
      %or3A_3043 = arith.ori %shift_left3A_3039, %shift_right_logical3A_3042 : vector<128x1024xi32>
      %xor3A_3044 = arith.xori %or3A_3043, %add3A_3036 : vector<128x1024xi32>
      %add3A_3045 = arith.addi %add3A_3036, %xor3A_3044 : vector<128x1024xi32>
      %shift_left3A_3046 = arith.constant 24 : i32
      %shift_left3A_3047 = vector.broadcast %shift_left3A_3046 : i32 to vector<128x1024xi32>
      %shift_left3A_3048 = arith.shli %xor3A_3044, %shift_left3A_3047 : vector<128x1024xi32>
      %shift_right_logical3A_3049 = arith.constant 8 : i32
      %shift_right_logical3A_3050 = vector.broadcast %shift_right_logical3A_3049 : i32 to vector<128x1024xi32>
      %shift_right_logical3A_3051 = arith.shrui %xor3A_3044, %shift_right_logical3A_3050 : vector<128x1024xi32>
      %or3A_3052 = arith.ori %shift_left3A_3048, %shift_right_logical3A_3051 : vector<128x1024xi32>
      %xor3A_3053 = arith.xori %or3A_3052, %add3A_3045 : vector<128x1024xi32>
      %add3A_3054 = vector.broadcast %get3A_2972 : i32 to vector<128x1024xi32>
      %add3A_3055 = arith.addi %add3A_3045, %add3A_3054 : vector<128x1024xi32>
      %add3A_3056 = arith.constant 2 : i32
      %add3A_3057 = arith.addi %get3A_2966, %add3A_3056 : i32
      %add3A_3058 = vector.broadcast %add3A_3057 : i32 to vector<128x1024xi32>
      %add3A_3059 = arith.addi %xor3A_3053, %add3A_3058 : vector<128x1024xi32>
      %add3A_3060 = arith.addi %add3A_3055, %add3A_3059 : vector<128x1024xi32>
      %shift_left3A_3061 = arith.constant 13 : i32
      %shift_left3A_3062 = vector.broadcast %shift_left3A_3061 : i32 to vector<128x1024xi32>
      %shift_left3A_3063 = arith.shli %add3A_3059, %shift_left3A_3062 : vector<128x1024xi32>
      %shift_right_logical3A_3064 = arith.constant 19 : i32
      %shift_right_logical3A_3065 = vector.broadcast %shift_right_logical3A_3064 : i32 to vector<128x1024xi32>
      %shift_right_logical3A_3066 = arith.shrui %add3A_3059, %shift_right_logical3A_3065 : vector<128x1024xi32>
      %or3A_3067 = arith.ori %shift_left3A_3063, %shift_right_logical3A_3066 : vector<128x1024xi32>
      %xor3A_3068 = arith.xori %or3A_3067, %add3A_3060 : vector<128x1024xi32>
      %add3A_3069 = arith.addi %add3A_3060, %xor3A_3068 : vector<128x1024xi32>
      %shift_left3A_3070 = arith.constant 15 : i32
      %shift_left3A_3071 = vector.broadcast %shift_left3A_3070 : i32 to vector<128x1024xi32>
      %shift_left3A_3072 = arith.shli %xor3A_3068, %shift_left3A_3071 : vector<128x1024xi32>
      %shift_right_logical3A_3073 = arith.constant 17 : i32
      %shift_right_logical3A_3074 = vector.broadcast %shift_right_logical3A_3073 : i32 to vector<128x1024xi32>
      %shift_right_logical3A_3075 = arith.shrui %xor3A_3068, %shift_right_logical3A_3074 : vector<128x1024xi32>
      %or3A_3076 = arith.ori %shift_left3A_3072, %shift_right_logical3A_3075 : vector<128x1024xi32>
      %xor3A_3077 = arith.xori %or3A_3076, %add3A_3069 : vector<128x1024xi32>
      %add3A_3078 = arith.addi %add3A_3069, %xor3A_3077 : vector<128x1024xi32>
      %shift_left3A_3079 = arith.constant 26 : i32
      %shift_left3A_3080 = vector.broadcast %shift_left3A_3079 : i32 to vector<128x1024xi32>
      %shift_left3A_3081 = arith.shli %xor3A_3077, %shift_left3A_3080 : vector<128x1024xi32>
      %shift_right_logical3A_3082 = arith.constant 6 : i32
      %shift_right_logical3A_3083 = vector.broadcast %shift_right_logical3A_3082 : i32 to vector<128x1024xi32>
      %shift_right_logical3A_3084 = arith.shrui %xor3A_3077, %shift_right_logical3A_3083 : vector<128x1024xi32>
      %or3A_3085 = arith.ori %shift_left3A_3081, %shift_right_logical3A_3084 : vector<128x1024xi32>
      %xor3A_3086 = arith.xori %or3A_3085, %add3A_3078 : vector<128x1024xi32>
      %add3A_3087 = arith.addi %add3A_3078, %xor3A_3086 : vector<128x1024xi32>
      %shift_left3A_3088 = arith.constant 6 : i32
      %shift_left3A_3089 = vector.broadcast %shift_left3A_3088 : i32 to vector<128x1024xi32>
      %shift_left3A_3090 = arith.shli %xor3A_3086, %shift_left3A_3089 : vector<128x1024xi32>
      %shift_right_logical3A_3091 = arith.constant 26 : i32
      %shift_right_logical3A_3092 = vector.broadcast %shift_right_logical3A_3091 : i32 to vector<128x1024xi32>
      %shift_right_logical3A_3093 = arith.shrui %xor3A_3086, %shift_right_logical3A_3092 : vector<128x1024xi32>
      %or3A_3094 = arith.ori %shift_left3A_3090, %shift_right_logical3A_3093 : vector<128x1024xi32>
      %xor3A_3095 = arith.xori %or3A_3094, %add3A_3087 : vector<128x1024xi32>
      %add3A_3096 = vector.broadcast %get3A_2966 : i32 to vector<128x1024xi32>
      %add3A_3097 = arith.addi %add3A_3087, %add3A_3096 : vector<128x1024xi32>
      %add3A_3098 = arith.constant 3 : i32
      %add3A_3099 = arith.addi %get3A_2969, %add3A_3098 : i32
      %add3A_3100 = vector.broadcast %add3A_3099 : i32 to vector<128x1024xi32>
      %add3A_3101 = arith.addi %xor3A_3095, %add3A_3100 : vector<128x1024xi32>
      %add3A_3102 = arith.addi %add3A_3097, %add3A_3101 : vector<128x1024xi32>
      %shift_left3A_3103 = arith.constant 17 : i32
      %shift_left3A_3104 = vector.broadcast %shift_left3A_3103 : i32 to vector<128x1024xi32>
      %shift_left3A_3105 = arith.shli %add3A_3101, %shift_left3A_3104 : vector<128x1024xi32>
      %shift_right_logical3A_3106 = arith.constant 15 : i32
      %shift_right_logical3A_3107 = vector.broadcast %shift_right_logical3A_3106 : i32 to vector<128x1024xi32>
      %shift_right_logical3A_3108 = arith.shrui %add3A_3101, %shift_right_logical3A_3107 : vector<128x1024xi32>
      %or3A_3109 = arith.ori %shift_left3A_3105, %shift_right_logical3A_3108 : vector<128x1024xi32>
      %xor3A_3110 = arith.xori %or3A_3109, %add3A_3102 : vector<128x1024xi32>
      %add3A_3111 = arith.addi %add3A_3102, %xor3A_3110 : vector<128x1024xi32>
      %shift_left3A_3112 = arith.constant 29 : i32
      %shift_left3A_3113 = vector.broadcast %shift_left3A_3112 : i32 to vector<128x1024xi32>
      %shift_left3A_3114 = arith.shli %xor3A_3110, %shift_left3A_3113 : vector<128x1024xi32>
      %shift_right_logical3A_3115 = arith.constant 3 : i32
      %shift_right_logical3A_3116 = vector.broadcast %shift_right_logical3A_3115 : i32 to vector<128x1024xi32>
      %shift_right_logical3A_3117 = arith.shrui %xor3A_3110, %shift_right_logical3A_3116 : vector<128x1024xi32>
      %or3A_3118 = arith.ori %shift_left3A_3114, %shift_right_logical3A_3117 : vector<128x1024xi32>
      %xor3A_3119 = arith.xori %or3A_3118, %add3A_3111 : vector<128x1024xi32>
      %add3A_3120 = arith.addi %add3A_3111, %xor3A_3119 : vector<128x1024xi32>
      %shift_left3A_3121 = arith.constant 16 : i32
      %shift_left3A_3122 = vector.broadcast %shift_left3A_3121 : i32 to vector<128x1024xi32>
      %shift_left3A_3123 = arith.shli %xor3A_3119, %shift_left3A_3122 : vector<128x1024xi32>
      %shift_right_logical3A_3124 = arith.constant 16 : i32
      %shift_right_logical3A_3125 = vector.broadcast %shift_right_logical3A_3124 : i32 to vector<128x1024xi32>
      %shift_right_logical3A_3126 = arith.shrui %xor3A_3119, %shift_right_logical3A_3125 : vector<128x1024xi32>
      %or3A_3127 = arith.ori %shift_left3A_3123, %shift_right_logical3A_3126 : vector<128x1024xi32>
      %xor3A_3128 = arith.xori %or3A_3127, %add3A_3120 : vector<128x1024xi32>
      %add3A_3129 = arith.addi %add3A_3120, %xor3A_3128 : vector<128x1024xi32>
      %shift_left3A_3130 = arith.constant 24 : i32
      %shift_left3A_3131 = vector.broadcast %shift_left3A_3130 : i32 to vector<128x1024xi32>
      %shift_left3A_3132 = arith.shli %xor3A_3128, %shift_left3A_3131 : vector<128x1024xi32>
      %shift_right_logical3A_3133 = arith.constant 8 : i32
      %shift_right_logical3A_3134 = vector.broadcast %shift_right_logical3A_3133 : i32 to vector<128x1024xi32>
      %shift_right_logical3A_3135 = arith.shrui %xor3A_3128, %shift_right_logical3A_3134 : vector<128x1024xi32>
      %or3A_3136 = arith.ori %shift_left3A_3132, %shift_right_logical3A_3135 : vector<128x1024xi32>
      %xor3A_3137 = arith.xori %or3A_3136, %add3A_3129 : vector<128x1024xi32>
      %add3A_3138 = vector.broadcast %get3A_2969 : i32 to vector<128x1024xi32>
      %add3A_3139 = arith.addi %add3A_3129, %add3A_3138 : vector<128x1024xi32>
      %add3A_3140 = arith.constant 4 : i32
      %add3A_3141 = arith.addi %get3A_2972, %add3A_3140 : i32
      %add3A_3142 = vector.broadcast %add3A_3141 : i32 to vector<128x1024xi32>
      %add3A_3143 = arith.addi %xor3A_3137, %add3A_3142 : vector<128x1024xi32>
      %add3A_3144 = arith.addi %add3A_3139, %add3A_3143 : vector<128x1024xi32>
      %shift_left3A_3145 = arith.constant 13 : i32
      %shift_left3A_3146 = vector.broadcast %shift_left3A_3145 : i32 to vector<128x1024xi32>
      %shift_left3A_3147 = arith.shli %add3A_3143, %shift_left3A_3146 : vector<128x1024xi32>
      %shift_right_logical3A_3148 = arith.constant 19 : i32
      %shift_right_logical3A_3149 = vector.broadcast %shift_right_logical3A_3148 : i32 to vector<128x1024xi32>
      %shift_right_logical3A_3150 = arith.shrui %add3A_3143, %shift_right_logical3A_3149 : vector<128x1024xi32>
      %or3A_3151 = arith.ori %shift_left3A_3147, %shift_right_logical3A_3150 : vector<128x1024xi32>
      %xor3A_3152 = arith.xori %or3A_3151, %add3A_3144 : vector<128x1024xi32>
      %add3A_3153 = arith.addi %add3A_3144, %xor3A_3152 : vector<128x1024xi32>
      %shift_left3A_3154 = arith.constant 15 : i32
      %shift_left3A_3155 = vector.broadcast %shift_left3A_3154 : i32 to vector<128x1024xi32>
      %shift_left3A_3156 = arith.shli %xor3A_3152, %shift_left3A_3155 : vector<128x1024xi32>
      %shift_right_logical3A_3157 = arith.constant 17 : i32
      %shift_right_logical3A_3158 = vector.broadcast %shift_right_logical3A_3157 : i32 to vector<128x1024xi32>
      %shift_right_logical3A_3159 = arith.shrui %xor3A_3152, %shift_right_logical3A_3158 : vector<128x1024xi32>
      %or3A_3160 = arith.ori %shift_left3A_3156, %shift_right_logical3A_3159 : vector<128x1024xi32>
      %xor3A_3161 = arith.xori %or3A_3160, %add3A_3153 : vector<128x1024xi32>
      %add3A_3162 = arith.addi %add3A_3153, %xor3A_3161 : vector<128x1024xi32>
      %shift_left3A_3163 = arith.constant 26 : i32
      %shift_left3A_3164 = vector.broadcast %shift_left3A_3163 : i32 to vector<128x1024xi32>
      %shift_left3A_3165 = arith.shli %xor3A_3161, %shift_left3A_3164 : vector<128x1024xi32>
      %shift_right_logical3A_3166 = arith.constant 6 : i32
      %shift_right_logical3A_3167 = vector.broadcast %shift_right_logical3A_3166 : i32 to vector<128x1024xi32>
      %shift_right_logical3A_3168 = arith.shrui %xor3A_3161, %shift_right_logical3A_3167 : vector<128x1024xi32>
      %or3A_3169 = arith.ori %shift_left3A_3165, %shift_right_logical3A_3168 : vector<128x1024xi32>
      %xor3A_3170 = arith.xori %or3A_3169, %add3A_3162 : vector<128x1024xi32>
      %add3A_3171 = arith.addi %add3A_3162, %xor3A_3170 : vector<128x1024xi32>
      %shift_left3A_3172 = arith.constant 6 : i32
      %shift_left3A_3173 = vector.broadcast %shift_left3A_3172 : i32 to vector<128x1024xi32>
      %shift_left3A_3174 = arith.shli %xor3A_3170, %shift_left3A_3173 : vector<128x1024xi32>
      %shift_right_logical3A_3175 = arith.constant 26 : i32
      %shift_right_logical3A_3176 = vector.broadcast %shift_right_logical3A_3175 : i32 to vector<128x1024xi32>
      %shift_right_logical3A_3177 = arith.shrui %xor3A_3170, %shift_right_logical3A_3176 : vector<128x1024xi32>
      %or3A_3178 = arith.ori %shift_left3A_3174, %shift_right_logical3A_3177 : vector<128x1024xi32>
      %xor3A_3179 = arith.xori %or3A_3178, %add3A_3171 : vector<128x1024xi32>
      %add3A_3180 = vector.broadcast %get3A_2972 : i32 to vector<128x1024xi32>
      %add3A_3181 = arith.addi %add3A_3171, %add3A_3180 : vector<128x1024xi32>
      %add3A_3182 = arith.constant 5 : i32
      %add3A_3183 = arith.addi %get3A_2966, %add3A_3182 : i32
      %add3A_3184 = vector.broadcast %add3A_3183 : i32 to vector<128x1024xi32>
      %add3A_3185 = arith.addi %xor3A_3179, %add3A_3184 : vector<128x1024xi32>
      %xor3A_3186 = arith.xori %add3A_3181, %add3A_3185 : vector<128x1024xi32>
      %shift_right_logical3A_3187 = arith.constant 9 : i32
      %shift_right_logical3A_3188 = vector.broadcast %shift_right_logical3A_3187 : i32 to vector<128x1024xi32>
      %shift_right_logical3A_3189 = arith.shrui %xor3A_3186, %shift_right_logical3A_3188 : vector<128x1024xi32>
      %or3A_3190 = arith.constant 1065353216 : i32
      %or3A_3191 = vector.broadcast %or3A_3190 : i32 to vector<128x1024xi32>
      %or3A_3192 = arith.ori %shift_right_logical3A_3189, %or3A_3191 : vector<128x1024xi32>
      %bitcast_convert_type3A_3193 = tpu.bitcast %or3A_3192 : vector<128x1024xi32> -> vector<128x1024xf32>
      %sub3A_3194 = arith.constant 1.000000e+00 : f32
      %sub3A_3195 = vector.broadcast %sub3A_3194 : f32 to vector<128x1024xf32>
      %sub3A_3196 = arith.subf %bitcast_convert_type3A_3193, %sub3A_3195 : vector<128x1024xf32>
      %log3A_3197 = math.log %sub3A_3196 : vector<128x1024xf32>
      %neg3A_3198 = arith.constant 0.000000e+00 : f32
      %neg3A_3199 = vector.broadcast %neg3A_3198 : f32 to vector<128x1024xf32>
      %neg3A_3200 = arith.subf %neg3A_3199, %log3A_3197 : vector<128x1024xf32>
      %mul3A_3201 = arith.mulf %neg3A_3200, %exp3A_8 : vector<128x1024xf32>
      %argmin3A_3202 = tpu.reduce_index %mul3A_3201 {axis = 1 : i32, kind = #tpu.reduction_kind<arg_min>} : vector<128x1024xf32> -> vector<128xi32>
      %reshape3A_3203 = vector.shape_cast %argmin3A_3202 : vector<128xi32> to vector<1x128xi32>
      %swap3A_3204 = arith.index_cast %scan3A_2963 : i32 to index
      %swap3A_3205 = arith.constant 0 : index
      %swap3A_3206 = vector.load %arg5[%swap3A_3204, %swap3A_3205] : memref<1024x128xi32, #tpu.memory_space<vmem>>, vector<1x128xi32>
      tpu.vector_store %arg5[%swap3A_3204, %swap3A_3205], %reshape3A_3203 {strides = array<i32>} : memref<1024x128xi32, #tpu.memory_space<vmem>>, vector<1x128xi32>,
      %scan3A_3207 = arith.constant 13 : i32
      %scan3A_3208 = arith.addi %scan3A_31, %scan3A_3207 : i32
      %get3A_3209 = arith.index_cast %scan3A_3208 : i32 to index
      %get3A_3210 = arith.constant 0 : index
      %get3A_3211 = memref.load %arg1[%get3A_3209, %get3A_3210] : memref<1024x3xi32, #tpu.memory_space<smem>>
      %get3A_3212 = arith.index_cast %scan3A_3208 : i32 to index
      %get3A_3213 = arith.constant 1 : index
      %get3A_3214 = memref.load %arg1[%get3A_3212, %get3A_3213] : memref<1024x3xi32, #tpu.memory_space<smem>>
      %get3A_3215 = arith.index_cast %scan3A_3208 : i32 to index
      %get3A_3216 = arith.constant 2 : index
      %get3A_3217 = memref.load %arg1[%get3A_3215, %get3A_3216] : memref<1024x3xi32, #tpu.memory_space<smem>>
      %add3A_3218 = vector.broadcast %get3A_3214 : i32 to vector<128x1024xi32>
      %add3A_3219 = arith.addi %add3A_20, %add3A_3218 : vector<128x1024xi32>
      %add3A_3220 = vector.broadcast %get3A_3211 : i32 to vector<128x1024xi32>
      %add3A_3221 = arith.addi %add3A_3220, %add3A_3219 : vector<128x1024xi32>
      %shift_left3A_3222 = arith.constant 13 : i32
      %shift_left3A_3223 = vector.broadcast %shift_left3A_3222 : i32 to vector<128x1024xi32>
      %shift_left3A_3224 = arith.shli %add3A_3219, %shift_left3A_3223 : vector<128x1024xi32>
      %shift_right_logical3A_3225 = arith.constant 19 : i32
      %shift_right_logical3A_3226 = vector.broadcast %shift_right_logical3A_3225 : i32 to vector<128x1024xi32>
      %shift_right_logical3A_3227 = arith.shrui %add3A_3219, %shift_right_logical3A_3226 : vector<128x1024xi32>
      %or3A_3228 = arith.ori %shift_left3A_3224, %shift_right_logical3A_3227 : vector<128x1024xi32>
      %xor3A_3229 = arith.xori %or3A_3228, %add3A_3221 : vector<128x1024xi32>
      %add3A_3230 = arith.addi %add3A_3221, %xor3A_3229 : vector<128x1024xi32>
      %shift_left3A_3231 = arith.constant 15 : i32
      %shift_left3A_3232 = vector.broadcast %shift_left3A_3231 : i32 to vector<128x1024xi32>
      %shift_left3A_3233 = arith.shli %xor3A_3229, %shift_left3A_3232 : vector<128x1024xi32>
      %shift_right_logical3A_3234 = arith.constant 17 : i32
      %shift_right_logical3A_3235 = vector.broadcast %shift_right_logical3A_3234 : i32 to vector<128x1024xi32>
      %shift_right_logical3A_3236 = arith.shrui %xor3A_3229, %shift_right_logical3A_3235 : vector<128x1024xi32>
      %or3A_3237 = arith.ori %shift_left3A_3233, %shift_right_logical3A_3236 : vector<128x1024xi32>
      %xor3A_3238 = arith.xori %or3A_3237, %add3A_3230 : vector<128x1024xi32>
      %add3A_3239 = arith.addi %add3A_3230, %xor3A_3238 : vector<128x1024xi32>
      %shift_left3A_3240 = arith.constant 26 : i32
      %shift_left3A_3241 = vector.broadcast %shift_left3A_3240 : i32 to vector<128x1024xi32>
      %shift_left3A_3242 = arith.shli %xor3A_3238, %shift_left3A_3241 : vector<128x1024xi32>
      %shift_right_logical3A_3243 = arith.constant 6 : i32
      %shift_right_logical3A_3244 = vector.broadcast %shift_right_logical3A_3243 : i32 to vector<128x1024xi32>
      %shift_right_logical3A_3245 = arith.shrui %xor3A_3238, %shift_right_logical3A_3244 : vector<128x1024xi32>
      %or3A_3246 = arith.ori %shift_left3A_3242, %shift_right_logical3A_3245 : vector<128x1024xi32>
      %xor3A_3247 = arith.xori %or3A_3246, %add3A_3239 : vector<128x1024xi32>
      %add3A_3248 = arith.addi %add3A_3239, %xor3A_3247 : vector<128x1024xi32>
      %shift_left3A_3249 = arith.constant 6 : i32
      %shift_left3A_3250 = vector.broadcast %shift_left3A_3249 : i32 to vector<128x1024xi32>
      %shift_left3A_3251 = arith.shli %xor3A_3247, %shift_left3A_3250 : vector<128x1024xi32>
      %shift_right_logical3A_3252 = arith.constant 26 : i32
      %shift_right_logical3A_3253 = vector.broadcast %shift_right_logical3A_3252 : i32 to vector<128x1024xi32>
      %shift_right_logical3A_3254 = arith.shrui %xor3A_3247, %shift_right_logical3A_3253 : vector<128x1024xi32>
      %or3A_3255 = arith.ori %shift_left3A_3251, %shift_right_logical3A_3254 : vector<128x1024xi32>
      %xor3A_3256 = arith.xori %or3A_3255, %add3A_3248 : vector<128x1024xi32>
      %add3A_3257 = vector.broadcast %get3A_3214 : i32 to vector<128x1024xi32>
      %add3A_3258 = arith.addi %add3A_3248, %add3A_3257 : vector<128x1024xi32>
      %add3A_3259 = arith.constant 1 : i32
      %add3A_3260 = arith.addi %get3A_3217, %add3A_3259 : i32
      %add3A_3261 = vector.broadcast %add3A_3260 : i32 to vector<128x1024xi32>
      %add3A_3262 = arith.addi %xor3A_3256, %add3A_3261 : vector<128x1024xi32>
      %add3A_3263 = arith.addi %add3A_3258, %add3A_3262 : vector<128x1024xi32>
      %shift_left3A_3264 = arith.constant 17 : i32
      %shift_left3A_3265 = vector.broadcast %shift_left3A_3264 : i32 to vector<128x1024xi32>
      %shift_left3A_3266 = arith.shli %add3A_3262, %shift_left3A_3265 : vector<128x1024xi32>
      %shift_right_logical3A_3267 = arith.constant 15 : i32
      %shift_right_logical3A_3268 = vector.broadcast %shift_right_logical3A_3267 : i32 to vector<128x1024xi32>
      %shift_right_logical3A_3269 = arith.shrui %add3A_3262, %shift_right_logical3A_3268 : vector<128x1024xi32>
      %or3A_3270 = arith.ori %shift_left3A_3266, %shift_right_logical3A_3269 : vector<128x1024xi32>
      %xor3A_3271 = arith.xori %or3A_3270, %add3A_3263 : vector<128x1024xi32>
      %add3A_3272 = arith.addi %add3A_3263, %xor3A_3271 : vector<128x1024xi32>
      %shift_left3A_3273 = arith.constant 29 : i32
      %shift_left3A_3274 = vector.broadcast %shift_left3A_3273 : i32 to vector<128x1024xi32>
      %shift_left3A_3275 = arith.shli %xor3A_3271, %shift_left3A_3274 : vector<128x1024xi32>
      %shift_right_logical3A_3276 = arith.constant 3 : i32
      %shift_right_logical3A_3277 = vector.broadcast %shift_right_logical3A_3276 : i32 to vector<128x1024xi32>
      %shift_right_logical3A_3278 = arith.shrui %xor3A_3271, %shift_right_logical3A_3277 : vector<128x1024xi32>
      %or3A_3279 = arith.ori %shift_left3A_3275, %shift_right_logical3A_3278 : vector<128x1024xi32>
      %xor3A_3280 = arith.xori %or3A_3279, %add3A_3272 : vector<128x1024xi32>
      %add3A_3281 = arith.addi %add3A_3272, %xor3A_3280 : vector<128x1024xi32>
      %shift_left3A_3282 = arith.constant 16 : i32
      %shift_left3A_3283 = vector.broadcast %shift_left3A_3282 : i32 to vector<128x1024xi32>
      %shift_left3A_3284 = arith.shli %xor3A_3280, %shift_left3A_3283 : vector<128x1024xi32>
      %shift_right_logical3A_3285 = arith.constant 16 : i32
      %shift_right_logical3A_3286 = vector.broadcast %shift_right_logical3A_3285 : i32 to vector<128x1024xi32>
      %shift_right_logical3A_3287 = arith.shrui %xor3A_3280, %shift_right_logical3A_3286 : vector<128x1024xi32>
      %or3A_3288 = arith.ori %shift_left3A_3284, %shift_right_logical3A_3287 : vector<128x1024xi32>
      %xor3A_3289 = arith.xori %or3A_3288, %add3A_3281 : vector<128x1024xi32>
      %add3A_3290 = arith.addi %add3A_3281, %xor3A_3289 : vector<128x1024xi32>
      %shift_left3A_3291 = arith.constant 24 : i32
      %shift_left3A_3292 = vector.broadcast %shift_left3A_3291 : i32 to vector<128x1024xi32>
      %shift_left3A_3293 = arith.shli %xor3A_3289, %shift_left3A_3292 : vector<128x1024xi32>
      %shift_right_logical3A_3294 = arith.constant 8 : i32
      %shift_right_logical3A_3295 = vector.broadcast %shift_right_logical3A_3294 : i32 to vector<128x1024xi32>
      %shift_right_logical3A_3296 = arith.shrui %xor3A_3289, %shift_right_logical3A_3295 : vector<128x1024xi32>
      %or3A_3297 = arith.ori %shift_left3A_3293, %shift_right_logical3A_3296 : vector<128x1024xi32>
      %xor3A_3298 = arith.xori %or3A_3297, %add3A_3290 : vector<128x1024xi32>
      %add3A_3299 = vector.broadcast %get3A_3217 : i32 to vector<128x1024xi32>
      %add3A_3300 = arith.addi %add3A_3290, %add3A_3299 : vector<128x1024xi32>
      %add3A_3301 = arith.constant 2 : i32
      %add3A_3302 = arith.addi %get3A_3211, %add3A_3301 : i32
      %add3A_3303 = vector.broadcast %add3A_3302 : i32 to vector<128x1024xi32>
      %add3A_3304 = arith.addi %xor3A_3298, %add3A_3303 : vector<128x1024xi32>
      %add3A_3305 = arith.addi %add3A_3300, %add3A_3304 : vector<128x1024xi32>
      %shift_left3A_3306 = arith.constant 13 : i32
      %shift_left3A_3307 = vector.broadcast %shift_left3A_3306 : i32 to vector<128x1024xi32>
      %shift_left3A_3308 = arith.shli %add3A_3304, %shift_left3A_3307 : vector<128x1024xi32>
      %shift_right_logical3A_3309 = arith.constant 19 : i32
      %shift_right_logical3A_3310 = vector.broadcast %shift_right_logical3A_3309 : i32 to vector<128x1024xi32>
      %shift_right_logical3A_3311 = arith.shrui %add3A_3304, %shift_right_logical3A_3310 : vector<128x1024xi32>
      %or3A_3312 = arith.ori %shift_left3A_3308, %shift_right_logical3A_3311 : vector<128x1024xi32>
      %xor3A_3313 = arith.xori %or3A_3312, %add3A_3305 : vector<128x1024xi32>
      %add3A_3314 = arith.addi %add3A_3305, %xor3A_3313 : vector<128x1024xi32>
      %shift_left3A_3315 = arith.constant 15 : i32
      %shift_left3A_3316 = vector.broadcast %shift_left3A_3315 : i32 to vector<128x1024xi32>
      %shift_left3A_3317 = arith.shli %xor3A_3313, %shift_left3A_3316 : vector<128x1024xi32>
      %shift_right_logical3A_3318 = arith.constant 17 : i32
      %shift_right_logical3A_3319 = vector.broadcast %shift_right_logical3A_3318 : i32 to vector<128x1024xi32>
      %shift_right_logical3A_3320 = arith.shrui %xor3A_3313, %shift_right_logical3A_3319 : vector<128x1024xi32>
      %or3A_3321 = arith.ori %shift_left3A_3317, %shift_right_logical3A_3320 : vector<128x1024xi32>
      %xor3A_3322 = arith.xori %or3A_3321, %add3A_3314 : vector<128x1024xi32>
      %add3A_3323 = arith.addi %add3A_3314, %xor3A_3322 : vector<128x1024xi32>
      %shift_left3A_3324 = arith.constant 26 : i32
      %shift_left3A_3325 = vector.broadcast %shift_left3A_3324 : i32 to vector<128x1024xi32>
      %shift_left3A_3326 = arith.shli %xor3A_3322, %shift_left3A_3325 : vector<128x1024xi32>
      %shift_right_logical3A_3327 = arith.constant 6 : i32
      %shift_right_logical3A_3328 = vector.broadcast %shift_right_logical3A_3327 : i32 to vector<128x1024xi32>
      %shift_right_logical3A_3329 = arith.shrui %xor3A_3322, %shift_right_logical3A_3328 : vector<128x1024xi32>
      %or3A_3330 = arith.ori %shift_left3A_3326, %shift_right_logical3A_3329 : vector<128x1024xi32>
      %xor3A_3331 = arith.xori %or3A_3330, %add3A_3323 : vector<128x1024xi32>
      %add3A_3332 = arith.addi %add3A_3323, %xor3A_3331 : vector<128x1024xi32>
      %shift_left3A_3333 = arith.constant 6 : i32
      %shift_left3A_3334 = vector.broadcast %shift_left3A_3333 : i32 to vector<128x1024xi32>
      %shift_left3A_3335 = arith.shli %xor3A_3331, %shift_left3A_3334 : vector<128x1024xi32>
      %shift_right_logical3A_3336 = arith.constant 26 : i32
      %shift_right_logical3A_3337 = vector.broadcast %shift_right_logical3A_3336 : i32 to vector<128x1024xi32>
      %shift_right_logical3A_3338 = arith.shrui %xor3A_3331, %shift_right_logical3A_3337 : vector<128x1024xi32>
      %or3A_3339 = arith.ori %shift_left3A_3335, %shift_right_logical3A_3338 : vector<128x1024xi32>
      %xor3A_3340 = arith.xori %or3A_3339, %add3A_3332 : vector<128x1024xi32>
      %add3A_3341 = vector.broadcast %get3A_3211 : i32 to vector<128x1024xi32>
      %add3A_3342 = arith.addi %add3A_3332, %add3A_3341 : vector<128x1024xi32>
      %add3A_3343 = arith.constant 3 : i32
      %add3A_3344 = arith.addi %get3A_3214, %add3A_3343 : i32
      %add3A_3345 = vector.broadcast %add3A_3344 : i32 to vector<128x1024xi32>
      %add3A_3346 = arith.addi %xor3A_3340, %add3A_3345 : vector<128x1024xi32>
      %add3A_3347 = arith.addi %add3A_3342, %add3A_3346 : vector<128x1024xi32>
      %shift_left3A_3348 = arith.constant 17 : i32
      %shift_left3A_3349 = vector.broadcast %shift_left3A_3348 : i32 to vector<128x1024xi32>
      %shift_left3A_3350 = arith.shli %add3A_3346, %shift_left3A_3349 : vector<128x1024xi32>
      %shift_right_logical3A_3351 = arith.constant 15 : i32
      %shift_right_logical3A_3352 = vector.broadcast %shift_right_logical3A_3351 : i32 to vector<128x1024xi32>
      %shift_right_logical3A_3353 = arith.shrui %add3A_3346, %shift_right_logical3A_3352 : vector<128x1024xi32>
      %or3A_3354 = arith.ori %shift_left3A_3350, %shift_right_logical3A_3353 : vector<128x1024xi32>
      %xor3A_3355 = arith.xori %or3A_3354, %add3A_3347 : vector<128x1024xi32>
      %add3A_3356 = arith.addi %add3A_3347, %xor3A_3355 : vector<128x1024xi32>
      %shift_left3A_3357 = arith.constant 29 : i32
      %shift_left3A_3358 = vector.broadcast %shift_left3A_3357 : i32 to vector<128x1024xi32>
      %shift_left3A_3359 = arith.shli %xor3A_3355, %shift_left3A_3358 : vector<128x1024xi32>
      %shift_right_logical3A_3360 = arith.constant 3 : i32
      %shift_right_logical3A_3361 = vector.broadcast %shift_right_logical3A_3360 : i32 to vector<128x1024xi32>
      %shift_right_logical3A_3362 = arith.shrui %xor3A_3355, %shift_right_logical3A_3361 : vector<128x1024xi32>
      %or3A_3363 = arith.ori %shift_left3A_3359, %shift_right_logical3A_3362 : vector<128x1024xi32>
      %xor3A_3364 = arith.xori %or3A_3363, %add3A_3356 : vector<128x1024xi32>
      %add3A_3365 = arith.addi %add3A_3356, %xor3A_3364 : vector<128x1024xi32>
      %shift_left3A_3366 = arith.constant 16 : i32
      %shift_left3A_3367 = vector.broadcast %shift_left3A_3366 : i32 to vector<128x1024xi32>
      %shift_left3A_3368 = arith.shli %xor3A_3364, %shift_left3A_3367 : vector<128x1024xi32>
      %shift_right_logical3A_3369 = arith.constant 16 : i32
      %shift_right_logical3A_3370 = vector.broadcast %shift_right_logical3A_3369 : i32 to vector<128x1024xi32>
      %shift_right_logical3A_3371 = arith.shrui %xor3A_3364, %shift_right_logical3A_3370 : vector<128x1024xi32>
      %or3A_3372 = arith.ori %shift_left3A_3368, %shift_right_logical3A_3371 : vector<128x1024xi32>
      %xor3A_3373 = arith.xori %or3A_3372, %add3A_3365 : vector<128x1024xi32>
      %add3A_3374 = arith.addi %add3A_3365, %xor3A_3373 : vector<128x1024xi32>
      %shift_left3A_3375 = arith.constant 24 : i32
      %shift_left3A_3376 = vector.broadcast %shift_left3A_3375 : i32 to vector<128x1024xi32>
      %shift_left3A_3377 = arith.shli %xor3A_3373, %shift_left3A_3376 : vector<128x1024xi32>
      %shift_right_logical3A_3378 = arith.constant 8 : i32
      %shift_right_logical3A_3379 = vector.broadcast %shift_right_logical3A_3378 : i32 to vector<128x1024xi32>
      %shift_right_logical3A_3380 = arith.shrui %xor3A_3373, %shift_right_logical3A_3379 : vector<128x1024xi32>
      %or3A_3381 = arith.ori %shift_left3A_3377, %shift_right_logical3A_3380 : vector<128x1024xi32>
      %xor3A_3382 = arith.xori %or3A_3381, %add3A_3374 : vector<128x1024xi32>
      %add3A_3383 = vector.broadcast %get3A_3214 : i32 to vector<128x1024xi32>
      %add3A_3384 = arith.addi %add3A_3374, %add3A_3383 : vector<128x1024xi32>
      %add3A_3385 = arith.constant 4 : i32
      %add3A_3386 = arith.addi %get3A_3217, %add3A_3385 : i32
      %add3A_3387 = vector.broadcast %add3A_3386 : i32 to vector<128x1024xi32>
      %add3A_3388 = arith.addi %xor3A_3382, %add3A_3387 : vector<128x1024xi32>
      %add3A_3389 = arith.addi %add3A_3384, %add3A_3388 : vector<128x1024xi32>
      %shift_left3A_3390 = arith.constant 13 : i32
      %shift_left3A_3391 = vector.broadcast %shift_left3A_3390 : i32 to vector<128x1024xi32>
      %shift_left3A_3392 = arith.shli %add3A_3388, %shift_left3A_3391 : vector<128x1024xi32>
      %shift_right_logical3A_3393 = arith.constant 19 : i32
      %shift_right_logical3A_3394 = vector.broadcast %shift_right_logical3A_3393 : i32 to vector<128x1024xi32>
      %shift_right_logical3A_3395 = arith.shrui %add3A_3388, %shift_right_logical3A_3394 : vector<128x1024xi32>
      %or3A_3396 = arith.ori %shift_left3A_3392, %shift_right_logical3A_3395 : vector<128x1024xi32>
      %xor3A_3397 = arith.xori %or3A_3396, %add3A_3389 : vector<128x1024xi32>
      %add3A_3398 = arith.addi %add3A_3389, %xor3A_3397 : vector<128x1024xi32>
      %shift_left3A_3399 = arith.constant 15 : i32
      %shift_left3A_3400 = vector.broadcast %shift_left3A_3399 : i32 to vector<128x1024xi32>
      %shift_left3A_3401 = arith.shli %xor3A_3397, %shift_left3A_3400 : vector<128x1024xi32>
      %shift_right_logical3A_3402 = arith.constant 17 : i32
      %shift_right_logical3A_3403 = vector.broadcast %shift_right_logical3A_3402 : i32 to vector<128x1024xi32>
      %shift_right_logical3A_3404 = arith.shrui %xor3A_3397, %shift_right_logical3A_3403 : vector<128x1024xi32>
      %or3A_3405 = arith.ori %shift_left3A_3401, %shift_right_logical3A_3404 : vector<128x1024xi32>
      %xor3A_3406 = arith.xori %or3A_3405, %add3A_3398 : vector<128x1024xi32>
      %add3A_3407 = arith.addi %add3A_3398, %xor3A_3406 : vector<128x1024xi32>
      %shift_left3A_3408 = arith.constant 26 : i32
      %shift_left3A_3409 = vector.broadcast %shift_left3A_3408 : i32 to vector<128x1024xi32>
      %shift_left3A_3410 = arith.shli %xor3A_3406, %shift_left3A_3409 : vector<128x1024xi32>
      %shift_right_logical3A_3411 = arith.constant 6 : i32
      %shift_right_logical3A_3412 = vector.broadcast %shift_right_logical3A_3411 : i32 to vector<128x1024xi32>
      %shift_right_logical3A_3413 = arith.shrui %xor3A_3406, %shift_right_logical3A_3412 : vector<128x1024xi32>
      %or3A_3414 = arith.ori %shift_left3A_3410, %shift_right_logical3A_3413 : vector<128x1024xi32>
      %xor3A_3415 = arith.xori %or3A_3414, %add3A_3407 : vector<128x1024xi32>
      %add3A_3416 = arith.addi %add3A_3407, %xor3A_3415 : vector<128x1024xi32>
      %shift_left3A_3417 = arith.constant 6 : i32
      %shift_left3A_3418 = vector.broadcast %shift_left3A_3417 : i32 to vector<128x1024xi32>
      %shift_left3A_3419 = arith.shli %xor3A_3415, %shift_left3A_3418 : vector<128x1024xi32>
      %shift_right_logical3A_3420 = arith.constant 26 : i32
      %shift_right_logical3A_3421 = vector.broadcast %shift_right_logical3A_3420 : i32 to vector<128x1024xi32>
      %shift_right_logical3A_3422 = arith.shrui %xor3A_3415, %shift_right_logical3A_3421 : vector<128x1024xi32>
      %or3A_3423 = arith.ori %shift_left3A_3419, %shift_right_logical3A_3422 : vector<128x1024xi32>
      %xor3A_3424 = arith.xori %or3A_3423, %add3A_3416 : vector<128x1024xi32>
      %add3A_3425 = vector.broadcast %get3A_3217 : i32 to vector<128x1024xi32>
      %add3A_3426 = arith.addi %add3A_3416, %add3A_3425 : vector<128x1024xi32>
      %add3A_3427 = arith.constant 5 : i32
      %add3A_3428 = arith.addi %get3A_3211, %add3A_3427 : i32
      %add3A_3429 = vector.broadcast %add3A_3428 : i32 to vector<128x1024xi32>
      %add3A_3430 = arith.addi %xor3A_3424, %add3A_3429 : vector<128x1024xi32>
      %xor3A_3431 = arith.xori %add3A_3426, %add3A_3430 : vector<128x1024xi32>
      %shift_right_logical3A_3432 = arith.constant 9 : i32
      %shift_right_logical3A_3433 = vector.broadcast %shift_right_logical3A_3432 : i32 to vector<128x1024xi32>
      %shift_right_logical3A_3434 = arith.shrui %xor3A_3431, %shift_right_logical3A_3433 : vector<128x1024xi32>
      %or3A_3435 = arith.constant 1065353216 : i32
      %or3A_3436 = vector.broadcast %or3A_3435 : i32 to vector<128x1024xi32>
      %or3A_3437 = arith.ori %shift_right_logical3A_3434, %or3A_3436 : vector<128x1024xi32>
      %bitcast_convert_type3A_3438 = tpu.bitcast %or3A_3437 : vector<128x1024xi32> -> vector<128x1024xf32>
      %sub3A_3439 = arith.constant 1.000000e+00 : f32
      %sub3A_3440 = vector.broadcast %sub3A_3439 : f32 to vector<128x1024xf32>
      %sub3A_3441 = arith.subf %bitcast_convert_type3A_3438, %sub3A_3440 : vector<128x1024xf32>
      %log3A_3442 = math.log %sub3A_3441 : vector<128x1024xf32>
      %neg3A_3443 = arith.constant 0.000000e+00 : f32
      %neg3A_3444 = vector.broadcast %neg3A_3443 : f32 to vector<128x1024xf32>
      %neg3A_3445 = arith.subf %neg3A_3444, %log3A_3442 : vector<128x1024xf32>
      %mul3A_3446 = arith.mulf %neg3A_3445, %exp3A_8 : vector<128x1024xf32>
      %argmin3A_3447 = tpu.reduce_index %mul3A_3446 {axis = 1 : i32, kind = #tpu.reduction_kind<arg_min>} : vector<128x1024xf32> -> vector<128xi32>
      %reshape3A_3448 = vector.shape_cast %argmin3A_3447 : vector<128xi32> to vector<1x128xi32>
      %swap3A_3449 = arith.index_cast %scan3A_3208 : i32 to index
      %swap3A_3450 = arith.constant 0 : index
      %swap3A_3451 = vector.load %arg5[%swap3A_3449, %swap3A_3450] : memref<1024x128xi32, #tpu.memory_space<vmem>>, vector<1x128xi32>
      tpu.vector_store %arg5[%swap3A_3449, %swap3A_3450], %reshape3A_3448 {strides = array<i32>} : memref<1024x128xi32, #tpu.memory_space<vmem>>, vector<1x128xi32>,
      %scan3A_3452 = arith.constant 14 : i32
      %scan3A_3453 = arith.addi %scan3A_31, %scan3A_3452 : i32
      %get3A_3454 = arith.index_cast %scan3A_3453 : i32 to index
      %get3A_3455 = arith.constant 0 : index
      %get3A_3456 = memref.load %arg1[%get3A_3454, %get3A_3455] : memref<1024x3xi32, #tpu.memory_space<smem>>
      %get3A_3457 = arith.index_cast %scan3A_3453 : i32 to index
      %get3A_3458 = arith.constant 1 : index
      %get3A_3459 = memref.load %arg1[%get3A_3457, %get3A_3458] : memref<1024x3xi32, #tpu.memory_space<smem>>
      %get3A_3460 = arith.index_cast %scan3A_3453 : i32 to index
      %get3A_3461 = arith.constant 2 : index
      %get3A_3462 = memref.load %arg1[%get3A_3460, %get3A_3461] : memref<1024x3xi32, #tpu.memory_space<smem>>
      %add3A_3463 = vector.broadcast %get3A_3459 : i32 to vector<128x1024xi32>
      %add3A_3464 = arith.addi %add3A_20, %add3A_3463 : vector<128x1024xi32>
      %add3A_3465 = vector.broadcast %get3A_3456 : i32 to vector<128x1024xi32>
      %add3A_3466 = arith.addi %add3A_3465, %add3A_3464 : vector<128x1024xi32>
      %shift_left3A_3467 = arith.constant 13 : i32
      %shift_left3A_3468 = vector.broadcast %shift_left3A_3467 : i32 to vector<128x1024xi32>
      %shift_left3A_3469 = arith.shli %add3A_3464, %shift_left3A_3468 : vector<128x1024xi32>
      %shift_right_logical3A_3470 = arith.constant 19 : i32
      %shift_right_logical3A_3471 = vector.broadcast %shift_right_logical3A_3470 : i32 to vector<128x1024xi32>
      %shift_right_logical3A_3472 = arith.shrui %add3A_3464, %shift_right_logical3A_3471 : vector<128x1024xi32>
      %or3A_3473 = arith.ori %shift_left3A_3469, %shift_right_logical3A_3472 : vector<128x1024xi32>
      %xor3A_3474 = arith.xori %or3A_3473, %add3A_3466 : vector<128x1024xi32>
      %add3A_3475 = arith.addi %add3A_3466, %xor3A_3474 : vector<128x1024xi32>
      %shift_left3A_3476 = arith.constant 15 : i32
      %shift_left3A_3477 = vector.broadcast %shift_left3A_3476 : i32 to vector<128x1024xi32>
      %shift_left3A_3478 = arith.shli %xor3A_3474, %shift_left3A_3477 : vector<128x1024xi32>
      %shift_right_logical3A_3479 = arith.constant 17 : i32
      %shift_right_logical3A_3480 = vector.broadcast %shift_right_logical3A_3479 : i32 to vector<128x1024xi32>
      %shift_right_logical3A_3481 = arith.shrui %xor3A_3474, %shift_right_logical3A_3480 : vector<128x1024xi32>
      %or3A_3482 = arith.ori %shift_left3A_3478, %shift_right_logical3A_3481 : vector<128x1024xi32>
      %xor3A_3483 = arith.xori %or3A_3482, %add3A_3475 : vector<128x1024xi32>
      %add3A_3484 = arith.addi %add3A_3475, %xor3A_3483 : vector<128x1024xi32>
      %shift_left3A_3485 = arith.constant 26 : i32
      %shift_left3A_3486 = vector.broadcast %shift_left3A_3485 : i32 to vector<128x1024xi32>
      %shift_left3A_3487 = arith.shli %xor3A_3483, %shift_left3A_3486 : vector<128x1024xi32>
      %shift_right_logical3A_3488 = arith.constant 6 : i32
      %shift_right_logical3A_3489 = vector.broadcast %shift_right_logical3A_3488 : i32 to vector<128x1024xi32>
      %shift_right_logical3A_3490 = arith.shrui %xor3A_3483, %shift_right_logical3A_3489 : vector<128x1024xi32>
      %or3A_3491 = arith.ori %shift_left3A_3487, %shift_right_logical3A_3490 : vector<128x1024xi32>
      %xor3A_3492 = arith.xori %or3A_3491, %add3A_3484 : vector<128x1024xi32>
      %add3A_3493 = arith.addi %add3A_3484, %xor3A_3492 : vector<128x1024xi32>
      %shift_left3A_3494 = arith.constant 6 : i32
      %shift_left3A_3495 = vector.broadcast %shift_left3A_3494 : i32 to vector<128x1024xi32>
      %shift_left3A_3496 = arith.shli %xor3A_3492, %shift_left3A_3495 : vector<128x1024xi32>
      %shift_right_logical3A_3497 = arith.constant 26 : i32
      %shift_right_logical3A_3498 = vector.broadcast %shift_right_logical3A_3497 : i32 to vector<128x1024xi32>
      %shift_right_logical3A_3499 = arith.shrui %xor3A_3492, %shift_right_logical3A_3498 : vector<128x1024xi32>
      %or3A_3500 = arith.ori %shift_left3A_3496, %shift_right_logical3A_3499 : vector<128x1024xi32>
      %xor3A_3501 = arith.xori %or3A_3500, %add3A_3493 : vector<128x1024xi32>
      %add3A_3502 = vector.broadcast %get3A_3459 : i32 to vector<128x1024xi32>
      %add3A_3503 = arith.addi %add3A_3493, %add3A_3502 : vector<128x1024xi32>
      %add3A_3504 = arith.constant 1 : i32
      %add3A_3505 = arith.addi %get3A_3462, %add3A_3504 : i32
      %add3A_3506 = vector.broadcast %add3A_3505 : i32 to vector<128x1024xi32>
      %add3A_3507 = arith.addi %xor3A_3501, %add3A_3506 : vector<128x1024xi32>
      %add3A_3508 = arith.addi %add3A_3503, %add3A_3507 : vector<128x1024xi32>
      %shift_left3A_3509 = arith.constant 17 : i32
      %shift_left3A_3510 = vector.broadcast %shift_left3A_3509 : i32 to vector<128x1024xi32>
      %shift_left3A_3511 = arith.shli %add3A_3507, %shift_left3A_3510 : vector<128x1024xi32>
      %shift_right_logical3A_3512 = arith.constant 15 : i32
      %shift_right_logical3A_3513 = vector.broadcast %shift_right_logical3A_3512 : i32 to vector<128x1024xi32>
      %shift_right_logical3A_3514 = arith.shrui %add3A_3507, %shift_right_logical3A_3513 : vector<128x1024xi32>
      %or3A_3515 = arith.ori %shift_left3A_3511, %shift_right_logical3A_3514 : vector<128x1024xi32>
      %xor3A_3516 = arith.xori %or3A_3515, %add3A_3508 : vector<128x1024xi32>
      %add3A_3517 = arith.addi %add3A_3508, %xor3A_3516 : vector<128x1024xi32>
      %shift_left3A_3518 = arith.constant 29 : i32
      %shift_left3A_3519 = vector.broadcast %shift_left3A_3518 : i32 to vector<128x1024xi32>
      %shift_left3A_3520 = arith.shli %xor3A_3516, %shift_left3A_3519 : vector<128x1024xi32>
      %shift_right_logical3A_3521 = arith.constant 3 : i32
      %shift_right_logical3A_3522 = vector.broadcast %shift_right_logical3A_3521 : i32 to vector<128x1024xi32>
      %shift_right_logical3A_3523 = arith.shrui %xor3A_3516, %shift_right_logical3A_3522 : vector<128x1024xi32>
      %or3A_3524 = arith.ori %shift_left3A_3520, %shift_right_logical3A_3523 : vector<128x1024xi32>
      %xor3A_3525 = arith.xori %or3A_3524, %add3A_3517 : vector<128x1024xi32>
      %add3A_3526 = arith.addi %add3A_3517, %xor3A_3525 : vector<128x1024xi32>
      %shift_left3A_3527 = arith.constant 16 : i32
      %shift_left3A_3528 = vector.broadcast %shift_left3A_3527 : i32 to vector<128x1024xi32>
      %shift_left3A_3529 = arith.shli %xor3A_3525, %shift_left3A_3528 : vector<128x1024xi32>
      %shift_right_logical3A_3530 = arith.constant 16 : i32
      %shift_right_logical3A_3531 = vector.broadcast %shift_right_logical3A_3530 : i32 to vector<128x1024xi32>
      %shift_right_logical3A_3532 = arith.shrui %xor3A_3525, %shift_right_logical3A_3531 : vector<128x1024xi32>
      %or3A_3533 = arith.ori %shift_left3A_3529, %shift_right_logical3A_3532 : vector<128x1024xi32>
      %xor3A_3534 = arith.xori %or3A_3533, %add3A_3526 : vector<128x1024xi32>
      %add3A_3535 = arith.addi %add3A_3526, %xor3A_3534 : vector<128x1024xi32>
      %shift_left3A_3536 = arith.constant 24 : i32
      %shift_left3A_3537 = vector.broadcast %shift_left3A_3536 : i32 to vector<128x1024xi32>
      %shift_left3A_3538 = arith.shli %xor3A_3534, %shift_left3A_3537 : vector<128x1024xi32>
      %shift_right_logical3A_3539 = arith.constant 8 : i32
      %shift_right_logical3A_3540 = vector.broadcast %shift_right_logical3A_3539 : i32 to vector<128x1024xi32>
      %shift_right_logical3A_3541 = arith.shrui %xor3A_3534, %shift_right_logical3A_3540 : vector<128x1024xi32>
      %or3A_3542 = arith.ori %shift_left3A_3538, %shift_right_logical3A_3541 : vector<128x1024xi32>
      %xor3A_3543 = arith.xori %or3A_3542, %add3A_3535 : vector<128x1024xi32>
      %add3A_3544 = vector.broadcast %get3A_3462 : i32 to vector<128x1024xi32>
      %add3A_3545 = arith.addi %add3A_3535, %add3A_3544 : vector<128x1024xi32>
      %add3A_3546 = arith.constant 2 : i32
      %add3A_3547 = arith.addi %get3A_3456, %add3A_3546 : i32
      %add3A_3548 = vector.broadcast %add3A_3547 : i32 to vector<128x1024xi32>
      %add3A_3549 = arith.addi %xor3A_3543, %add3A_3548 : vector<128x1024xi32>
      %add3A_3550 = arith.addi %add3A_3545, %add3A_3549 : vector<128x1024xi32>
      %shift_left3A_3551 = arith.constant 13 : i32
      %shift_left3A_3552 = vector.broadcast %shift_left3A_3551 : i32 to vector<128x1024xi32>
      %shift_left3A_3553 = arith.shli %add3A_3549, %shift_left3A_3552 : vector<128x1024xi32>
      %shift_right_logical3A_3554 = arith.constant 19 : i32
      %shift_right_logical3A_3555 = vector.broadcast %shift_right_logical3A_3554 : i32 to vector<128x1024xi32>
      %shift_right_logical3A_3556 = arith.shrui %add3A_3549, %shift_right_logical3A_3555 : vector<128x1024xi32>
      %or3A_3557 = arith.ori %shift_left3A_3553, %shift_right_logical3A_3556 : vector<128x1024xi32>
      %xor3A_3558 = arith.xori %or3A_3557, %add3A_3550 : vector<128x1024xi32>
      %add3A_3559 = arith.addi %add3A_3550, %xor3A_3558 : vector<128x1024xi32>
      %shift_left3A_3560 = arith.constant 15 : i32
      %shift_left3A_3561 = vector.broadcast %shift_left3A_3560 : i32 to vector<128x1024xi32>
      %shift_left3A_3562 = arith.shli %xor3A_3558, %shift_left3A_3561 : vector<128x1024xi32>
      %shift_right_logical3A_3563 = arith.constant 17 : i32
      %shift_right_logical3A_3564 = vector.broadcast %shift_right_logical3A_3563 : i32 to vector<128x1024xi32>
      %shift_right_logical3A_3565 = arith.shrui %xor3A_3558, %shift_right_logical3A_3564 : vector<128x1024xi32>
      %or3A_3566 = arith.ori %shift_left3A_3562, %shift_right_logical3A_3565 : vector<128x1024xi32>
      %xor3A_3567 = arith.xori %or3A_3566, %add3A_3559 : vector<128x1024xi32>
      %add3A_3568 = arith.addi %add3A_3559, %xor3A_3567 : vector<128x1024xi32>
      %shift_left3A_3569 = arith.constant 26 : i32
      %shift_left3A_3570 = vector.broadcast %shift_left3A_3569 : i32 to vector<128x1024xi32>
      %shift_left3A_3571 = arith.shli %xor3A_3567, %shift_left3A_3570 : vector<128x1024xi32>
      %shift_right_logical3A_3572 = arith.constant 6 : i32
      %shift_right_logical3A_3573 = vector.broadcast %shift_right_logical3A_3572 : i32 to vector<128x1024xi32>
      %shift_right_logical3A_3574 = arith.shrui %xor3A_3567, %shift_right_logical3A_3573 : vector<128x1024xi32>
      %or3A_3575 = arith.ori %shift_left3A_3571, %shift_right_logical3A_3574 : vector<128x1024xi32>
      %xor3A_3576 = arith.xori %or3A_3575, %add3A_3568 : vector<128x1024xi32>
      %add3A_3577 = arith.addi %add3A_3568, %xor3A_3576 : vector<128x1024xi32>
      %shift_left3A_3578 = arith.constant 6 : i32
      %shift_left3A_3579 = vector.broadcast %shift_left3A_3578 : i32 to vector<128x1024xi32>
      %shift_left3A_3580 = arith.shli %xor3A_3576, %shift_left3A_3579 : vector<128x1024xi32>
      %shift_right_logical3A_3581 = arith.constant 26 : i32
      %shift_right_logical3A_3582 = vector.broadcast %shift_right_logical3A_3581 : i32 to vector<128x1024xi32>
      %shift_right_logical3A_3583 = arith.shrui %xor3A_3576, %shift_right_logical3A_3582 : vector<128x1024xi32>
      %or3A_3584 = arith.ori %shift_left3A_3580, %shift_right_logical3A_3583 : vector<128x1024xi32>
      %xor3A_3585 = arith.xori %or3A_3584, %add3A_3577 : vector<128x1024xi32>
      %add3A_3586 = vector.broadcast %get3A_3456 : i32 to vector<128x1024xi32>
      %add3A_3587 = arith.addi %add3A_3577, %add3A_3586 : vector<128x1024xi32>
      %add3A_3588 = arith.constant 3 : i32
      %add3A_3589 = arith.addi %get3A_3459, %add3A_3588 : i32
      %add3A_3590 = vector.broadcast %add3A_3589 : i32 to vector<128x1024xi32>
      %add3A_3591 = arith.addi %xor3A_3585, %add3A_3590 : vector<128x1024xi32>
      %add3A_3592 = arith.addi %add3A_3587, %add3A_3591 : vector<128x1024xi32>
      %shift_left3A_3593 = arith.constant 17 : i32
      %shift_left3A_3594 = vector.broadcast %shift_left3A_3593 : i32 to vector<128x1024xi32>
      %shift_left3A_3595 = arith.shli %add3A_3591, %shift_left3A_3594 : vector<128x1024xi32>
      %shift_right_logical3A_3596 = arith.constant 15 : i32
      %shift_right_logical3A_3597 = vector.broadcast %shift_right_logical3A_3596 : i32 to vector<128x1024xi32>
      %shift_right_logical3A_3598 = arith.shrui %add3A_3591, %shift_right_logical3A_3597 : vector<128x1024xi32>
      %or3A_3599 = arith.ori %shift_left3A_3595, %shift_right_logical3A_3598 : vector<128x1024xi32>
      %xor3A_3600 = arith.xori %or3A_3599, %add3A_3592 : vector<128x1024xi32>
      %add3A_3601 = arith.addi %add3A_3592, %xor3A_3600 : vector<128x1024xi32>
      %shift_left3A_3602 = arith.constant 29 : i32
      %shift_left3A_3603 = vector.broadcast %shift_left3A_3602 : i32 to vector<128x1024xi32>
      %shift_left3A_3604 = arith.shli %xor3A_3600, %shift_left3A_3603 : vector<128x1024xi32>
      %shift_right_logical3A_3605 = arith.constant 3 : i32
      %shift_right_logical3A_3606 = vector.broadcast %shift_right_logical3A_3605 : i32 to vector<128x1024xi32>
      %shift_right_logical3A_3607 = arith.shrui %xor3A_3600, %shift_right_logical3A_3606 : vector<128x1024xi32>
      %or3A_3608 = arith.ori %shift_left3A_3604, %shift_right_logical3A_3607 : vector<128x1024xi32>
      %xor3A_3609 = arith.xori %or3A_3608, %add3A_3601 : vector<128x1024xi32>
      %add3A_3610 = arith.addi %add3A_3601, %xor3A_3609 : vector<128x1024xi32>
      %shift_left3A_3611 = arith.constant 16 : i32
      %shift_left3A_3612 = vector.broadcast %shift_left3A_3611 : i32 to vector<128x1024xi32>
      %shift_left3A_3613 = arith.shli %xor3A_3609, %shift_left3A_3612 : vector<128x1024xi32>
      %shift_right_logical3A_3614 = arith.constant 16 : i32
      %shift_right_logical3A_3615 = vector.broadcast %shift_right_logical3A_3614 : i32 to vector<128x1024xi32>
      %shift_right_logical3A_3616 = arith.shrui %xor3A_3609, %shift_right_logical3A_3615 : vector<128x1024xi32>
      %or3A_3617 = arith.ori %shift_left3A_3613, %shift_right_logical3A_3616 : vector<128x1024xi32>
      %xor3A_3618 = arith.xori %or3A_3617, %add3A_3610 : vector<128x1024xi32>
      %add3A_3619 = arith.addi %add3A_3610, %xor3A_3618 : vector<128x1024xi32>
      %shift_left3A_3620 = arith.constant 24 : i32
      %shift_left3A_3621 = vector.broadcast %shift_left3A_3620 : i32 to vector<128x1024xi32>
      %shift_left3A_3622 = arith.shli %xor3A_3618, %shift_left3A_3621 : vector<128x1024xi32>
      %shift_right_logical3A_3623 = arith.constant 8 : i32
      %shift_right_logical3A_3624 = vector.broadcast %shift_right_logical3A_3623 : i32 to vector<128x1024xi32>
      %shift_right_logical3A_3625 = arith.shrui %xor3A_3618, %shift_right_logical3A_3624 : vector<128x1024xi32>
      %or3A_3626 = arith.ori %shift_left3A_3622, %shift_right_logical3A_3625 : vector<128x1024xi32>
      %xor3A_3627 = arith.xori %or3A_3626, %add3A_3619 : vector<128x1024xi32>
      %add3A_3628 = vector.broadcast %get3A_3459 : i32 to vector<128x1024xi32>
      %add3A_3629 = arith.addi %add3A_3619, %add3A_3628 : vector<128x1024xi32>
      %add3A_3630 = arith.constant 4 : i32
      %add3A_3631 = arith.addi %get3A_3462, %add3A_3630 : i32
      %add3A_3632 = vector.broadcast %add3A_3631 : i32 to vector<128x1024xi32>
      %add3A_3633 = arith.addi %xor3A_3627, %add3A_3632 : vector<128x1024xi32>
      %add3A_3634 = arith.addi %add3A_3629, %add3A_3633 : vector<128x1024xi32>
      %shift_left3A_3635 = arith.constant 13 : i32
      %shift_left3A_3636 = vector.broadcast %shift_left3A_3635 : i32 to vector<128x1024xi32>
      %shift_left3A_3637 = arith.shli %add3A_3633, %shift_left3A_3636 : vector<128x1024xi32>
      %shift_right_logical3A_3638 = arith.constant 19 : i32
      %shift_right_logical3A_3639 = vector.broadcast %shift_right_logical3A_3638 : i32 to vector<128x1024xi32>
      %shift_right_logical3A_3640 = arith.shrui %add3A_3633, %shift_right_logical3A_3639 : vector<128x1024xi32>
      %or3A_3641 = arith.ori %shift_left3A_3637, %shift_right_logical3A_3640 : vector<128x1024xi32>
      %xor3A_3642 = arith.xori %or3A_3641, %add3A_3634 : vector<128x1024xi32>
      %add3A_3643 = arith.addi %add3A_3634, %xor3A_3642 : vector<128x1024xi32>
      %shift_left3A_3644 = arith.constant 15 : i32
      %shift_left3A_3645 = vector.broadcast %shift_left3A_3644 : i32 to vector<128x1024xi32>
      %shift_left3A_3646 = arith.shli %xor3A_3642, %shift_left3A_3645 : vector<128x1024xi32>
      %shift_right_logical3A_3647 = arith.constant 17 : i32
      %shift_right_logical3A_3648 = vector.broadcast %shift_right_logical3A_3647 : i32 to vector<128x1024xi32>
      %shift_right_logical3A_3649 = arith.shrui %xor3A_3642, %shift_right_logical3A_3648 : vector<128x1024xi32>
      %or3A_3650 = arith.ori %shift_left3A_3646, %shift_right_logical3A_3649 : vector<128x1024xi32>
      %xor3A_3651 = arith.xori %or3A_3650, %add3A_3643 : vector<128x1024xi32>
      %add3A_3652 = arith.addi %add3A_3643, %xor3A_3651 : vector<128x1024xi32>
      %shift_left3A_3653 = arith.constant 26 : i32
      %shift_left3A_3654 = vector.broadcast %shift_left3A_3653 : i32 to vector<128x1024xi32>
      %shift_left3A_3655 = arith.shli %xor3A_3651, %shift_left3A_3654 : vector<128x1024xi32>
      %shift_right_logical3A_3656 = arith.constant 6 : i32
      %shift_right_logical3A_3657 = vector.broadcast %shift_right_logical3A_3656 : i32 to vector<128x1024xi32>
      %shift_right_logical3A_3658 = arith.shrui %xor3A_3651, %shift_right_logical3A_3657 : vector<128x1024xi32>
      %or3A_3659 = arith.ori %shift_left3A_3655, %shift_right_logical3A_3658 : vector<128x1024xi32>
      %xor3A_3660 = arith.xori %or3A_3659, %add3A_3652 : vector<128x1024xi32>
      %add3A_3661 = arith.addi %add3A_3652, %xor3A_3660 : vector<128x1024xi32>
      %shift_left3A_3662 = arith.constant 6 : i32
      %shift_left3A_3663 = vector.broadcast %shift_left3A_3662 : i32 to vector<128x1024xi32>
      %shift_left3A_3664 = arith.shli %xor3A_3660, %shift_left3A_3663 : vector<128x1024xi32>
      %shift_right_logical3A_3665 = arith.constant 26 : i32
      %shift_right_logical3A_3666 = vector.broadcast %shift_right_logical3A_3665 : i32 to vector<128x1024xi32>
      %shift_right_logical3A_3667 = arith.shrui %xor3A_3660, %shift_right_logical3A_3666 : vector<128x1024xi32>
      %or3A_3668 = arith.ori %shift_left3A_3664, %shift_right_logical3A_3667 : vector<128x1024xi32>
      %xor3A_3669 = arith.xori %or3A_3668, %add3A_3661 : vector<128x1024xi32>
      %add3A_3670 = vector.broadcast %get3A_3462 : i32 to vector<128x1024xi32>
      %add3A_3671 = arith.addi %add3A_3661, %add3A_3670 : vector<128x1024xi32>
      %add3A_3672 = arith.constant 5 : i32
      %add3A_3673 = arith.addi %get3A_3456, %add3A_3672 : i32
      %add3A_3674 = vector.broadcast %add3A_3673 : i32 to vector<128x1024xi32>
      %add3A_3675 = arith.addi %xor3A_3669, %add3A_3674 : vector<128x1024xi32>
      %xor3A_3676 = arith.xori %add3A_3671, %add3A_3675 : vector<128x1024xi32>
      %shift_right_logical3A_3677 = arith.constant 9 : i32
      %shift_right_logical3A_3678 = vector.broadcast %shift_right_logical3A_3677 : i32 to vector<128x1024xi32>
      %shift_right_logical3A_3679 = arith.shrui %xor3A_3676, %shift_right_logical3A_3678 : vector<128x1024xi32>
      %or3A_3680 = arith.constant 1065353216 : i32
      %or3A_3681 = vector.broadcast %or3A_3680 : i32 to vector<128x1024xi32>
      %or3A_3682 = arith.ori %shift_right_logical3A_3679, %or3A_3681 : vector<128x1024xi32>
      %bitcast_convert_type3A_3683 = tpu.bitcast %or3A_3682 : vector<128x1024xi32> -> vector<128x1024xf32>
      %sub3A_3684 = arith.constant 1.000000e+00 : f32
      %sub3A_3685 = vector.broadcast %sub3A_3684 : f32 to vector<128x1024xf32>
      %sub3A_3686 = arith.subf %bitcast_convert_type3A_3683, %sub3A_3685 : vector<128x1024xf32>
      %log3A_3687 = math.log %sub3A_3686 : vector<128x1024xf32>
      %neg3A_3688 = arith.constant 0.000000e+00 : f32
      %neg3A_3689 = vector.broadcast %neg3A_3688 : f32 to vector<128x1024xf32>
      %neg3A_3690 = arith.subf %neg3A_3689, %log3A_3687 : vector<128x1024xf32>
      %mul3A_3691 = arith.mulf %neg3A_3690, %exp3A_8 : vector<128x1024xf32>
      %argmin3A_3692 = tpu.reduce_index %mul3A_3691 {axis = 1 : i32, kind = #tpu.reduction_kind<arg_min>} : vector<128x1024xf32> -> vector<128xi32>
      %reshape3A_3693 = vector.shape_cast %argmin3A_3692 : vector<128xi32> to vector<1x128xi32>
      %swap3A_3694 = arith.index_cast %scan3A_3453 : i32 to index
      %swap3A_3695 = arith.constant 0 : index
      %swap3A_3696 = vector.load %arg5[%swap3A_3694, %swap3A_3695] : memref<1024x128xi32, #tpu.memory_space<vmem>>, vector<1x128xi32>
      tpu.vector_store %arg5[%swap3A_3694, %swap3A_3695], %reshape3A_3693 {strides = array<i32>} : memref<1024x128xi32, #tpu.memory_space<vmem>>, vector<1x128xi32>,
      %scan3A_3697 = arith.constant 15 : i32
      %scan3A_3698 = arith.addi %scan3A_31, %scan3A_3697 : i32
      %get3A_3699 = arith.index_cast %scan3A_3698 : i32 to index
      %get3A_3700 = arith.constant 0 : index
      %get3A_3701 = memref.load %arg1[%get3A_3699, %get3A_3700] : memref<1024x3xi32, #tpu.memory_space<smem>>
      %get3A_3702 = arith.index_cast %scan3A_3698 : i32 to index
      %get3A_3703 = arith.constant 1 : index
      %get3A_3704 = memref.load %arg1[%get3A_3702, %get3A_3703] : memref<1024x3xi32, #tpu.memory_space<smem>>
      %get3A_3705 = arith.index_cast %scan3A_3698 : i32 to index
      %get3A_3706 = arith.constant 2 : index
      %get3A_3707 = memref.load %arg1[%get3A_3705, %get3A_3706] : memref<1024x3xi32, #tpu.memory_space<smem>>
      %add3A_3708 = vector.broadcast %get3A_3704 : i32 to vector<128x1024xi32>
      %add3A_3709 = arith.addi %add3A_20, %add3A_3708 : vector<128x1024xi32>
      %add3A_3710 = vector.broadcast %get3A_3701 : i32 to vector<128x1024xi32>
      %add3A_3711 = arith.addi %add3A_3710, %add3A_3709 : vector<128x1024xi32>
      %shift_left3A_3712 = arith.constant 13 : i32
      %shift_left3A_3713 = vector.broadcast %shift_left3A_3712 : i32 to vector<128x1024xi32>
      %shift_left3A_3714 = arith.shli %add3A_3709, %shift_left3A_3713 : vector<128x1024xi32>
      %shift_right_logical3A_3715 = arith.constant 19 : i32
      %shift_right_logical3A_3716 = vector.broadcast %shift_right_logical3A_3715 : i32 to vector<128x1024xi32>
      %shift_right_logical3A_3717 = arith.shrui %add3A_3709, %shift_right_logical3A_3716 : vector<128x1024xi32>
      %or3A_3718 = arith.ori %shift_left3A_3714, %shift_right_logical3A_3717 : vector<128x1024xi32>
      %xor3A_3719 = arith.xori %or3A_3718, %add3A_3711 : vector<128x1024xi32>
      %add3A_3720 = arith.addi %add3A_3711, %xor3A_3719 : vector<128x1024xi32>
      %shift_left3A_3721 = arith.constant 15 : i32
      %shift_left3A_3722 = vector.broadcast %shift_left3A_3721 : i32 to vector<128x1024xi32>
      %shift_left3A_3723 = arith.shli %xor3A_3719, %shift_left3A_3722 : vector<128x1024xi32>
      %shift_right_logical3A_3724 = arith.constant 17 : i32
      %shift_right_logical3A_3725 = vector.broadcast %shift_right_logical3A_3724 : i32 to vector<128x1024xi32>
      %shift_right_logical3A_3726 = arith.shrui %xor3A_3719, %shift_right_logical3A_3725 : vector<128x1024xi32>
      %or3A_3727 = arith.ori %shift_left3A_3723, %shift_right_logical3A_3726 : vector<128x1024xi32>
      %xor3A_3728 = arith.xori %or3A_3727, %add3A_3720 : vector<128x1024xi32>
      %add3A_3729 = arith.addi %add3A_3720, %xor3A_3728 : vector<128x1024xi32>
      %shift_left3A_3730 = arith.constant 26 : i32
      %shift_left3A_3731 = vector.broadcast %shift_left3A_3730 : i32 to vector<128x1024xi32>
      %shift_left3A_3732 = arith.shli %xor3A_3728, %shift_left3A_3731 : vector<128x1024xi32>
      %shift_right_logical3A_3733 = arith.constant 6 : i32
      %shift_right_logical3A_3734 = vector.broadcast %shift_right_logical3A_3733 : i32 to vector<128x1024xi32>
      %shift_right_logical3A_3735 = arith.shrui %xor3A_3728, %shift_right_logical3A_3734 : vector<128x1024xi32>
      %or3A_3736 = arith.ori %shift_left3A_3732, %shift_right_logical3A_3735 : vector<128x1024xi32>
      %xor3A_3737 = arith.xori %or3A_3736, %add3A_3729 : vector<128x1024xi32>
      %add3A_3738 = arith.addi %add3A_3729, %xor3A_3737 : vector<128x1024xi32>
      %shift_left3A_3739 = arith.constant 6 : i32
      %shift_left3A_3740 = vector.broadcast %shift_left3A_3739 : i32 to vector<128x1024xi32>
      %shift_left3A_3741 = arith.shli %xor3A_3737, %shift_left3A_3740 : vector<128x1024xi32>
      %shift_right_logical3A_3742 = arith.constant 26 : i32
      %shift_right_logical3A_3743 = vector.broadcast %shift_right_logical3A_3742 : i32 to vector<128x1024xi32>
      %shift_right_logical3A_3744 = arith.shrui %xor3A_3737, %shift_right_logical3A_3743 : vector<128x1024xi32>
      %or3A_3745 = arith.ori %shift_left3A_3741, %shift_right_logical3A_3744 : vector<128x1024xi32>
      %xor3A_3746 = arith.xori %or3A_3745, %add3A_3738 : vector<128x1024xi32>
      %add3A_3747 = vector.broadcast %get3A_3704 : i32 to vector<128x1024xi32>
      %add3A_3748 = arith.addi %add3A_3738, %add3A_3747 : vector<128x1024xi32>
      %add3A_3749 = arith.constant 1 : i32
      %add3A_3750 = arith.addi %get3A_3707, %add3A_3749 : i32
      %add3A_3751 = vector.broadcast %add3A_3750 : i32 to vector<128x1024xi32>
      %add3A_3752 = arith.addi %xor3A_3746, %add3A_3751 : vector<128x1024xi32>
      %add3A_3753 = arith.addi %add3A_3748, %add3A_3752 : vector<128x1024xi32>
      %shift_left3A_3754 = arith.constant 17 : i32
      %shift_left3A_3755 = vector.broadcast %shift_left3A_3754 : i32 to vector<128x1024xi32>
      %shift_left3A_3756 = arith.shli %add3A_3752, %shift_left3A_3755 : vector<128x1024xi32>
      %shift_right_logical3A_3757 = arith.constant 15 : i32
      %shift_right_logical3A_3758 = vector.broadcast %shift_right_logical3A_3757 : i32 to vector<128x1024xi32>
      %shift_right_logical3A_3759 = arith.shrui %add3A_3752, %shift_right_logical3A_3758 : vector<128x1024xi32>
      %or3A_3760 = arith.ori %shift_left3A_3756, %shift_right_logical3A_3759 : vector<128x1024xi32>
      %xor3A_3761 = arith.xori %or3A_3760, %add3A_3753 : vector<128x1024xi32>
      %add3A_3762 = arith.addi %add3A_3753, %xor3A_3761 : vector<128x1024xi32>
      %shift_left3A_3763 = arith.constant 29 : i32
      %shift_left3A_3764 = vector.broadcast %shift_left3A_3763 : i32 to vector<128x1024xi32>
      %shift_left3A_3765 = arith.shli %xor3A_3761, %shift_left3A_3764 : vector<128x1024xi32>
      %shift_right_logical3A_3766 = arith.constant 3 : i32
      %shift_right_logical3A_3767 = vector.broadcast %shift_right_logical3A_3766 : i32 to vector<128x1024xi32>
      %shift_right_logical3A_3768 = arith.shrui %xor3A_3761, %shift_right_logical3A_3767 : vector<128x1024xi32>
      %or3A_3769 = arith.ori %shift_left3A_3765, %shift_right_logical3A_3768 : vector<128x1024xi32>
      %xor3A_3770 = arith.xori %or3A_3769, %add3A_3762 : vector<128x1024xi32>
      %add3A_3771 = arith.addi %add3A_3762, %xor3A_3770 : vector<128x1024xi32>
      %shift_left3A_3772 = arith.constant 16 : i32
      %shift_left3A_3773 = vector.broadcast %shift_left3A_3772 : i32 to vector<128x1024xi32>
      %shift_left3A_3774 = arith.shli %xor3A_3770, %shift_left3A_3773 : vector<128x1024xi32>
      %shift_right_logical3A_3775 = arith.constant 16 : i32
      %shift_right_logical3A_3776 = vector.broadcast %shift_right_logical3A_3775 : i32 to vector<128x1024xi32>
      %shift_right_logical3A_3777 = arith.shrui %xor3A_3770, %shift_right_logical3A_3776 : vector<128x1024xi32>
      %or3A_3778 = arith.ori %shift_left3A_3774, %shift_right_logical3A_3777 : vector<128x1024xi32>
      %xor3A_3779 = arith.xori %or3A_3778, %add3A_3771 : vector<128x1024xi32>
      %add3A_3780 = arith.addi %add3A_3771, %xor3A_3779 : vector<128x1024xi32>
      %shift_left3A_3781 = arith.constant 24 : i32
      %shift_left3A_3782 = vector.broadcast %shift_left3A_3781 : i32 to vector<128x1024xi32>
      %shift_left3A_3783 = arith.shli %xor3A_3779, %shift_left3A_3782 : vector<128x1024xi32>
      %shift_right_logical3A_3784 = arith.constant 8 : i32
      %shift_right_logical3A_3785 = vector.broadcast %shift_right_logical3A_3784 : i32 to vector<128x1024xi32>
      %shift_right_logical3A_3786 = arith.shrui %xor3A_3779, %shift_right_logical3A_3785 : vector<128x1024xi32>
      %or3A_3787 = arith.ori %shift_left3A_3783, %shift_right_logical3A_3786 : vector<128x1024xi32>
      %xor3A_3788 = arith.xori %or3A_3787, %add3A_3780 : vector<128x1024xi32>
      %add3A_3789 = vector.broadcast %get3A_3707 : i32 to vector<128x1024xi32>
      %add3A_3790 = arith.addi %add3A_3780, %add3A_3789 : vector<128x1024xi32>
      %add3A_3791 = arith.constant 2 : i32
      %add3A_3792 = arith.addi %get3A_3701, %add3A_3791 : i32
      %add3A_3793 = vector.broadcast %add3A_3792 : i32 to vector<128x1024xi32>
      %add3A_3794 = arith.addi %xor3A_3788, %add3A_3793 : vector<128x1024xi32>
      %add3A_3795 = arith.addi %add3A_3790, %add3A_3794 : vector<128x1024xi32>
      %shift_left3A_3796 = arith.constant 13 : i32
      %shift_left3A_3797 = vector.broadcast %shift_left3A_3796 : i32 to vector<128x1024xi32>
      %shift_left3A_3798 = arith.shli %add3A_3794, %shift_left3A_3797 : vector<128x1024xi32>
      %shift_right_logical3A_3799 = arith.constant 19 : i32
      %shift_right_logical3A_3800 = vector.broadcast %shift_right_logical3A_3799 : i32 to vector<128x1024xi32>
      %shift_right_logical3A_3801 = arith.shrui %add3A_3794, %shift_right_logical3A_3800 : vector<128x1024xi32>
      %or3A_3802 = arith.ori %shift_left3A_3798, %shift_right_logical3A_3801 : vector<128x1024xi32>
      %xor3A_3803 = arith.xori %or3A_3802, %add3A_3795 : vector<128x1024xi32>
      %add3A_3804 = arith.addi %add3A_3795, %xor3A_3803 : vector<128x1024xi32>
      %shift_left3A_3805 = arith.constant 15 : i32
      %shift_left3A_3806 = vector.broadcast %shift_left3A_3805 : i32 to vector<128x1024xi32>
      %shift_left3A_3807 = arith.shli %xor3A_3803, %shift_left3A_3806 : vector<128x1024xi32>
      %shift_right_logical3A_3808 = arith.constant 17 : i32
      %shift_right_logical3A_3809 = vector.broadcast %shift_right_logical3A_3808 : i32 to vector<128x1024xi32>
      %shift_right_logical3A_3810 = arith.shrui %xor3A_3803, %shift_right_logical3A_3809 : vector<128x1024xi32>
      %or3A_3811 = arith.ori %shift_left3A_3807, %shift_right_logical3A_3810 : vector<128x1024xi32>
      %xor3A_3812 = arith.xori %or3A_3811, %add3A_3804 : vector<128x1024xi32>
      %add3A_3813 = arith.addi %add3A_3804, %xor3A_3812 : vector<128x1024xi32>
      %shift_left3A_3814 = arith.constant 26 : i32
      %shift_left3A_3815 = vector.broadcast %shift_left3A_3814 : i32 to vector<128x1024xi32>
      %shift_left3A_3816 = arith.shli %xor3A_3812, %shift_left3A_3815 : vector<128x1024xi32>
      %shift_right_logical3A_3817 = arith.constant 6 : i32
      %shift_right_logical3A_3818 = vector.broadcast %shift_right_logical3A_3817 : i32 to vector<128x1024xi32>
      %shift_right_logical3A_3819 = arith.shrui %xor3A_3812, %shift_right_logical3A_3818 : vector<128x1024xi32>
      %or3A_3820 = arith.ori %shift_left3A_3816, %shift_right_logical3A_3819 : vector<128x1024xi32>
      %xor3A_3821 = arith.xori %or3A_3820, %add3A_3813 : vector<128x1024xi32>
      %add3A_3822 = arith.addi %add3A_3813, %xor3A_3821 : vector<128x1024xi32>
      %shift_left3A_3823 = arith.constant 6 : i32
      %shift_left3A_3824 = vector.broadcast %shift_left3A_3823 : i32 to vector<128x1024xi32>
      %shift_left3A_3825 = arith.shli %xor3A_3821, %shift_left3A_3824 : vector<128x1024xi32>
      %shift_right_logical3A_3826 = arith.constant 26 : i32
      %shift_right_logical3A_3827 = vector.broadcast %shift_right_logical3A_3826 : i32 to vector<128x1024xi32>
      %shift_right_logical3A_3828 = arith.shrui %xor3A_3821, %shift_right_logical3A_3827 : vector<128x1024xi32>
      %or3A_3829 = arith.ori %shift_left3A_3825, %shift_right_logical3A_3828 : vector<128x1024xi32>
      %xor3A_3830 = arith.xori %or3A_3829, %add3A_3822 : vector<128x1024xi32>
      %add3A_3831 = vector.broadcast %get3A_3701 : i32 to vector<128x1024xi32>
      %add3A_3832 = arith.addi %add3A_3822, %add3A_3831 : vector<128x1024xi32>
      %add3A_3833 = arith.constant 3 : i32
      %add3A_3834 = arith.addi %get3A_3704, %add3A_3833 : i32
      %add3A_3835 = vector.broadcast %add3A_3834 : i32 to vector<128x1024xi32>
      %add3A_3836 = arith.addi %xor3A_3830, %add3A_3835 : vector<128x1024xi32>
      %add3A_3837 = arith.addi %add3A_3832, %add3A_3836 : vector<128x1024xi32>
      %shift_left3A_3838 = arith.constant 17 : i32
      %shift_left3A_3839 = vector.broadcast %shift_left3A_3838 : i32 to vector<128x1024xi32>
      %shift_left3A_3840 = arith.shli %add3A_3836, %shift_left3A_3839 : vector<128x1024xi32>
      %shift_right_logical3A_3841 = arith.constant 15 : i32
      %shift_right_logical3A_3842 = vector.broadcast %shift_right_logical3A_3841 : i32 to vector<128x1024xi32>
      %shift_right_logical3A_3843 = arith.shrui %add3A_3836, %shift_right_logical3A_3842 : vector<128x1024xi32>
      %or3A_3844 = arith.ori %shift_left3A_3840, %shift_right_logical3A_3843 : vector<128x1024xi32>
      %xor3A_3845 = arith.xori %or3A_3844, %add3A_3837 : vector<128x1024xi32>
      %add3A_3846 = arith.addi %add3A_3837, %xor3A_3845 : vector<128x1024xi32>
      %shift_left3A_3847 = arith.constant 29 : i32
      %shift_left3A_3848 = vector.broadcast %shift_left3A_3847 : i32 to vector<128x1024xi32>
      %shift_left3A_3849 = arith.shli %xor3A_3845, %shift_left3A_3848 : vector<128x1024xi32>
      %shift_right_logical3A_3850 = arith.constant 3 : i32
      %shift_right_logical3A_3851 = vector.broadcast %shift_right_logical3A_3850 : i32 to vector<128x1024xi32>
      %shift_right_logical3A_3852 = arith.shrui %xor3A_3845, %shift_right_logical3A_3851 : vector<128x1024xi32>
      %or3A_3853 = arith.ori %shift_left3A_3849, %shift_right_logical3A_3852 : vector<128x1024xi32>
      %xor3A_3854 = arith.xori %or3A_3853, %add3A_3846 : vector<128x1024xi32>
      %add3A_3855 = arith.addi %add3A_3846, %xor3A_3854 : vector<128x1024xi32>
      %shift_left3A_3856 = arith.constant 16 : i32
      %shift_left3A_3857 = vector.broadcast %shift_left3A_3856 : i32 to vector<128x1024xi32>
      %shift_left3A_3858 = arith.shli %xor3A_3854, %shift_left3A_3857 : vector<128x1024xi32>
      %shift_right_logical3A_3859 = arith.constant 16 : i32
      %shift_right_logical3A_3860 = vector.broadcast %shift_right_logical3A_3859 : i32 to vector<128x1024xi32>
      %shift_right_logical3A_3861 = arith.shrui %xor3A_3854, %shift_right_logical3A_3860 : vector<128x1024xi32>
      %or3A_3862 = arith.ori %shift_left3A_3858, %shift_right_logical3A_3861 : vector<128x1024xi32>
      %xor3A_3863 = arith.xori %or3A_3862, %add3A_3855 : vector<128x1024xi32>
      %add3A_3864 = arith.addi %add3A_3855, %xor3A_3863 : vector<128x1024xi32>
      %shift_left3A_3865 = arith.constant 24 : i32
      %shift_left3A_3866 = vector.broadcast %shift_left3A_3865 : i32 to vector<128x1024xi32>
      %shift_left3A_3867 = arith.shli %xor3A_3863, %shift_left3A_3866 : vector<128x1024xi32>
      %shift_right_logical3A_3868 = arith.constant 8 : i32
      %shift_right_logical3A_3869 = vector.broadcast %shift_right_logical3A_3868 : i32 to vector<128x1024xi32>
      %shift_right_logical3A_3870 = arith.shrui %xor3A_3863, %shift_right_logical3A_3869 : vector<128x1024xi32>
      %or3A_3871 = arith.ori %shift_left3A_3867, %shift_right_logical3A_3870 : vector<128x1024xi32>
      %xor3A_3872 = arith.xori %or3A_3871, %add3A_3864 : vector<128x1024xi32>
      %add3A_3873 = vector.broadcast %get3A_3704 : i32 to vector<128x1024xi32>
      %add3A_3874 = arith.addi %add3A_3864, %add3A_3873 : vector<128x1024xi32>
      %add3A_3875 = arith.constant 4 : i32
      %add3A_3876 = arith.addi %get3A_3707, %add3A_3875 : i32
      %add3A_3877 = vector.broadcast %add3A_3876 : i32 to vector<128x1024xi32>
      %add3A_3878 = arith.addi %xor3A_3872, %add3A_3877 : vector<128x1024xi32>
      %add3A_3879 = arith.addi %add3A_3874, %add3A_3878 : vector<128x1024xi32>
      %shift_left3A_3880 = arith.constant 13 : i32
      %shift_left3A_3881 = vector.broadcast %shift_left3A_3880 : i32 to vector<128x1024xi32>
      %shift_left3A_3882 = arith.shli %add3A_3878, %shift_left3A_3881 : vector<128x1024xi32>
      %shift_right_logical3A_3883 = arith.constant 19 : i32
      %shift_right_logical3A_3884 = vector.broadcast %shift_right_logical3A_3883 : i32 to vector<128x1024xi32>
      %shift_right_logical3A_3885 = arith.shrui %add3A_3878, %shift_right_logical3A_3884 : vector<128x1024xi32>
      %or3A_3886 = arith.ori %shift_left3A_3882, %shift_right_logical3A_3885 : vector<128x1024xi32>
      %xor3A_3887 = arith.xori %or3A_3886, %add3A_3879 : vector<128x1024xi32>
      %add3A_3888 = arith.addi %add3A_3879, %xor3A_3887 : vector<128x1024xi32>
      %shift_left3A_3889 = arith.constant 15 : i32
      %shift_left3A_3890 = vector.broadcast %shift_left3A_3889 : i32 to vector<128x1024xi32>
      %shift_left3A_3891 = arith.shli %xor3A_3887, %shift_left3A_3890 : vector<128x1024xi32>
      %shift_right_logical3A_3892 = arith.constant 17 : i32
      %shift_right_logical3A_3893 = vector.broadcast %shift_right_logical3A_3892 : i32 to vector<128x1024xi32>
      %shift_right_logical3A_3894 = arith.shrui %xor3A_3887, %shift_right_logical3A_3893 : vector<128x1024xi32>
      %or3A_3895 = arith.ori %shift_left3A_3891, %shift_right_logical3A_3894 : vector<128x1024xi32>
      %xor3A_3896 = arith.xori %or3A_3895, %add3A_3888 : vector<128x1024xi32>
      %add3A_3897 = arith.addi %add3A_3888, %xor3A_3896 : vector<128x1024xi32>
      %shift_left3A_3898 = arith.constant 26 : i32
      %shift_left3A_3899 = vector.broadcast %shift_left3A_3898 : i32 to vector<128x1024xi32>
      %shift_left3A_3900 = arith.shli %xor3A_3896, %shift_left3A_3899 : vector<128x1024xi32>
      %shift_right_logical3A_3901 = arith.constant 6 : i32
      %shift_right_logical3A_3902 = vector.broadcast %shift_right_logical3A_3901 : i32 to vector<128x1024xi32>
      %shift_right_logical3A_3903 = arith.shrui %xor3A_3896, %shift_right_logical3A_3902 : vector<128x1024xi32>
      %or3A_3904 = arith.ori %shift_left3A_3900, %shift_right_logical3A_3903 : vector<128x1024xi32>
      %xor3A_3905 = arith.xori %or3A_3904, %add3A_3897 : vector<128x1024xi32>
      %add3A_3906 = arith.addi %add3A_3897, %xor3A_3905 : vector<128x1024xi32>
      %shift_left3A_3907 = arith.constant 6 : i32
      %shift_left3A_3908 = vector.broadcast %shift_left3A_3907 : i32 to vector<128x1024xi32>
      %shift_left3A_3909 = arith.shli %xor3A_3905, %shift_left3A_3908 : vector<128x1024xi32>
      %shift_right_logical3A_3910 = arith.constant 26 : i32
      %shift_right_logical3A_3911 = vector.broadcast %shift_right_logical3A_3910 : i32 to vector<128x1024xi32>
      %shift_right_logical3A_3912 = arith.shrui %xor3A_3905, %shift_right_logical3A_3911 : vector<128x1024xi32>
      %or3A_3913 = arith.ori %shift_left3A_3909, %shift_right_logical3A_3912 : vector<128x1024xi32>
      %xor3A_3914 = arith.xori %or3A_3913, %add3A_3906 : vector<128x1024xi32>
      %add3A_3915 = vector.broadcast %get3A_3707 : i32 to vector<128x1024xi32>
      %add3A_3916 = arith.addi %add3A_3906, %add3A_3915 : vector<128x1024xi32>
      %add3A_3917 = arith.constant 5 : i32
      %add3A_3918 = arith.addi %get3A_3701, %add3A_3917 : i32
      %add3A_3919 = vector.broadcast %add3A_3918 : i32 to vector<128x1024xi32>
      %add3A_3920 = arith.addi %xor3A_3914, %add3A_3919 : vector<128x1024xi32>
      %xor3A_3921 = arith.xori %add3A_3916, %add3A_3920 : vector<128x1024xi32>
      %shift_right_logical3A_3922 = arith.constant 9 : i32
      %shift_right_logical3A_3923 = vector.broadcast %shift_right_logical3A_3922 : i32 to vector<128x1024xi32>
      %shift_right_logical3A_3924 = arith.shrui %xor3A_3921, %shift_right_logical3A_3923 : vector<128x1024xi32>
      %or3A_3925 = arith.constant 1065353216 : i32
      %or3A_3926 = vector.broadcast %or3A_3925 : i32 to vector<128x1024xi32>
      %or3A_3927 = arith.ori %shift_right_logical3A_3924, %or3A_3926 : vector<128x1024xi32>
      %bitcast_convert_type3A_3928 = tpu.bitcast %or3A_3927 : vector<128x1024xi32> -> vector<128x1024xf32>
      %sub3A_3929 = arith.constant 1.000000e+00 : f32
      %sub3A_3930 = vector.broadcast %sub3A_3929 : f32 to vector<128x1024xf32>
      %sub3A_3931 = arith.subf %bitcast_convert_type3A_3928, %sub3A_3930 : vector<128x1024xf32>
      %log3A_3932 = math.log %sub3A_3931 : vector<128x1024xf32>
      %neg3A_3933 = arith.constant 0.000000e+00 : f32
      %neg3A_3934 = vector.broadcast %neg3A_3933 : f32 to vector<128x1024xf32>
      %neg3A_3935 = arith.subf %neg3A_3934, %log3A_3932 : vector<128x1024xf32>
      %mul3A_3936 = arith.mulf %neg3A_3935, %exp3A_8 : vector<128x1024xf32>
      %argmin3A_3937 = tpu.reduce_index %mul3A_3936 {axis = 1 : i32, kind = #tpu.reduction_kind<arg_min>} : vector<128x1024xf32> -> vector<128xi32>
      %reshape3A_3938 = vector.shape_cast %argmin3A_3937 : vector<128xi32> to vector<1x128xi32>
      %swap3A_3939 = arith.index_cast %scan3A_3698 : i32 to index
      %swap3A_3940 = arith.constant 0 : index
      %swap3A_3941 = vector.load %arg5[%swap3A_3939, %swap3A_3940] : memref<1024x128xi32, #tpu.memory_space<vmem>>, vector<1x128xi32>
      tpu.vector_store %arg5[%swap3A_3939, %swap3A_3940], %reshape3A_3938 {strides = array<i32>} : memref<1024x128xi32, #tpu.memory_space<vmem>>, vector<1x128xi32>,
    }
    %scan3A_24 = arith.constant 1024 : i32
    %get3A_25 = arith.constant 0 : index
    %get3A_26 = arith.constant 0 : index
    %get3A_27 = vector.load %arg5[%get3A_25, %get3A_26] : memref<1024x128xi32, #tpu.memory_space<vmem>>, vector<1024x128xi32>
    %transpose3A = tpu.transpose %get3A_27, [1, 0] : vector<1024x128xi32> -> vector<128x1024xi32>
    %swap3A_28 = arith.constant 0 : index
    %swap3A_29 = arith.constant 0 : index
    %swap3A_30 = vector.load %arg3[%swap3A_28, %swap3A_29] : memref<128x1024xi32, #tpu.memory_space<vmem>>, vector<128x1024xi32>
    tpu.vector_store %arg3[%swap3A_28, %swap3A_29], %transpose3A {strides = array<i32>} : memref<128x1024xi32, #tpu.memory_space<vmem>>, vector<128x1024xi32>,
    return
  }
  func.func @transform_0(%arg0: i32) -> (i32, i32) {
    %c0_i32 = arith.constant 0 : i32
    %c0_i32_0 = arith.constant 0 : i32
    %c0_i32_1 = arith.constant 0 : i32
    return %c0_i32, %c0_i32_0 : i32, i32
  }
  func.func @transform_1(%arg0: i32) -> (i32, i32) {
    %c0_i32 = arith.constant 0 : i32
    %c0_i32_0 = arith.constant 0 : i32
    return %arg0, %c0_i32 : i32, i32
  }
  func.func @transform_2(%arg0: i32) -> (i32, i32) {
    %c0_i32 = arith.constant 0 : i32
    %c0_i32_0 = arith.constant 0 : i32
    return %arg0, %c0_i32 : i32, i32
  }
  func.func @transform_3(%arg0: i32) -> (i32, i32) {
    %c0_i32 = arith.constant 0 : i32
    %c0_i32_0 = arith.constant 0 : i32
    return %arg0, %c0_i32 : i32, i32
  }
}

</mosaic_0001>

<sc_bundles>
// kernel: kernel.6.cloned.1.call-start
scs
__scs_entry_jumppad:
0x0: {  	(pc) =	sbr.rel $0x88, $3  }
0x1: {  	(tag) =	ssettag $0x0;
	lr =	simm.s32 $0x1  }
0x2: {  	[smem:$0x3F9F] =	sst lr;
	_ =	strace $0xD0000000  }
0x3: {  	_ = 	snop  }
0x4: {  	_ = 	snop  }
0x5: {  	_ = 	snop  }
0x6: {  	_ = 	snop  }
0x7: {  	_ = 	snop  }
__scs_overlays_trampoline_lowered:
0x8: {  	[smem:$0x3FAE] =	sst s0  }
0x9: {  	[smem:$0x3FAF] =	sst s1  }
0xa: {  	[smem:$0x3FB0] =	sst s2  }
0xb: {  	[smem:$0x3FB1] =	sst s3  }
0xc: {  	[smem:$0x3FB2] =	sst s4  }
0xd: {  	[smem:$0x3FB3] =	sst s5  }
0xe: {  	[smem:$0x3FB4] =	sst s6  }
0xf: {  	[smem:$0x3FB5] =	sst s7  }
0x10: {  	[smem:$0x3FB6] =	sst s8  }
0x11: {  	[smem:$0x3FB7] =	sst s9;
	s0 =	simm.s32 @!p0 $0x0  }
0x12: {  	s1 =	sld [smem:$0x3F9D];
	s0 =	simm.s32 @p0 $0x1  }
0x13: {  	[smem:$0x3FB8] =	sst s0;
	s0 =	simm.s32 @!p1 $0x0  }
0x14: {  	s2 =	sld [smem:$0x3F9C];
	s0 =	simm.s32 @p1 $0x1  }
0x15: {  	[smem:$0x3FB9] =	sst s0;
	s0 =	simm.s32 @!p2 $0x0  }
0x16: {  	s3 =	sld [smem:$0x3FDB];
	s0 =	simm.s32 @p2 $0x1  }
0x17: {  	s4 =	simm.s32 $0x1BF5;
	[smem:$0x3FBB] =	sst s0  }
0x18: {  	s0 =	sld [smem:$0x3F9E];
	_ =	swait.ge [sflag:s4], $0x0  }
0x19: {  	s7 =	sld [smem:$0x3F9F]  }
0x1a: {  	s8 =	sadd.s32 $0xFFFFE003, lr  }
0x1b: {  	s9 =	sadd.s32 $0xFFFFFEF7, lr;
	s5 =	simm.s32 $0xFFFFFFFF;
	p2 =	slt.u32 s8, $0xFFFFF086  }
0x1c: {  	p1 =	slt.u32 s9, $0xF7A;
	s5 =	simm.s32 @!p2 $0x0  }
0x1d: {  	s5 =	simm.s32 @p1 $0x1;
	p0 =	seq.s32 s7, s2  }
0x1e: {  	s7 =	smul.u32 @!p0 $0xF7A, s2;
	p2 =	seq.s32 @!p0 s5, $0x0  }
0x1f: {  	s9 =	smul.u32 $0xF7A, s1;
	s8 =	simm.s32 @!p0 $0x1BF5;
	p2 =	por !p2, p0  }
0x20: {  	[sflag:s8] =	ssyncset.s32 @!p0 $0xFFFFF086;
	s6 =	sadd.s32 @!p0 s3, s7;
	s7 =	simm.s32 @!p0 $0x108  }
0x21: {  	s3 =	sadd.s32 s3, s9;
	s6 =	sadd.s32 @!p0 $0x88, s6;
	s7 =	simm.s32 @p2 $0x1082  }
0x22: {  	[simem:s7], [sflag:s8] =	dma.local @!p0 [hbm:s6], $0xF7A  }
0x23: {  	s9 =	sor.u32 $0xD0000000, s2;
	s6 =	simm.s32 $0x108;
	_ =	swait.ge @!p0 [sflag:s8], $0x0  }
0x24: {  	s3 =	sadd.s32 $0x88, s3;
	s6 =	simm.s32 @!p1 $0x1082;
	[sflag:s4] =	ssyncset.s32 $0xFFFFF086  }
0x25: {  	[simem:s6], [sflag:s4] =	dma.local [hbm:s3], $0xF7A  }
0x26: {  	[smem:$0x3F9F] =	sst s1;
	(tag) =	ssettag s2;
	_ =	strace s9  }
0x27: {  	s1 =	sld [smem:$0x3FAF]  }
0x28: {  	s2 =	sld [smem:$0x3FB0]  }
0x29: {  	s4 =	sld [smem:$0x3FB2]  }
0x2a: {  	p0 =	seq.s32 s5, $0x0;
	s5 =	sld [smem:$0x3FB3]  }
0x2b: {  	s6 =	sld [smem:$0x3FB4]  }
0x2c: {  	s7 =	sld [smem:$0x3FB5]  }
0x2d: {  	s3 =	simm.s32 $0x108;
	s8 =	sld [smem:$0x3FB6]  }
0x2e: {  	s3 =	simm.s32 @!p0 $0x1082;
	s9 =	sld [smem:$0x3FB7]  }
0x2f: {  	lr =	sadd.s32 s0, s3;
	s0 =	sld [smem:$0x3FAE]  }
0x30: {  	s3 =	sld [smem:$0x3FB1]  }
0x31: {  	[smem:$0x3FBA] =	sst s10  }
0x32: {  	s10 =	sld [smem:$0x3FB8];
	_ =	sdelay $0x3  }
0x33: {  	p0 =	seq.s32 s10, $0x1;
	s10 =	sld [smem:$0x3FBA];
	_ =	sdelay $0x3  }
0x34: {  	[smem:$0x3FBA] =	sst s10  }
0x35: {  	s10 =	sld [smem:$0x3FB9];
	_ =	sdelay $0x3  }
0x36: {  	p1 =	seq.s32 s10, $0x1;
	s10 =	sld [smem:$0x3FBA];
	_ =	sdelay $0x3  }
0x37: {  	[smem:$0x3FBA] =	sst s10  }
0x38: {  	s10 =	sld [smem:$0x3FBB]  }
0x39: {  	_ = 	snop;
	(pc) =	sbr.ind lr, $3  }
0x3a: {  	_ = 	snop  }
0x3b: {  	_ = 	snop  }
0x3c: {  	p2 =	seq.s32 s10, $0x1;
	s10 =	sld [smem:$0x3FBA]  }
0x3d: {  	_ =	shalt  }
0x3e: {  	_ =	shalt  }
0x3f: {  	_ =	shalt  }
0x40: {  	_ =	shalt  }
0x41: {  	_ =	shalt  }
0x42: {  	_ =	shalt  }
0x43: {  	_ =	shalt  }
0x44: {  	_ =	shalt  }
0x45: {  	_ =	shalt  }
0x46: {  	_ =	shalt  }
0x47: {  	_ =	shalt  }
0x48: {  	_ =	shalt  }
0x49: {  	_ =	shalt  }
0x4a: {  	_ =	shalt  }
0x4b: {  	_ =	shalt  }
0x4c: {  	_ =	shalt  }
0x4d: {  	_ =	shalt  }
0x4e: {  	_ =	shalt  }
0x4f: {  	_ =	shalt  }
0x50: {  	_ =	shalt  }
0x51: {  	_ =	shalt  }
0x52: {  	_ =	shalt  }
0x53: {  	_ =	shalt  }
0x54: {  	_ =	shalt  }
0x55: {  	_ =	shalt  }
0x56: {  	_ =	shalt  }
0x57: {  	_ =	shalt  }
0x58: {  	_ =	shalt  }
0x59: {  	_ =	shalt  }
0x5a: {  	_ =	shalt  }
0x5b: {  	_ =	shalt  }
0x5c: {  	_ =	shalt  }
0x5d: {  	_ =	shalt  }
0x5e: {  	_ =	shalt  }
0x5f: {  	_ =	shalt  }
0x60: {  	_ =	shalt  }
0x61: {  	_ =	shalt  }
0x62: {  	_ =	shalt  }
0x63: {  	_ =	shalt  }
0x64: {  	_ =	shalt  }
0x65: {  	_ =	shalt  }
0x66: {  	_ =	shalt  }
0x67: {  	_ =	shalt  }
0x68: {  	_ =	shalt  }
0x69: {  	_ =	shalt  }
0x6a: {  	_ =	shalt  }
0x6b: {  	_ =	shalt  }
0x6c: {  	_ =	shalt  }
0x6d: {  	_ =	shalt  }
0x6e: {  	_ =	shalt  }
0x6f: {  	_ =	shalt  }
0x70: {  	_ =	shalt  }
0x71: {  	_ =	shalt  }
0x72: {  	_ =	shalt  }
0x73: {  	_ =	shalt  }
0x74: {  	_ =	shalt  }
0x75: {  	_ =	shalt  }
0x76: {  	_ =	shalt  }
0x77: {  	_ =	shalt  }
0x78: {  	_ =	shalt  }
0x79: {  	_ =	shalt  }
0x7a: {  	_ =	shalt  }
0x7b: {  	_ =	shalt  }
0x7c: {  	_ =	shalt  }
0x7d: {  	_ =	shalt  }
0x7e: {  	_ =	shalt  }
0x7f: {  	_ =	shalt  }
0x80: {  	_ =	shalt  }
0x81: {  	_ =	shalt  }
0x82: {  	_ =	shalt  }
0x83: {  	_ =	shalt  }
0x84: {  	_ =	shalt  }
0x85: {  	_ =	shalt  }
0x86: {  	_ =	shalt  }
0x87: {  	_ =	shalt  }
.Lfunc_end0:
.L_simem_size_0:
called_computation.1_lowered:
.L_overlay_start_0:
0x88: {  	s2 =	sld [smem:$0x3FD9]  }
0x89: {  	s3 =	sld [smem:$0x3FFE];
	_ =	sdelay $0x1  }
0x8a: {  	s1 =	srdreg.scid  }
0x8b: {  	s0 =	sand.u32 $0x1, s1  }
0x8c: {  	s14 =	sshll.u32 s0, $0xA;
	s2 =	sadd.s32 s3, s2  }
0x8d: {  	s2 =	sadd.s32 s2, s14  }
0x8e: {  	[smem:$0x3FC6] =	sst s2  }
0x8f: {  	_ = 	snop  }
0x90: {  	s2 =	sld [smem:$0x3FD0];
	_ =	sdelay $0x2  }
0x91: {  	s15 =	simm.s32 $0xA;
	s4 =	simm.s32 $0x10  }
0x92: {  	[smem:s4], [sflag:s15] =	dma.local [hbm:s2], $0x1  }
0x93: {  	_ =	swait.eq [sflag:s15], $0x1  }
0x94: {  	[sflag:s15] =	ssyncset.done $0x0  }
0x95: {  	[sflag:s15] =	ssyncadd.s32 $0xFFFFFFFF  }
0x96: {  	s16 =	sld [smem:$0x10];
	(tm) =	ssettm $0x1  }
0x97: {  	s17 =	sld [smem:$0x3FFB];
	_ =	sdelay $0x3  }
0x98: {  	_ =	strace s17  }
0x99: {  	s3 =	sld [smem:$0x3FFC];
	_ =	sdelay $0x3  }
0x9a: {  	_ =	strace s3  }
0x9b: {  	s3 =	sld [smem:$0x3FFD];
	_ =	sdelay $0x3  }
0x9c: {  	_ =	strace s3  }
0x9d: {  	_ =	strace $0x8FFFFFFF  }
0x9e: {  	s18 =	sld [smem:$0x3FDB];
	_ =	sdelay $0x1  }
0x9f: {  	s19 =	simm.s32 $_scs_section_size  }
0xa0: {  	s5 =	simm.s32 $_size__tile_overlayer_lowered;
	s6 =	simm.s32 $_tile_overlayer_lowered  }
0xa1: {  	s22 =	simm.s32 $0x1BFF;
	s21 =	sshll.u32 s6, $0x1;
	s3 =	sadd.s32 s19, s18  }
0xa2: {  	s7 =	simm.s32 $0x0;
	s20 =	sshll.u32 s5, $0x1;
	s5 =	sadd.s32 s21, s3  }
0xa3: {  	[timem:s7], [sflag:s22] =	dma.local [hbm:s5], s20  }
0xa4: {  	_ =	swait.ge [sflag:s22], s20  }
0xa5: {  	s4 =	ssub.s32 $0x0, s20;
	[sflag:s22] =	ssyncset.done $0x0  }
0xa6: {  	[sflag:s22] =	ssyncadd.s32 s4;
	_ =	sdelay $0x1  }
0xa7: {  	s23 =	simm.s32 $0x1B8B  }
0xa8: {  	_ =	swait.ge [sflag:s23], $0x1  }
0xa9: {  	[sflag:s23] =	ssyncset.done $0x0  }
0xaa: {  	s25 =	simm.s32 $0x1B8E;
	s24 =	sld [smem:$0x3FFE];
	[sflag:s23] =	ssyncadd.s32 $0xFFFFFFFF  }
0xab: {  	s26 =	simm.s32 $execute0_lowered;
	[smem:$0x3FD2] =	sst s25  }
0xac: {  	s5 =	sshll.u32 s26, $0x1;
	_ =	strace $0x80000046;
	[dreg:$0x1] =	wrdreg $0xFFFFFFFF  }
0xad: {  	s28 =	simm.s32 $_size_execute0_lowered;
	s3 =	sadd.s32 s3, s5;
	[dreg:$0x0] =	wrdreg $0x0  }
0xae: {  	s5 =	sshll.u32 s28, $0x1;
	[dreg:$0x2] =	wrdreg s3  }
0xaf: {  	[dreg:$0x3] =	wrdreg s5  }
0xb0: {  	[dreg:$0x4] =	wrdreg $0xC0  }
0xb1: {  	_ =	task [dreg:s7], $0x5FFFF  }
0xb2: {  	[dreg:$0x1] =	wrdreg $0xFFFFFFFF  }
0xb3: {  	[dreg:$0x0] =	wrdreg $0x60  }
0xb4: {  	[dreg:$0x2] =	wrdreg s24  }
0xb5: {  	[dreg:$0x3] =	wrdreg s16  }
0xb6: {  	[dreg:$0x4] =	wrdreg $0x9  }
0xb7: {  	_ =	task.clear_ibuf [dreg:s7], $0x5FFFF;
	_ =	strace $0x90000046  }
0xb8: {  	s29 =	simm.s32 $0x9;
	_ =	strace $0x80000048  }
0xb9: {  	_ =	swait.ge [sflag:s29], $0x1  }
0xba: {  	[sflag:s29] =	ssyncadd.s32 $0xFFFFFFFF  }
0xbb: {  	_ =	strace $0x90000048  }
0xbc: {  	_ =	sfence  }
0xbd: {  	s30 =	sld [smem:$0x0];
	_ =	sdelay $0x2  }
0xbe: {  	s31 =	sshll.u32 s1, $0xD;
	s1 =	sshrl.u32 s1, $0x2  }
0xbf: {  	s3 =	sand.u32 $0x4000, s31;
	s1 =	sadd.s32 s1, s30  }
0xc0: {  	s0 =	sor.u32 s3, s0;
	s1 =	sshll.u32 s1, $0x11  }
0xc1: {  	s0 =	sor.u32 s1, s0  }
0xc2: {  	s0 =	sadd.s32 $0x8F2B, s0  }
0xc3: {  	[sflag:s0] =	ssyncadd.remote.s32 $0x1  }
0xc4: {  	_ =	sfence.sel $0xFFFF  }
0xc5: {  	[dreg:$0x0] =	wrdreg $0xFFFFFFFF;
	(pc) =	sbr.abs _section_cstart, $3  }
0xc6: {  	[dreg:$0x1] =	wrdreg $0xFFFFFFFF  }
0xc7: {  	_ =	task.clear_ibuf [dreg:s7], $0x2FFFF;
	_ =	strace $0x9FFFFFFF  }
0xc8: {  	(tm) =	ssettm $0x7FFFFFFF  }
0xc9: {  	_ =	shalt  }
tec
execute0_lowered:
.L_overlay_start_1:
0x0: {  	(tag) =	ssettag $0x1  }
0x1: {  	s3 =	rddreg [dreg:$0x0]  }
0x2: {  	s1 =	rddreg [dreg:$0x1]  }
0x3: {  	s0 =	rddreg [dreg:$0x2];
	s2 =	simm.s32 $0x0;
	s4 =	srdreg.scid  }
0x4: {  	s9 =	simm.s32 $0x6000;
	s10 =	simm.s32 $0x8000;
	s11 =	simm.s32 $0x0  }
.Ltmp0:
0x5: {  	[smem:$0x7FF] =	sst s2;
	s6 =	sand.u32 $0x1, s4;
	(pc) =	sbr.rel .LBB2_1-.Ltmp0, $4  }
0x6: {  	v0 =	vlaneseq.u32;
	s4 =	sadd.s32 $0xE00, s3;
	s5 =	sadd.s32 $0x180E00, s3;
	s7 =	ssub.s32 $0x2, s6  }
0x7: {  	s3 =	stileid.u32;
	v0 =	vmul.u32 $0x3, v0;
	_ =	strace $0x80000047;
	s8 =	sshrl.u32 s7, $0x1  }
0x8: {  	s31 =	sshll.u32 s3, $0x5;
	s6 =	sshll.u32 s6, $0x4;
	s7 =	ssub.s32 s7, s8  }
0x9: {  	s6 =	sor.u32 s6, s31;
	v1 =	vadd.s32 $0x1, v0;
	v2 =	vadd.s32 $0x2, v0;
	s8 =	simm.s32 $0x1;
	s7 =	smax.u32 s7, $0x1  }
.LBB2_35:
0xa: {  	s11 =	sadd.s32 $0x1, s11  }
0xb: {  	p0 =	sne.s32 s11, s7  }
.Ltmp1:
0xc: {  	_ = 	snop;
	(pc) =	sbr.rel @!p0 .LBB2_36-.Ltmp1, $1  }
0xd: {  	_ =	sdelay $0x3  }
.LBB2_1:
0xe: {  	s12 =	simm.s32 $0x0  }
.LBB2_2:
0xf: {  	s15 =	sadd.s32 s6, s12  }
0x10: {  	s13 =	smul.u32 $0xC00, s15;
	_ =	sdelay $0x1  }
0x11: {  	s14 =	simm.s32 $0x0;
	s16 =	sadd.s32 s4, s13  }
0x12: {  	[tilespmem:s14], [sflag:$0x1] =	stream.linear.gather [hbm4b:s16+s14], $0x6000, $0x38;
	[tilespmem:$0xE000] =	vst v63  }
0x13: {  	_ =	swait.ge [sflag:s8], $0x6000  }
0x14: {  	s15 =	sshll.u32 s15, $0xA;
	[sflag:s8] =	ssyncset.done $0x0  }
0x15: {  	s15 =	sadd.s32 s1, s15;
	[sflag:s8] =	ssyncadd.s32 $0xFFFFA000  }
0x16: {  	[tilespmem:s9], [sflag:$0x1] =	stream.linear.gather [hbm4b:s15+s14], $0x2000, $0x38;
	[tilespmem:$0xE000] =	vst v63  }
0x17: {  	_ =	swait.ge [sflag:s8], $0x2000  }
0x18: {  	s30 =	sand.u32 $0x70, s14;
	s31 =	sand.u32 $0x1C00, s14;
	[sflag:s8] =	ssyncset.done $0x0  }
0x19: {  	s16 =	sor.u32 s30, s31;
	[sflag:s8] =	ssyncadd.s32 $0xFFFFE000  }
0x1a: {  	v3 =	vld [tilespmem:s16+$0x6000];
	_ =	sdelay $0x4  }
0x1b: {  	v5 =	vmul.u32 $0x3, v3;
	v3 =	vmul.u32 $0x18, v3;
	_ =	sdelay $0x1  }
0x1c: {  	v4 =	vand.u32 $0x7F, v5;
	v3 =	vand.u32 $0xFFFFFC00, v3  }
0x1d: {  	v6 =	vor.u32 v4, v3;
	_ =	sdelay $0x1  }
0x1e: {  	v3 =	vadd.s32 s14, v0  }
0x1f: {  	v7 =	vadd.s32 $0x1, v5;
	v4 =	vshll.u32 v3, $0x3  }
0x20: {  	v8 =	vshll.u32 v7, $0x3;
	v3 =	vand.u32 $0x7F, v3;
	v4 =	vand.u32 $0xFC00, v4  }
0x21: {  	v7 =	vand.u32 $0x7F, v7;
	v8 =	vand.u32 $0xFFFFFC00, v8;
	v9 =	vor.u32 v3, v4;
	v6 =	vld.idx.msk [tilespmem:v6+s14+$0x0], $0xffff  }
0x22: {  	v7 =	vor.u32 v7, v8;
	_ =	sdelay $0x1  }
0x23: {  	v8 =	vadd.s32 s14, v1  }
0x24: {  	v10 =	vadd.s32 $0x2, v5;
	v11 =	vshll.u32 v8, $0x3  }
0x25: {  	v12 =	vshll.u32 v10, $0x3;
	v5 =	vand.u32 $0x7F, v8;
	[tilespmem:v9+s10+$0x0] =	vst.idx.msk $0xffff, v6;
	v6 =	vand.u32 $0xFC00, v11  }
0x26: {  	v8 =	vand.u32 $0x7F, v10;
	v9 =	vand.u32 $0xFFFFFC00, v12;
	v7 =	vld.idx.msk [tilespmem:v7+s14+$0x0], $0xffff;
	v10 =	vor.u32 v5, v6  }
0x27: {  	v9 =	vor.u32 v8, v9;
	_ =	sdelay $0x1  }
0x28: {  	v8 =	vadd.s32 s14, v2  }
0x29: {  	v11 =	vshll.u32 v8, $0x3  }
0x2a: {  	[tilespmem:v10+s10+$0x0] =	vst.idx.msk $0xffff, v7;
	v7 =	vand.u32 $0x7F, v8;
	v8 =	vand.u32 $0xFC00, v11  }
0x2b: {  	v9 =	vld.idx.msk [tilespmem:v9+s14+$0x0], $0xffff;
	v10 =	vor.u32 v7, v8;
	_ =	sdelay $0x1  }
0x2c: {  	s21 =	simm.s32 $0x20;
	s18 =	simm.s32 $0x80;
	s15 =	simm.s32 $0x10  }
0x2d: {  	s17 =	simm.s32 $0x0;
	s22 =	sand.u32 $0x1C00, s18;
	s20 =	sand.u32 $0x70, s15  }
.LBB2_3:
0x2e: {  	s22 =	sor.u32 s20, s22  }
0x2f: {  	[tilespmem:v10+s10+$0x0] =	vst.idx.msk $0xffff, v9;
	s17 =	sadd.s32 $0x30, s17;
	s20 =	smov.u32 s21;
	s19 =	sadd.s32 $0x10, s21  }
0x30: {  	p0 =	sne.s32 s21, $0x3F0;
	v9 =	vld [tilespmem:s22+$0x6000];
	_ =	sdelay $0x4  }
0x31: {  	v10 =	vmul.u32 $0x3, v9;
	v9 =	vmul.u32 $0x18, v9;
	_ =	sdelay $0x1  }
0x32: {  	v11 =	vand.u32 $0x7F, v10;
	v9 =	vand.u32 $0xFFFFFC00, v9;
	v12 =	vadd.s32 $0x2, v10  }
0x33: {  	v9 =	vor.u32 v11, v9;
	v11 =	vand.u32 $0x7F, v12;
	v12 =	vshll.u32 v12, $0x3  }
0x34: {  	v10 =	vadd.s32 $0x1, v10;
	v12 =	vand.u32 $0xFFFFFC00, v12  }
0x35: {  	v13 =	vshll.u32 v10, $0x3;
	v11 =	vor.u32 v11, v12  }
0x36: {  	v13 =	vand.u32 $0xFFFFFC00, v13;
	v12 =	vadd.s32 s17, v0  }
0x37: {  	v14 =	vshll.u32 v12, $0x3  }
0x38: {  	v12 =	vand.u32 $0x7F, v12;
	v14 =	vand.u32 $0xFC00, v14;
	v9 =	vld.idx.msk [tilespmem:v9+s14+$0x0], $0xffff  }
0x39: {  	v10 =	vand.u32 $0x7F, v10;
	v12 =	vor.u32 v12, v14  }
0x3a: {  	v10 =	vor.u32 v10, v13;
	_ =	sdelay $0x2  }
0x3b: {  	v13 =	vadd.s32 s17, v1  }
0x3c: {  	[tilespmem:v12+s10+$0x0] =	vst.idx.msk $0xffff, v9;
	v9 =	vshll.u32 v13, $0x3  }
0x3d: {  	v12 =	vand.u32 $0x7F, v13;
	v10 =	vld.idx.msk [tilespmem:v10+s14+$0x0], $0xffff;
	v9 =	vand.u32 $0xFC00, v9  }
0x3e: {  	v9 =	vor.u32 v12, v9;
	_ =	sdelay $0x3  }
0x3f: {  	v12 =	vadd.s32 s17, v2  }
0x40: {  	[tilespmem:v9+s10+$0x0] =	vst.idx.msk $0xffff, v10;
	v10 =	vshll.u32 v12, $0x3  }
0x41: {  	v9 =	vld.idx.msk [tilespmem:v11+s14+$0x0], $0xffff;
	v11 =	vand.u32 $0x7F, v12;
	v10 =	vand.u32 $0xFC00, v10  }
.Ltmp2:
0x42: {  	v10 =	vor.u32 v11, v10;
	(pc) =	sbr.rel @p0 .LBB2_3-.Ltmp2, $3  }
0x43: {  	_ =	sdelay $0x1  }
0x44: {  	s18 =	sadd.s32 $0x80, s18  }
0x45: {  	s20 =	sand.u32 $0x70, s20;
	s22 =	sand.u32 $0x1C00, s18;
	s21 =	smov.u32 s19  }
0x46: {  	_ =	sdelay $0x3  }
0x47: {  	s18 =	sor.u32 s20, s22;
	[tilespmem:v10+s10+$0x0] =	vst.idx.msk $0xffff, v9  }
0x48: {  	v9 =	vld [tilespmem:s18+$0x6000];
	_ =	sdelay $0x4  }
0x49: {  	v49 =	vmul.u32 $0x3, v9;
	v9 =	vmul.u32 $0x18, v9;
	_ =	sdelay $0x1  }
0x4a: {  	v11 =	vand.u32 $0x7F, v49;
	v9 =	vand.u32 $0xFFFFFC00, v9  }
0x4b: {  	v9 =	vor.u32 v11, v9  }
0x4c: {  	s17 =	sadd.s32 $0x30, s17  }
0x4d: {  	v50 =	vadd.s32 s17, v0  }
0x4e: {  	v13 =	vshll.u32 v50, $0x3;
	v12 =	vadd.s32 $0x1, v49  }
0x4f: {  	v13 =	vand.u32 $0xFC00, v13;
	v14 =	vshll.u32 v12, $0x3;
	v11 =	vand.u32 $0x7F, v50  }
0x50: {  	v12 =	vand.u32 $0x7F, v12;
	v14 =	vand.u32 $0xFFFFFC00, v14;
	v11 =	vor.u32 v11, v13;
	v9 =	vld.idx.msk [tilespmem:v9+s14+$0x0], $0xffff  }
0x51: {  	v12 =	vor.u32 v12, v14;
	_ =	sdelay $0x1  }
0x52: {  	v51 =	vadd.s32 s17, v1  }
0x53: {  	v52 =	vshll.u32 v51, $0x3;
	v10 =	vadd.s32 $0x2, v49  }
0x54: {  	v54 =	vand.u32 $0x7F, v51;
	v55 =	vand.u32 $0xFC00, v52;
	v53 =	vshll.u32 v10, $0x3;
	[tilespmem:v11+s10+$0x0] =	vst.idx.msk $0xffff, v9  }
0x55: {  	v10 =	vand.u32 $0x7F, v10;
	v9 =	vand.u32 $0xFFFFFC00, v53;
	v11 =	vor.u32 v54, v55;
	v12 =	vld.idx.msk [tilespmem:v12+s14+$0x0], $0xffff  }
0x56: {  	v9 =	vor.u32 v10, v9;
	_ =	sdelay $0x1  }
0x57: {  	v56 =	vadd.s32 s17, v2  }
0x58: {  	v57 =	vshll.u32 v56, $0x3  }
0x59: {  	v58 =	vand.u32 $0xFC00, v57;
	v10 =	vand.u32 $0x7F, v56;
	[tilespmem:v11+s10+$0x0] =	vst.idx.msk $0xffff, v12  }
0x5a: {  	v10 =	vor.u32 v10, v58;
	v9 =	vld.idx.msk [tilespmem:v9+s14+$0x0], $0xffff;
	_ =	sdelay $0x4  }
0x5b: {  	[tilespmem:v10+s10+$0x0] =	vst.idx.msk $0xffff, v9  }
0x5c: {  	v9 =	vld [tilespmem:s16+$0x6080];
	_ =	sdelay $0x4  }
0x5d: {  	v59 =	vmul.u32 $0x3, v9;
	v9 =	vmul.u32 $0x18, v9;
	_ =	sdelay $0x1  }
0x5e: {  	v60 =	vand.u32 $0x7F, v59;
	v9 =	vand.u32 $0xFFFFFC00, v9  }
0x5f: {  	v9 =	vor.u32 v60, v9  }
0x60: {  	v9 =	vor.u32 $0x80, v9;
	_ =	sdelay $0x1  }
0x61: {  	v61 =	vadd.s32 $0x1, v59  }
0x62: {  	v62 =	vshll.u32 v61, $0x3  }
0x63: {  	v3 =	vor.u32 v4, v3;
	s16 =	simm.s32 $0x0;
	v11 =	vand.u32 $0x7F, v61;
	v12 =	vand.u32 $0xFFFFFC00, v62  }
0x64: {  	v3 =	vor.u32 $0x80, v3;
	v4 =	vor.u32 v12, v11;
	v9 =	vld.idx.msk [tilespmem:v9+s16+$0x0], $0xffff  }
0x65: {  	v4 =	vor.u32 $0x80, v4;
	_ =	sdelay $0x1  }
0x66: {  	v10 =	vadd.s32 $0x2, v59  }
0x67: {  	v63 =	vshll.u32 v10, $0x3  }
0x68: {  	v10 =	vand.u32 $0x7F, v10;
	v11 =	vand.u32 $0xFFFFFC00, v63;
	[tilespmem:v3+s10+$0x0] =	vst.idx.msk $0xffff, v9;
	v3 =	vor.u32 v6, v5  }
0x69: {  	v5 =	vor.u32 v11, v10;
	v4 =	vld.idx.msk [tilespmem:v4+s16+$0x0], $0xffff;
	v3 =	vor.u32 $0x80, v3  }
0x6a: {  	v5 =	vor.u32 $0x80, v5;
	_ =	sdelay $0x3  }
0x6b: {  	[tilespmem:v3+s10+$0x0] =	vst.idx.msk $0xffff, v4;
	v4 =	vor.u32 v8, v7  }
0x6c: {  	v3 =	vld.idx.msk [tilespmem:v5+s16+$0x0], $0xffff;
	v4 =	vor.u32 $0x80, v4;
	_ =	sdelay $0x1  }
0x6d: {  	s17 =	simm.s32 $0x80  }
0x6e: {  	s19 =	simm.s32 $0x20;
	s18 =	sand.u32 $0x70, s15;
	s20 =	sand.u32 $0x1C00, s17  }
.LBB2_5:
0x6f: {  	s20 =	sor.u32 s18, s20  }
0x70: {  	[tilespmem:v4+s10+$0x0] =	vst.idx.msk $0xffff, v3;
	s14 =	sadd.s32 $0x30, s14;
	s18 =	smov.u32 s19;
	s15 =	sadd.s32 $0x10, s19  }
0x71: {  	p0 =	sne.s32 s19, $0x3F0;
	v3 =	vld [tilespmem:s20+$0x6080];
	_ =	sdelay $0x4  }
0x72: {  	v4 =	vmul.u32 $0x3, v3;
	v3 =	vmul.u32 $0x18, v3;
	_ =	sdelay $0x1  }
0x73: {  	v5 =	vand.u32 $0x7F, v4;
	v3 =	vand.u32 $0xFFFFFC00, v3;
	v6 =	vadd.s32 $0x1, v4  }
0x74: {  	v4 =	vadd.s32 $0x2, v4;
	v3 =	vor.u32 v5, v3;
	v5 =	vshll.u32 v6, $0x3  }
0x75: {  	v6 =	vand.u32 $0x7F, v6;
	v3 =	vor.u32 $0x80, v3;
	v5 =	vand.u32 $0xFFFFFC00, v5  }
0x76: {  	v5 =	vor.u32 v5, v6;
	v6 =	vshll.u32 v4, $0x3  }
0x77: {  	v7 =	vadd.s32 s14, v0;
	v4 =	vand.u32 $0x7F, v4;
	v6 =	vand.u32 $0xFFFFFC00, v6  }
0x78: {  	v8 =	vshll.u32 v7, $0x3;
	v4 =	vor.u32 v6, v4  }
0x79: {  	v6 =	vand.u32 $0x7F, v7;
	v7 =	vand.u32 $0xFC00, v8  }
0x7a: {  	v6 =	vor.u32 v7, v6;
	v3 =	vld.idx.msk [tilespmem:v3+s16+$0x0], $0xffff  }
0x7b: {  	v6 =	vor.u32 $0x80, v6  }
0x7c: {  	v5 =	vor.u32 $0x80, v5;
	_ =	sdelay $0x1  }
0x7d: {  	v7 =	vadd.s32 s14, v1  }
0x7e: {  	v8 =	vshll.u32 v7, $0x3  }
0x7f: {  	[tilespmem:v6+s10+$0x0] =	vst.idx.msk $0xffff, v3;
	v3 =	vand.u32 $0x7F, v7;
	v6 =	vand.u32 $0xFC00, v8  }
0x80: {  	v5 =	vld.idx.msk [tilespmem:v5+s16+$0x0], $0xffff;
	v3 =	vor.u32 v6, v3  }
0x81: {  	v3 =	vor.u32 $0x80, v3  }
0x82: {  	v4 =	vor.u32 $0x80, v4;
	_ =	sdelay $0x1  }
0x83: {  	v6 =	vadd.s32 s14, v2  }
0x84: {  	v7 =	vshll.u32 v6, $0x3  }
0x85: {  	[tilespmem:v3+s10+$0x0] =	vst.idx.msk $0xffff, v5;
	v5 =	vand.u32 $0x7F, v6;
	v6 =	vand.u32 $0xFC00, v7  }
0x86: {  	v3 =	vld.idx.msk [tilespmem:v4+s16+$0x0], $0xffff;
	v4 =	vor.u32 v6, v5  }
.Ltmp3:
0x87: {  	v4 =	vor.u32 $0x80, v4;
	(pc) =	sbr.rel @p0 .LBB2_5-.Ltmp3, $3  }
0x88: {  	_ =	sdelay $0x1  }
0x89: {  	s17 =	sadd.s32 $0x80, s17  }
0x8a: {  	s18 =	sand.u32 $0x70, s18;
	s20 =	sand.u32 $0x1C00, s17;
	s19 =	smov.u32 s15  }
0x8b: {  	_ =	sdelay $0x3  }
0x8c: {  	s15 =	sor.u32 s18, s20;
	[tilespmem:v4+s10+$0x0] =	vst.idx.msk $0xffff, v3  }
0x8d: {  	v3 =	vld [tilespmem:s15+$0x6080];
	_ =	sdelay $0x4  }
0x8e: {  	v4 =	vmul.u32 $0x3, v3;
	v3 =	vmul.u32 $0x18, v3;
	_ =	sdelay $0x1  }
0x8f: {  	v5 =	vand.u32 $0x7F, v4;
	v3 =	vand.u32 $0xFFFFFC00, v3  }
0x90: {  	v3 =	vor.u32 v5, v3  }
0x91: {  	s31 =	sadd.s32 $0x30, s14;
	v3 =	vor.u32 $0x80, v3  }
0x92: {  	v5 =	vadd.s32 s31, v0  }
0x93: {  	v6 =	vadd.s32 $0x1, v4;
	v7 =	vshll.u32 v5, $0x3  }
0x94: {  	v8 =	vshll.u32 v6, $0x3;
	v5 =	vand.u32 $0x7F, v5;
	v7 =	vand.u32 $0xFC00, v7  }
0x95: {  	s14 =	simm.s32 $0x0;
	v6 =	vand.u32 $0x7F, v6;
	v8 =	vand.u32 $0xFFFFFC00, v8;
	v5 =	vor.u32 v7, v5  }
0x96: {  	v6 =	vor.u32 v8, v6;
	v5 =	vor.u32 $0x80, v5;
	v3 =	vld.idx.msk [tilespmem:v3+s14+$0x0], $0xffff  }
0x97: {  	v6 =	vor.u32 $0x80, v6  }
0x98: {  	v7 =	vadd.s32 s31, v1  }
0x99: {  	v4 =	vadd.s32 $0x2, v4;
	v63 =	vshll.u32 v7, $0x3  }
0x9a: {  	v9 =	vshll.u32 v4, $0x3;
	v7 =	vand.u32 $0x7F, v7;
	v8 =	vand.u32 $0xFC00, v63  }
0x9b: {  	[tilespmem:v5+s10+$0x0] =	vst.idx.msk $0xffff, v3;
	v3 =	vand.u32 $0x7F, v4;
	v4 =	vand.u32 $0xFFFFFC00, v9;
	v5 =	vor.u32 v8, v7  }
0x9c: {  	v3 =	vor.u32 v4, v3;
	v4 =	vld.idx.msk [tilespmem:v6+s14+$0x0], $0xffff;
	v5 =	vor.u32 $0x80, v5  }
0x9d: {  	v3 =	vor.u32 $0x80, v3  }
0x9e: {  	v6 =	vadd.s32 s31, v2  }
0x9f: {  	v7 =	vshll.u32 v6, $0x3  }
0xa0: {  	v6 =	vand.u32 $0x7F, v6;
	v7 =	vand.u32 $0xFC00, v7  }
0xa1: {  	[tilespmem:v5+s10+$0x0] =	vst.idx.msk $0xffff, v4;
	v4 =	vor.u32 v7, v6  }
0xa2: {  	p1 =	por $0x1, $0x1;
	v3 =	vld.idx.msk [tilespmem:v3+s14+$0x0], $0xffff;
	v4 =	vor.u32 $0x80, v4  }
.Ltmp4:
0xa3: {  	_ = 	snop;
	(pc) =	sbr.rel @!p1 .LBB2_10-.Ltmp4, $4  }
0xa4: {  	_ = 	snop  }
0xa5: {  	p0 =	por $0x0, $0x0;
	s18 =	simm.s32 $0x0  }
0xa6: {  	p2 =	por $0x0, $0x0;
	s16 =	sand.u32 $0x70, s14;
	s17 =	sand.u32 $0x1C00, s14  }
0xa7: {  	s15 =	simm.s32 $0x10;
	s23 =	smov.u32 s17;
	s21 =	smov.u32 s16;
	[tilespmem:v4+s10+$0x0] =	vst.idx.msk $0xffff, v3  }
0xa8: {  	s18 =	sor.u32 s16, s17  }
0xa9: {  	v3 =	vld [tilespmem:s18+$0x6100];
	_ =	sdelay $0x4  }
0xaa: {  	v4 =	vmul.u32 $0x3, v3;
	v3 =	vmul.u32 $0x18, v3;
	_ =	sdelay $0x1  }
0xab: {  	v5 =	vand.u32 $0x7F, v4;
	v3 =	vand.u32 $0xFFFFFC00, v3  }
0xac: {  	v3 =	vor.u32 v5, v3  }
0xad: {  	v3 =	vor.u32 $0x100, v3  }
0xae: {  	v5 =	vadd.s32 s14, v0  }
0xaf: {  	v6 =	vadd.s32 $0x1, v4;
	v7 =	vshll.u32 v5, $0x3  }
0xb0: {  	v8 =	vshll.u32 v6, $0x3;
	v5 =	vand.u32 $0x7F, v5;
	v7 =	vand.u32 $0xFC00, v7  }
0xb1: {  	v6 =	vand.u32 $0x7F, v6;
	v8 =	vand.u32 $0xFFFFFC00, v8;
	v5 =	vor.u32 v7, v5  }
0xb2: {  	v6 =	vor.u32 v8, v6;
	v5 =	vor.u32 $0x100, v5;
	v3 =	vld.idx.msk [tilespmem:v3+s14+$0x0], $0xffff  }
0xb3: {  	v6 =	vor.u32 $0x100, v6  }
0xb4: {  	v7 =	vadd.s32 s14, v1  }
0xb5: {  	v4 =	vadd.s32 $0x2, v4;
	v63 =	vshll.u32 v7, $0x3  }
0xb6: {  	v9 =	vshll.u32 v4, $0x3;
	v7 =	vand.u32 $0x7F, v7;
	v8 =	vand.u32 $0xFC00, v63  }
0xb7: {  	[tilespmem:v5+s10+$0x0] =	vst.idx.msk $0xffff, v3;
	v3 =	vand.u32 $0x7F, v4;
	v4 =	vand.u32 $0xFFFFFC00, v9;
	v5 =	vor.u32 v8, v7  }
0xb8: {  	v3 =	vor.u32 v4, v3;
	v4 =	vld.idx.msk [tilespmem:v6+s14+$0x0], $0xffff;
	v5 =	vor.u32 $0x100, v5  }
0xb9: {  	v3 =	vor.u32 $0x100, v3  }
0xba: {  	v6 =	vadd.s32 s14, v2  }
0xbb: {  	v7 =	vshll.u32 v6, $0x3  }
0xbc: {  	p3 =	por $0x1, $0x1;
	v6 =	vand.u32 $0x7F, v6;
	v7 =	vand.u32 $0xFC00, v7  }
.Ltmp5:
0xbd: {  	[tilespmem:v5+s10+$0x0] =	vst.idx.msk $0xffff, v4;
	v4 =	vor.u32 v7, v6;
	(pc) =	sbr.rel @!p3 .LBB2_8-.Ltmp5, $3  }
0xbe: {  	v3 =	vld.idx.msk [tilespmem:v3+s14+$0x0], $0xffff;
	v4 =	vor.u32 $0x100, v4;
	_ =	sdelay $0x1  }
0xbf: {  	s22 =	simm.s32 $0x20;
	s19 =	simm.s32 $0x80;
	s21 =	sand.u32 $0x70, s15  }
0xc0: {  	p2 =	por $0x1, $0x1;
	s23 =	sand.u32 $0x1C00, s19;
	s18 =	simm.s32 $0x0  }
.LBB2_9:
0xc1: {  	s23 =	sor.u32 s21, s23  }
0xc2: {  	[tilespmem:v4+s10+$0x0] =	vst.idx.msk $0xffff, v3;
	s18 =	sadd.s32 $0x30, s18;
	s21 =	smov.u32 s22;
	s20 =	sadd.s32 $0x10, s22  }
0xc3: {  	p3 =	sne.s32 s22, $0x3F0;
	v3 =	vld [tilespmem:s23+$0x6100];
	_ =	sdelay $0x4  }
0xc4: {  	v4 =	vmul.u32 $0x3, v3;
	v3 =	vmul.u32 $0x18, v3;
	_ =	sdelay $0x1  }
0xc5: {  	v5 =	vand.u32 $0x7F, v4;
	v3 =	vand.u32 $0xFFFFFC00, v3;
	v6 =	vadd.s32 $0x1, v4  }
0xc6: {  	v4 =	vadd.s32 $0x2, v4;
	v3 =	vor.u32 v5, v3;
	v5 =	vshll.u32 v6, $0x3  }
0xc7: {  	v6 =	vand.u32 $0x7F, v6;
	v3 =	vor.u32 $0x100, v3;
	v5 =	vand.u32 $0xFFFFFC00, v5  }
0xc8: {  	v5 =	vor.u32 v5, v6;
	v6 =	vshll.u32 v4, $0x3  }
0xc9: {  	v7 =	vadd.s32 s18, v0;
	v4 =	vand.u32 $0x7F, v4;
	v6 =	vand.u32 $0xFFFFFC00, v6  }
0xca: {  	v8 =	vshll.u32 v7, $0x3;
	v4 =	vor.u32 v6, v4  }
0xcb: {  	v6 =	vand.u32 $0x7F, v7;
	v7 =	vand.u32 $0xFC00, v8  }
0xcc: {  	v6 =	vor.u32 v7, v6;
	v3 =	vld.idx.msk [tilespmem:v3+s14+$0x0], $0xffff  }
0xcd: {  	v6 =	vor.u32 $0x100, v6  }
0xce: {  	v5 =	vor.u32 $0x100, v5;
	_ =	sdelay $0x1  }
0xcf: {  	v7 =	vadd.s32 s18, v1  }
0xd0: {  	v8 =	vshll.u32 v7, $0x3  }
0xd1: {  	[tilespmem:v6+s10+$0x0] =	vst.idx.msk $0xffff, v3;
	v3 =	vand.u32 $0x7F, v7;
	v6 =	vand.u32 $0xFC00, v8  }
0xd2: {  	v5 =	vld.idx.msk [tilespmem:v5+s14+$0x0], $0xffff;
	v3 =	vor.u32 v6, v3  }
0xd3: {  	v3 =	vor.u32 $0x100, v3  }
0xd4: {  	v4 =	vor.u32 $0x100, v4;
	_ =	sdelay $0x1  }
0xd5: {  	v6 =	vadd.s32 s18, v2  }
0xd6: {  	v7 =	vshll.u32 v6, $0x3  }
0xd7: {  	[tilespmem:v3+s10+$0x0] =	vst.idx.msk $0xffff, v5;
	v5 =	vand.u32 $0x7F, v6;
	v6 =	vand.u32 $0xFC00, v7  }
0xd8: {  	v3 =	vld.idx.msk [tilespmem:v4+s14+$0x0], $0xffff;
	v4 =	vor.u32 v6, v5  }
.Ltmp6:
0xd9: {  	v4 =	vor.u32 $0x100, v4;
	(pc) =	sbr.rel @p3 .LBB2_9-.Ltmp6, $3  }
0xda: {  	_ =	sdelay $0x1  }
0xdb: {  	s19 =	sadd.s32 $0x80, s19  }
0xdc: {  	s21 =	sand.u32 $0x70, s21;
	s23 =	sand.u32 $0x1C00, s19;
	s22 =	smov.u32 s20  }
.LBB2_10:
0xdd: {  	_ =	sdelay $0x3  }
0xde: {  	s19 =	sor.u32 s21, s23;
	[tilespmem:v4+s10+$0x0] =	vst.idx.msk @p2 $0xffff, v3  }
0xdf: {  	v3 =	vld [tilespmem:s19+$0x6100];
	_ =	sdelay $0x4  }
0xe0: {  	v54 =	vmul.u32 $0x3, v3;
	v3 =	vmul.u32 $0x18, v3;
	_ =	sdelay $0x1  }
0xe1: {  	v5 =	vand.u32 $0x7F, v54;
	v3 =	vand.u32 $0xFFFFFC00, v3  }
0xe2: {  	s18 =	sadd.s32 @p2 $0x30, s18;
	s19 =	simm.s32 $0x0;
	v3 =	vor.u32 v5, v3  }
0xe3: {  	s19 =	smov.u32 @p2 s18;
	v3 =	vor.u32 $0x100, v3  }
0xe4: {  	v55 =	vadd.s32 s19, v0  }
0xe5: {  	v7 =	vshll.u32 v55, $0x3;
	v6 =	vadd.s32 $0x1, v54  }
0xe6: {  	v7 =	vand.u32 $0xFC00, v7;
	v8 =	vshll.u32 v6, $0x3;
	v5 =	vand.u32 $0x7F, v55  }
0xe7: {  	v6 =	vand.u32 $0x7F, v6;
	v8 =	vand.u32 $0xFFFFFC00, v8;
	v5 =	vor.u32 v7, v5  }
0xe8: {  	v6 =	vor.u32 v8, v6;
	v5 =	vor.u32 $0x100, v5;
	v3 =	vld.idx.msk [tilespmem:v3+s14+$0x0], $0xffff  }
0xe9: {  	v6 =	vor.u32 $0x100, v6  }
0xea: {  	v56 =	vadd.s32 s19, v1  }
0xeb: {  	v57 =	vshll.u32 v56, $0x3;
	v4 =	vadd.s32 $0x2, v54  }
0xec: {  	v9 =	vshll.u32 v4, $0x3;
	v7 =	vand.u32 $0x7F, v56;
	v8 =	vand.u32 $0xFC00, v57  }
0xed: {  	v58 =	vand.u32 $0xFFFFFC00, v9;
	v59 =	vor.u32 v8, v7;
	[tilespmem:v5+s10+$0x0] =	vst.idx.msk $0xffff, v3;
	v3 =	vand.u32 $0x7F, v4  }
0xee: {  	v5 =	vor.u32 $0x100, v59;
	v3 =	vor.u32 v58, v3;
	v60 =	vld.idx.msk [tilespmem:v6+s14+$0x0], $0xffff  }
0xef: {  	v3 =	vor.u32 $0x100, v3  }
0xf0: {  	v61 =	vadd.s32 s19, v2  }
0xf1: {  	v62 =	vshll.u32 v61, $0x3  }
0xf2: {  	v7 =	vand.u32 $0xFC00, v62;
	v6 =	vand.u32 $0x7F, v61  }
0xf3: {  	v63 =	vor.u32 v7, v6;
	[tilespmem:v5+s10+$0x0] =	vst.idx.msk $0xffff, v60  }
0xf4: {  	v4 =	vor.u32 $0x100, v63;
	v3 =	vld.idx.msk [tilespmem:v3+s14+$0x0], $0xffff  }
.Ltmp7:
0xf5: {  	_ = 	snop;
	(pc) =	sbr.rel @!p1 .LBB2_11-.Ltmp7, $2  }
0xf6: {  	_ =	sdelay $0x2  }
0xf7: {  	[tilespmem:v4+s10+$0x0] =	vst.idx.msk $0xffff, v3  }
0xf8: {  	s16 =	sor.u32 s16, s17  }
0xf9: {  	v3 =	vld [tilespmem:s16+$0x6180];
	_ =	sdelay $0x4  }
0xfa: {  	v4 =	vmul.u32 $0x3, v3;
	v3 =	vmul.u32 $0x18, v3;
	_ =	sdelay $0x1  }
0xfb: {  	v5 =	vand.u32 $0x7F, v4;
	v3 =	vand.u32 $0xFFFFFC00, v3  }
0xfc: {  	v3 =	vor.u32 v5, v3  }
0xfd: {  	v3 =	vor.u32 $0x180, v3  }
0xfe: {  	v5 =	vadd.s32 s14, v0  }
0xff: {  	v6 =	vadd.s32 $0x1, v4;
	v7 =	vshll.u32 v5, $0x3  }
0x100: {  	v8 =	vshll.u32 v6, $0x3;
	v5 =	vand.u32 $0x7F, v5;
	v7 =	vand.u32 $0xFC00, v7  }
0x101: {  	s18 =	simm.s32 $0x0;
	v6 =	vand.u32 $0x7F, v6;
	v8 =	vand.u32 $0xFFFFFC00, v8;
	v5 =	vor.u32 v7, v5  }
0x102: {  	v6 =	vor.u32 v8, v6;
	v5 =	vor.u32 $0x180, v5;
	v3 =	vld.idx.msk [tilespmem:v3+s18+$0x0], $0xffff  }
0x103: {  	v6 =	vor.u32 $0x180, v6  }
0x104: {  	v7 =	vadd.s32 s14, v1  }
0x105: {  	v4 =	vadd.s32 $0x2, v4;
	v63 =	vshll.u32 v7, $0x3  }
0x106: {  	v9 =	vshll.u32 v4, $0x3;
	v7 =	vand.u32 $0x7F, v7;
	v8 =	vand.u32 $0xFC00, v63  }
0x107: {  	[tilespmem:v5+s10+$0x0] =	vst.idx.msk $0xffff, v3;
	v3 =	vand.u32 $0x7F, v4;
	v4 =	vand.u32 $0xFFFFFC00, v9;
	v5 =	vor.u32 v8, v7  }
0x108: {  	v3 =	vor.u32 v4, v3;
	v4 =	vld.idx.msk [tilespmem:v6+s18+$0x0], $0xffff;
	v5 =	vor.u32 $0x180, v5  }
0x109: {  	v3 =	vor.u32 $0x180, v3  }
0x10a: {  	v6 =	vadd.s32 s14, v2  }
0x10b: {  	v7 =	vshll.u32 v6, $0x3  }
0x10c: {  	p1 =	por $0x1, $0x1;
	v6 =	vand.u32 $0x7F, v6;
	v7 =	vand.u32 $0xFC00, v7  }
.Ltmp8:
0x10d: {  	[tilespmem:v5+s10+$0x0] =	vst.idx.msk $0xffff, v4;
	v4 =	vor.u32 v7, v6;
	(pc) =	sbr.rel @!p1 .LBB2_13-.Ltmp8, $3  }
0x10e: {  	v3 =	vld.idx.msk [tilespmem:v3+s18+$0x0], $0xffff;
	v4 =	vor.u32 $0x180, v4;
	_ =	sdelay $0x1  }
0x10f: {  	s21 =	simm.s32 $0x20;
	s19 =	simm.s32 $0x80;
	p0 =	por $0x1, $0x1  }
0x110: {  	s16 =	sand.u32 $0x70, s15;
	s17 =	sand.u32 $0x1C00, s19;
	s15 =	simm.s32 $0x0  }
.LBB2_14:
0x111: {  	s17 =	sor.u32 s16, s17  }
0x112: {  	[tilespmem:v4+s10+$0x0] =	vst.idx.msk $0xffff, v3;
	s15 =	sadd.s32 $0x30, s15;
	s16 =	smov.u32 s21;
	s20 =	sadd.s32 $0x10, s21  }
0x113: {  	p1 =	sne.s32 s21, $0x3F0;
	v3 =	vld [tilespmem:s17+$0x6180];
	_ =	sdelay $0x4  }
0x114: {  	v4 =	vmul.u32 $0x3, v3;
	v3 =	vmul.u32 $0x18, v3;
	_ =	sdelay $0x1  }
0x115: {  	v5 =	vand.u32 $0x7F, v4;
	v3 =	vand.u32 $0xFFFFFC00, v3;
	v6 =	vadd.s32 $0x1, v4  }
0x116: {  	v4 =	vadd.s32 $0x2, v4;
	v3 =	vor.u32 v5, v3;
	v5 =	vshll.u32 v6, $0x3  }
0x117: {  	v6 =	vand.u32 $0x7F, v6;
	v3 =	vor.u32 $0x180, v3;
	v5 =	vand.u32 $0xFFFFFC00, v5  }
0x118: {  	v5 =	vor.u32 v5, v6;
	v6 =	vshll.u32 v4, $0x3  }
0x119: {  	v7 =	vadd.s32 s15, v0;
	v4 =	vand.u32 $0x7F, v4;
	v6 =	vand.u32 $0xFFFFFC00, v6  }
0x11a: {  	v8 =	vshll.u32 v7, $0x3;
	v4 =	vor.u32 v6, v4  }
0x11b: {  	v6 =	vand.u32 $0x7F, v7;
	v7 =	vand.u32 $0xFC00, v8  }
0x11c: {  	v6 =	vor.u32 v7, v6;
	v3 =	vld.idx.msk [tilespmem:v3+s18+$0x0], $0xffff  }
0x11d: {  	v6 =	vor.u32 $0x180, v6  }
0x11e: {  	v5 =	vor.u32 $0x180, v5;
	_ =	sdelay $0x1  }
0x11f: {  	v7 =	vadd.s32 s15, v1  }
0x120: {  	v8 =	vshll.u32 v7, $0x3  }
0x121: {  	[tilespmem:v6+s10+$0x0] =	vst.idx.msk $0xffff, v3;
	v3 =	vand.u32 $0x7F, v7;
	v6 =	vand.u32 $0xFC00, v8  }
0x122: {  	v5 =	vld.idx.msk [tilespmem:v5+s18+$0x0], $0xffff;
	v3 =	vor.u32 v6, v3  }
0x123: {  	v3 =	vor.u32 $0x180, v3  }
0x124: {  	v4 =	vor.u32 $0x180, v4;
	_ =	sdelay $0x1  }
0x125: {  	v6 =	vadd.s32 s15, v2  }
0x126: {  	v7 =	vshll.u32 v6, $0x3  }
0x127: {  	[tilespmem:v3+s10+$0x0] =	vst.idx.msk $0xffff, v5;
	v5 =	vand.u32 $0x7F, v6;
	v6 =	vand.u32 $0xFC00, v7  }
0x128: {  	v3 =	vld.idx.msk [tilespmem:v4+s18+$0x0], $0xffff;
	v4 =	vor.u32 v6, v5  }
.Ltmp9:
0x129: {  	v4 =	vor.u32 $0x180, v4;
	(pc) =	sbr.rel @p1 .LBB2_14-.Ltmp9, $3  }
0x12a: {  	_ =	sdelay $0x1  }
0x12b: {  	s19 =	sadd.s32 $0x80, s19  }
0x12c: {  	s16 =	sand.u32 $0x70, s16;
	s17 =	sand.u32 $0x1C00, s19;
	s21 =	smov.u32 s20  }
.LBB2_15:
0x12d: {  	_ =	sdelay $0x3  }
0x12e: {  	s16 =	sor.u32 s16, s17;
	[tilespmem:v4+s10+$0x0] =	vst.idx.msk @p0 $0xffff, v3  }
0x12f: {  	v3 =	vld [tilespmem:s16+$0x6180];
	_ =	sdelay $0x4  }
0x130: {  	v4 =	vmul.u32 $0x3, v3;
	v3 =	vmul.u32 $0x18, v3;
	_ =	sdelay $0x1  }
0x131: {  	v5 =	vand.u32 $0x7F, v4;
	v3 =	vand.u32 $0xFFFFFC00, v3  }
0x132: {  	s15 =	sadd.s32 @p0 $0x30, s15;
	v3 =	vor.u32 v5, v3  }
0x133: {  	s14 =	smov.u32 @p0 s15;
	v3 =	vor.u32 $0x180, v3  }
0x134: {  	v5 =	vadd.s32 s14, v0  }
0x135: {  	v6 =	vadd.s32 $0x1, v4;
	v7 =	vshll.u32 v5, $0x3  }
0x136: {  	v8 =	vshll.u32 v6, $0x3;
	v5 =	vand.u32 $0x7F, v5;
	v7 =	vand.u32 $0xFC00, v7  }
0x137: {  	s15 =	simm.s32 $0x0;
	v6 =	vand.u32 $0x7F, v6;
	v8 =	vand.u32 $0xFFFFFC00, v8;
	v5 =	vor.u32 v7, v5  }
0x138: {  	v6 =	vor.u32 v8, v6;
	v5 =	vor.u32 $0x180, v5;
	v3 =	vld.idx.msk [tilespmem:v3+s15+$0x0], $0xffff  }
0x139: {  	v6 =	vor.u32 $0x180, v6  }
0x13a: {  	v7 =	vadd.s32 s14, v1  }
0x13b: {  	v4 =	vadd.s32 $0x2, v4;
	v63 =	vshll.u32 v7, $0x3  }
0x13c: {  	v9 =	vshll.u32 v4, $0x3;
	v7 =	vand.u32 $0x7F, v7;
	v8 =	vand.u32 $0xFC00, v63  }
0x13d: {  	[tilespmem:v5+s10+$0x0] =	vst.idx.msk $0xffff, v3;
	v3 =	vand.u32 $0x7F, v4;
	v4 =	vand.u32 $0xFFFFFC00, v9;
	v5 =	vor.u32 v8, v7  }
0x13e: {  	v3 =	vor.u32 v4, v3;
	v4 =	vld.idx.msk [tilespmem:v6+s15+$0x0], $0xffff;
	v5 =	vor.u32 $0x180, v5  }
0x13f: {  	v3 =	vor.u32 $0x180, v3  }
0x140: {  	v6 =	vadd.s32 s14, v2  }
0x141: {  	v7 =	vshll.u32 v6, $0x3  }
0x142: {  	v6 =	vand.u32 $0x7F, v6;
	v7 =	vand.u32 $0xFC00, v7  }
0x143: {  	[tilespmem:v5+s10+$0x0] =	vst.idx.msk $0xffff, v4;
	v4 =	vor.u32 v7, v6  }
0x144: {  	p1 =	por $0x1, $0x1;
	v3 =	vld.idx.msk [tilespmem:v3+s15+$0x0], $0xffff;
	v4 =	vor.u32 $0x180, v4  }
.Ltmp10:
0x145: {  	_ = 	snop;
	(pc) =	sbr.rel @!p1 .LBB2_19-.Ltmp10, $4  }
0x146: {  	_ = 	snop  }
0x147: {  	s18 =	simm.s32 $0x0;
	p2 =	por $0x0, $0x0  }
0x148: {  	p0 =	por $0x0, $0x0;
	s16 =	sand.u32 $0x70, s15;
	s17 =	sand.u32 $0x1C00, s15  }
0x149: {  	s23 =	smov.u32 s17;
	s21 =	smov.u32 s16;
	s14 =	simm.s32 $0x10;
	[tilespmem:v4+s10+$0x0] =	vst.idx.msk $0xffff, v3  }
0x14a: {  	s18 =	sor.u32 s16, s17  }
0x14b: {  	v3 =	vld [tilespmem:s18+$0x6200];
	_ =	sdelay $0x4  }
0x14c: {  	v4 =	vmul.u32 $0x3, v3;
	v3 =	vmul.u32 $0x18, v3;
	_ =	sdelay $0x1  }
0x14d: {  	v5 =	vand.u32 $0x7F, v4;
	v3 =	vand.u32 $0xFFFFFC00, v3  }
0x14e: {  	v3 =	vor.u32 v5, v3  }
0x14f: {  	v3 =	vor.u32 $0x200, v3  }
0x150: {  	v5 =	vadd.s32 s15, v0  }
0x151: {  	v6 =	vadd.s32 $0x1, v4;
	v7 =	vshll.u32 v5, $0x3  }
0x152: {  	v8 =	vshll.u32 v6, $0x3;
	v5 =	vand.u32 $0x7F, v5;
	v7 =	vand.u32 $0xFC00, v7  }
0x153: {  	v6 =	vand.u32 $0x7F, v6;
	v8 =	vand.u32 $0xFFFFFC00, v8;
	v5 =	vor.u32 v7, v5  }
0x154: {  	v6 =	vor.u32 v8, v6;
	v5 =	vor.u32 $0x200, v5;
	v3 =	vld.idx.msk [tilespmem:v3+s15+$0x0], $0xffff  }
0x155: {  	v6 =	vor.u32 $0x200, v6  }
0x156: {  	v7 =	vadd.s32 s15, v1  }
0x157: {  	v4 =	vadd.s32 $0x2, v4;
	v63 =	vshll.u32 v7, $0x3  }
0x158: {  	v9 =	vshll.u32 v4, $0x3;
	v7 =	vand.u32 $0x7F, v7;
	v8 =	vand.u32 $0xFC00, v63  }
0x159: {  	[tilespmem:v5+s10+$0x0] =	vst.idx.msk $0xffff, v3;
	v3 =	vand.u32 $0x7F, v4;
	v4 =	vand.u32 $0xFFFFFC00, v9;
	v5 =	vor.u32 v8, v7  }
0x15a: {  	v3 =	vor.u32 v4, v3;
	v4 =	vld.idx.msk [tilespmem:v6+s15+$0x0], $0xffff;
	v5 =	vor.u32 $0x200, v5  }
0x15b: {  	v3 =	vor.u32 $0x200, v3  }
0x15c: {  	v6 =	vadd.s32 s15, v2  }
0x15d: {  	v7 =	vshll.u32 v6, $0x3  }
0x15e: {  	p3 =	por $0x1, $0x1;
	v6 =	vand.u32 $0x7F, v6;
	v7 =	vand.u32 $0xFC00, v7  }
.Ltmp11:
0x15f: {  	[tilespmem:v5+s10+$0x0] =	vst.idx.msk $0xffff, v4;
	v4 =	vor.u32 v7, v6;
	(pc) =	sbr.rel @!p3 .LBB2_17-.Ltmp11, $3  }
0x160: {  	v3 =	vld.idx.msk [tilespmem:v3+s15+$0x0], $0xffff;
	v4 =	vor.u32 $0x200, v4;
	_ =	sdelay $0x1  }
0x161: {  	s22 =	simm.s32 $0x20;
	s19 =	simm.s32 $0x80;
	s21 =	sand.u32 $0x70, s14  }
0x162: {  	p2 =	por $0x1, $0x1;
	s23 =	sand.u32 $0x1C00, s19;
	s18 =	simm.s32 $0x0  }
.LBB2_18:
0x163: {  	s23 =	sor.u32 s21, s23  }
0x164: {  	[tilespmem:v4+s10+$0x0] =	vst.idx.msk $0xffff, v3;
	s18 =	sadd.s32 $0x30, s18;
	s21 =	smov.u32 s22;
	s20 =	sadd.s32 $0x10, s22  }
0x165: {  	p3 =	sne.s32 s22, $0x3F0;
	v3 =	vld [tilespmem:s23+$0x6200];
	_ =	sdelay $0x4  }
0x166: {  	v4 =	vmul.u32 $0x3, v3;
	v3 =	vmul.u32 $0x18, v3;
	_ =	sdelay $0x1  }
0x167: {  	v5 =	vand.u32 $0x7F, v4;
	v3 =	vand.u32 $0xFFFFFC00, v3;
	v6 =	vadd.s32 $0x1, v4  }
0x168: {  	v4 =	vadd.s32 $0x2, v4;
	v3 =	vor.u32 v5, v3;
	v5 =	vshll.u32 v6, $0x3  }
0x169: {  	v6 =	vand.u32 $0x7F, v6;
	v3 =	vor.u32 $0x200, v3;
	v5 =	vand.u32 $0xFFFFFC00, v5  }
0x16a: {  	v5 =	vor.u32 v5, v6;
	v6 =	vshll.u32 v4, $0x3  }
0x16b: {  	v7 =	vadd.s32 s18, v0;
	v4 =	vand.u32 $0x7F, v4;
	v6 =	vand.u32 $0xFFFFFC00, v6  }
0x16c: {  	v8 =	vshll.u32 v7, $0x3;
	v4 =	vor.u32 v6, v4  }
0x16d: {  	v6 =	vand.u32 $0x7F, v7;
	v7 =	vand.u32 $0xFC00, v8  }
0x16e: {  	v6 =	vor.u32 v7, v6;
	v3 =	vld.idx.msk [tilespmem:v3+s15+$0x0], $0xffff  }
0x16f: {  	v6 =	vor.u32 $0x200, v6  }
0x170: {  	v5 =	vor.u32 $0x200, v5;
	_ =	sdelay $0x1  }
0x171: {  	v7 =	vadd.s32 s18, v1  }
0x172: {  	v8 =	vshll.u32 v7, $0x3  }
0x173: {  	[tilespmem:v6+s10+$0x0] =	vst.idx.msk $0xffff, v3;
	v3 =	vand.u32 $0x7F, v7;
	v6 =	vand.u32 $0xFC00, v8  }
0x174: {  	v5 =	vld.idx.msk [tilespmem:v5+s15+$0x0], $0xffff;
	v3 =	vor.u32 v6, v3  }
0x175: {  	v3 =	vor.u32 $0x200, v3  }
0x176: {  	v4 =	vor.u32 $0x200, v4;
	_ =	sdelay $0x1  }
0x177: {  	v6 =	vadd.s32 s18, v2  }
0x178: {  	v7 =	vshll.u32 v6, $0x3  }
0x179: {  	[tilespmem:v3+s10+$0x0] =	vst.idx.msk $0xffff, v5;
	v5 =	vand.u32 $0x7F, v6;
	v6 =	vand.u32 $0xFC00, v7  }
0x17a: {  	v3 =	vld.idx.msk [tilespmem:v4+s15+$0x0], $0xffff;
	v4 =	vor.u32 v6, v5  }
.Ltmp12:
0x17b: {  	v4 =	vor.u32 $0x200, v4;
	(pc) =	sbr.rel @p3 .LBB2_18-.Ltmp12, $3  }
0x17c: {  	_ =	sdelay $0x1  }
0x17d: {  	s19 =	sadd.s32 $0x80, s19  }
0x17e: {  	s21 =	sand.u32 $0x70, s21;
	s23 =	sand.u32 $0x1C00, s19;
	s22 =	smov.u32 s20  }
.LBB2_19:
0x17f: {  	_ =	sdelay $0x3  }
0x180: {  	s19 =	sor.u32 s21, s23;
	[tilespmem:v4+s10+$0x0] =	vst.idx.msk @p2 $0xffff, v3  }
0x181: {  	v3 =	vld [tilespmem:s19+$0x6200];
	_ =	sdelay $0x4  }
0x182: {  	v54 =	vmul.u32 $0x3, v3;
	v3 =	vmul.u32 $0x18, v3;
	_ =	sdelay $0x1  }
0x183: {  	v5 =	vand.u32 $0x7F, v54;
	v3 =	vand.u32 $0xFFFFFC00, v3  }
0x184: {  	s18 =	sadd.s32 @p2 $0x30, s18;
	s19 =	simm.s32 $0x0;
	v3 =	vor.u32 v5, v3  }
0x185: {  	s19 =	smov.u32 @p2 s18;
	v3 =	vor.u32 $0x200, v3  }
0x186: {  	v55 =	vadd.s32 s19, v0  }
0x187: {  	v7 =	vshll.u32 v55, $0x3;
	v6 =	vadd.s32 $0x1, v54  }
0x188: {  	v7 =	vand.u32 $0xFC00, v7;
	v8 =	vshll.u32 v6, $0x3;
	v5 =	vand.u32 $0x7F, v55  }
0x189: {  	v6 =	vand.u32 $0x7F, v6;
	v8 =	vand.u32 $0xFFFFFC00, v8;
	v5 =	vor.u32 v7, v5  }
0x18a: {  	v6 =	vor.u32 v8, v6;
	v5 =	vor.u32 $0x200, v5;
	v3 =	vld.idx.msk [tilespmem:v3+s15+$0x0], $0xffff  }
0x18b: {  	v6 =	vor.u32 $0x200, v6  }
0x18c: {  	v56 =	vadd.s32 s19, v1  }
0x18d: {  	v57 =	vshll.u32 v56, $0x3;
	v4 =	vadd.s32 $0x2, v54  }
0x18e: {  	v9 =	vshll.u32 v4, $0x3;
	v7 =	vand.u32 $0x7F, v56;
	v8 =	vand.u32 $0xFC00, v57  }
0x18f: {  	v58 =	vand.u32 $0xFFFFFC00, v9;
	v59 =	vor.u32 v8, v7;
	[tilespmem:v5+s10+$0x0] =	vst.idx.msk $0xffff, v3;
	v3 =	vand.u32 $0x7F, v4  }
0x190: {  	v5 =	vor.u32 $0x200, v59;
	v3 =	vor.u32 v58, v3;
	v60 =	vld.idx.msk [tilespmem:v6+s15+$0x0], $0xffff  }
0x191: {  	v3 =	vor.u32 $0x200, v3  }
0x192: {  	v61 =	vadd.s32 s19, v2  }
0x193: {  	v62 =	vshll.u32 v61, $0x3  }
0x194: {  	v7 =	vand.u32 $0xFC00, v62;
	v6 =	vand.u32 $0x7F, v61  }
0x195: {  	v63 =	vor.u32 v7, v6;
	[tilespmem:v5+s10+$0x0] =	vst.idx.msk $0xffff, v60  }
0x196: {  	v4 =	vor.u32 $0x200, v63;
	v3 =	vld.idx.msk [tilespmem:v3+s15+$0x0], $0xffff  }
.Ltmp13:
0x197: {  	_ = 	snop;
	(pc) =	sbr.rel @!p1 .LBB2_20-.Ltmp13, $2  }
0x198: {  	_ =	sdelay $0x2  }
0x199: {  	[tilespmem:v4+s10+$0x0] =	vst.idx.msk $0xffff, v3  }
0x19a: {  	s16 =	sor.u32 s16, s17  }
0x19b: {  	v3 =	vld [tilespmem:s16+$0x6280];
	_ =	sdelay $0x4  }
0x19c: {  	v4 =	vmul.u32 $0x3, v3;
	v3 =	vmul.u32 $0x18, v3;
	_ =	sdelay $0x1  }
0x19d: {  	v5 =	vand.u32 $0x7F, v4;
	v3 =	vand.u32 $0xFFFFFC00, v3  }
0x19e: {  	v3 =	vor.u32 v5, v3  }
0x19f: {  	v3 =	vor.u32 $0x280, v3  }
0x1a0: {  	v5 =	vadd.s32 s15, v0  }
0x1a1: {  	v6 =	vadd.s32 $0x1, v4;
	v7 =	vshll.u32 v5, $0x3  }
0x1a2: {  	v8 =	vshll.u32 v6, $0x3;
	v5 =	vand.u32 $0x7F, v5;
	v7 =	vand.u32 $0xFC00, v7  }
0x1a3: {  	s18 =	simm.s32 $0x0;
	v6 =	vand.u32 $0x7F, v6;
	v8 =	vand.u32 $0xFFFFFC00, v8;
	v5 =	vor.u32 v7, v5  }
0x1a4: {  	v6 =	vor.u32 v8, v6;
	v5 =	vor.u32 $0x280, v5;
	v3 =	vld.idx.msk [tilespmem:v3+s18+$0x0], $0xffff  }
0x1a5: {  	v6 =	vor.u32 $0x280, v6  }
0x1a6: {  	v7 =	vadd.s32 s15, v1  }
0x1a7: {  	v4 =	vadd.s32 $0x2, v4;
	v63 =	vshll.u32 v7, $0x3  }
0x1a8: {  	v9 =	vshll.u32 v4, $0x3;
	v7 =	vand.u32 $0x7F, v7;
	v8 =	vand.u32 $0xFC00, v63  }
0x1a9: {  	[tilespmem:v5+s10+$0x0] =	vst.idx.msk $0xffff, v3;
	v3 =	vand.u32 $0x7F, v4;
	v4 =	vand.u32 $0xFFFFFC00, v9;
	v5 =	vor.u32 v8, v7  }
0x1aa: {  	v3 =	vor.u32 v4, v3;
	v4 =	vld.idx.msk [tilespmem:v6+s18+$0x0], $0xffff;
	v5 =	vor.u32 $0x280, v5  }
0x1ab: {  	v3 =	vor.u32 $0x280, v3  }
0x1ac: {  	v6 =	vadd.s32 s15, v2  }
0x1ad: {  	v7 =	vshll.u32 v6, $0x3  }
0x1ae: {  	p1 =	por $0x1, $0x1;
	v6 =	vand.u32 $0x7F, v6;
	v7 =	vand.u32 $0xFC00, v7  }
.Ltmp14:
0x1af: {  	[tilespmem:v5+s10+$0x0] =	vst.idx.msk $0xffff, v4;
	v4 =	vor.u32 v7, v6;
	(pc) =	sbr.rel @!p1 .LBB2_22-.Ltmp14, $3  }
0x1b0: {  	v3 =	vld.idx.msk [tilespmem:v3+s18+$0x0], $0xffff;
	v4 =	vor.u32 $0x280, v4;
	_ =	sdelay $0x1  }
0x1b1: {  	s21 =	simm.s32 $0x20;
	s19 =	simm.s32 $0x80;
	p0 =	por $0x1, $0x1  }
0x1b2: {  	s16 =	sand.u32 $0x70, s14;
	s17 =	sand.u32 $0x1C00, s19;
	s14 =	simm.s32 $0x0  }
.LBB2_23:
0x1b3: {  	s17 =	sor.u32 s16, s17  }
0x1b4: {  	[tilespmem:v4+s10+$0x0] =	vst.idx.msk $0xffff, v3;
	s14 =	sadd.s32 $0x30, s14;
	s16 =	smov.u32 s21;
	s20 =	sadd.s32 $0x10, s21  }
0x1b5: {  	p1 =	sne.s32 s21, $0x3F0;
	v3 =	vld [tilespmem:s17+$0x6280];
	_ =	sdelay $0x4  }
0x1b6: {  	v4 =	vmul.u32 $0x3, v3;
	v3 =	vmul.u32 $0x18, v3;
	_ =	sdelay $0x1  }
0x1b7: {  	v5 =	vand.u32 $0x7F, v4;
	v3 =	vand.u32 $0xFFFFFC00, v3;
	v6 =	vadd.s32 $0x1, v4  }
0x1b8: {  	v4 =	vadd.s32 $0x2, v4;
	v3 =	vor.u32 v5, v3;
	v5 =	vshll.u32 v6, $0x3  }
0x1b9: {  	v6 =	vand.u32 $0x7F, v6;
	v3 =	vor.u32 $0x280, v3;
	v5 =	vand.u32 $0xFFFFFC00, v5  }
0x1ba: {  	v5 =	vor.u32 v5, v6;
	v6 =	vshll.u32 v4, $0x3  }
0x1bb: {  	v7 =	vadd.s32 s14, v0;
	v4 =	vand.u32 $0x7F, v4;
	v6 =	vand.u32 $0xFFFFFC00, v6  }
0x1bc: {  	v8 =	vshll.u32 v7, $0x3;
	v4 =	vor.u32 v6, v4  }
0x1bd: {  	v6 =	vand.u32 $0x7F, v7;
	v7 =	vand.u32 $0xFC00, v8  }
0x1be: {  	v6 =	vor.u32 v7, v6;
	v3 =	vld.idx.msk [tilespmem:v3+s18+$0x0], $0xffff  }
0x1bf: {  	v6 =	vor.u32 $0x280, v6  }
0x1c0: {  	v5 =	vor.u32 $0x280, v5;
	_ =	sdelay $0x1  }
0x1c1: {  	v7 =	vadd.s32 s14, v1  }
0x1c2: {  	v8 =	vshll.u32 v7, $0x3  }
0x1c3: {  	[tilespmem:v6+s10+$0x0] =	vst.idx.msk $0xffff, v3;
	v3 =	vand.u32 $0x7F, v7;
	v6 =	vand.u32 $0xFC00, v8  }
0x1c4: {  	v5 =	vld.idx.msk [tilespmem:v5+s18+$0x0], $0xffff;
	v3 =	vor.u32 v6, v3  }
0x1c5: {  	v3 =	vor.u32 $0x280, v3  }
0x1c6: {  	v4 =	vor.u32 $0x280, v4;
	_ =	sdelay $0x1  }
0x1c7: {  	v6 =	vadd.s32 s14, v2  }
0x1c8: {  	v7 =	vshll.u32 v6, $0x3  }
0x1c9: {  	[tilespmem:v3+s10+$0x0] =	vst.idx.msk $0xffff, v5;
	v5 =	vand.u32 $0x7F, v6;
	v6 =	vand.u32 $0xFC00, v7  }
0x1ca: {  	v3 =	vld.idx.msk [tilespmem:v4+s18+$0x0], $0xffff;
	v4 =	vor.u32 v6, v5  }
.Ltmp15:
0x1cb: {  	v4 =	vor.u32 $0x280, v4;
	(pc) =	sbr.rel @p1 .LBB2_23-.Ltmp15, $3  }
0x1cc: {  	_ =	sdelay $0x1  }
0x1cd: {  	s19 =	sadd.s32 $0x80, s19  }
0x1ce: {  	s16 =	sand.u32 $0x70, s16;
	s17 =	sand.u32 $0x1C00, s19;
	s21 =	smov.u32 s20  }
.LBB2_24:
0x1cf: {  	_ =	sdelay $0x3  }
0x1d0: {  	s16 =	sor.u32 s16, s17;
	[tilespmem:v4+s10+$0x0] =	vst.idx.msk @p0 $0xffff, v3  }
0x1d1: {  	v3 =	vld [tilespmem:s16+$0x6280];
	_ =	sdelay $0x4  }
0x1d2: {  	v54 =	vmul.u32 $0x3, v3;
	v3 =	vmul.u32 $0x18, v3;
	_ =	sdelay $0x1  }
0x1d3: {  	v5 =	vand.u32 $0x7F, v54;
	v3 =	vand.u32 $0xFFFFFC00, v3  }
0x1d4: {  	s14 =	sadd.s32 @p0 $0x30, s14;
	v3 =	vor.u32 v5, v3  }
0x1d5: {  	s15 =	smov.u32 @p0 s14;
	v3 =	vor.u32 $0x280, v3  }
0x1d6: {  	v55 =	vadd.s32 s15, v0  }
0x1d7: {  	v7 =	vshll.u32 v55, $0x3;
	v6 =	vadd.s32 $0x1, v54  }
0x1d8: {  	v7 =	vand.u32 $0xFC00, v7;
	v8 =	vshll.u32 v6, $0x3;
	v5 =	vand.u32 $0x7F, v55  }
0x1d9: {  	s14 =	simm.s32 $0x0;
	v6 =	vand.u32 $0x7F, v6;
	v8 =	vand.u32 $0xFFFFFC00, v8;
	v5 =	vor.u32 v7, v5  }
0x1da: {  	v6 =	vor.u32 v8, v6;
	v5 =	vor.u32 $0x280, v5;
	v3 =	vld.idx.msk [tilespmem:v3+s14+$0x0], $0xffff  }
0x1db: {  	v6 =	vor.u32 $0x280, v6  }
0x1dc: {  	v56 =	vadd.s32 s15, v1  }
0x1dd: {  	v57 =	vshll.u32 v56, $0x3;
	v4 =	vadd.s32 $0x2, v54  }
0x1de: {  	v9 =	vshll.u32 v4, $0x3;
	v7 =	vand.u32 $0x7F, v56;
	v8 =	vand.u32 $0xFC00, v57  }
0x1df: {  	v58 =	vand.u32 $0xFFFFFC00, v9;
	v59 =	vor.u32 v8, v7;
	[tilespmem:v5+s10+$0x0] =	vst.idx.msk $0xffff, v3;
	v3 =	vand.u32 $0x7F, v4  }
0x1e0: {  	v5 =	vor.u32 $0x280, v59;
	v3 =	vor.u32 v58, v3;
	v60 =	vld.idx.msk [tilespmem:v6+s14+$0x0], $0xffff  }
0x1e1: {  	v3 =	vor.u32 $0x280, v3  }
0x1e2: {  	v61 =	vadd.s32 s15, v2  }
0x1e3: {  	v62 =	vshll.u32 v61, $0x3  }
0x1e4: {  	v7 =	vand.u32 $0xFC00, v62;
	v6 =	vand.u32 $0x7F, v61  }
0x1e5: {  	v63 =	vor.u32 v7, v6;
	[tilespmem:v5+s10+$0x0] =	vst.idx.msk $0xffff, v60  }
0x1e6: {  	p1 =	por $0x1, $0x1;
	v4 =	vor.u32 $0x280, v63;
	v3 =	vld.idx.msk [tilespmem:v3+s14+$0x0], $0xffff  }
.Ltmp16:
0x1e7: {  	_ = 	snop;
	(pc) =	sbr.rel @!p1 .LBB2_25-.Ltmp16, $3  }
0x1e8: {  	_ =	sdelay $0x1  }
0x1e9: {  	p0 =	por $0x0, $0x0  }
0x1ea: {  	s15 =	simm.s32 $0x10;
	s19 =	sand.u32 $0x70, s14;
	s20 =	sand.u32 $0x1C00, s14;
	[tilespmem:v4+s10+$0x0] =	vst.idx.msk $0xffff, v3  }
0x1eb: {  	s16 =	sor.u32 s19, s20  }
0x1ec: {  	v3 =	vld [tilespmem:s16+$0x6300];
	_ =	sdelay $0x4  }
0x1ed: {  	v4 =	vmul.u32 $0x3, v3;
	v3 =	vmul.u32 $0x18, v3;
	_ =	sdelay $0x1  }
0x1ee: {  	v5 =	vand.u32 $0x7F, v4;
	v3 =	vand.u32 $0xFFFFFC00, v3  }
0x1ef: {  	v3 =	vor.u32 v5, v3  }
0x1f0: {  	v3 =	vor.u32 $0x300, v3  }
0x1f1: {  	v5 =	vadd.s32 s14, v0  }
0x1f2: {  	v6 =	vadd.s32 $0x1, v4;
	v7 =	vshll.u32 v5, $0x3  }
0x1f3: {  	v8 =	vshll.u32 v6, $0x3;
	v5 =	vand.u32 $0x7F, v5;
	v7 =	vand.u32 $0xFC00, v7  }
0x1f4: {  	v6 =	vand.u32 $0x7F, v6;
	v8 =	vand.u32 $0xFFFFFC00, v8;
	v5 =	vor.u32 v7, v5  }
0x1f5: {  	v6 =	vor.u32 v8, v6;
	v5 =	vor.u32 $0x300, v5;
	v3 =	vld.idx.msk [tilespmem:v3+s14+$0x0], $0xffff  }
0x1f6: {  	v6 =	vor.u32 $0x300, v6  }
0x1f7: {  	v7 =	vadd.s32 s14, v1  }
0x1f8: {  	v4 =	vadd.s32 $0x2, v4;
	v63 =	vshll.u32 v7, $0x3  }
0x1f9: {  	v9 =	vshll.u32 v4, $0x3;
	v7 =	vand.u32 $0x7F, v7;
	v8 =	vand.u32 $0xFC00, v63  }
0x1fa: {  	[tilespmem:v5+s10+$0x0] =	vst.idx.msk $0xffff, v3;
	v3 =	vand.u32 $0x7F, v4;
	v4 =	vand.u32 $0xFFFFFC00, v9;
	v5 =	vor.u32 v8, v7  }
0x1fb: {  	v3 =	vor.u32 v4, v3;
	v4 =	vld.idx.msk [tilespmem:v6+s14+$0x0], $0xffff;
	v5 =	vor.u32 $0x300, v5  }
0x1fc: {  	v3 =	vor.u32 $0x300, v3  }
0x1fd: {  	v6 =	vadd.s32 s14, v2  }
0x1fe: {  	v7 =	vshll.u32 v6, $0x3  }
0x1ff: {  	p3 =	por $0x1, $0x1;
	v6 =	vand.u32 $0x7F, v6;
	v7 =	vand.u32 $0xFC00, v7  }
.Ltmp17:
0x200: {  	[tilespmem:v5+s10+$0x0] =	vst.idx.msk $0xffff, v4;
	v4 =	vor.u32 v7, v6;
	(pc) =	sbr.rel @!p3 .LBB2_27-.Ltmp17, $3  }
0x201: {  	v3 =	vld.idx.msk [tilespmem:v3+s14+$0x0], $0xffff;
	v4 =	vor.u32 $0x300, v4;
	_ =	sdelay $0x1  }
0x202: {  	s21 =	simm.s32 $0x20;
	s17 =	simm.s32 $0x80;
	s19 =	sand.u32 $0x70, s15  }
0x203: {  	p2 =	por $0x1, $0x1;
	s20 =	sand.u32 $0x1C00, s17;
	s16 =	simm.s32 $0x0  }
.LBB2_28:
0x204: {  	s20 =	sor.u32 s19, s20  }
0x205: {  	[tilespmem:v4+s10+$0x0] =	vst.idx.msk $0xffff, v3;
	s16 =	sadd.s32 $0x30, s16;
	s19 =	smov.u32 s21;
	s18 =	sadd.s32 $0x10, s21  }
0x206: {  	p3 =	sne.s32 s21, $0x3F0;
	v3 =	vld [tilespmem:s20+$0x6300];
	_ =	sdelay $0x4  }
0x207: {  	v4 =	vmul.u32 $0x3, v3;
	v3 =	vmul.u32 $0x18, v3;
	_ =	sdelay $0x1  }
0x208: {  	v5 =	vand.u32 $0x7F, v4;
	v3 =	vand.u32 $0xFFFFFC00, v3;
	v6 =	vadd.s32 $0x1, v4  }
0x209: {  	v4 =	vadd.s32 $0x2, v4;
	v3 =	vor.u32 v5, v3;
	v5 =	vshll.u32 v6, $0x3  }
0x20a: {  	v6 =	vand.u32 $0x7F, v6;
	v3 =	vor.u32 $0x300, v3;
	v5 =	vand.u32 $0xFFFFFC00, v5  }
0x20b: {  	v5 =	vor.u32 v5, v6;
	v6 =	vshll.u32 v4, $0x3  }
0x20c: {  	v7 =	vadd.s32 s16, v0;
	v4 =	vand.u32 $0x7F, v4;
	v6 =	vand.u32 $0xFFFFFC00, v6  }
0x20d: {  	v8 =	vshll.u32 v7, $0x3;
	v4 =	vor.u32 v6, v4  }
0x20e: {  	v6 =	vand.u32 $0x7F, v7;
	v7 =	vand.u32 $0xFC00, v8  }
0x20f: {  	v6 =	vor.u32 v7, v6;
	v3 =	vld.idx.msk [tilespmem:v3+s14+$0x0], $0xffff  }
0x210: {  	v6 =	vor.u32 $0x300, v6  }
0x211: {  	v5 =	vor.u32 $0x300, v5;
	_ =	sdelay $0x1  }
0x212: {  	v7 =	vadd.s32 s16, v1  }
0x213: {  	v8 =	vshll.u32 v7, $0x3  }
0x214: {  	[tilespmem:v6+s10+$0x0] =	vst.idx.msk $0xffff, v3;
	v3 =	vand.u32 $0x7F, v7;
	v6 =	vand.u32 $0xFC00, v8  }
0x215: {  	v5 =	vld.idx.msk [tilespmem:v5+s14+$0x0], $0xffff;
	v3 =	vor.u32 v6, v3  }
0x216: {  	v3 =	vor.u32 $0x300, v3  }
0x217: {  	v4 =	vor.u32 $0x300, v4;
	_ =	sdelay $0x1  }
0x218: {  	v6 =	vadd.s32 s16, v2  }
0x219: {  	v7 =	vshll.u32 v6, $0x3  }
0x21a: {  	[tilespmem:v3+s10+$0x0] =	vst.idx.msk $0xffff, v5;
	v5 =	vand.u32 $0x7F, v6;
	v6 =	vand.u32 $0xFC00, v7  }
0x21b: {  	v3 =	vld.idx.msk [tilespmem:v4+s14+$0x0], $0xffff;
	v4 =	vor.u32 v6, v5  }
.Ltmp18:
0x21c: {  	v4 =	vor.u32 $0x300, v4;
	(pc) =	sbr.rel @p3 .LBB2_28-.Ltmp18, $3  }
0x21d: {  	_ =	sdelay $0x1  }
0x21e: {  	s17 =	sadd.s32 $0x80, s17  }
0x21f: {  	s19 =	sand.u32 $0x70, s19;
	s20 =	sand.u32 $0x1C00, s17;
	s21 =	smov.u32 s18  }
.LBB2_29:
0x220: {  	_ =	sdelay $0x3  }
0x221: {  	s17 =	sor.u32 s19, s20;
	[tilespmem:v4+s10+$0x0] =	vst.idx.msk @p2 $0xffff, v3  }
0x222: {  	v3 =	vld [tilespmem:s17+$0x6300];
	_ =	sdelay $0x4  }
0x223: {  	v54 =	vmul.u32 $0x3, v3;
	v3 =	vmul.u32 $0x18, v3;
	_ =	sdelay $0x1  }
0x224: {  	v5 =	vand.u32 $0x7F, v54;
	v3 =	vand.u32 $0xFFFFFC00, v3  }
0x225: {  	s16 =	sadd.s32 @p2 $0x30, s16;
	s17 =	simm.s32 $0x0;
	v3 =	vor.u32 v5, v3  }
0x226: {  	s17 =	smov.u32 @p2 s16;
	v3 =	vor.u32 $0x300, v3  }
0x227: {  	v55 =	vadd.s32 s17, v0  }
0x228: {  	v7 =	vshll.u32 v55, $0x3;
	v6 =	vadd.s32 $0x1, v54  }
0x229: {  	v7 =	vand.u32 $0xFC00, v7;
	v8 =	vshll.u32 v6, $0x3;
	v5 =	vand.u32 $0x7F, v55  }
0x22a: {  	v6 =	vand.u32 $0x7F, v6;
	v8 =	vand.u32 $0xFFFFFC00, v8;
	v5 =	vor.u32 v7, v5  }
0x22b: {  	v6 =	vor.u32 v8, v6;
	v5 =	vor.u32 $0x300, v5;
	v3 =	vld.idx.msk [tilespmem:v3+s14+$0x0], $0xffff  }
0x22c: {  	v6 =	vor.u32 $0x300, v6  }
0x22d: {  	v56 =	vadd.s32 s17, v1  }
0x22e: {  	v57 =	vshll.u32 v56, $0x3;
	v4 =	vadd.s32 $0x2, v54  }
0x22f: {  	v9 =	vshll.u32 v4, $0x3;
	v7 =	vand.u32 $0x7F, v56;
	v8 =	vand.u32 $0xFC00, v57  }
0x230: {  	v58 =	vand.u32 $0xFFFFFC00, v9;
	v59 =	vor.u32 v8, v7;
	[tilespmem:v5+s10+$0x0] =	vst.idx.msk $0xffff, v3;
	v3 =	vand.u32 $0x7F, v4  }
0x231: {  	v5 =	vor.u32 $0x300, v59;
	v3 =	vor.u32 v58, v3;
	v60 =	vld.idx.msk [tilespmem:v6+s14+$0x0], $0xffff  }
0x232: {  	v3 =	vor.u32 $0x300, v3  }
0x233: {  	v61 =	vadd.s32 s17, v2  }
0x234: {  	v62 =	vshll.u32 v61, $0x3  }
0x235: {  	v7 =	vand.u32 $0xFC00, v62;
	v6 =	vand.u32 $0x7F, v61  }
0x236: {  	v63 =	vor.u32 v7, v6;
	[tilespmem:v5+s10+$0x0] =	vst.idx.msk $0xffff, v60  }
0x237: {  	v4 =	vor.u32 $0x300, v63;
	v3 =	vld.idx.msk [tilespmem:v3+s14+$0x0], $0xffff  }
.Ltmp19:
0x238: {  	_ = 	snop;
	(pc) =	sbr.rel @!p1 .LBB2_30-.Ltmp19, $2  }
0x239: {  	_ =	sdelay $0x2  }
0x23a: {  	s17 =	sor.u32 s14, s14;
	[tilespmem:v4+s10+$0x0] =	vst.idx.msk $0xffff, v3  }
0x23b: {  	s16 =	sor.u32 $0x380, s17  }
0x23c: {  	v3 =	vld [tilespmem:s16+$0x6000];
	_ =	sdelay $0x4  }
0x23d: {  	v4 =	vmul.u32 $0x3, v3;
	v3 =	vmul.u32 $0x18, v3;
	_ =	sdelay $0x1  }
0x23e: {  	v5 =	vand.u32 $0x7F, v4;
	v3 =	vand.u32 $0xFFFFFC00, v3  }
0x23f: {  	v3 =	vor.u32 v5, v3  }
0x240: {  	v3 =	vor.u32 $0x380, v3  }
0x241: {  	v5 =	vadd.s32 s14, v0  }
0x242: {  	v6 =	vadd.s32 $0x1, v4;
	v7 =	vshll.u32 v5, $0x3  }
0x243: {  	v8 =	vshll.u32 v6, $0x3;
	v5 =	vand.u32 $0x7F, v5;
	v7 =	vand.u32 $0xFC00, v7  }
0x244: {  	v6 =	vand.u32 $0x7F, v6;
	v8 =	vand.u32 $0xFFFFFC00, v8;
	v5 =	vor.u32 v7, v5  }
0x245: {  	v6 =	vor.u32 v8, v6;
	v5 =	vor.u32 $0x380, v5;
	v3 =	vld.idx.msk [tilespmem:v3+s2+$0x0], $0xffff  }
0x246: {  	v6 =	vor.u32 $0x380, v6  }
0x247: {  	v7 =	vadd.s32 s14, v1  }
0x248: {  	v4 =	vadd.s32 $0x2, v4;
	v63 =	vshll.u32 v7, $0x3  }
0x249: {  	v9 =	vshll.u32 v4, $0x3;
	v7 =	vand.u32 $0x7F, v7;
	v8 =	vand.u32 $0xFC00, v63  }
0x24a: {  	[tilespmem:v5+s10+$0x0] =	vst.idx.msk $0xffff, v3;
	v3 =	vand.u32 $0x7F, v4;
	v4 =	vand.u32 $0xFFFFFC00, v9;
	v5 =	vor.u32 v8, v7  }
0x24b: {  	v3 =	vor.u32 v4, v3;
	v4 =	vld.idx.msk [tilespmem:v6+s2+$0x0], $0xffff;
	v5 =	vor.u32 $0x380, v5  }
0x24c: {  	v3 =	vor.u32 $0x380, v3  }
0x24d: {  	v6 =	vadd.s32 s14, v2  }
0x24e: {  	v7 =	vshll.u32 v6, $0x3  }
0x24f: {  	p1 =	por $0x1, $0x1;
	v6 =	vand.u32 $0x7F, v6;
	v7 =	vand.u32 $0xFC00, v7  }
.Ltmp20:
0x250: {  	[tilespmem:v5+s10+$0x0] =	vst.idx.msk $0xffff, v4;
	v4 =	vor.u32 v7, v6;
	(pc) =	sbr.rel @!p1 .LBB2_32-.Ltmp20, $3  }
0x251: {  	v3 =	vld.idx.msk [tilespmem:v3+s2+$0x0], $0xffff;
	v4 =	vor.u32 $0x380, v4;
	_ =	sdelay $0x1  }
0x252: {  	s19 =	simm.s32 $0x20;
	s16 =	simm.s32 $0x80  }
0x253: {  	p0 =	por $0x1, $0x1;
	s17 =	sor.u32 s16, s15;
	s15 =	simm.s32 $0x0  }
.LBB2_33:
0x254: {  	s20 =	sor.u32 $0x380, s17  }
0x255: {  	[tilespmem:v4+s10+$0x0] =	vst.idx.msk $0xffff, v3;
	s15 =	sadd.s32 $0x30, s15;
	s17 =	smov.u32 s19;
	s18 =	sadd.s32 $0x10, s19  }
0x256: {  	p1 =	sne.s32 s19, $0x3F0;
	v3 =	vld [tilespmem:s20+$0x6000];
	_ =	sdelay $0x4  }
0x257: {  	v4 =	vmul.u32 $0x3, v3;
	v3 =	vmul.u32 $0x18, v3;
	_ =	sdelay $0x1  }
0x258: {  	v5 =	vand.u32 $0x7F, v4;
	v3 =	vand.u32 $0xFFFFFC00, v3;
	v6 =	vadd.s32 $0x1, v4  }
0x259: {  	v4 =	vadd.s32 $0x2, v4;
	v3 =	vor.u32 v5, v3;
	v5 =	vshll.u32 v6, $0x3  }
0x25a: {  	v6 =	vand.u32 $0x7F, v6;
	v3 =	vor.u32 $0x380, v3;
	v5 =	vand.u32 $0xFFFFFC00, v5  }
0x25b: {  	v5 =	vor.u32 v5, v6;
	v6 =	vshll.u32 v4, $0x3  }
0x25c: {  	v7 =	vadd.s32 s15, v0;
	v4 =	vand.u32 $0x7F, v4;
	v6 =	vand.u32 $0xFFFFFC00, v6  }
0x25d: {  	v8 =	vshll.u32 v7, $0x3;
	v4 =	vor.u32 v6, v4  }
0x25e: {  	v6 =	vand.u32 $0x7F, v7;
	v7 =	vand.u32 $0xFC00, v8  }
0x25f: {  	v6 =	vor.u32 v7, v6;
	v3 =	vld.idx.msk [tilespmem:v3+s2+$0x0], $0xffff  }
0x260: {  	v6 =	vor.u32 $0x380, v6  }
0x261: {  	v5 =	vor.u32 $0x380, v5;
	_ =	sdelay $0x1  }
0x262: {  	v7 =	vadd.s32 s15, v1  }
0x263: {  	v8 =	vshll.u32 v7, $0x3  }
0x264: {  	[tilespmem:v6+s10+$0x0] =	vst.idx.msk $0xffff, v3;
	v3 =	vand.u32 $0x7F, v7;
	v6 =	vand.u32 $0xFC00, v8  }
0x265: {  	v5 =	vld.idx.msk [tilespmem:v5+s2+$0x0], $0xffff;
	v3 =	vor.u32 v6, v3  }
0x266: {  	v3 =	vor.u32 $0x380, v3  }
0x267: {  	v4 =	vor.u32 $0x380, v4;
	_ =	sdelay $0x1  }
0x268: {  	v6 =	vadd.s32 s15, v2  }
0x269: {  	v7 =	vshll.u32 v6, $0x3  }
0x26a: {  	[tilespmem:v3+s10+$0x0] =	vst.idx.msk $0xffff, v5;
	v5 =	vand.u32 $0x7F, v6;
	v6 =	vand.u32 $0xFC00, v7  }
0x26b: {  	v3 =	vld.idx.msk [tilespmem:v4+s2+$0x0], $0xffff;
	v4 =	vor.u32 v6, v5  }
.Ltmp21:
0x26c: {  	v4 =	vor.u32 $0x380, v4;
	(pc) =	sbr.rel @p1 .LBB2_33-.Ltmp21, $3  }
0x26d: {  	_ =	sdelay $0x1  }
0x26e: {  	s16 =	sadd.s32 $0x80, s16  }
0x26f: {  	s17 =	sor.u32 s16, s17;
	s19 =	smov.u32 s18  }
.LBB2_34:
0x270: {  	_ =	sdelay $0x3  }
0x271: {  	s16 =	sor.u32 $0x380, s17;
	[tilespmem:v4+s10+$0x0] =	vst.idx.msk @p0 $0xffff, v3  }
0x272: {  	v3 =	vld [tilespmem:s16+$0x6000];
	_ =	sdelay $0x4  }
0x273: {  	v54 =	vmul.u32 $0x3, v3;
	v3 =	vmul.u32 $0x18, v3;
	_ =	sdelay $0x1  }
0x274: {  	v5 =	vand.u32 $0x7F, v54;
	v3 =	vand.u32 $0xFFFFFC00, v3  }
0x275: {  	s15 =	sadd.s32 @p0 $0x30, s15;
	v3 =	vor.u32 v5, v3  }
0x276: {  	s14 =	smov.u32 @p0 s15;
	v3 =	vor.u32 $0x380, v3  }
0x277: {  	v55 =	vadd.s32 s14, v0  }
0x278: {  	v7 =	vshll.u32 v55, $0x3;
	v6 =	vadd.s32 $0x1, v54  }
0x279: {  	v7 =	vand.u32 $0xFC00, v7;
	v8 =	vshll.u32 v6, $0x3;
	v5 =	vand.u32 $0x7F, v55  }
0x27a: {  	v6 =	vand.u32 $0x7F, v6;
	v8 =	vand.u32 $0xFFFFFC00, v8;
	v5 =	vor.u32 v7, v5  }
0x27b: {  	v6 =	vor.u32 v8, v6;
	v5 =	vor.u32 $0x380, v5;
	v3 =	vld.idx.msk [tilespmem:v3+s2+$0x0], $0xffff  }
0x27c: {  	v6 =	vor.u32 $0x380, v6  }
0x27d: {  	v56 =	vadd.s32 s14, v1  }
0x27e: {  	v57 =	vshll.u32 v56, $0x3;
	v4 =	vadd.s32 $0x2, v54  }
0x27f: {  	v9 =	vshll.u32 v4, $0x3;
	v7 =	vand.u32 $0x7F, v56;
	v8 =	vand.u32 $0xFC00, v57  }
0x280: {  	v58 =	vand.u32 $0xFFFFFC00, v9;
	v59 =	vor.u32 v8, v7;
	[tilespmem:v5+s10+$0x0] =	vst.idx.msk $0xffff, v3;
	v3 =	vand.u32 $0x7F, v4  }
0x281: {  	v5 =	vor.u32 $0x380, v59;
	v3 =	vor.u32 v58, v3;
	v60 =	vld.idx.msk [tilespmem:v6+s2+$0x0], $0xffff  }
0x282: {  	v3 =	vor.u32 $0x380, v3  }
0x283: {  	v61 =	vadd.s32 s14, v2  }
0x284: {  	v62 =	vshll.u32 v61, $0x3  }
0x285: {  	v7 =	vand.u32 $0xFC00, v62;
	v6 =	vand.u32 $0x7F, v61  }
0x286: {  	v63 =	vor.u32 v7, v6;
	[tilespmem:v5+s10+$0x0] =	vst.idx.msk $0xffff, v60  }
0x287: {  	v4 =	vor.u32 $0x380, v63;
	v3 =	vld.idx.msk [tilespmem:v3+s2+$0x0], $0xffff;
	_ =	sdelay $0x3  }
0x288: {  	s12 =	sadd.s32 $0x1, s12  }
0x289: {  	s13 =	sadd.s32 s5, s13;
	p0 =	sne.s32 s12, $0x10;
	[tilespmem:v4+s10+$0x0] =	vst.idx.msk $0xffff, v3  }
0x28a: {  	[hbm4b:s13+s2] =	stream.linear.scatter [tilespmem:s10], [sflag:$0x1], $0x6000, $0x38;
	[tilespmem:$0xE000] =	vst v63  }
.Ltmp22:
0x28b: {  	_ = 	snop;
	(pc) =	sbr.rel @p0 .LBB2_2-.Ltmp22, $4  }
.Ltmp23:
0x28c: {  	_ = 	snop;
	(pc) =	sbr.rel @!p0 .LBB2_35-.Ltmp23, $4  }
0x28d: {  	_ =	swait.ge [sflag:s8], $0x6000  }
0x28e: {  	[sflag:s8] =	ssyncset.done $0x0  }
0x28f: {  	[sflag:s8] =	ssyncadd.s32 $0xFFFFA000  }
0x290: {  	_ = 	snop  }
.LBB2_11:
.Ltmp24:
0x291: {  	(pc) =	sbr.rel .LBB2_15-.Ltmp24, $2  }
0x292: {  	_ =	sdelay $0x2  }
0x293: {  	s15 =	simm.s32 $0x0  }
.LBB2_20:
.Ltmp25:
0x294: {  	(pc) =	sbr.rel .LBB2_24-.Ltmp25, $2  }
0x295: {  	_ =	sdelay $0x2  }
0x296: {  	s14 =	simm.s32 $0x0  }
.LBB2_25:
.Ltmp26:
0x297: {  	(pc) =	sbr.rel .LBB2_29-.Ltmp26, $2  }
0x298: {  	_ =	sdelay $0x2  }
0x299: {  	s16 =	simm.s32 $0x0;
	p2 =	por $0x0, $0x0  }
.LBB2_30:
.Ltmp27:
0x29a: {  	(pc) =	sbr.rel .LBB2_34-.Ltmp27, $2  }
0x29b: {  	_ =	sdelay $0x2  }
0x29c: {  	s15 =	simm.s32 $0x0  }
.LBB2_8:
.Ltmp28:
0x29d: {  	(pc) =	sbr.rel .LBB2_10-.Ltmp28, $2  }
0x29e: {  	_ =	sdelay $0x2  }
0x29f: {  	s18 =	simm.s32 $0x0  }
.LBB2_13:
.Ltmp29:
0x2a0: {  	(pc) =	sbr.rel .LBB2_15-.Ltmp29, $2  }
0x2a1: {  	_ =	sdelay $0x2  }
0x2a2: {  	s15 =	simm.s32 $0x0  }
.LBB2_17:
.Ltmp30:
0x2a3: {  	(pc) =	sbr.rel .LBB2_19-.Ltmp30, $2  }
0x2a4: {  	_ =	sdelay $0x2  }
0x2a5: {  	s18 =	simm.s32 $0x0  }
.LBB2_22:
.Ltmp31:
0x2a6: {  	(pc) =	sbr.rel .LBB2_24-.Ltmp31, $2  }
0x2a7: {  	_ =	sdelay $0x2  }
0x2a8: {  	s14 =	simm.s32 $0x0  }
.LBB2_27:
.Ltmp32:
0x2a9: {  	(pc) =	sbr.rel .LBB2_29-.Ltmp32, $2  }
0x2aa: {  	_ =	sdelay $0x2  }
0x2ab: {  	s16 =	simm.s32 $0x0  }
.LBB2_32:
.Ltmp33:
0x2ac: {  	(pc) =	sbr.rel .LBB2_34-.Ltmp33, $2  }
0x2ad: {  	_ =	sdelay $0x2  }
0x2ae: {  	s15 =	simm.s32 $0x0  }
.LBB2_36:
0x2af: {  	_ =	sfence.sel $0x180000  }
0x2b0: {  	[bflag:$0x0] =	sbarrier.arrive $0xFFFF  }
0x2b1: {  	p0 =	sne.s32 s3, $0x0;
	_ =	strace $0x90000047  }
0x2b2: {  	s0 =	sadd.s32 @!p0 $0x100000, s0;
	[bflag:$0x2] =	sbarrier.arrive $0xFFFF  }
0x2b3: {  	[sflag:s0] =	ssyncadd.tile.s32 @!p0 $0x1;
	_ =	shalt  }
.Lfunc_end2:
_tile_overlayer_lowered:
.L_overlay_start_2:
0x2b4: {  	(tag) =	ssettag $0x2  }
0x2b5: {  	s0 =	rddreg [dreg:$0x0];
	s2 =	stileid.u32  }
0x2b6: {  	s1 =	rddreg [dreg:$0x1];
	p0 =	sne.s32 s2, $0x0  }
0x2b7: {  	s3 =	rddreg [dreg:$0x2];
	[bflag:$0x3] =	sbarrier.arrive $0xFFFF;
	s2 =	simm.s32 @!p0 $0x1C01  }
0x2b8: {  	[timem:s3], [sflag:s2] =	dma.local @!p0 [hbm:s0], s1  }
0x2b9: {  	s0 =	simm.s32 @!p0 $0x1  }
0x2ba: {  	_ =	swait.ge @!p0 [sflag:s0], s1  }
0x2bb: {  	s1 =	ssub.s32 @!p0 $0x0, s1;
	[sflag:s0] =	ssyncset.done @!p0 $0x0  }
0x2bc: {  	[sflag:s0] =	ssyncadd.s32 @!p0 s1  }
0x2bd: {  	[bflag:$0x3] =	sbarrier.arrive $0xFFFF  }
0x2be: {  	_ =	shalt  }

// kernel: sparse-core-data-format-call.cloned.1.call-start
scs
called_computation_lowered:
.L_overlay_start_0:
0x0: {  	s2 =	sld [smem:$0x3FD9]  }
0x1: {  	s3 =	sld [smem:$0x3FFE];
	_ =	sdelay $0x1  }
0x2: {  	s1 =	srdreg.scid  }
0x3: {  	s0 =	sand.u32 $0x1, s1  }
0x4: {  	s15 =	sshll.u32 s0, $0xA;
	s2 =	sadd.s32 s3, s2  }
0x5: {  	s2 =	sadd.s32 s2, s15  }
0x6: {  	[smem:$0x3FC6] =	sst s2  }
0x7: {  	_ = 	snop  }
0x8: {  	s2 =	sld [smem:$0x3FD0];
	_ =	sdelay $0x2  }
0x9: {  	s16 =	simm.s32 $0xA;
	s4 =	simm.s32 $0x10  }
0xa: {  	[smem:s4], [sflag:s16] =	dma.local [hbm:s2], $0x1  }
0xb: {  	_ =	swait.eq [sflag:s16], $0x1  }
0xc: {  	[sflag:s16] =	ssyncset.done $0x0  }
0xd: {  	[sflag:s16] =	ssyncadd.s32 $0xFFFFFFFF  }
0xe: {  	s17 =	sld [smem:$0x10];
	(tm) =	ssettm $0x1  }
0xf: {  	s18 =	sld [smem:$0x3FFB];
	_ =	sdelay $0x3  }
0x10: {  	_ =	strace s18  }
0x11: {  	s3 =	sld [smem:$0x3FFC];
	_ =	sdelay $0x3  }
0x12: {  	_ =	strace s3  }
0x13: {  	s3 =	sld [smem:$0x3FFD];
	_ =	sdelay $0x3  }
0x14: {  	_ =	strace s3  }
0x15: {  	_ =	strace $0x8FFFFFFF  }
0x16: {  	s19 =	sld [smem:$0x3FDB];
	_ =	sdelay $0x1  }
0x17: {  	s20 =	simm.s32 $_scs_section_size  }
0x18: {  	s5 =	simm.s32 $_size__tile_overlayer_lowered;
	s6 =	simm.s32 $_tile_overlayer_lowered  }
0x19: {  	s23 =	simm.s32 $0x1BFF;
	s22 =	sshll.u32 s6, $0x1;
	s3 =	sadd.s32 s20, s19  }
0x1a: {  	s7 =	simm.s32 $0x0;
	s21 =	sshll.u32 s5, $0x1;
	s5 =	sadd.s32 s22, s3  }
0x1b: {  	[timem:s7], [sflag:s23] =	dma.local [hbm:s5], s21  }
0x1c: {  	_ =	swait.ge [sflag:s23], s21  }
0x1d: {  	s4 =	ssub.s32 $0x0, s21;
	[sflag:s23] =	ssyncset.done $0x0  }
0x1e: {  	[sflag:s23] =	ssyncadd.s32 s4;
	_ =	sdelay $0x1  }
0x1f: {  	s24 =	simm.s32 $0x1B8B  }
0x20: {  	_ =	swait.ge [sflag:s24], $0x1  }
0x21: {  	[sflag:s24] =	ssyncset.done $0x0  }
0x22: {  	s26 =	simm.s32 $0x1B8E;
	s25 =	sld [smem:$0x3FFE];
	[sflag:s24] =	ssyncadd.s32 $0xFFFFFFFF  }
0x23: {  	s27 =	simm.s32 $execute0_lowered;
	[smem:$0x3FD2] =	sst s26  }
0x24: {  	s5 =	sshll.u32 s27, $0x1;
	_ =	strace $0x80000049;
	[dreg:$0x1] =	wrdreg $0xFFFFFFFF  }
0x25: {  	s28 =	simm.s32 $_size_execute0_lowered;
	s3 =	sadd.s32 s3, s5;
	[dreg:$0x0] =	wrdreg $0x0  }
0x26: {  	s5 =	sshll.u32 s28, $0x1;
	[dreg:$0x2] =	wrdreg s3  }
0x27: {  	[dreg:$0x3] =	wrdreg s5  }
0x28: {  	[dreg:$0x4] =	wrdreg $0xC0  }
0x29: {  	_ =	task [dreg:s7], $0x5FFFF  }
0x2a: {  	[dreg:$0x1] =	wrdreg $0xFFFFFFFF  }
0x2b: {  	[dreg:$0x0] =	wrdreg $0x60  }
0x2c: {  	[dreg:$0x2] =	wrdreg s25  }
0x2d: {  	[dreg:$0x3] =	wrdreg s17  }
0x2e: {  	[dreg:$0x4] =	wrdreg $0x9  }
0x2f: {  	_ =	task.clear_ibuf [dreg:s7], $0x5FFFF;
	_ =	strace $0x90000049  }
0x30: {  	s29 =	simm.s32 $0x9;
	_ =	strace $0x8000004B  }
0x31: {  	_ =	swait.ge [sflag:s29], $0x1  }
0x32: {  	[sflag:s29] =	ssyncadd.s32 $0xFFFFFFFF  }
0x33: {  	_ =	strace $0x9000004B  }
0x34: {  	_ =	sfence  }
0x35: {  	s30 =	sld [smem:$0x0];
	_ =	sdelay $0x2  }
0x36: {  	s31 =	sshll.u32 s1, $0xD;
	s1 =	sshrl.u32 s1, $0x2  }
0x37: {  	s3 =	sand.u32 $0x4000, s31;
	s1 =	sadd.s32 s1, s30  }
0x38: {  	s0 =	sor.u32 s3, s0;
	s1 =	sshll.u32 s1, $0x11  }
0x39: {  	s0 =	sor.u32 s1, s0  }
0x3a: {  	s0 =	sadd.s32 $0x8F2B, s0  }
0x3b: {  	[sflag:s0] =	ssyncadd.remote.s32 $0x1  }
0x3c: {  	_ =	sfence.sel $0xFFFF  }
0x3d: {  	[dreg:$0x0] =	wrdreg $0xFFFFFFFF;
	(pc) =	sbr.abs _section_cstart, $3  }
0x3e: {  	[dreg:$0x1] =	wrdreg $0xFFFFFFFF  }
0x3f: {  	_ =	task.clear_ibuf [dreg:s7], $0x2FFFF;
	_ =	strace $0x9FFFFFFF  }
0x40: {  	(tm) =	ssettm $0x7FFFFFFF  }
0x41: {  	_ =	shalt  }
tec
execute0_lowered:
.L_overlay_start_1:
0x0: {  	(tag) =	ssettag $0x1  }
0x1: {  	s0 =	stileid.u32;
	s1 =	srdreg.scid  }
0x2: {  	s2 =	sshll.u32 s0, $0x7;
	s3 =	sshll.u32 s0, $0x4;
	s4 =	sshll.u32 s1, $0x8  }
0x3: {  	s7 =	rddreg [dreg:$0x0];
	s1 =	sand.u32 $0x380, s2;
	s29 =	sor.u32 s3, s4  }
0x4: {  	s8 =	simm.s32 $0x2;
	s2 =	sand.u32 $0x180, s29;
	s30 =	ssub.s32 $0x400, s1  }
0x5: {  	s16 =	simm.s32 $0x0;
	s31 =	sand.u32 $0x380, s30;
	s5 =	ssub.s32 $0x1000, s2  }
0x6: {  	s4 =	simm.s32 $0x1;
	p0 =	sne.s32 s31, $0x0;
	s6 =	sand.u32 $0x180, s5  }
0x7: {  	s4 =	simm.s32 @!p0 $0x0;
	p0 =	sne.s32 s6, $0x0;
	s6 =	simm.s32 $0x1  }
0x8: {  	s3 =	sshrl.u32 s30, $0xA;
	s5 =	sshrl.u32 s5, $0x9;
	s6 =	simm.s32 @!p0 $0x0  }
0x9: {  	s9 =	simm.s32 $0x2000;
	s3 =	sadd.s32 s4, s3;
	s5 =	sadd.s32 s6, s5  }
0xa: {  	s15 =	simm.s32 $0x0;
	s14 =	simm.s32 $0x0;
	s6 =	smul.u32 s5, s3  }
.Ltmp0:
0xb: {  	s11 =	simm.s32 $0x0;
	s4 =	rddreg [dreg:$0x1];
	(pc) =	sbr.rel .LBB1_1-.Ltmp0, $4  }
0xc: {  	s13 =	simm.s32 $0x0;
	s7 =	sadd.s32 $0xE00, s7;
	s3 =	rddreg [dreg:$0x2]  }
0xd: {  	_ =	strace $0x8000004A;
	s5 =	simm.s32 $0x1;
	s6 =	smul.u32 $0x3, s6  }
0xe: {  	s12 =	smov.u32 s1;
	s10 =	smov.u32 s2;
	[sflag:s5] =	ssyncpa.u1 $0x0  }
0xf: {  	p0 =	por $0x0, $0x0;
	[sflag:s8] =	ssyncpa.u1 $0x0;
	s8 =	sadd.s32 $0x1, s6  }
.LBB1_4:
0x10: {  	v5 =	vld [tilespmem:s20+$0xFFFFFFD0];
	[tilespmem:s19+$0x2040 ss:$0x81] =	vst.msk $0xffff, v1  }
0x11: {  	v58 =	vld [tilespmem:s20+$0xFFFFFFE0];
	[tilespmem:s19+$0x2850 ss:$0x81] =	vst.msk $0xffff, v2  }
0x12: {  	s21 =	sshra.s32 s21, $0x2;
	v59 =	vld [tilespmem:s20+$0xFFFFFFF0];
	[tilespmem:s19+$0x3060 ss:$0x81] =	vst.msk $0xffff, v3  }
0x13: {  	v60 =	vld [tilespmem:s20+$0x0];
	[tilespmem:s19+$0x0 ss:$0x81] =	vst.msk $0xffff, v0;
	s18 =	sadd.s32 s21, s18  }
0x14: {  	v61 =	vld [tilespmem:s20+$0x10];
	[tilespmem:s18+$0x3870 ss:$0x81] =	vst.msk $0xffff, v4  }
0x15: {  	v62 =	vld [tilespmem:s20+$0x20];
	s26 =	sshll.u32 s16, $0xA;
	s27 =	sshll.u32 s14, $0x3;
	[tilespmem:s18+$0x810 ss:$0x81] =	vst.msk $0xffff, v5  }
0x16: {  	v63 =	vld [tilespmem:s20+$0xFFFFFFC0];
	s29 =	sshll.u32 s16, $0x7;
	s30 =	sand.u32 $0x78, s14;
	s15 =	sshll.u32 s15, $0x13;
	[tilespmem:s18+$0x1020 ss:$0x81] =	vst.msk $0xffff, v58  }
0x17: {  	s19 =	sand.u32 $0x3FE000, s26;
	s28 =	sand.u32 $0x3FFC00, s27;
	s16 =	sand.u32 $0x380, s29;
	[tilespmem:s18+$0x1830 ss:$0x81] =	vst.msk $0xffff, v59  }
0x18: {  	s31 =	sand.u32 $0x7, s14;
	s19 =	sadd.s32 s28, s19;
	s16 =	sor.u32 s30, s16;
	[tilespmem:s18+$0x2040 ss:$0x81] =	vst.msk $0xffff, v60  }
0x19: {  	s15 =	sadd.s32 s4, s15;
	s19 =	sshrl.u32 s19, $0x3;
	s16 =	sshrl.u32 s16, $0x3;
	[tilespmem:s18+$0x2850 ss:$0x81] =	vst.msk $0xffff, v61  }
0x1a: {  	s14 =	sshll.u32 s31, $0x12;
	s19 =	sand.u32 $0x7FF80, s19;
	s15 =	sadd.s32 s16, s15;
	[tilespmem:s18+$0x3060 ss:$0x81] =	vst.msk $0xffff, v62  }
0x1b: {  	s14 =	sor.u32 $0x400, s14;
	[tilespmem:s18+$0x0 ss:$0x81] =	vst.msk $0xffff, v63;
	s15 =	sadd.s32 s19, s15  }
0x1c: {  	[hbm4b:s15+s14] =	stream.strided.scatter [tilespmem:s17], [sflag:$0x2], $0x4000, s9, s14, $0x20;
	[tilespmem:$0x10100] =	vst v63  }
.LBB1_5:
0x1d: {  	s17 =	sadd.s32 $0x200, s10  }
0x1e: {  	s14 =	simm.s32 $0x1;
	p2 =	sgt.s32 s17, $0xFFF  }
0x1f: {  	s14 =	simm.s32 @!p2 $0x0  }
0x20: {  	s18 =	sadd.s32 s14, s11  }
0x21: {  	s20 =	smov.u32 s12;
	s14 =	sadd.s32 $0x400, s12;
	p3 =	sgt.s32 s18, $0x2  }
0x22: {  	s20 =	smov.u32 @p3 s14  }
0x23: {  	s17 =	smov.u32 @p2 s2;
	p2 =	sgt.s32 s20, $0x3FF  }
0x24: {  	p1 =	slt.u32 s13, $0x2;
	s20 =	smov.u32 @p2 s1;
	p2 =	sne.s32 s13, s8  }
.Ltmp1:
0x25: {  	s19 =	simm.s32 @!p1 $0x2;
	(pc) =	sbr.rel @!p2 .LBB1_6-.Ltmp1, $4  }
0x26: {  	s16 =	smov.u32 s10;
	s15 =	smov.u32 s11;
	_ =	swait.ge @!p1 [sflag:s19], $0x4000  }
0x27: {  	p0 =	por !p0, !p0;
	[sflag:s19] =	ssyncset.done @!p1 $0x0;
	s10 =	smov.u32 s17  }
0x28: {  	[sflag:s19] =	ssyncadd.s32 @!p1 $0xFFFFC000;
	s18 =	simm.s32 @p3 $0x0;
	s14 =	smov.u32 s12  }
0x29: {  	s11 =	smov.u32 s18;
	s13 =	sadd.s32 $0x1, s13;
	s12 =	smov.u32 s20  }
.LBB1_1:
0x2a: {  	p1 =	sge.u32 s13, s6  }
0x2b: {  	s17 =	sshll.u32 @!p1 s11, $0x7  }
0x2c: {  	s18 =	sand.u32 @!p1 $0x78, s10;
	s19 =	sshll.u32 @!p1 s10, $0x2;
	s17 =	sand.u32 @!p1 $0x180, s17  }
0x2d: {  	s31 =	sadd.s32 $0xFFFFFFFF, s13;
	s19 =	sand.u32 @!p1 $0xE00, s19;
	s17 =	sor.u32 @!p1 s17, s18  }
0x2e: {  	s18 =	sshll.u32 @!p1 s12, $0xB;
	s17 =	sor.u32 @!p1 s19, s17;
	s19 =	sshrl.u32 @!p1 s10, $0x1  }
0x2f: {  	s20 =	sxor.u32 @!p1 $0xFFFFFFFF, s13;
	s18 =	sadd.s32 @!p1 s7, s18;
	s19 =	sand.u32 @!p1 $0x600, s19  }
0x30: {  	s20 =	sshll.u32 @!p1 s20, $0xE;
	s18 =	sadd.s32 @!p1 s19, s18;
	s19 =	sand.u32 @!p1 $0x7, s10  }
0x31: {  	s20 =	sand.u32 @!p1 $0x4000, s20;
	s17 =	sshrl.u32 @!p1 s17, $0x3;
	s19 =	sshll.u32 @!p1 s19, $0x12  }
0x32: {  	s17 =	sadd.s32 @!p1 s17, s18;
	s18 =	sor.u32 @!p1 $0x80, s19;
	s19 =	simm.s32 @!p1 $0x4000  }
0x33: {  	[tilespmem:s20], [sflag:$0x1] =	stream.strided.gather @!p1 [hbm4b:s17+s18], $0x4000, s19, s18, $0x38;
	[tilespmem:$0x10100] =	vst v63  }
0x34: {  	p1 =	sge.u32 s31, s6  }
.Ltmp2:
0x35: {  	_ = 	snop;
	(pc) =	sbr.rel @p1 .LBB1_5-.Ltmp2, $1  }
0x36: {  	_ =	sdelay $0x3  }
0x37: {  	s17 =	simm.s32 $0x1  }
0x38: {  	_ =	swait.ge [sflag:s5], $0x4000;
	s17 =	simm.s32 @!p0 $0x0  }
0x39: {  	[sflag:s5] =	ssyncset.done $0x0;
	s18 =	sshll.u32 s17, $0xE  }
0x3a: {  	[sflag:s5] =	ssyncadd.s32 $0xFFFFC000;
	s20 =	sor.u32 $0x40, s18  }
0x3b: {  	s17 =	smul.u32 $0x10200, s17;
	v0 =	vld [tilespmem:s20+$0x30]  }
0x3c: {  	v3 =	vld [tilespmem:s20+$0xFFFFFFD0]  }
0x3d: {  	s17 =	sshrl.u32 s17, $0x2;
	v4 =	vld [tilespmem:s20+$0xFFFFFFE0]  }
0x3e: {  	v5 =	vld [tilespmem:s20+$0xFFFFFFF0];
	s18 =	sor.u32 $0x8000, s17  }
0x3f: {  	s31 =	sand.u32 $0x1, s13;
	v1 =	vld [tilespmem:s20+$0x0];
	s19 =	sadd.s32 $0x0, s18  }
0x40: {  	v2 =	vld [tilespmem:s20+$0x10];
	s17 =	smul.u32 $0x10200, s31;
	[tilespmem:s19+$0x3870 ss:$0x81] =	vst.msk $0xffff, v0  }
0x41: {  	[tilespmem:s19+$0x810 ss:$0x81] =	vst.msk $0xffff, v3;
	v3 =	vld [tilespmem:s20+$0x20]  }
0x42: {  	s17 =	sshrl.u32 s17, $0x2;
	v0 =	vld [tilespmem:s20+$0xFFFFFFC0];
	[tilespmem:s19+$0x1020 ss:$0x81] =	vst.msk $0xffff, v4;
	s20 =	sadd.s32 $0x80, s20  }
0x43: {  	s21 =	simm.s32 $0x4;
	s22 =	simm.s32 $0x8;
	s17 =	sor.u32 $0x8000, s17;
	[tilespmem:s19+$0x1830 ss:$0x81] =	vst.msk $0xffff, v5;
	v4 =	vld [tilespmem:s20+$0x30]  }
.LBB1_3:
0x44: {  	p1 =	sne.s32 s22, $0x1FC;
	v5 =	vld [tilespmem:s20+$0xFFFFFFD0];
	[tilespmem:s19+$0x2040 ss:$0x81] =	vst.msk $0xffff, v1  }
0x45: {  	v6 =	vld [tilespmem:s20+$0xFFFFFFE0];
	[tilespmem:s19+$0x2850 ss:$0x81] =	vst.msk $0xffff, v2  }
0x46: {  	s23 =	sshra.s32 s21, $0x2;
	s21 =	smov.u32 s22;
	v7 =	vld [tilespmem:s20+$0xFFFFFFF0];
	[tilespmem:s19+$0x3060 ss:$0x81] =	vst.msk $0xffff, v3  }
.Ltmp3:
0x47: {  	v1 =	vld [tilespmem:s20+$0x0];
	[tilespmem:s19+$0x0 ss:$0x81] =	vst.msk $0xffff, v0;
	s19 =	sadd.s32 s23, s18;
	(pc) =	sbr.rel @p1 .LBB1_3-.Ltmp3, $4  }
0x48: {  	v2 =	vld [tilespmem:s20+$0x10];
	[tilespmem:s19+$0x3870 ss:$0x81] =	vst.msk $0xffff, v4  }
0x49: {  	[tilespmem:s19+$0x810 ss:$0x81] =	vst.msk $0xffff, v5;
	v3 =	vld [tilespmem:s20+$0x20]  }
0x4a: {  	v0 =	vld [tilespmem:s20+$0xFFFFFFC0];
	[tilespmem:s19+$0x1020 ss:$0x81] =	vst.msk $0xffff, v6;
	s20 =	sadd.s32 $0x80, s20  }
0x4b: {  	s22 =	sadd.s32 $0x4, s22;
	v4 =	vld [tilespmem:s20+$0x30];
	[tilespmem:s19+$0x1830 ss:$0x81] =	vst.msk $0xffff, v7  }
.Ltmp4:
0x4c: {  	_ = 	snop;
	(pc) =	sbr.rel .LBB1_4-.Ltmp4, $1  }
0x4d: {  	_ =	sdelay $0x3  }
.LBB1_6:
0x4e: {  	_ =	sfence.sel $0x180000  }
0x4f: {  	s1 =	simm.s32 $0x1;
	[bflag:$0x0] =	sbarrier.arrive $0xFFFF  }
0x50: {  	s31 =	simm.s32 $0x2;
	[sflag:s1] =	ssyncpa.u1 $0x1  }
0x51: {  	[sflag:s31] =	ssyncpa.u1 $0x1  }
0x52: {  	p0 =	sne.s32 s0, $0x0;
	_ =	strace $0x9000004A  }
0x53: {  	s0 =	sadd.s32 @!p0 $0x100000, s3;
	[bflag:$0x2] =	sbarrier.arrive $0xFFFF  }
0x54: {  	[sflag:s0] =	ssyncadd.tile.s32 @!p0 $0x1;
	_ =	shalt  }
.Lfunc_end1:
_tile_overlayer_lowered:
.L_overlay_start_2:
0x55: {  	(tag) =	ssettag $0x2  }
0x56: {  	s0 =	rddreg [dreg:$0x0];
	s2 =	stileid.u32  }
0x57: {  	s1 =	rddreg [dreg:$0x1];
	p0 =	sne.s32 s2, $0x0  }
0x58: {  	s3 =	rddreg [dreg:$0x2];
	[bflag:$0x3] =	sbarrier.arrive $0xFFFF;
	s2 =	simm.s32 @!p0 $0x1C01  }
0x59: {  	[timem:s3], [sflag:s2] =	dma.local @!p0 [hbm:s0], s1  }
0x5a: {  	s0 =	simm.s32 @!p0 $0x1  }
0x5b: {  	_ =	swait.ge @!p0 [sflag:s0], s1  }
0x5c: {  	s1 =	ssub.s32 @!p0 $0x0, s1;
	[sflag:s0] =	ssyncset.done @!p0 $0x0  }
0x5d: {  	[sflag:s0] =	ssyncadd.s32 @!p0 s1  }
0x5e: {  	[bflag:$0x3] =	sbarrier.arrive $0xFFFF  }
0x5f: {  	_ =	shalt  }

</sc_bundles>
